<compile_context>
chip_gen: v7x
topology: tpu7x:2x2x1
jax: 0.10.2.dev20260603
libtpu: 0.0.44.dev20260713+nightly
codegen_flags: <defaults>
</compile_context>

<pallas_src>
import functools

import jax
import jax.numpy as jnp
from jax import lax
from jax.experimental import pallas as pl
from jax.experimental.pallas import tpu as pltpu
from jax.experimental.pallas import tpu_sc as plsc

N_NODES = 10000
N_EDGES = 320000
CH = 128
CNTW = 16
NC = 2
NS = 16
NW = NC * NS
E_PER_W = N_EDGES // NW
WIN = 80
NWIN = E_PER_W // WIN
CWIN = 25
NCHUNK = NWIN // CWIN
ROWS_PER_SUB = 632
N_PAD = NS * ROWS_PER_SUB


def _sc_aggregate(x, src3, dst3, zf, zc):

    @functools.partial(
        pl.kernel,
        out_type=(
            jax.ShapeDtypeStruct((NC, N_PAD, CH), jnp.float32),
            jax.ShapeDtypeStruct((NC, N_PAD, CNTW), jnp.float32),
        ),
        mesh=plsc.VectorSubcoreMesh(core_axis_name="c", subcore_axis_name="s"),
        compiler_params=pltpu.CompilerParams(use_tc_tiling_on_sc=False),
        scratch_types=[
            pltpu.VMEM((CWIN, WIN), jnp.int32),
            pltpu.VMEM((CWIN, WIN), jnp.int32),
            pltpu.VMEM((WIN, CH), jnp.float32),
            pltpu.VMEM((WIN, CH), jnp.float32),
            pltpu.VMEM((WIN, CH), jnp.float32),
            pltpu.VMEM((WIN, CNTW), jnp.float32),
            pltpu.VMEM_SHARED((N_PAD, CH), jnp.float32),
            pltpu.VMEM_SHARED((N_PAD, CNTW), jnp.float32),
            pltpu.SemaphoreType.DMA,
            pltpu.SemaphoreType.DMA,
            pltpu.SemaphoreType.DMA,
            pltpu.SemaphoreType.DMA,
            pltpu.SemaphoreType.DMA,
            pltpu.SemaphoreType.DMA,
            pltpu.SemaphoreType.DMA,
            pltpu.SemaphoreType.DMA,
            pltpu.SemaphoreType.DMA,
        ],
    )
    def agg(x_hbm, src_hbm, dst_hbm, zf_hbm, zc_hbm, out_hbm, cnt_hbm,
            src_v, dst_v, rows_v0, rows_v1, rows_v2, ones_v, acc_sh, cnt_sh,
            g0, g1, g2, s0, s1, s2, c0, c1, c2):
        cid = lax.axis_index("c")
        sid = lax.axis_index("s")
        wid = cid * NS + sid
        stripe = pl.multiple_of(sid * ROWS_PER_SUB, 8)
        rows = (rows_v0, rows_v1, rows_v2)
        gsem = (g0, g1, g2)
        ssem = (s0, s1, s2)
        csem = (c0, c1, c2)

        zf_cp = pltpu.async_copy(
            zf_hbm, acc_sh.at[pl.ds(stripe, ROWS_PER_SUB)], g0)
        zc_cp = pltpu.async_copy(
            zc_hbm, cnt_sh.at[pl.ds(stripe, ROWS_PER_SUB)], g1)
        pltpu.sync_copy(src_hbm.at[wid], src_v)
        pltpu.sync_copy(dst_hbm.at[wid], dst_v)

        @pl.loop(0, WIN)
        def _(i):
            ones_v[i, :] = jnp.ones((CNTW,), jnp.float32)

        zf_cp.wait()
        zc_cp.wait()
        plsc.subcore_barrier()

        def fire_gather(w, b):
            pltpu.async_copy(x_hbm.at[src_v.at[w]], rows[b], gsem[b])

        def wait_gather(w, b):
            pltpu.make_async_copy(
                x_hbm.at[src_v.at[w]], rows[b], gsem[b]).wait()

        def start_scatter(w, b):
            pltpu.async_copy(rows[b], acc_sh.at[dst_v.at[w]], ssem[b],
                             add=True)
            pltpu.async_copy(ones_v, cnt_sh.at[dst_v.at[w]], csem[b],
                             add=True)

        def wait_scatter(w, b):
            pltpu.make_async_copy(rows[b], acc_sh.at[dst_v.at[w]],
                                  ssem[b]).wait()
            pltpu.make_async_copy(ones_v, cnt_sh.at[dst_v.at[w]],
                                  csem[b]).wait()

        for k in range(NCHUNK):
            pltpu.sync_copy(src_hbm.at[wid * NCHUNK + k], src_v)
            pltpu.sync_copy(dst_hbm.at[wid * NCHUNK + k], dst_v)

            fire_gather(0, 0)
            fire_gather(1, 1)
            wait_gather(0, 0)
            start_scatter(0, 0)
            fire_gather(2, 2)
            wait_gather(1, 1)
            start_scatter(1, 1)
            wait_scatter(0, 0)
            fire_gather(3, 0)

            @pl.loop(0, (CWIN - 4) // 3)
            def _(q):
                for db in range(3):
                    w = 2 + q * 3 + db
                    b = (2 + db) % 3
                    wait_gather(w, b)
                    start_scatter(w, b)
                    wait_scatter(w - 1, (b + 2) % 3)
                    fire_gather(w + 2, (b + 2) % 3)

            wait_gather(CWIN - 2, (CWIN - 2) % 3)
            start_scatter(CWIN - 2, (CWIN - 2) % 3)
            wait_scatter(CWIN - 3, (CWIN - 3) % 3)
            wait_gather(CWIN - 1, (CWIN - 1) % 3)
            start_scatter(CWIN - 1, (CWIN - 1) % 3)
            wait_scatter(CWIN - 2, (CWIN - 2) % 3)
            wait_scatter(CWIN - 1, (CWIN - 1) % 3)

        plsc.subcore_barrier()
        pltpu.sync_copy(
            acc_sh.at[pl.ds(stripe, ROWS_PER_SUB)],
            out_hbm.at[cid, pl.ds(stripe, ROWS_PER_SUB)])
        pltpu.sync_copy(
            cnt_sh.at[pl.ds(stripe, ROWS_PER_SUB)],
            cnt_hbm.at[cid, pl.ds(stripe, ROWS_PER_SUB)])

    return agg(x, src3, dst3, zf, zc)


def _tc_finish(acc, cnt, x, W_l, b_l, W_r):
    R = 1000

    def body(acc_ref, cnt_ref, x_ref, wl_ref, bl_ref, wr_ref, o_ref):
        summed = acc_ref[0] + acc_ref[1]
        counts = (cnt_ref[0] + cnt_ref[1])[:, :1]
        mean = summed / jnp.maximum(counts, 1.0)
        z = jnp.dot(mean, wl_ref[...], preferred_element_type=jnp.float32)
        z = z + bl_ref[...] + jnp.dot(x_ref[...], wr_ref[...],
                                      preferred_element_type=jnp.float32)
        o_ref[...] = jnp.maximum(z, 0.0)

    return pl.pallas_call(
        body,
        grid=(N_NODES // R,),
        in_specs=[
            pl.BlockSpec((NC, R, CH), lambda i: (0, i, 0)),
            pl.BlockSpec((NC, R, CNTW), lambda i: (0, i, 0)),
            pl.BlockSpec((R, CH), lambda i: (i, 0)),
            pl.BlockSpec((CH, CH), lambda i: (0, 0)),
            pl.BlockSpec((1, CH), lambda i: (0, 0)),
            pl.BlockSpec((CH, CH), lambda i: (0, 0)),
        ],
        out_specs=pl.BlockSpec((R, CH), lambda i: (i, 0)),
        out_shape=jax.ShapeDtypeStruct((N_NODES, CH), jnp.float32),
    )(acc, cnt, x, W_l, b_l.reshape(1, CH), W_r)


def kernel(x, edge_index, W_l, b_l, W_r):
    src3 = edge_index[0].reshape(NW * NCHUNK, CWIN, WIN)
    dst3 = edge_index[1].reshape(NW * NCHUNK, CWIN, WIN)
    zf = jnp.zeros((ROWS_PER_SUB, CH), jnp.float32)
    zc = jnp.zeros((ROWS_PER_SUB, CNTW), jnp.float32)
    acc, cnt = _sc_aggregate(x, src3, dst3, zf, zc)
    return _tc_finish(acc, cnt, x, W_l, b_l, W_r)

# --- scband reference (transcript-rebuilt; emitter-appended) ---
"""Pipeline reference for scband-graph-encoder-60911226192365 (READ-ONLY COPY).

The authoritative reference and input builder live on the scoring server;
editing this copy changes nothing except your own understanding.
"""

import jax, jax.numpy as jnp
import numpy as np

N_NODES = 10000
N_EDGES = 320000
IN_CH = 128
HID_CH = 128

def setup_inputs(seed: int = 0) -> dict:
    key = jax.random.key(seed)
    k1, k2, k3, k4, k5 = jax.random.split(key, 5)
    x = jax.random.normal(k1, (N_NODES, IN_CH), dtype=jnp.float32)
    edge_index = jax.random.randint(k2, (2, N_EDGES), 0, N_NODES, dtype=jnp.int32)
    # SAGEConv params: lin_l applied to aggregated neighbors (with bias), lin_r to root
    lim_l = 1.0 / np.sqrt(IN_CH)
    W_l = jax.random.uniform(k3, (IN_CH, HID_CH), dtype=jnp.float32, minval=-lim_l, maxval=lim_l)
    b_l = jnp.zeros((HID_CH,), dtype=jnp.float32)
    W_r = jax.random.uniform(k4, (IN_CH, HID_CH), dtype=jnp.float32, minval=-lim_l, maxval=lim_l)
    return {"x": x, "edge_index": edge_index, "W_l": W_l, "b_l": b_l, "W_r": W_r}

def reference(x, edge_index, W_l, b_l, W_r):
    # SAGEConv with mean aggregation: out = lin_l(mean_{j in N(i)} x_j) + lin_r(x_i)
    src = edge_index[0]
    dst = edge_index[1]
    n = x.shape[0]
    msgs = jnp.take(x, src, axis=0)                       # gather source features
    summed = jax.ops.segment_sum(msgs, dst, num_segments=n)  # scatter-add to dst
    counts = jax.ops.segment_sum(jnp.ones((src.shape[0],), dtype=x.dtype), dst, num_segments=n)
    mean_agg = summed / jnp.clip(counts, 1.0)[:, None]
    out = mean_agg @ W_l + b_l + x @ W_r
    return jax.nn.relu(out)

if __name__ == "__main__":
    import jax
    _d = setup_inputs()
    print(jax.jit(kernel)(*tuple(_d.values())))

</pallas_src>

<mosaic_0001>
#map = affine_map<(d0, d1) -> (0, 0)>
#map1 = affine_map<(d0, d1) -> (0, 0, 0)>
module attributes {stable_mosaic.version = 14 : i64} {
  func.func @agg(%arg0: i32, %arg1: i32, %arg2: memref<10000x128xf32, #tpu.memory_space<hbm>>, %arg3: memref<160x25x80xi32, #tpu.memory_space<hbm>>, %arg4: memref<160x25x80xi32, #tpu.memory_space<hbm>>, %arg5: memref<632x128xf32, #tpu.memory_space<hbm>>, %arg6: memref<632x16xf32, #tpu.memory_space<hbm>>, %arg7: memref<2x10112x128xf32, #tpu.memory_space<hbm>>, %arg8: memref<2x10112x16xf32, #tpu.memory_space<hbm>>, %arg9: memref<25x80xi32, #tpu.memory_space<vmem>>, %arg10: memref<25x80xi32, #tpu.memory_space<vmem>>, %arg11: memref<80x128xf32, #tpu.memory_space<vmem>>, %arg12: memref<80x128xf32, #tpu.memory_space<vmem>>, %arg13: memref<80x128xf32, #tpu.memory_space<vmem>>, %arg14: memref<80x16xf32, #tpu.memory_space<vmem>>, %arg15: memref<10112x128xf32, #tpu.memory_space<vmem_shared>>, %arg16: memref<10112x16xf32, #tpu.memory_space<vmem_shared>>, %arg17: memref<!tpu.dma_semaphore, #tpu.memory_space<semaphore_mem>>, %arg18: memref<!tpu.dma_semaphore, #tpu.memory_space<semaphore_mem>>, %arg19: memref<!tpu.dma_semaphore, #tpu.memory_space<semaphore_mem>>, %arg20: memref<!tpu.dma_semaphore, #tpu.memory_space<semaphore_mem>>, %arg21: memref<!tpu.dma_semaphore, #tpu.memory_space<semaphore_mem>>, %arg22: memref<!tpu.dma_semaphore, #tpu.memory_space<semaphore_mem>>, %arg23: memref<!tpu.dma_semaphore, #tpu.memory_space<semaphore_mem>>, %arg24: memref<!tpu.dma_semaphore, #tpu.memory_space<semaphore_mem>>, %arg25: memref<!tpu.dma_semaphore, #tpu.memory_space<semaphore_mem>>) attributes {dimension_semantics = [#tpu.dimension_semantics<core_parallel>, #tpu.dimension_semantics<subcore_parallel>], iteration_bounds = array<i64: 2, 16>, scalar_prefetch = 0 : i64, scratch_operands = 17 : i64, tpu.core_type = #tpu.core_type<sc_vector_subcore>, window_params = [{transform_indices = #map}, {transform_indices = #map1}, {transform_indices = #map1}, {transform_indices = #map}, {transform_indices = #map}, {transform_indices = #map1}, {transform_indices = #map1}]} {
    %mul3A = arith.constant 16 : i32
    %mul3A_0 = arith.muli %arg0, %mul3A : i32
    %add3A = arith.addi %mul3A_0, %arg1 : i32
    %mul3A_1 = arith.constant 632 : i32
    %mul3A_2 = arith.muli %arg1, %mul3A_1 : i32
    %multiple_of3A = tpu.assume_multiple %mul3A_2, 8 : i32
    %dma_start3A = arith.constant 0 : i32
    %dma_start3A_3 = tpu.memref_slice %arg15[%multiple_of3A, %dma_start3A] : memref<10112x128xf32, #tpu.memory_space<vmem_shared>> -> memref<632x128xf32, #tpu.memory_space<vmem_shared>>
    tpu.enqueue_dma source(%arg5 : memref<632x128xf32, #tpu.memory_space<hbm>>) target(%dma_start3A_3 : memref<632x128xf32, #tpu.memory_space<vmem_shared>>) target_semaphore(%arg17 : memref<!tpu.dma_semaphore, #tpu.memory_space<semaphore_mem>>)
    %dma_start3A_4 = arith.constant 0 : i32
    %dma_start3A_5 = tpu.memref_slice %arg16[%multiple_of3A, %dma_start3A_4] : memref<10112x16xf32, #tpu.memory_space<vmem_shared>> -> memref<632x16xf32, #tpu.memory_space<vmem_shared>>
    tpu.enqueue_dma source(%arg6 : memref<632x16xf32, #tpu.memory_space<hbm>>) target(%dma_start3A_5 : memref<632x16xf32, #tpu.memory_space<vmem_shared>>) target_semaphore(%arg18 : memref<!tpu.dma_semaphore, #tpu.memory_space<semaphore_mem>>)
    "tpu.region"() ({
      %run_scoped3A = tpu.sem_alloc : memref<!tpu.dma_semaphore, #tpu.memory_space<semaphore_mem>>
      %dma_start3A_919 = arith.constant 0 : i32
      %dma_start3A_920 = arith.constant 0 : i32
      %dma_start3A_921 = tpu.memref_slice %arg3[%add3A, %dma_start3A_919, %dma_start3A_920] : memref<160x25x80xi32, #tpu.memory_space<hbm>> -> memref<1x25x80xi32, #tpu.memory_space<hbm>>
      %dma_start3A_922 = tpu.memref_squeeze %dma_start3A_921 : memref<1x25x80xi32, #tpu.memory_space<hbm>> -> memref<25x80xi32, #tpu.memory_space<hbm>>
      %dma_start3A_923 = arith.constant 0 : i32
      %dma_start3A_924 = arith.constant 0 : i32
      %dma_start3A_925 = tpu.memref_slice %arg3[%add3A, %dma_start3A_923, %dma_start3A_924] : memref<160x25x80xi32, #tpu.memory_space<hbm>> -> memref<1x25x80xi32, #tpu.memory_space<hbm>>
      %dma_start3A_926 = tpu.memref_squeeze %dma_start3A_925 : memref<1x25x80xi32, #tpu.memory_space<hbm>> -> memref<25x80xi32, #tpu.memory_space<hbm>>
      tpu.enqueue_dma source(%dma_start3A_926 : memref<25x80xi32, #tpu.memory_space<hbm>>) target(%arg9 : memref<25x80xi32, #tpu.memory_space<vmem>>) target_semaphore(%run_scoped3A : memref<!tpu.dma_semaphore, #tpu.memory_space<semaphore_mem>>)
      %dma_wait3A_927 = arith.constant 0 : i32
      %dma_wait3A_928 = arith.constant 0 : i32
      %dma_wait3A_929 = tpu.memref_slice %arg3[%add3A, %dma_wait3A_927, %dma_wait3A_928] : memref<160x25x80xi32, #tpu.memory_space<hbm>> -> memref<1x25x80xi32, #tpu.memory_space<hbm>>
      %dma_wait3A_930 = tpu.memref_squeeze %dma_wait3A_929 : memref<1x25x80xi32, #tpu.memory_space<hbm>> -> memref<25x80xi32, #tpu.memory_space<hbm>>
      %dma_wait3A_931 = arith.constant 0 : i32
      %dma_wait3A_932 = arith.constant 0 : i32
      %dma_wait3A_933 = tpu.memref_slice %arg3[%add3A, %dma_wait3A_931, %dma_wait3A_932] : memref<160x25x80xi32, #tpu.memory_space<hbm>> -> memref<1x25x80xi32, #tpu.memory_space<hbm>>
      %dma_wait3A_934 = tpu.memref_squeeze %dma_wait3A_933 : memref<1x25x80xi32, #tpu.memory_space<hbm>> -> memref<25x80xi32, #tpu.memory_space<hbm>>
      tpu.wait_dma2 semaphore(%run_scoped3A : memref<!tpu.dma_semaphore, #tpu.memory_space<semaphore_mem>>) src(%dma_wait3A_934 : memref<25x80xi32, #tpu.memory_space<hbm>>) dst(%arg9 : memref<25x80xi32, #tpu.memory_space<vmem>>)
      tpu.yield
    }) : () -> ()
    "tpu.region"() ({
      %run_scoped3A = tpu.sem_alloc : memref<!tpu.dma_semaphore, #tpu.memory_space<semaphore_mem>>
      %dma_start3A_919 = arith.constant 0 : i32
      %dma_start3A_920 = arith.constant 0 : i32
      %dma_start3A_921 = tpu.memref_slice %arg4[%add3A, %dma_start3A_919, %dma_start3A_920] : memref<160x25x80xi32, #tpu.memory_space<hbm>> -> memref<1x25x80xi32, #tpu.memory_space<hbm>>
      %dma_start3A_922 = tpu.memref_squeeze %dma_start3A_921 : memref<1x25x80xi32, #tpu.memory_space<hbm>> -> memref<25x80xi32, #tpu.memory_space<hbm>>
      %dma_start3A_923 = arith.constant 0 : i32
      %dma_start3A_924 = arith.constant 0 : i32
      %dma_start3A_925 = tpu.memref_slice %arg4[%add3A, %dma_start3A_923, %dma_start3A_924] : memref<160x25x80xi32, #tpu.memory_space<hbm>> -> memref<1x25x80xi32, #tpu.memory_space<hbm>>
      %dma_start3A_926 = tpu.memref_squeeze %dma_start3A_925 : memref<1x25x80xi32, #tpu.memory_space<hbm>> -> memref<25x80xi32, #tpu.memory_space<hbm>>
      tpu.enqueue_dma source(%dma_start3A_926 : memref<25x80xi32, #tpu.memory_space<hbm>>) target(%arg10 : memref<25x80xi32, #tpu.memory_space<vmem>>) target_semaphore(%run_scoped3A : memref<!tpu.dma_semaphore, #tpu.memory_space<semaphore_mem>>)
      %dma_wait3A_927 = arith.constant 0 : i32
      %dma_wait3A_928 = arith.constant 0 : i32
      %dma_wait3A_929 = tpu.memref_slice %arg4[%add3A, %dma_wait3A_927, %dma_wait3A_928] : memref<160x25x80xi32, #tpu.memory_space<hbm>> -> memref<1x25x80xi32, #tpu.memory_space<hbm>>
      %dma_wait3A_930 = tpu.memref_squeeze %dma_wait3A_929 : memref<1x25x80xi32, #tpu.memory_space<hbm>> -> memref<25x80xi32, #tpu.memory_space<hbm>>
      %dma_wait3A_931 = arith.constant 0 : i32
      %dma_wait3A_932 = arith.constant 0 : i32
      %dma_wait3A_933 = tpu.memref_slice %arg4[%add3A, %dma_wait3A_931, %dma_wait3A_932] : memref<160x25x80xi32, #tpu.memory_space<hbm>> -> memref<1x25x80xi32, #tpu.memory_space<hbm>>
      %dma_wait3A_934 = tpu.memref_squeeze %dma_wait3A_933 : memref<1x25x80xi32, #tpu.memory_space<hbm>> -> memref<25x80xi32, #tpu.memory_space<hbm>>
      tpu.wait_dma2 semaphore(%run_scoped3A : memref<!tpu.dma_semaphore, #tpu.memory_space<semaphore_mem>>) src(%dma_wait3A_934 : memref<25x80xi32, #tpu.memory_space<hbm>>) dst(%arg10 : memref<25x80xi32, #tpu.memory_space<vmem>>)
      tpu.yield
    }) : () -> ()
    %scan3A = arith.constant 0 : i32
    %scan3A_6 = arith.constant 80 : i32
    %scan3A_7 = arith.addi %scan3A, %scan3A_6 : i32
    %scan3A_8 = arith.constant 1 : i32
    scf.for %scan3A_919 = %scan3A to %scan3A_7 step %scan3A_8  : i32 {
      %mul3A_920 = arith.constant 1 : i32
      %mul3A_921 = arith.muli %scan3A_919, %mul3A_920 : i32
      %add3A_922 = arith.constant 0 : i32
      %add3A_923 = arith.addi %add3A_922, %mul3A_921 : i32
      %broadcast_in_dim3A = arith.constant 1.000000e+00 : f32
      %broadcast_in_dim3A_924 = vector.broadcast %broadcast_in_dim3A : f32 to vector<16xf32>
      %swap3A = arith.index_cast %add3A_923 : i32 to index
      %swap3A_925 = arith.constant 0 : index
      %swap3A_926 = tpu.vector_load %arg14[%swap3A, %swap3A_925] {strides = array<i32>} : memref<80x16xf32, #tpu.memory_space<vmem>>, vector<1x16xf32>,
      %swap3A_927 = vector.shape_cast %swap3A_926 : vector<1x16xf32> to vector<16xf32>
      %swap3A_928 = vector.shape_cast %broadcast_in_dim3A_924 : vector<16xf32> to vector<1x16xf32>
      tpu.vector_store %arg14[%swap3A, %swap3A_925], %swap3A_928 {strides = array<i32>} : memref<80x16xf32, #tpu.memory_space<vmem>>, vector<1x16xf32>,
    }
    %scan3A_9 = arith.constant 80 : i32
    %dma_wait3A = arith.constant 0 : i32
    %dma_wait3A_10 = tpu.memref_slice %arg15[%multiple_of3A, %dma_wait3A] : memref<10112x128xf32, #tpu.memory_space<vmem_shared>> -> memref<632x128xf32, #tpu.memory_space<vmem_shared>>
    tpu.wait_dma2 semaphore(%arg17 : memref<!tpu.dma_semaphore, #tpu.memory_space<semaphore_mem>>) src(%arg5 : memref<632x128xf32, #tpu.memory_space<hbm>>) dst(%dma_wait3A_10 : memref<632x128xf32, #tpu.memory_space<vmem_shared>>)
    %dma_wait3A_11 = arith.constant 0 : i32
    %dma_wait3A_12 = tpu.memref_slice %arg16[%multiple_of3A, %dma_wait3A_11] : memref<10112x16xf32, #tpu.memory_space<vmem_shared>> -> memref<632x16xf32, #tpu.memory_space<vmem_shared>>
    tpu.wait_dma2 semaphore(%arg18 : memref<!tpu.dma_semaphore, #tpu.memory_space<semaphore_mem>>) src(%arg6 : memref<632x16xf32, #tpu.memory_space<hbm>>) dst(%dma_wait3A_12 : memref<632x16xf32, #tpu.memory_space<vmem_shared>>)
    %barrier3A = arith.constant 0 : index
    tpu.barrier barrier_id(%barrier3A)
    %mul3A_13 = arith.constant 5 : i32
    %mul3A_14 = arith.muli %add3A, %mul3A_13 : i32
    %add3A_15 = arith.constant 0 : i32
    %add3A_16 = arith.addi %mul3A_14, %add3A_15 : i32
    "tpu.region"() ({
      %run_scoped3A = tpu.sem_alloc : memref<!tpu.dma_semaphore, #tpu.memory_space<semaphore_mem>>
      %dma_start3A_919 = arith.constant 0 : i32
      %dma_start3A_920 = arith.constant 0 : i32
      %dma_start3A_921 = tpu.memref_slice %arg3[%add3A_16, %dma_start3A_919, %dma_start3A_920] : memref<160x25x80xi32, #tpu.memory_space<hbm>> -> memref<1x25x80xi32, #tpu.memory_space<hbm>>
      %dma_start3A_922 = tpu.memref_squeeze %dma_start3A_921 : memref<1x25x80xi32, #tpu.memory_space<hbm>> -> memref<25x80xi32, #tpu.memory_space<hbm>>
      %dma_start3A_923 = arith.constant 0 : i32
      %dma_start3A_924 = arith.constant 0 : i32
      %dma_start3A_925 = tpu.memref_slice %arg3[%add3A_16, %dma_start3A_923, %dma_start3A_924] : memref<160x25x80xi32, #tpu.memory_space<hbm>> -> memref<1x25x80xi32, #tpu.memory_space<hbm>>
      %dma_start3A_926 = tpu.memref_squeeze %dma_start3A_925 : memref<1x25x80xi32, #tpu.memory_space<hbm>> -> memref<25x80xi32, #tpu.memory_space<hbm>>
      tpu.enqueue_dma source(%dma_start3A_926 : memref<25x80xi32, #tpu.memory_space<hbm>>) target(%arg9 : memref<25x80xi32, #tpu.memory_space<vmem>>) target_semaphore(%run_scoped3A : memref<!tpu.dma_semaphore, #tpu.memory_space<semaphore_mem>>)
      %dma_wait3A_927 = arith.constant 0 : i32
      %dma_wait3A_928 = arith.constant 0 : i32
      %dma_wait3A_929 = tpu.memref_slice %arg3[%add3A_16, %dma_wait3A_927, %dma_wait3A_928] : memref<160x25x80xi32, #tpu.memory_space<hbm>> -> memref<1x25x80xi32, #tpu.memory_space<hbm>>
      %dma_wait3A_930 = tpu.memref_squeeze %dma_wait3A_929 : memref<1x25x80xi32, #tpu.memory_space<hbm>> -> memref<25x80xi32, #tpu.memory_space<hbm>>
      %dma_wait3A_931 = arith.constant 0 : i32
      %dma_wait3A_932 = arith.constant 0 : i32
      %dma_wait3A_933 = tpu.memref_slice %arg3[%add3A_16, %dma_wait3A_931, %dma_wait3A_932] : memref<160x25x80xi32, #tpu.memory_space<hbm>> -> memref<1x25x80xi32, #tpu.memory_space<hbm>>
      %dma_wait3A_934 = tpu.memref_squeeze %dma_wait3A_933 : memref<1x25x80xi32, #tpu.memory_space<hbm>> -> memref<25x80xi32, #tpu.memory_space<hbm>>
      tpu.wait_dma2 semaphore(%run_scoped3A : memref<!tpu.dma_semaphore, #tpu.memory_space<semaphore_mem>>) src(%dma_wait3A_934 : memref<25x80xi32, #tpu.memory_space<hbm>>) dst(%arg9 : memref<25x80xi32, #tpu.memory_space<vmem>>)
      tpu.yield
    }) : () -> ()
    %mul3A_17 = arith.constant 5 : i32
    %mul3A_18 = arith.muli %add3A, %mul3A_17 : i32
    %add3A_19 = arith.constant 0 : i32
    %add3A_20 = arith.addi %mul3A_18, %add3A_19 : i32
    "tpu.region"() ({
      %run_scoped3A = tpu.sem_alloc : memref<!tpu.dma_semaphore, #tpu.memory_space<semaphore_mem>>
      %dma_start3A_919 = arith.constant 0 : i32
      %dma_start3A_920 = arith.constant 0 : i32
      %dma_start3A_921 = tpu.memref_slice %arg4[%add3A_20, %dma_start3A_919, %dma_start3A_920] : memref<160x25x80xi32, #tpu.memory_space<hbm>> -> memref<1x25x80xi32, #tpu.memory_space<hbm>>
      %dma_start3A_922 = tpu.memref_squeeze %dma_start3A_921 : memref<1x25x80xi32, #tpu.memory_space<hbm>> -> memref<25x80xi32, #tpu.memory_space<hbm>>
      %dma_start3A_923 = arith.constant 0 : i32
      %dma_start3A_924 = arith.constant 0 : i32
      %dma_start3A_925 = tpu.memref_slice %arg4[%add3A_20, %dma_start3A_923, %dma_start3A_924] : memref<160x25x80xi32, #tpu.memory_space<hbm>> -> memref<1x25x80xi32, #tpu.memory_space<hbm>>
      %dma_start3A_926 = tpu.memref_squeeze %dma_start3A_925 : memref<1x25x80xi32, #tpu.memory_space<hbm>> -> memref<25x80xi32, #tpu.memory_space<hbm>>
      tpu.enqueue_dma source(%dma_start3A_926 : memref<25x80xi32, #tpu.memory_space<hbm>>) target(%arg10 : memref<25x80xi32, #tpu.memory_space<vmem>>) target_semaphore(%run_scoped3A : memref<!tpu.dma_semaphore, #tpu.memory_space<semaphore_mem>>)
      %dma_wait3A_927 = arith.constant 0 : i32
      %dma_wait3A_928 = arith.constant 0 : i32
      %dma_wait3A_929 = tpu.memref_slice %arg4[%add3A_20, %dma_wait3A_927, %dma_wait3A_928] : memref<160x25x80xi32, #tpu.memory_space<hbm>> -> memref<1x25x80xi32, #tpu.memory_space<hbm>>
      %dma_wait3A_930 = tpu.memref_squeeze %dma_wait3A_929 : memref<1x25x80xi32, #tpu.memory_space<hbm>> -> memref<25x80xi32, #tpu.memory_space<hbm>>
      %dma_wait3A_931 = arith.constant 0 : i32
      %dma_wait3A_932 = arith.constant 0 : i32
      %dma_wait3A_933 = tpu.memref_slice %arg4[%add3A_20, %dma_wait3A_931, %dma_wait3A_932] : memref<160x25x80xi32, #tpu.memory_space<hbm>> -> memref<1x25x80xi32, #tpu.memory_space<hbm>>
      %dma_wait3A_934 = tpu.memref_squeeze %dma_wait3A_933 : memref<1x25x80xi32, #tpu.memory_space<hbm>> -> memref<25x80xi32, #tpu.memory_space<hbm>>
      tpu.wait_dma2 semaphore(%run_scoped3A : memref<!tpu.dma_semaphore, #tpu.memory_space<semaphore_mem>>) src(%dma_wait3A_934 : memref<25x80xi32, #tpu.memory_space<hbm>>) dst(%arg10 : memref<25x80xi32, #tpu.memory_space<vmem>>)
      tpu.yield
    }) : () -> ()
    %dma_start3A_21 = arith.constant 0 : i32
    %dma_start3A_22 = arith.constant 0 : i32
    %dma_start3A_23 = tpu.memref_slice %arg9[%dma_start3A_21, %dma_start3A_22] : memref<25x80xi32, #tpu.memory_space<vmem>> -> memref<1x80xi32, #tpu.memory_space<vmem>>
    %dma_start3A_24 = tpu.memref_squeeze %dma_start3A_23 : memref<1x80xi32, #tpu.memory_space<vmem>> -> memref<80xi32, #tpu.memory_space<vmem>>
    %dma_start3A_25 = arith.constant 0 : i32
    %dma_start3A_26 = arith.constant 0 : i32
    %dma_start3A_27 = tpu.memref_slice %arg2[%dma_start3A_25, %dma_start3A_26] : memref<10000x128xf32, #tpu.memory_space<hbm>> -> memref<10000x128xf32, #tpu.memory_space<hbm>>
    tpu.enqueue_indirect_dma source(%dma_start3A_27 : memref<10000x128xf32, #tpu.memory_space<hbm>>) target(%arg11 : memref<80x128xf32, #tpu.memory_space<vmem>>) offsets(%dma_start3A_24 : memref<80xi32, #tpu.memory_space<vmem>>) semaphore(%arg17 : memref<!tpu.dma_semaphore, #tpu.memory_space<semaphore_mem>>)
    %dma_start3A_28 = arith.constant 1 : i32
    %dma_start3A_29 = arith.constant 0 : i32
    %dma_start3A_30 = tpu.memref_slice %arg9[%dma_start3A_28, %dma_start3A_29] : memref<25x80xi32, #tpu.memory_space<vmem>> -> memref<1x80xi32, #tpu.memory_space<vmem>>
    %dma_start3A_31 = tpu.memref_squeeze %dma_start3A_30 : memref<1x80xi32, #tpu.memory_space<vmem>> -> memref<80xi32, #tpu.memory_space<vmem>>
    %dma_start3A_32 = arith.constant 0 : i32
    %dma_start3A_33 = arith.constant 0 : i32
    %dma_start3A_34 = tpu.memref_slice %arg2[%dma_start3A_32, %dma_start3A_33] : memref<10000x128xf32, #tpu.memory_space<hbm>> -> memref<10000x128xf32, #tpu.memory_space<hbm>>
    tpu.enqueue_indirect_dma source(%dma_start3A_34 : memref<10000x128xf32, #tpu.memory_space<hbm>>) target(%arg12 : memref<80x128xf32, #tpu.memory_space<vmem>>) offsets(%dma_start3A_31 : memref<80xi32, #tpu.memory_space<vmem>>) semaphore(%arg18 : memref<!tpu.dma_semaphore, #tpu.memory_space<semaphore_mem>>)
    %dma_wait3A_35 = arith.constant 0 : i32
    %dma_wait3A_36 = arith.constant 0 : i32
    %dma_wait3A_37 = tpu.memref_slice %arg9[%dma_wait3A_35, %dma_wait3A_36] : memref<25x80xi32, #tpu.memory_space<vmem>> -> memref<1x80xi32, #tpu.memory_space<vmem>>
    %dma_wait3A_38 = tpu.memref_squeeze %dma_wait3A_37 : memref<1x80xi32, #tpu.memory_space<vmem>> -> memref<80xi32, #tpu.memory_space<vmem>>
    %dma_wait3A_39 = arith.constant 0 : i32
    %dma_wait3A_40 = arith.constant 0 : i32
    %dma_wait3A_41 = tpu.memref_slice %arg2[%dma_wait3A_39, %dma_wait3A_40] : memref<10000x128xf32, #tpu.memory_space<hbm>> -> memref<10000x128xf32, #tpu.memory_space<hbm>>
    tpu.wait_indirect_dma semaphore(%arg17 : memref<!tpu.dma_semaphore, #tpu.memory_space<semaphore_mem>>) src(%dma_wait3A_41 : memref<10000x128xf32, #tpu.memory_space<hbm>>) dst(%arg11 : memref<80x128xf32, #tpu.memory_space<vmem>>)
    %dma_start3A_42 = arith.constant 0 : i32
    %dma_start3A_43 = arith.constant 0 : i32
    %dma_start3A_44 = tpu.memref_slice %arg10[%dma_start3A_42, %dma_start3A_43] : memref<25x80xi32, #tpu.memory_space<vmem>> -> memref<1x80xi32, #tpu.memory_space<vmem>>
    %dma_start3A_45 = tpu.memref_squeeze %dma_start3A_44 : memref<1x80xi32, #tpu.memory_space<vmem>> -> memref<80xi32, #tpu.memory_space<vmem>>
    %dma_start3A_46 = arith.constant 0 : i32
    %dma_start3A_47 = arith.constant 0 : i32
    %dma_start3A_48 = tpu.memref_slice %arg15[%dma_start3A_46, %dma_start3A_47] : memref<10112x128xf32, #tpu.memory_space<vmem_shared>> -> memref<10112x128xf32, #tpu.memory_space<vmem_shared>>
    tpu.enqueue_indirect_dma source(%arg11 : memref<80x128xf32, #tpu.memory_space<vmem>>) target(%dma_start3A_48 : memref<10112x128xf32, #tpu.memory_space<vmem_shared>>) offsets(%dma_start3A_45 : memref<80xi32, #tpu.memory_space<vmem>>) semaphore(%arg20 : memref<!tpu.dma_semaphore, #tpu.memory_space<semaphore_mem>>) {add = true}
    %dma_start3A_49 = arith.constant 0 : i32
    %dma_start3A_50 = arith.constant 0 : i32
    %dma_start3A_51 = tpu.memref_slice %arg10[%dma_start3A_49, %dma_start3A_50] : memref<25x80xi32, #tpu.memory_space<vmem>> -> memref<1x80xi32, #tpu.memory_space<vmem>>
    %dma_start3A_52 = tpu.memref_squeeze %dma_start3A_51 : memref<1x80xi32, #tpu.memory_space<vmem>> -> memref<80xi32, #tpu.memory_space<vmem>>
    %dma_start3A_53 = arith.constant 0 : i32
    %dma_start3A_54 = arith.constant 0 : i32
    %dma_start3A_55 = tpu.memref_slice %arg16[%dma_start3A_53, %dma_start3A_54] : memref<10112x16xf32, #tpu.memory_space<vmem_shared>> -> memref<10112x16xf32, #tpu.memory_space<vmem_shared>>
    tpu.enqueue_indirect_dma source(%arg14 : memref<80x16xf32, #tpu.memory_space<vmem>>) target(%dma_start3A_55 : memref<10112x16xf32, #tpu.memory_space<vmem_shared>>) offsets(%dma_start3A_52 : memref<80xi32, #tpu.memory_space<vmem>>) semaphore(%arg23 : memref<!tpu.dma_semaphore, #tpu.memory_space<semaphore_mem>>) {add = true}
    %dma_start3A_56 = arith.constant 2 : i32
    %dma_start3A_57 = arith.constant 0 : i32
    %dma_start3A_58 = tpu.memref_slice %arg9[%dma_start3A_56, %dma_start3A_57] : memref<25x80xi32, #tpu.memory_space<vmem>> -> memref<1x80xi32, #tpu.memory_space<vmem>>
    %dma_start3A_59 = tpu.memref_squeeze %dma_start3A_58 : memref<1x80xi32, #tpu.memory_space<vmem>> -> memref<80xi32, #tpu.memory_space<vmem>>
    %dma_start3A_60 = arith.constant 0 : i32
    %dma_start3A_61 = arith.constant 0 : i32
    %dma_start3A_62 = tpu.memref_slice %arg2[%dma_start3A_60, %dma_start3A_61] : memref<10000x128xf32, #tpu.memory_space<hbm>> -> memref<10000x128xf32, #tpu.memory_space<hbm>>
    tpu.enqueue_indirect_dma source(%dma_start3A_62 : memref<10000x128xf32, #tpu.memory_space<hbm>>) target(%arg13 : memref<80x128xf32, #tpu.memory_space<vmem>>) offsets(%dma_start3A_59 : memref<80xi32, #tpu.memory_space<vmem>>) semaphore(%arg19 : memref<!tpu.dma_semaphore, #tpu.memory_space<semaphore_mem>>)
    %dma_wait3A_63 = arith.constant 1 : i32
    %dma_wait3A_64 = arith.constant 0 : i32
    %dma_wait3A_65 = tpu.memref_slice %arg9[%dma_wait3A_63, %dma_wait3A_64] : memref<25x80xi32, #tpu.memory_space<vmem>> -> memref<1x80xi32, #tpu.memory_space<vmem>>
    %dma_wait3A_66 = tpu.memref_squeeze %dma_wait3A_65 : memref<1x80xi32, #tpu.memory_space<vmem>> -> memref<80xi32, #tpu.memory_space<vmem>>
    %dma_wait3A_67 = arith.constant 0 : i32
    %dma_wait3A_68 = arith.constant 0 : i32
    %dma_wait3A_69 = tpu.memref_slice %arg2[%dma_wait3A_67, %dma_wait3A_68] : memref<10000x128xf32, #tpu.memory_space<hbm>> -> memref<10000x128xf32, #tpu.memory_space<hbm>>
    tpu.wait_indirect_dma semaphore(%arg18 : memref<!tpu.dma_semaphore, #tpu.memory_space<semaphore_mem>>) src(%dma_wait3A_69 : memref<10000x128xf32, #tpu.memory_space<hbm>>) dst(%arg12 : memref<80x128xf32, #tpu.memory_space<vmem>>)
    %dma_start3A_70 = arith.constant 1 : i32
    %dma_start3A_71 = arith.constant 0 : i32
    %dma_start3A_72 = tpu.memref_slice %arg10[%dma_start3A_70, %dma_start3A_71] : memref<25x80xi32, #tpu.memory_space<vmem>> -> memref<1x80xi32, #tpu.memory_space<vmem>>
    %dma_start3A_73 = tpu.memref_squeeze %dma_start3A_72 : memref<1x80xi32, #tpu.memory_space<vmem>> -> memref<80xi32, #tpu.memory_space<vmem>>
    %dma_start3A_74 = arith.constant 0 : i32
    %dma_start3A_75 = arith.constant 0 : i32
    %dma_start3A_76 = tpu.memref_slice %arg15[%dma_start3A_74, %dma_start3A_75] : memref<10112x128xf32, #tpu.memory_space<vmem_shared>> -> memref<10112x128xf32, #tpu.memory_space<vmem_shared>>
    tpu.enqueue_indirect_dma source(%arg12 : memref<80x128xf32, #tpu.memory_space<vmem>>) target(%dma_start3A_76 : memref<10112x128xf32, #tpu.memory_space<vmem_shared>>) offsets(%dma_start3A_73 : memref<80xi32, #tpu.memory_space<vmem>>) semaphore(%arg21 : memref<!tpu.dma_semaphore, #tpu.memory_space<semaphore_mem>>) {add = true}
    %dma_start3A_77 = arith.constant 1 : i32
    %dma_start3A_78 = arith.constant 0 : i32
    %dma_start3A_79 = tpu.memref_slice %arg10[%dma_start3A_77, %dma_start3A_78] : memref<25x80xi32, #tpu.memory_space<vmem>> -> memref<1x80xi32, #tpu.memory_space<vmem>>
    %dma_start3A_80 = tpu.memref_squeeze %dma_start3A_79 : memref<1x80xi32, #tpu.memory_space<vmem>> -> memref<80xi32, #tpu.memory_space<vmem>>
    %dma_start3A_81 = arith.constant 0 : i32
    %dma_start3A_82 = arith.constant 0 : i32
    %dma_start3A_83 = tpu.memref_slice %arg16[%dma_start3A_81, %dma_start3A_82] : memref<10112x16xf32, #tpu.memory_space<vmem_shared>> -> memref<10112x16xf32, #tpu.memory_space<vmem_shared>>
    tpu.enqueue_indirect_dma source(%arg14 : memref<80x16xf32, #tpu.memory_space<vmem>>) target(%dma_start3A_83 : memref<10112x16xf32, #tpu.memory_space<vmem_shared>>) offsets(%dma_start3A_80 : memref<80xi32, #tpu.memory_space<vmem>>) semaphore(%arg24 : memref<!tpu.dma_semaphore, #tpu.memory_space<semaphore_mem>>) {add = true}
    %dma_wait3A_84 = arith.constant 0 : i32
    %dma_wait3A_85 = arith.constant 0 : i32
    %dma_wait3A_86 = tpu.memref_slice %arg10[%dma_wait3A_84, %dma_wait3A_85] : memref<25x80xi32, #tpu.memory_space<vmem>> -> memref<1x80xi32, #tpu.memory_space<vmem>>
    %dma_wait3A_87 = tpu.memref_squeeze %dma_wait3A_86 : memref<1x80xi32, #tpu.memory_space<vmem>> -> memref<80xi32, #tpu.memory_space<vmem>>
    %dma_wait3A_88 = arith.constant 0 : i32
    %dma_wait3A_89 = arith.constant 0 : i32
    %dma_wait3A_90 = tpu.memref_slice %arg15[%dma_wait3A_88, %dma_wait3A_89] : memref<10112x128xf32, #tpu.memory_space<vmem_shared>> -> memref<10112x128xf32, #tpu.memory_space<vmem_shared>>
    tpu.wait_indirect_dma semaphore(%arg20 : memref<!tpu.dma_semaphore, #tpu.memory_space<semaphore_mem>>) src(%arg11 : memref<80x128xf32, #tpu.memory_space<vmem>>) dst(%dma_wait3A_90 : memref<10112x128xf32, #tpu.memory_space<vmem_shared>>)
    %dma_wait3A_91 = arith.constant 0 : i32
    %dma_wait3A_92 = arith.constant 0 : i32
    %dma_wait3A_93 = tpu.memref_slice %arg10[%dma_wait3A_91, %dma_wait3A_92] : memref<25x80xi32, #tpu.memory_space<vmem>> -> memref<1x80xi32, #tpu.memory_space<vmem>>
    %dma_wait3A_94 = tpu.memref_squeeze %dma_wait3A_93 : memref<1x80xi32, #tpu.memory_space<vmem>> -> memref<80xi32, #tpu.memory_space<vmem>>
    %dma_wait3A_95 = arith.constant 0 : i32
    %dma_wait3A_96 = arith.constant 0 : i32
    %dma_wait3A_97 = tpu.memref_slice %arg16[%dma_wait3A_95, %dma_wait3A_96] : memref<10112x16xf32, #tpu.memory_space<vmem_shared>> -> memref<10112x16xf32, #tpu.memory_space<vmem_shared>>
    tpu.wait_indirect_dma semaphore(%arg23 : memref<!tpu.dma_semaphore, #tpu.memory_space<semaphore_mem>>) src(%arg14 : memref<80x16xf32, #tpu.memory_space<vmem>>) dst(%dma_wait3A_97 : memref<10112x16xf32, #tpu.memory_space<vmem_shared>>)
    %dma_start3A_98 = arith.constant 3 : i32
    %dma_start3A_99 = arith.constant 0 : i32
    %dma_start3A_100 = tpu.memref_slice %arg9[%dma_start3A_98, %dma_start3A_99] : memref<25x80xi32, #tpu.memory_space<vmem>> -> memref<1x80xi32, #tpu.memory_space<vmem>>
    %dma_start3A_101 = tpu.memref_squeeze %dma_start3A_100 : memref<1x80xi32, #tpu.memory_space<vmem>> -> memref<80xi32, #tpu.memory_space<vmem>>
    %dma_start3A_102 = arith.constant 0 : i32
    %dma_start3A_103 = arith.constant 0 : i32
    %dma_start3A_104 = tpu.memref_slice %arg2[%dma_start3A_102, %dma_start3A_103] : memref<10000x128xf32, #tpu.memory_space<hbm>> -> memref<10000x128xf32, #tpu.memory_space<hbm>>
    tpu.enqueue_indirect_dma source(%dma_start3A_104 : memref<10000x128xf32, #tpu.memory_space<hbm>>) target(%arg11 : memref<80x128xf32, #tpu.memory_space<vmem>>) offsets(%dma_start3A_101 : memref<80xi32, #tpu.memory_space<vmem>>) semaphore(%arg17 : memref<!tpu.dma_semaphore, #tpu.memory_space<semaphore_mem>>)
    %scan3A_105 = arith.constant 0 : i32
    %scan3A_106 = arith.constant 7 : i32
    %scan3A_107 = arith.addi %scan3A_105, %scan3A_106 : i32
    %scan3A_108 = arith.constant 1 : i32
    scf.for %scan3A_919 = %scan3A_105 to %scan3A_107 step %scan3A_108  : i32 {
      %mul3A_920 = arith.constant 1 : i32
      %mul3A_921 = arith.muli %scan3A_919, %mul3A_920 : i32
      %add3A_922 = arith.constant 0 : i32
      %add3A_923 = arith.addi %add3A_922, %mul3A_921 : i32
      %mul3A_924 = arith.constant 3 : i32
      %mul3A_925 = arith.muli %add3A_923, %mul3A_924 : i32
      %add3A_926 = arith.constant 2 : i32
      %add3A_927 = arith.addi %add3A_926, %mul3A_925 : i32
      %add3A_928 = arith.constant 0 : i32
      %add3A_929 = arith.addi %add3A_927, %add3A_928 : i32
      %dma_wait3A_930 = arith.constant 0 : i32
      %dma_wait3A_931 = tpu.memref_slice %arg9[%add3A_929, %dma_wait3A_930] : memref<25x80xi32, #tpu.memory_space<vmem>> -> memref<1x80xi32, #tpu.memory_space<vmem>>
      %dma_wait3A_932 = tpu.memref_squeeze %dma_wait3A_931 : memref<1x80xi32, #tpu.memory_space<vmem>> -> memref<80xi32, #tpu.memory_space<vmem>>
      %dma_wait3A_933 = arith.constant 0 : i32
      %dma_wait3A_934 = arith.constant 0 : i32
      %dma_wait3A_935 = tpu.memref_slice %arg2[%dma_wait3A_933, %dma_wait3A_934] : memref<10000x128xf32, #tpu.memory_space<hbm>> -> memref<10000x128xf32, #tpu.memory_space<hbm>>
      tpu.wait_indirect_dma semaphore(%arg19 : memref<!tpu.dma_semaphore, #tpu.memory_space<semaphore_mem>>) src(%dma_wait3A_935 : memref<10000x128xf32, #tpu.memory_space<hbm>>) dst(%arg13 : memref<80x128xf32, #tpu.memory_space<vmem>>)
      %dma_start3A_936 = arith.constant 0 : i32
      %dma_start3A_937 = tpu.memref_slice %arg10[%add3A_929, %dma_start3A_936] : memref<25x80xi32, #tpu.memory_space<vmem>> -> memref<1x80xi32, #tpu.memory_space<vmem>>
      %dma_start3A_938 = tpu.memref_squeeze %dma_start3A_937 : memref<1x80xi32, #tpu.memory_space<vmem>> -> memref<80xi32, #tpu.memory_space<vmem>>
      %dma_start3A_939 = arith.constant 0 : i32
      %dma_start3A_940 = arith.constant 0 : i32
      %dma_start3A_941 = tpu.memref_slice %arg15[%dma_start3A_939, %dma_start3A_940] : memref<10112x128xf32, #tpu.memory_space<vmem_shared>> -> memref<10112x128xf32, #tpu.memory_space<vmem_shared>>
      tpu.enqueue_indirect_dma source(%arg13 : memref<80x128xf32, #tpu.memory_space<vmem>>) target(%dma_start3A_941 : memref<10112x128xf32, #tpu.memory_space<vmem_shared>>) offsets(%dma_start3A_938 : memref<80xi32, #tpu.memory_space<vmem>>) semaphore(%arg22 : memref<!tpu.dma_semaphore, #tpu.memory_space<semaphore_mem>>) {add = true}
      %dma_start3A_942 = arith.constant 0 : i32
      %dma_start3A_943 = tpu.memref_slice %arg10[%add3A_929, %dma_start3A_942] : memref<25x80xi32, #tpu.memory_space<vmem>> -> memref<1x80xi32, #tpu.memory_space<vmem>>
      %dma_start3A_944 = tpu.memref_squeeze %dma_start3A_943 : memref<1x80xi32, #tpu.memory_space<vmem>> -> memref<80xi32, #tpu.memory_space<vmem>>
      %dma_start3A_945 = arith.constant 0 : i32
      %dma_start3A_946 = arith.constant 0 : i32
      %dma_start3A_947 = tpu.memref_slice %arg16[%dma_start3A_945, %dma_start3A_946] : memref<10112x16xf32, #tpu.memory_space<vmem_shared>> -> memref<10112x16xf32, #tpu.memory_space<vmem_shared>>
      tpu.enqueue_indirect_dma source(%arg14 : memref<80x16xf32, #tpu.memory_space<vmem>>) target(%dma_start3A_947 : memref<10112x16xf32, #tpu.memory_space<vmem_shared>>) offsets(%dma_start3A_944 : memref<80xi32, #tpu.memory_space<vmem>>) semaphore(%arg25 : memref<!tpu.dma_semaphore, #tpu.memory_space<semaphore_mem>>) {add = true}
      %sub3A = arith.constant 1 : i32
      %sub3A_948 = arith.subi %add3A_929, %sub3A : i32
      %dma_wait3A_949 = arith.constant 0 : i32
      %dma_wait3A_950 = tpu.memref_slice %arg10[%sub3A_948, %dma_wait3A_949] : memref<25x80xi32, #tpu.memory_space<vmem>> -> memref<1x80xi32, #tpu.memory_space<vmem>>
      %dma_wait3A_951 = tpu.memref_squeeze %dma_wait3A_950 : memref<1x80xi32, #tpu.memory_space<vmem>> -> memref<80xi32, #tpu.memory_space<vmem>>
      %dma_wait3A_952 = arith.constant 0 : i32
      %dma_wait3A_953 = arith.constant 0 : i32
      %dma_wait3A_954 = tpu.memref_slice %arg15[%dma_wait3A_952, %dma_wait3A_953] : memref<10112x128xf32, #tpu.memory_space<vmem_shared>> -> memref<10112x128xf32, #tpu.memory_space<vmem_shared>>
      tpu.wait_indirect_dma semaphore(%arg21 : memref<!tpu.dma_semaphore, #tpu.memory_space<semaphore_mem>>) src(%arg12 : memref<80x128xf32, #tpu.memory_space<vmem>>) dst(%dma_wait3A_954 : memref<10112x128xf32, #tpu.memory_space<vmem_shared>>)
      %dma_wait3A_955 = arith.constant 0 : i32
      %dma_wait3A_956 = tpu.memref_slice %arg10[%sub3A_948, %dma_wait3A_955] : memref<25x80xi32, #tpu.memory_space<vmem>> -> memref<1x80xi32, #tpu.memory_space<vmem>>
      %dma_wait3A_957 = tpu.memref_squeeze %dma_wait3A_956 : memref<1x80xi32, #tpu.memory_space<vmem>> -> memref<80xi32, #tpu.memory_space<vmem>>
      %dma_wait3A_958 = arith.constant 0 : i32
      %dma_wait3A_959 = arith.constant 0 : i32
      %dma_wait3A_960 = tpu.memref_slice %arg16[%dma_wait3A_958, %dma_wait3A_959] : memref<10112x16xf32, #tpu.memory_space<vmem_shared>> -> memref<10112x16xf32, #tpu.memory_space<vmem_shared>>
      tpu.wait_indirect_dma semaphore(%arg24 : memref<!tpu.dma_semaphore, #tpu.memory_space<semaphore_mem>>) src(%arg14 : memref<80x16xf32, #tpu.memory_space<vmem>>) dst(%dma_wait3A_960 : memref<10112x16xf32, #tpu.memory_space<vmem_shared>>)
      %add3A_961 = arith.constant 2 : i32
      %add3A_962 = arith.addi %add3A_929, %add3A_961 : i32
      %dma_start3A_963 = arith.constant 0 : i32
      %dma_start3A_964 = tpu.memref_slice %arg9[%add3A_962, %dma_start3A_963] : memref<25x80xi32, #tpu.memory_space<vmem>> -> memref<1x80xi32, #tpu.memory_space<vmem>>
      %dma_start3A_965 = tpu.memref_squeeze %dma_start3A_964 : memref<1x80xi32, #tpu.memory_space<vmem>> -> memref<80xi32, #tpu.memory_space<vmem>>
      %dma_start3A_966 = arith.constant 0 : i32
      %dma_start3A_967 = arith.constant 0 : i32
      %dma_start3A_968 = tpu.memref_slice %arg2[%dma_start3A_966, %dma_start3A_967] : memref<10000x128xf32, #tpu.memory_space<hbm>> -> memref<10000x128xf32, #tpu.memory_space<hbm>>
      tpu.enqueue_indirect_dma source(%dma_start3A_968 : memref<10000x128xf32, #tpu.memory_space<hbm>>) target(%arg12 : memref<80x128xf32, #tpu.memory_space<vmem>>) offsets(%dma_start3A_965 : memref<80xi32, #tpu.memory_space<vmem>>) semaphore(%arg18 : memref<!tpu.dma_semaphore, #tpu.memory_space<semaphore_mem>>)
      %mul3A_969 = arith.constant 3 : i32
      %mul3A_970 = arith.muli %add3A_923, %mul3A_969 : i32
      %add3A_971 = arith.constant 2 : i32
      %add3A_972 = arith.addi %add3A_971, %mul3A_970 : i32
      %add3A_973 = arith.constant 1 : i32
      %add3A_974 = arith.addi %add3A_972, %add3A_973 : i32
      %dma_wait3A_975 = arith.constant 0 : i32
      %dma_wait3A_976 = tpu.memref_slice %arg9[%add3A_974, %dma_wait3A_975] : memref<25x80xi32, #tpu.memory_space<vmem>> -> memref<1x80xi32, #tpu.memory_space<vmem>>
      %dma_wait3A_977 = tpu.memref_squeeze %dma_wait3A_976 : memref<1x80xi32, #tpu.memory_space<vmem>> -> memref<80xi32, #tpu.memory_space<vmem>>
      %dma_wait3A_978 = arith.constant 0 : i32
      %dma_wait3A_979 = arith.constant 0 : i32
      %dma_wait3A_980 = tpu.memref_slice %arg2[%dma_wait3A_978, %dma_wait3A_979] : memref<10000x128xf32, #tpu.memory_space<hbm>> -> memref<10000x128xf32, #tpu.memory_space<hbm>>
      tpu.wait_indirect_dma semaphore(%arg17 : memref<!tpu.dma_semaphore, #tpu.memory_space<semaphore_mem>>) src(%dma_wait3A_980 : memref<10000x128xf32, #tpu.memory_space<hbm>>) dst(%arg11 : memref<80x128xf32, #tpu.memory_space<vmem>>)
      %dma_start3A_981 = arith.constant 0 : i32
      %dma_start3A_982 = tpu.memref_slice %arg10[%add3A_974, %dma_start3A_981] : memref<25x80xi32, #tpu.memory_space<vmem>> -> memref<1x80xi32, #tpu.memory_space<vmem>>
      %dma_start3A_983 = tpu.memref_squeeze %dma_start3A_982 : memref<1x80xi32, #tpu.memory_space<vmem>> -> memref<80xi32, #tpu.memory_space<vmem>>
      %dma_start3A_984 = arith.constant 0 : i32
      %dma_start3A_985 = arith.constant 0 : i32
      %dma_start3A_986 = tpu.memref_slice %arg15[%dma_start3A_984, %dma_start3A_985] : memref<10112x128xf32, #tpu.memory_space<vmem_shared>> -> memref<10112x128xf32, #tpu.memory_space<vmem_shared>>
      tpu.enqueue_indirect_dma source(%arg11 : memref<80x128xf32, #tpu.memory_space<vmem>>) target(%dma_start3A_986 : memref<10112x128xf32, #tpu.memory_space<vmem_shared>>) offsets(%dma_start3A_983 : memref<80xi32, #tpu.memory_space<vmem>>) semaphore(%arg20 : memref<!tpu.dma_semaphore, #tpu.memory_space<semaphore_mem>>) {add = true}
      %dma_start3A_987 = arith.constant 0 : i32
      %dma_start3A_988 = tpu.memref_slice %arg10[%add3A_974, %dma_start3A_987] : memref<25x80xi32, #tpu.memory_space<vmem>> -> memref<1x80xi32, #tpu.memory_space<vmem>>
      %dma_start3A_989 = tpu.memref_squeeze %dma_start3A_988 : memref<1x80xi32, #tpu.memory_space<vmem>> -> memref<80xi32, #tpu.memory_space<vmem>>
      %dma_start3A_990 = arith.constant 0 : i32
      %dma_start3A_991 = arith.constant 0 : i32
      %dma_start3A_992 = tpu.memref_slice %arg16[%dma_start3A_990, %dma_start3A_991] : memref<10112x16xf32, #tpu.memory_space<vmem_shared>> -> memref<10112x16xf32, #tpu.memory_space<vmem_shared>>
      tpu.enqueue_indirect_dma source(%arg14 : memref<80x16xf32, #tpu.memory_space<vmem>>) target(%dma_start3A_992 : memref<10112x16xf32, #tpu.memory_space<vmem_shared>>) offsets(%dma_start3A_989 : memref<80xi32, #tpu.memory_space<vmem>>) semaphore(%arg23 : memref<!tpu.dma_semaphore, #tpu.memory_space<semaphore_mem>>) {add = true}
      %sub3A_993 = arith.constant 1 : i32
      %sub3A_994 = arith.subi %add3A_974, %sub3A_993 : i32
      %dma_wait3A_995 = arith.constant 0 : i32
      %dma_wait3A_996 = tpu.memref_slice %arg10[%sub3A_994, %dma_wait3A_995] : memref<25x80xi32, #tpu.memory_space<vmem>> -> memref<1x80xi32, #tpu.memory_space<vmem>>
      %dma_wait3A_997 = tpu.memref_squeeze %dma_wait3A_996 : memref<1x80xi32, #tpu.memory_space<vmem>> -> memref<80xi32, #tpu.memory_space<vmem>>
      %dma_wait3A_998 = arith.constant 0 : i32
      %dma_wait3A_999 = arith.constant 0 : i32
      %dma_wait3A_1000 = tpu.memref_slice %arg15[%dma_wait3A_998, %dma_wait3A_999] : memref<10112x128xf32, #tpu.memory_space<vmem_shared>> -> memref<10112x128xf32, #tpu.memory_space<vmem_shared>>
      tpu.wait_indirect_dma semaphore(%arg22 : memref<!tpu.dma_semaphore, #tpu.memory_space<semaphore_mem>>) src(%arg13 : memref<80x128xf32, #tpu.memory_space<vmem>>) dst(%dma_wait3A_1000 : memref<10112x128xf32, #tpu.memory_space<vmem_shared>>)
      %dma_wait3A_1001 = arith.constant 0 : i32
      %dma_wait3A_1002 = tpu.memref_slice %arg10[%sub3A_994, %dma_wait3A_1001] : memref<25x80xi32, #tpu.memory_space<vmem>> -> memref<1x80xi32, #tpu.memory_space<vmem>>
      %dma_wait3A_1003 = tpu.memref_squeeze %dma_wait3A_1002 : memref<1x80xi32, #tpu.memory_space<vmem>> -> memref<80xi32, #tpu.memory_space<vmem>>
      %dma_wait3A_1004 = arith.constant 0 : i32
      %dma_wait3A_1005 = arith.constant 0 : i32
      %dma_wait3A_1006 = tpu.memref_slice %arg16[%dma_wait3A_1004, %dma_wait3A_1005] : memref<10112x16xf32, #tpu.memory_space<vmem_shared>> -> memref<10112x16xf32, #tpu.memory_space<vmem_shared>>
      tpu.wait_indirect_dma semaphore(%arg25 : memref<!tpu.dma_semaphore, #tpu.memory_space<semaphore_mem>>) src(%arg14 : memref<80x16xf32, #tpu.memory_space<vmem>>) dst(%dma_wait3A_1006 : memref<10112x16xf32, #tpu.memory_space<vmem_shared>>)
      %add3A_1007 = arith.constant 2 : i32
      %add3A_1008 = arith.addi %add3A_974, %add3A_1007 : i32
      %dma_start3A_1009 = arith.constant 0 : i32
      %dma_start3A_1010 = tpu.memref_slice %arg9[%add3A_1008, %dma_start3A_1009] : memref<25x80xi32, #tpu.memory_space<vmem>> -> memref<1x80xi32, #tpu.memory_space<vmem>>
      %dma_start3A_1011 = tpu.memref_squeeze %dma_start3A_1010 : memref<1x80xi32, #tpu.memory_space<vmem>> -> memref<80xi32, #tpu.memory_space<vmem>>
      %dma_start3A_1012 = arith.constant 0 : i32
      %dma_start3A_1013 = arith.constant 0 : i32
      %dma_start3A_1014 = tpu.memref_slice %arg2[%dma_start3A_1012, %dma_start3A_1013] : memref<10000x128xf32, #tpu.memory_space<hbm>> -> memref<10000x128xf32, #tpu.memory_space<hbm>>
      tpu.enqueue_indirect_dma source(%dma_start3A_1014 : memref<10000x128xf32, #tpu.memory_space<hbm>>) target(%arg13 : memref<80x128xf32, #tpu.memory_space<vmem>>) offsets(%dma_start3A_1011 : memref<80xi32, #tpu.memory_space<vmem>>) semaphore(%arg19 : memref<!tpu.dma_semaphore, #tpu.memory_space<semaphore_mem>>)
      %mul3A_1015 = arith.constant 3 : i32
      %mul3A_1016 = arith.muli %add3A_923, %mul3A_1015 : i32
      %add3A_1017 = arith.constant 2 : i32
      %add3A_1018 = arith.addi %add3A_1017, %mul3A_1016 : i32
      %add3A_1019 = arith.constant 2 : i32
      %add3A_1020 = arith.addi %add3A_1018, %add3A_1019 : i32
      %dma_wait3A_1021 = arith.constant 0 : i32
      %dma_wait3A_1022 = tpu.memref_slice %arg9[%add3A_1020, %dma_wait3A_1021] : memref<25x80xi32, #tpu.memory_space<vmem>> -> memref<1x80xi32, #tpu.memory_space<vmem>>
      %dma_wait3A_1023 = tpu.memref_squeeze %dma_wait3A_1022 : memref<1x80xi32, #tpu.memory_space<vmem>> -> memref<80xi32, #tpu.memory_space<vmem>>
      %dma_wait3A_1024 = arith.constant 0 : i32
      %dma_wait3A_1025 = arith.constant 0 : i32
      %dma_wait3A_1026 = tpu.memref_slice %arg2[%dma_wait3A_1024, %dma_wait3A_1025] : memref<10000x128xf32, #tpu.memory_space<hbm>> -> memref<10000x128xf32, #tpu.memory_space<hbm>>
      tpu.wait_indirect_dma semaphore(%arg18 : memref<!tpu.dma_semaphore, #tpu.memory_space<semaphore_mem>>) src(%dma_wait3A_1026 : memref<10000x128xf32, #tpu.memory_space<hbm>>) dst(%arg12 : memref<80x128xf32, #tpu.memory_space<vmem>>)
      %dma_start3A_1027 = arith.constant 0 : i32
      %dma_start3A_1028 = tpu.memref_slice %arg10[%add3A_1020, %dma_start3A_1027] : memref<25x80xi32, #tpu.memory_space<vmem>> -> memref<1x80xi32, #tpu.memory_space<vmem>>
      %dma_start3A_1029 = tpu.memref_squeeze %dma_start3A_1028 : memref<1x80xi32, #tpu.memory_space<vmem>> -> memref<80xi32, #tpu.memory_space<vmem>>
      %dma_start3A_1030 = arith.constant 0 : i32
      %dma_start3A_1031 = arith.constant 0 : i32
      %dma_start3A_1032 = tpu.memref_slice %arg15[%dma_start3A_1030, %dma_start3A_1031] : memref<10112x128xf32, #tpu.memory_space<vmem_shared>> -> memref<10112x128xf32, #tpu.memory_space<vmem_shared>>
      tpu.enqueue_indirect_dma source(%arg12 : memref<80x128xf32, #tpu.memory_space<vmem>>) target(%dma_start3A_1032 : memref<10112x128xf32, #tpu.memory_space<vmem_shared>>) offsets(%dma_start3A_1029 : memref<80xi32, #tpu.memory_space<vmem>>) semaphore(%arg21 : memref<!tpu.dma_semaphore, #tpu.memory_space<semaphore_mem>>) {add = true}
      %dma_start3A_1033 = arith.constant 0 : i32
      %dma_start3A_1034 = tpu.memref_slice %arg10[%add3A_1020, %dma_start3A_1033] : memref<25x80xi32, #tpu.memory_space<vmem>> -> memref<1x80xi32, #tpu.memory_space<vmem>>
      %dma_start3A_1035 = tpu.memref_squeeze %dma_start3A_1034 : memref<1x80xi32, #tpu.memory_space<vmem>> -> memref<80xi32, #tpu.memory_space<vmem>>
      %dma_start3A_1036 = arith.constant 0 : i32
      %dma_start3A_1037 = arith.constant 0 : i32
      %dma_start3A_1038 = tpu.memref_slice %arg16[%dma_start3A_1036, %dma_start3A_1037] : memref<10112x16xf32, #tpu.memory_space<vmem_shared>> -> memref<10112x16xf32, #tpu.memory_space<vmem_shared>>
      tpu.enqueue_indirect_dma source(%arg14 : memref<80x16xf32, #tpu.memory_space<vmem>>) target(%dma_start3A_1038 : memref<10112x16xf32, #tpu.memory_space<vmem_shared>>) offsets(%dma_start3A_1035 : memref<80xi32, #tpu.memory_space<vmem>>) semaphore(%arg24 : memref<!tpu.dma_semaphore, #tpu.memory_space<semaphore_mem>>) {add = true}
      %sub3A_1039 = arith.constant 1 : i32
      %sub3A_1040 = arith.subi %add3A_1020, %sub3A_1039 : i32
      %dma_wait3A_1041 = arith.constant 0 : i32
      %dma_wait3A_1042 = tpu.memref_slice %arg10[%sub3A_1040, %dma_wait3A_1041] : memref<25x80xi32, #tpu.memory_space<vmem>> -> memref<1x80xi32, #tpu.memory_space<vmem>>
      %dma_wait3A_1043 = tpu.memref_squeeze %dma_wait3A_1042 : memref<1x80xi32, #tpu.memory_space<vmem>> -> memref<80xi32, #tpu.memory_space<vmem>>
      %dma_wait3A_1044 = arith.constant 0 : i32
      %dma_wait3A_1045 = arith.constant 0 : i32
      %dma_wait3A_1046 = tpu.memref_slice %arg15[%dma_wait3A_1044, %dma_wait3A_1045] : memref<10112x128xf32, #tpu.memory_space<vmem_shared>> -> memref<10112x128xf32, #tpu.memory_space<vmem_shared>>
      tpu.wait_indirect_dma semaphore(%arg20 : memref<!tpu.dma_semaphore, #tpu.memory_space<semaphore_mem>>) src(%arg11 : memref<80x128xf32, #tpu.memory_space<vmem>>) dst(%dma_wait3A_1046 : memref<10112x128xf32, #tpu.memory_space<vmem_shared>>)
      %dma_wait3A_1047 = arith.constant 0 : i32
      %dma_wait3A_1048 = tpu.memref_slice %arg10[%sub3A_1040, %dma_wait3A_1047] : memref<25x80xi32, #tpu.memory_space<vmem>> -> memref<1x80xi32, #tpu.memory_space<vmem>>
      %dma_wait3A_1049 = tpu.memref_squeeze %dma_wait3A_1048 : memref<1x80xi32, #tpu.memory_space<vmem>> -> memref<80xi32, #tpu.memory_space<vmem>>
      %dma_wait3A_1050 = arith.constant 0 : i32
      %dma_wait3A_1051 = arith.constant 0 : i32
      %dma_wait3A_1052 = tpu.memref_slice %arg16[%dma_wait3A_1050, %dma_wait3A_1051] : memref<10112x16xf32, #tpu.memory_space<vmem_shared>> -> memref<10112x16xf32, #tpu.memory_space<vmem_shared>>
      tpu.wait_indirect_dma semaphore(%arg23 : memref<!tpu.dma_semaphore, #tpu.memory_space<semaphore_mem>>) src(%arg14 : memref<80x16xf32, #tpu.memory_space<vmem>>) dst(%dma_wait3A_1052 : memref<10112x16xf32, #tpu.memory_space<vmem_shared>>)
      %add3A_1053 = arith.constant 2 : i32
      %add3A_1054 = arith.addi %add3A_1020, %add3A_1053 : i32
      %dma_start3A_1055 = arith.constant 0 : i32
      %dma_start3A_1056 = tpu.memref_slice %arg9[%add3A_1054, %dma_start3A_1055] : memref<25x80xi32, #tpu.memory_space<vmem>> -> memref<1x80xi32, #tpu.memory_space<vmem>>
      %dma_start3A_1057 = tpu.memref_squeeze %dma_start3A_1056 : memref<1x80xi32, #tpu.memory_space<vmem>> -> memref<80xi32, #tpu.memory_space<vmem>>
      %dma_start3A_1058 = arith.constant 0 : i32
      %dma_start3A_1059 = arith.constant 0 : i32
      %dma_start3A_1060 = tpu.memref_slice %arg2[%dma_start3A_1058, %dma_start3A_1059] : memref<10000x128xf32, #tpu.memory_space<hbm>> -> memref<10000x128xf32, #tpu.memory_space<hbm>>
      tpu.enqueue_indirect_dma source(%dma_start3A_1060 : memref<10000x128xf32, #tpu.memory_space<hbm>>) target(%arg11 : memref<80x128xf32, #tpu.memory_space<vmem>>) offsets(%dma_start3A_1057 : memref<80xi32, #tpu.memory_space<vmem>>) semaphore(%arg17 : memref<!tpu.dma_semaphore, #tpu.memory_space<semaphore_mem>>)
    }
    %scan3A_109 = arith.constant 7 : i32
    %dma_wait3A_110 = arith.constant 23 : i32
    %dma_wait3A_111 = arith.constant 0 : i32
    %dma_wait3A_112 = tpu.memref_slice %arg9[%dma_wait3A_110, %dma_wait3A_111] : memref<25x80xi32, #tpu.memory_space<vmem>> -> memref<1x80xi32, #tpu.memory_space<vmem>>
    %dma_wait3A_113 = tpu.memref_squeeze %dma_wait3A_112 : memref<1x80xi32, #tpu.memory_space<vmem>> -> memref<80xi32, #tpu.memory_space<vmem>>
    %dma_wait3A_114 = arith.constant 0 : i32
    %dma_wait3A_115 = arith.constant 0 : i32
    %dma_wait3A_116 = tpu.memref_slice %arg2[%dma_wait3A_114, %dma_wait3A_115] : memref<10000x128xf32, #tpu.memory_space<hbm>> -> memref<10000x128xf32, #tpu.memory_space<hbm>>
    tpu.wait_indirect_dma semaphore(%arg19 : memref<!tpu.dma_semaphore, #tpu.memory_space<semaphore_mem>>) src(%dma_wait3A_116 : memref<10000x128xf32, #tpu.memory_space<hbm>>) dst(%arg13 : memref<80x128xf32, #tpu.memory_space<vmem>>)
    %dma_start3A_117 = arith.constant 23 : i32
    %dma_start3A_118 = arith.constant 0 : i32
    %dma_start3A_119 = tpu.memref_slice %arg10[%dma_start3A_117, %dma_start3A_118] : memref<25x80xi32, #tpu.memory_space<vmem>> -> memref<1x80xi32, #tpu.memory_space<vmem>>
    %dma_start3A_120 = tpu.memref_squeeze %dma_start3A_119 : memref<1x80xi32, #tpu.memory_space<vmem>> -> memref<80xi32, #tpu.memory_space<vmem>>
    %dma_start3A_121 = arith.constant 0 : i32
    %dma_start3A_122 = arith.constant 0 : i32
    %dma_start3A_123 = tpu.memref_slice %arg15[%dma_start3A_121, %dma_start3A_122] : memref<10112x128xf32, #tpu.memory_space<vmem_shared>> -> memref<10112x128xf32, #tpu.memory_space<vmem_shared>>
    tpu.enqueue_indirect_dma source(%arg13 : memref<80x128xf32, #tpu.memory_space<vmem>>) target(%dma_start3A_123 : memref<10112x128xf32, #tpu.memory_space<vmem_shared>>) offsets(%dma_start3A_120 : memref<80xi32, #tpu.memory_space<vmem>>) semaphore(%arg22 : memref<!tpu.dma_semaphore, #tpu.memory_space<semaphore_mem>>) {add = true}
    %dma_start3A_124 = arith.constant 23 : i32
    %dma_start3A_125 = arith.constant 0 : i32
    %dma_start3A_126 = tpu.memref_slice %arg10[%dma_start3A_124, %dma_start3A_125] : memref<25x80xi32, #tpu.memory_space<vmem>> -> memref<1x80xi32, #tpu.memory_space<vmem>>
    %dma_start3A_127 = tpu.memref_squeeze %dma_start3A_126 : memref<1x80xi32, #tpu.memory_space<vmem>> -> memref<80xi32, #tpu.memory_space<vmem>>
    %dma_start3A_128 = arith.constant 0 : i32
    %dma_start3A_129 = arith.constant 0 : i32
    %dma_start3A_130 = tpu.memref_slice %arg16[%dma_start3A_128, %dma_start3A_129] : memref<10112x16xf32, #tpu.memory_space<vmem_shared>> -> memref<10112x16xf32, #tpu.memory_space<vmem_shared>>
    tpu.enqueue_indirect_dma source(%arg14 : memref<80x16xf32, #tpu.memory_space<vmem>>) target(%dma_start3A_130 : memref<10112x16xf32, #tpu.memory_space<vmem_shared>>) offsets(%dma_start3A_127 : memref<80xi32, #tpu.memory_space<vmem>>) semaphore(%arg25 : memref<!tpu.dma_semaphore, #tpu.memory_space<semaphore_mem>>) {add = true}
    %dma_wait3A_131 = arith.constant 22 : i32
    %dma_wait3A_132 = arith.constant 0 : i32
    %dma_wait3A_133 = tpu.memref_slice %arg10[%dma_wait3A_131, %dma_wait3A_132] : memref<25x80xi32, #tpu.memory_space<vmem>> -> memref<1x80xi32, #tpu.memory_space<vmem>>
    %dma_wait3A_134 = tpu.memref_squeeze %dma_wait3A_133 : memref<1x80xi32, #tpu.memory_space<vmem>> -> memref<80xi32, #tpu.memory_space<vmem>>
    %dma_wait3A_135 = arith.constant 0 : i32
    %dma_wait3A_136 = arith.constant 0 : i32
    %dma_wait3A_137 = tpu.memref_slice %arg15[%dma_wait3A_135, %dma_wait3A_136] : memref<10112x128xf32, #tpu.memory_space<vmem_shared>> -> memref<10112x128xf32, #tpu.memory_space<vmem_shared>>
    tpu.wait_indirect_dma semaphore(%arg21 : memref<!tpu.dma_semaphore, #tpu.memory_space<semaphore_mem>>) src(%arg12 : memref<80x128xf32, #tpu.memory_space<vmem>>) dst(%dma_wait3A_137 : memref<10112x128xf32, #tpu.memory_space<vmem_shared>>)
    %dma_wait3A_138 = arith.constant 22 : i32
    %dma_wait3A_139 = arith.constant 0 : i32
    %dma_wait3A_140 = tpu.memref_slice %arg10[%dma_wait3A_138, %dma_wait3A_139] : memref<25x80xi32, #tpu.memory_space<vmem>> -> memref<1x80xi32, #tpu.memory_space<vmem>>
    %dma_wait3A_141 = tpu.memref_squeeze %dma_wait3A_140 : memref<1x80xi32, #tpu.memory_space<vmem>> -> memref<80xi32, #tpu.memory_space<vmem>>
    %dma_wait3A_142 = arith.constant 0 : i32
    %dma_wait3A_143 = arith.constant 0 : i32
    %dma_wait3A_144 = tpu.memref_slice %arg16[%dma_wait3A_142, %dma_wait3A_143] : memref<10112x16xf32, #tpu.memory_space<vmem_shared>> -> memref<10112x16xf32, #tpu.memory_space<vmem_shared>>
    tpu.wait_indirect_dma semaphore(%arg24 : memref<!tpu.dma_semaphore, #tpu.memory_space<semaphore_mem>>) src(%arg14 : memref<80x16xf32, #tpu.memory_space<vmem>>) dst(%dma_wait3A_144 : memref<10112x16xf32, #tpu.memory_space<vmem_shared>>)
    %dma_wait3A_145 = arith.constant 24 : i32
    %dma_wait3A_146 = arith.constant 0 : i32
    %dma_wait3A_147 = tpu.memref_slice %arg9[%dma_wait3A_145, %dma_wait3A_146] : memref<25x80xi32, #tpu.memory_space<vmem>> -> memref<1x80xi32, #tpu.memory_space<vmem>>
    %dma_wait3A_148 = tpu.memref_squeeze %dma_wait3A_147 : memref<1x80xi32, #tpu.memory_space<vmem>> -> memref<80xi32, #tpu.memory_space<vmem>>
    %dma_wait3A_149 = arith.constant 0 : i32
    %dma_wait3A_150 = arith.constant 0 : i32
    %dma_wait3A_151 = tpu.memref_slice %arg2[%dma_wait3A_149, %dma_wait3A_150] : memref<10000x128xf32, #tpu.memory_space<hbm>> -> memref<10000x128xf32, #tpu.memory_space<hbm>>
    tpu.wait_indirect_dma semaphore(%arg17 : memref<!tpu.dma_semaphore, #tpu.memory_space<semaphore_mem>>) src(%dma_wait3A_151 : memref<10000x128xf32, #tpu.memory_space<hbm>>) dst(%arg11 : memref<80x128xf32, #tpu.memory_space<vmem>>)
    %dma_start3A_152 = arith.constant 24 : i32
    %dma_start3A_153 = arith.constant 0 : i32
    %dma_start3A_154 = tpu.memref_slice %arg10[%dma_start3A_152, %dma_start3A_153] : memref<25x80xi32, #tpu.memory_space<vmem>> -> memref<1x80xi32, #tpu.memory_space<vmem>>
    %dma_start3A_155 = tpu.memref_squeeze %dma_start3A_154 : memref<1x80xi32, #tpu.memory_space<vmem>> -> memref<80xi32, #tpu.memory_space<vmem>>
    %dma_start3A_156 = arith.constant 0 : i32
    %dma_start3A_157 = arith.constant 0 : i32
    %dma_start3A_158 = tpu.memref_slice %arg15[%dma_start3A_156, %dma_start3A_157] : memref<10112x128xf32, #tpu.memory_space<vmem_shared>> -> memref<10112x128xf32, #tpu.memory_space<vmem_shared>>
    tpu.enqueue_indirect_dma source(%arg11 : memref<80x128xf32, #tpu.memory_space<vmem>>) target(%dma_start3A_158 : memref<10112x128xf32, #tpu.memory_space<vmem_shared>>) offsets(%dma_start3A_155 : memref<80xi32, #tpu.memory_space<vmem>>) semaphore(%arg20 : memref<!tpu.dma_semaphore, #tpu.memory_space<semaphore_mem>>) {add = true}
    %dma_start3A_159 = arith.constant 24 : i32
    %dma_start3A_160 = arith.constant 0 : i32
    %dma_start3A_161 = tpu.memref_slice %arg10[%dma_start3A_159, %dma_start3A_160] : memref<25x80xi32, #tpu.memory_space<vmem>> -> memref<1x80xi32, #tpu.memory_space<vmem>>
    %dma_start3A_162 = tpu.memref_squeeze %dma_start3A_161 : memref<1x80xi32, #tpu.memory_space<vmem>> -> memref<80xi32, #tpu.memory_space<vmem>>
    %dma_start3A_163 = arith.constant 0 : i32
    %dma_start3A_164 = arith.constant 0 : i32
    %dma_start3A_165 = tpu.memref_slice %arg16[%dma_start3A_163, %dma_start3A_164] : memref<10112x16xf32, #tpu.memory_space<vmem_shared>> -> memref<10112x16xf32, #tpu.memory_space<vmem_shared>>
    tpu.enqueue_indirect_dma source(%arg14 : memref<80x16xf32, #tpu.memory_space<vmem>>) target(%dma_start3A_165 : memref<10112x16xf32, #tpu.memory_space<vmem_shared>>) offsets(%dma_start3A_162 : memref<80xi32, #tpu.memory_space<vmem>>) semaphore(%arg23 : memref<!tpu.dma_semaphore, #tpu.memory_space<semaphore_mem>>) {add = true}
    %dma_wait3A_166 = arith.constant 23 : i32
    %dma_wait3A_167 = arith.constant 0 : i32
    %dma_wait3A_168 = tpu.memref_slice %arg10[%dma_wait3A_166, %dma_wait3A_167] : memref<25x80xi32, #tpu.memory_space<vmem>> -> memref<1x80xi32, #tpu.memory_space<vmem>>
    %dma_wait3A_169 = tpu.memref_squeeze %dma_wait3A_168 : memref<1x80xi32, #tpu.memory_space<vmem>> -> memref<80xi32, #tpu.memory_space<vmem>>
    %dma_wait3A_170 = arith.constant 0 : i32
    %dma_wait3A_171 = arith.constant 0 : i32
    %dma_wait3A_172 = tpu.memref_slice %arg15[%dma_wait3A_170, %dma_wait3A_171] : memref<10112x128xf32, #tpu.memory_space<vmem_shared>> -> memref<10112x128xf32, #tpu.memory_space<vmem_shared>>
    tpu.wait_indirect_dma semaphore(%arg22 : memref<!tpu.dma_semaphore, #tpu.memory_space<semaphore_mem>>) src(%arg13 : memref<80x128xf32, #tpu.memory_space<vmem>>) dst(%dma_wait3A_172 : memref<10112x128xf32, #tpu.memory_space<vmem_shared>>)
    %dma_wait3A_173 = arith.constant 23 : i32
    %dma_wait3A_174 = arith.constant 0 : i32
    %dma_wait3A_175 = tpu.memref_slice %arg10[%dma_wait3A_173, %dma_wait3A_174] : memref<25x80xi32, #tpu.memory_space<vmem>> -> memref<1x80xi32, #tpu.memory_space<vmem>>
    %dma_wait3A_176 = tpu.memref_squeeze %dma_wait3A_175 : memref<1x80xi32, #tpu.memory_space<vmem>> -> memref<80xi32, #tpu.memory_space<vmem>>
    %dma_wait3A_177 = arith.constant 0 : i32
    %dma_wait3A_178 = arith.constant 0 : i32
    %dma_wait3A_179 = tpu.memref_slice %arg16[%dma_wait3A_177, %dma_wait3A_178] : memref<10112x16xf32, #tpu.memory_space<vmem_shared>> -> memref<10112x16xf32, #tpu.memory_space<vmem_shared>>
    tpu.wait_indirect_dma semaphore(%arg25 : memref<!tpu.dma_semaphore, #tpu.memory_space<semaphore_mem>>) src(%arg14 : memref<80x16xf32, #tpu.memory_space<vmem>>) dst(%dma_wait3A_179 : memref<10112x16xf32, #tpu.memory_space<vmem_shared>>)
    %dma_wait3A_180 = arith.constant 24 : i32
    %dma_wait3A_181 = arith.constant 0 : i32
    %dma_wait3A_182 = tpu.memref_slice %arg10[%dma_wait3A_180, %dma_wait3A_181] : memref<25x80xi32, #tpu.memory_space<vmem>> -> memref<1x80xi32, #tpu.memory_space<vmem>>
    %dma_wait3A_183 = tpu.memref_squeeze %dma_wait3A_182 : memref<1x80xi32, #tpu.memory_space<vmem>> -> memref<80xi32, #tpu.memory_space<vmem>>
    %dma_wait3A_184 = arith.constant 0 : i32
    %dma_wait3A_185 = arith.constant 0 : i32
    %dma_wait3A_186 = tpu.memref_slice %arg15[%dma_wait3A_184, %dma_wait3A_185] : memref<10112x128xf32, #tpu.memory_space<vmem_shared>> -> memref<10112x128xf32, #tpu.memory_space<vmem_shared>>
    tpu.wait_indirect_dma semaphore(%arg20 : memref<!tpu.dma_semaphore, #tpu.memory_space<semaphore_mem>>) src(%arg11 : memref<80x128xf32, #tpu.memory_space<vmem>>) dst(%dma_wait3A_186 : memref<10112x128xf32, #tpu.memory_space<vmem_shared>>)
    %dma_wait3A_187 = arith.constant 24 : i32
    %dma_wait3A_188 = arith.constant 0 : i32
    %dma_wait3A_189 = tpu.memref_slice %arg10[%dma_wait3A_187, %dma_wait3A_188] : memref<25x80xi32, #tpu.memory_space<vmem>> -> memref<1x80xi32, #tpu.memory_space<vmem>>
    %dma_wait3A_190 = tpu.memref_squeeze %dma_wait3A_189 : memref<1x80xi32, #tpu.memory_space<vmem>> -> memref<80xi32, #tpu.memory_space<vmem>>
    %dma_wait3A_191 = arith.constant 0 : i32
    %dma_wait3A_192 = arith.constant 0 : i32
    %dma_wait3A_193 = tpu.memref_slice %arg16[%dma_wait3A_191, %dma_wait3A_192] : memref<10112x16xf32, #tpu.memory_space<vmem_shared>> -> memref<10112x16xf32, #tpu.memory_space<vmem_shared>>
    tpu.wait_indirect_dma semaphore(%arg23 : memref<!tpu.dma_semaphore, #tpu.memory_space<semaphore_mem>>) src(%arg14 : memref<80x16xf32, #tpu.memory_space<vmem>>) dst(%dma_wait3A_193 : memref<10112x16xf32, #tpu.memory_space<vmem_shared>>)
    %mul3A_194 = arith.constant 5 : i32
    %mul3A_195 = arith.muli %add3A, %mul3A_194 : i32
    %add3A_196 = arith.constant 1 : i32
    %add3A_197 = arith.addi %mul3A_195, %add3A_196 : i32
    "tpu.region"() ({
      %run_scoped3A = tpu.sem_alloc : memref<!tpu.dma_semaphore, #tpu.memory_space<semaphore_mem>>
      %dma_start3A_919 = arith.constant 0 : i32
      %dma_start3A_920 = arith.constant 0 : i32
      %dma_start3A_921 = tpu.memref_slice %arg3[%add3A_197, %dma_start3A_919, %dma_start3A_920] : memref<160x25x80xi32, #tpu.memory_space<hbm>> -> memref<1x25x80xi32, #tpu.memory_space<hbm>>
      %dma_start3A_922 = tpu.memref_squeeze %dma_start3A_921 : memref<1x25x80xi32, #tpu.memory_space<hbm>> -> memref<25x80xi32, #tpu.memory_space<hbm>>
      %dma_start3A_923 = arith.constant 0 : i32
      %dma_start3A_924 = arith.constant 0 : i32
      %dma_start3A_925 = tpu.memref_slice %arg3[%add3A_197, %dma_start3A_923, %dma_start3A_924] : memref<160x25x80xi32, #tpu.memory_space<hbm>> -> memref<1x25x80xi32, #tpu.memory_space<hbm>>
      %dma_start3A_926 = tpu.memref_squeeze %dma_start3A_925 : memref<1x25x80xi32, #tpu.memory_space<hbm>> -> memref<25x80xi32, #tpu.memory_space<hbm>>
      tpu.enqueue_dma source(%dma_start3A_926 : memref<25x80xi32, #tpu.memory_space<hbm>>) target(%arg9 : memref<25x80xi32, #tpu.memory_space<vmem>>) target_semaphore(%run_scoped3A : memref<!tpu.dma_semaphore, #tpu.memory_space<semaphore_mem>>)
      %dma_wait3A_927 = arith.constant 0 : i32
      %dma_wait3A_928 = arith.constant 0 : i32
      %dma_wait3A_929 = tpu.memref_slice %arg3[%add3A_197, %dma_wait3A_927, %dma_wait3A_928] : memref<160x25x80xi32, #tpu.memory_space<hbm>> -> memref<1x25x80xi32, #tpu.memory_space<hbm>>
      %dma_wait3A_930 = tpu.memref_squeeze %dma_wait3A_929 : memref<1x25x80xi32, #tpu.memory_space<hbm>> -> memref<25x80xi32, #tpu.memory_space<hbm>>
      %dma_wait3A_931 = arith.constant 0 : i32
      %dma_wait3A_932 = arith.constant 0 : i32
      %dma_wait3A_933 = tpu.memref_slice %arg3[%add3A_197, %dma_wait3A_931, %dma_wait3A_932] : memref<160x25x80xi32, #tpu.memory_space<hbm>> -> memref<1x25x80xi32, #tpu.memory_space<hbm>>
      %dma_wait3A_934 = tpu.memref_squeeze %dma_wait3A_933 : memref<1x25x80xi32, #tpu.memory_space<hbm>> -> memref<25x80xi32, #tpu.memory_space<hbm>>
      tpu.wait_dma2 semaphore(%run_scoped3A : memref<!tpu.dma_semaphore, #tpu.memory_space<semaphore_mem>>) src(%dma_wait3A_934 : memref<25x80xi32, #tpu.memory_space<hbm>>) dst(%arg9 : memref<25x80xi32, #tpu.memory_space<vmem>>)
      tpu.yield
    }) : () -> ()
    %mul3A_198 = arith.constant 5 : i32
    %mul3A_199 = arith.muli %add3A, %mul3A_198 : i32
    %add3A_200 = arith.constant 1 : i32
    %add3A_201 = arith.addi %mul3A_199, %add3A_200 : i32
    "tpu.region"() ({
      %run_scoped3A = tpu.sem_alloc : memref<!tpu.dma_semaphore, #tpu.memory_space<semaphore_mem>>
      %dma_start3A_919 = arith.constant 0 : i32
      %dma_start3A_920 = arith.constant 0 : i32
      %dma_start3A_921 = tpu.memref_slice %arg4[%add3A_201, %dma_start3A_919, %dma_start3A_920] : memref<160x25x80xi32, #tpu.memory_space<hbm>> -> memref<1x25x80xi32, #tpu.memory_space<hbm>>
      %dma_start3A_922 = tpu.memref_squeeze %dma_start3A_921 : memref<1x25x80xi32, #tpu.memory_space<hbm>> -> memref<25x80xi32, #tpu.memory_space<hbm>>
      %dma_start3A_923 = arith.constant 0 : i32
      %dma_start3A_924 = arith.constant 0 : i32
      %dma_start3A_925 = tpu.memref_slice %arg4[%add3A_201, %dma_start3A_923, %dma_start3A_924] : memref<160x25x80xi32, #tpu.memory_space<hbm>> -> memref<1x25x80xi32, #tpu.memory_space<hbm>>
      %dma_start3A_926 = tpu.memref_squeeze %dma_start3A_925 : memref<1x25x80xi32, #tpu.memory_space<hbm>> -> memref<25x80xi32, #tpu.memory_space<hbm>>
      tpu.enqueue_dma source(%dma_start3A_926 : memref<25x80xi32, #tpu.memory_space<hbm>>) target(%arg10 : memref<25x80xi32, #tpu.memory_space<vmem>>) target_semaphore(%run_scoped3A : memref<!tpu.dma_semaphore, #tpu.memory_space<semaphore_mem>>)
      %dma_wait3A_927 = arith.constant 0 : i32
      %dma_wait3A_928 = arith.constant 0 : i32
      %dma_wait3A_929 = tpu.memref_slice %arg4[%add3A_201, %dma_wait3A_927, %dma_wait3A_928] : memref<160x25x80xi32, #tpu.memory_space<hbm>> -> memref<1x25x80xi32, #tpu.memory_space<hbm>>
      %dma_wait3A_930 = tpu.memref_squeeze %dma_wait3A_929 : memref<1x25x80xi32, #tpu.memory_space<hbm>> -> memref<25x80xi32, #tpu.memory_space<hbm>>
      %dma_wait3A_931 = arith.constant 0 : i32
      %dma_wait3A_932 = arith.constant 0 : i32
      %dma_wait3A_933 = tpu.memref_slice %arg4[%add3A_201, %dma_wait3A_931, %dma_wait3A_932] : memref<160x25x80xi32, #tpu.memory_space<hbm>> -> memref<1x25x80xi32, #tpu.memory_space<hbm>>
      %dma_wait3A_934 = tpu.memref_squeeze %dma_wait3A_933 : memref<1x25x80xi32, #tpu.memory_space<hbm>> -> memref<25x80xi32, #tpu.memory_space<hbm>>
      tpu.wait_dma2 semaphore(%run_scoped3A : memref<!tpu.dma_semaphore, #tpu.memory_space<semaphore_mem>>) src(%dma_wait3A_934 : memref<25x80xi32, #tpu.memory_space<hbm>>) dst(%arg10 : memref<25x80xi32, #tpu.memory_space<vmem>>)
      tpu.yield
    }) : () -> ()
    %dma_start3A_202 = arith.constant 0 : i32
    %dma_start3A_203 = arith.constant 0 : i32
    %dma_start3A_204 = tpu.memref_slice %arg9[%dma_start3A_202, %dma_start3A_203] : memref<25x80xi32, #tpu.memory_space<vmem>> -> memref<1x80xi32, #tpu.memory_space<vmem>>
    %dma_start3A_205 = tpu.memref_squeeze %dma_start3A_204 : memref<1x80xi32, #tpu.memory_space<vmem>> -> memref<80xi32, #tpu.memory_space<vmem>>
    %dma_start3A_206 = arith.constant 0 : i32
    %dma_start3A_207 = arith.constant 0 : i32
    %dma_start3A_208 = tpu.memref_slice %arg2[%dma_start3A_206, %dma_start3A_207] : memref<10000x128xf32, #tpu.memory_space<hbm>> -> memref<10000x128xf32, #tpu.memory_space<hbm>>
    tpu.enqueue_indirect_dma source(%dma_start3A_208 : memref<10000x128xf32, #tpu.memory_space<hbm>>) target(%arg11 : memref<80x128xf32, #tpu.memory_space<vmem>>) offsets(%dma_start3A_205 : memref<80xi32, #tpu.memory_space<vmem>>) semaphore(%arg17 : memref<!tpu.dma_semaphore, #tpu.memory_space<semaphore_mem>>)
    %dma_start3A_209 = arith.constant 1 : i32
    %dma_start3A_210 = arith.constant 0 : i32
    %dma_start3A_211 = tpu.memref_slice %arg9[%dma_start3A_209, %dma_start3A_210] : memref<25x80xi32, #tpu.memory_space<vmem>> -> memref<1x80xi32, #tpu.memory_space<vmem>>
    %dma_start3A_212 = tpu.memref_squeeze %dma_start3A_211 : memref<1x80xi32, #tpu.memory_space<vmem>> -> memref<80xi32, #tpu.memory_space<vmem>>
    %dma_start3A_213 = arith.constant 0 : i32
    %dma_start3A_214 = arith.constant 0 : i32
    %dma_start3A_215 = tpu.memref_slice %arg2[%dma_start3A_213, %dma_start3A_214] : memref<10000x128xf32, #tpu.memory_space<hbm>> -> memref<10000x128xf32, #tpu.memory_space<hbm>>
    tpu.enqueue_indirect_dma source(%dma_start3A_215 : memref<10000x128xf32, #tpu.memory_space<hbm>>) target(%arg12 : memref<80x128xf32, #tpu.memory_space<vmem>>) offsets(%dma_start3A_212 : memref<80xi32, #tpu.memory_space<vmem>>) semaphore(%arg18 : memref<!tpu.dma_semaphore, #tpu.memory_space<semaphore_mem>>)
    %dma_wait3A_216 = arith.constant 0 : i32
    %dma_wait3A_217 = arith.constant 0 : i32
    %dma_wait3A_218 = tpu.memref_slice %arg9[%dma_wait3A_216, %dma_wait3A_217] : memref<25x80xi32, #tpu.memory_space<vmem>> -> memref<1x80xi32, #tpu.memory_space<vmem>>
    %dma_wait3A_219 = tpu.memref_squeeze %dma_wait3A_218 : memref<1x80xi32, #tpu.memory_space<vmem>> -> memref<80xi32, #tpu.memory_space<vmem>>
    %dma_wait3A_220 = arith.constant 0 : i32
    %dma_wait3A_221 = arith.constant 0 : i32
    %dma_wait3A_222 = tpu.memref_slice %arg2[%dma_wait3A_220, %dma_wait3A_221] : memref<10000x128xf32, #tpu.memory_space<hbm>> -> memref<10000x128xf32, #tpu.memory_space<hbm>>
    tpu.wait_indirect_dma semaphore(%arg17 : memref<!tpu.dma_semaphore, #tpu.memory_space<semaphore_mem>>) src(%dma_wait3A_222 : memref<10000x128xf32, #tpu.memory_space<hbm>>) dst(%arg11 : memref<80x128xf32, #tpu.memory_space<vmem>>)
    %dma_start3A_223 = arith.constant 0 : i32
    %dma_start3A_224 = arith.constant 0 : i32
    %dma_start3A_225 = tpu.memref_slice %arg10[%dma_start3A_223, %dma_start3A_224] : memref<25x80xi32, #tpu.memory_space<vmem>> -> memref<1x80xi32, #tpu.memory_space<vmem>>
    %dma_start3A_226 = tpu.memref_squeeze %dma_start3A_225 : memref<1x80xi32, #tpu.memory_space<vmem>> -> memref<80xi32, #tpu.memory_space<vmem>>
    %dma_start3A_227 = arith.constant 0 : i32
    %dma_start3A_228 = arith.constant 0 : i32
    %dma_start3A_229 = tpu.memref_slice %arg15[%dma_start3A_227, %dma_start3A_228] : memref<10112x128xf32, #tpu.memory_space<vmem_shared>> -> memref<10112x128xf32, #tpu.memory_space<vmem_shared>>
    tpu.enqueue_indirect_dma source(%arg11 : memref<80x128xf32, #tpu.memory_space<vmem>>) target(%dma_start3A_229 : memref<10112x128xf32, #tpu.memory_space<vmem_shared>>) offsets(%dma_start3A_226 : memref<80xi32, #tpu.memory_space<vmem>>) semaphore(%arg20 : memref<!tpu.dma_semaphore, #tpu.memory_space<semaphore_mem>>) {add = true}
    %dma_start3A_230 = arith.constant 0 : i32
    %dma_start3A_231 = arith.constant 0 : i32
    %dma_start3A_232 = tpu.memref_slice %arg10[%dma_start3A_230, %dma_start3A_231] : memref<25x80xi32, #tpu.memory_space<vmem>> -> memref<1x80xi32, #tpu.memory_space<vmem>>
    %dma_start3A_233 = tpu.memref_squeeze %dma_start3A_232 : memref<1x80xi32, #tpu.memory_space<vmem>> -> memref<80xi32, #tpu.memory_space<vmem>>
    %dma_start3A_234 = arith.constant 0 : i32
    %dma_start3A_235 = arith.constant 0 : i32
    %dma_start3A_236 = tpu.memref_slice %arg16[%dma_start3A_234, %dma_start3A_235] : memref<10112x16xf32, #tpu.memory_space<vmem_shared>> -> memref<10112x16xf32, #tpu.memory_space<vmem_shared>>
    tpu.enqueue_indirect_dma source(%arg14 : memref<80x16xf32, #tpu.memory_space<vmem>>) target(%dma_start3A_236 : memref<10112x16xf32, #tpu.memory_space<vmem_shared>>) offsets(%dma_start3A_233 : memref<80xi32, #tpu.memory_space<vmem>>) semaphore(%arg23 : memref<!tpu.dma_semaphore, #tpu.memory_space<semaphore_mem>>) {add = true}
    %dma_start3A_237 = arith.constant 2 : i32
    %dma_start3A_238 = arith.constant 0 : i32
    %dma_start3A_239 = tpu.memref_slice %arg9[%dma_start3A_237, %dma_start3A_238] : memref<25x80xi32, #tpu.memory_space<vmem>> -> memref<1x80xi32, #tpu.memory_space<vmem>>
    %dma_start3A_240 = tpu.memref_squeeze %dma_start3A_239 : memref<1x80xi32, #tpu.memory_space<vmem>> -> memref<80xi32, #tpu.memory_space<vmem>>
    %dma_start3A_241 = arith.constant 0 : i32
    %dma_start3A_242 = arith.constant 0 : i32
    %dma_start3A_243 = tpu.memref_slice %arg2[%dma_start3A_241, %dma_start3A_242] : memref<10000x128xf32, #tpu.memory_space<hbm>> -> memref<10000x128xf32, #tpu.memory_space<hbm>>
    tpu.enqueue_indirect_dma source(%dma_start3A_243 : memref<10000x128xf32, #tpu.memory_space<hbm>>) target(%arg13 : memref<80x128xf32, #tpu.memory_space<vmem>>) offsets(%dma_start3A_240 : memref<80xi32, #tpu.memory_space<vmem>>) semaphore(%arg19 : memref<!tpu.dma_semaphore, #tpu.memory_space<semaphore_mem>>)
    %dma_wait3A_244 = arith.constant 1 : i32
    %dma_wait3A_245 = arith.constant 0 : i32
    %dma_wait3A_246 = tpu.memref_slice %arg9[%dma_wait3A_244, %dma_wait3A_245] : memref<25x80xi32, #tpu.memory_space<vmem>> -> memref<1x80xi32, #tpu.memory_space<vmem>>
    %dma_wait3A_247 = tpu.memref_squeeze %dma_wait3A_246 : memref<1x80xi32, #tpu.memory_space<vmem>> -> memref<80xi32, #tpu.memory_space<vmem>>
    %dma_wait3A_248 = arith.constant 0 : i32
    %dma_wait3A_249 = arith.constant 0 : i32
    %dma_wait3A_250 = tpu.memref_slice %arg2[%dma_wait3A_248, %dma_wait3A_249] : memref<10000x128xf32, #tpu.memory_space<hbm>> -> memref<10000x128xf32, #tpu.memory_space<hbm>>
    tpu.wait_indirect_dma semaphore(%arg18 : memref<!tpu.dma_semaphore, #tpu.memory_space<semaphore_mem>>) src(%dma_wait3A_250 : memref<10000x128xf32, #tpu.memory_space<hbm>>) dst(%arg12 : memref<80x128xf32, #tpu.memory_space<vmem>>)
    %dma_start3A_251 = arith.constant 1 : i32
    %dma_start3A_252 = arith.constant 0 : i32
    %dma_start3A_253 = tpu.memref_slice %arg10[%dma_start3A_251, %dma_start3A_252] : memref<25x80xi32, #tpu.memory_space<vmem>> -> memref<1x80xi32, #tpu.memory_space<vmem>>
    %dma_start3A_254 = tpu.memref_squeeze %dma_start3A_253 : memref<1x80xi32, #tpu.memory_space<vmem>> -> memref<80xi32, #tpu.memory_space<vmem>>
    %dma_start3A_255 = arith.constant 0 : i32
    %dma_start3A_256 = arith.constant 0 : i32
    %dma_start3A_257 = tpu.memref_slice %arg15[%dma_start3A_255, %dma_start3A_256] : memref<10112x128xf32, #tpu.memory_space<vmem_shared>> -> memref<10112x128xf32, #tpu.memory_space<vmem_shared>>
    tpu.enqueue_indirect_dma source(%arg12 : memref<80x128xf32, #tpu.memory_space<vmem>>) target(%dma_start3A_257 : memref<10112x128xf32, #tpu.memory_space<vmem_shared>>) offsets(%dma_start3A_254 : memref<80xi32, #tpu.memory_space<vmem>>) semaphore(%arg21 : memref<!tpu.dma_semaphore, #tpu.memory_space<semaphore_mem>>) {add = true}
    %dma_start3A_258 = arith.constant 1 : i32
    %dma_start3A_259 = arith.constant 0 : i32
    %dma_start3A_260 = tpu.memref_slice %arg10[%dma_start3A_258, %dma_start3A_259] : memref<25x80xi32, #tpu.memory_space<vmem>> -> memref<1x80xi32, #tpu.memory_space<vmem>>
    %dma_start3A_261 = tpu.memref_squeeze %dma_start3A_260 : memref<1x80xi32, #tpu.memory_space<vmem>> -> memref<80xi32, #tpu.memory_space<vmem>>
    %dma_start3A_262 = arith.constant 0 : i32
    %dma_start3A_263 = arith.constant 0 : i32
    %dma_start3A_264 = tpu.memref_slice %arg16[%dma_start3A_262, %dma_start3A_263] : memref<10112x16xf32, #tpu.memory_space<vmem_shared>> -> memref<10112x16xf32, #tpu.memory_space<vmem_shared>>
    tpu.enqueue_indirect_dma source(%arg14 : memref<80x16xf32, #tpu.memory_space<vmem>>) target(%dma_start3A_264 : memref<10112x16xf32, #tpu.memory_space<vmem_shared>>) offsets(%dma_start3A_261 : memref<80xi32, #tpu.memory_space<vmem>>) semaphore(%arg24 : memref<!tpu.dma_semaphore, #tpu.memory_space<semaphore_mem>>) {add = true}
    %dma_wait3A_265 = arith.constant 0 : i32
    %dma_wait3A_266 = arith.constant 0 : i32
    %dma_wait3A_267 = tpu.memref_slice %arg10[%dma_wait3A_265, %dma_wait3A_266] : memref<25x80xi32, #tpu.memory_space<vmem>> -> memref<1x80xi32, #tpu.memory_space<vmem>>
    %dma_wait3A_268 = tpu.memref_squeeze %dma_wait3A_267 : memref<1x80xi32, #tpu.memory_space<vmem>> -> memref<80xi32, #tpu.memory_space<vmem>>
    %dma_wait3A_269 = arith.constant 0 : i32
    %dma_wait3A_270 = arith.constant 0 : i32
    %dma_wait3A_271 = tpu.memref_slice %arg15[%dma_wait3A_269, %dma_wait3A_270] : memref<10112x128xf32, #tpu.memory_space<vmem_shared>> -> memref<10112x128xf32, #tpu.memory_space<vmem_shared>>
    tpu.wait_indirect_dma semaphore(%arg20 : memref<!tpu.dma_semaphore, #tpu.memory_space<semaphore_mem>>) src(%arg11 : memref<80x128xf32, #tpu.memory_space<vmem>>) dst(%dma_wait3A_271 : memref<10112x128xf32, #tpu.memory_space<vmem_shared>>)
    %dma_wait3A_272 = arith.constant 0 : i32
    %dma_wait3A_273 = arith.constant 0 : i32
    %dma_wait3A_274 = tpu.memref_slice %arg10[%dma_wait3A_272, %dma_wait3A_273] : memref<25x80xi32, #tpu.memory_space<vmem>> -> memref<1x80xi32, #tpu.memory_space<vmem>>
    %dma_wait3A_275 = tpu.memref_squeeze %dma_wait3A_274 : memref<1x80xi32, #tpu.memory_space<vmem>> -> memref<80xi32, #tpu.memory_space<vmem>>
    %dma_wait3A_276 = arith.constant 0 : i32
    %dma_wait3A_277 = arith.constant 0 : i32
    %dma_wait3A_278 = tpu.memref_slice %arg16[%dma_wait3A_276, %dma_wait3A_277] : memref<10112x16xf32, #tpu.memory_space<vmem_shared>> -> memref<10112x16xf32, #tpu.memory_space<vmem_shared>>
    tpu.wait_indirect_dma semaphore(%arg23 : memref<!tpu.dma_semaphore, #tpu.memory_space<semaphore_mem>>) src(%arg14 : memref<80x16xf32, #tpu.memory_space<vmem>>) dst(%dma_wait3A_278 : memref<10112x16xf32, #tpu.memory_space<vmem_shared>>)
    %dma_start3A_279 = arith.constant 3 : i32
    %dma_start3A_280 = arith.constant 0 : i32
    %dma_start3A_281 = tpu.memref_slice %arg9[%dma_start3A_279, %dma_start3A_280] : memref<25x80xi32, #tpu.memory_space<vmem>> -> memref<1x80xi32, #tpu.memory_space<vmem>>
    %dma_start3A_282 = tpu.memref_squeeze %dma_start3A_281 : memref<1x80xi32, #tpu.memory_space<vmem>> -> memref<80xi32, #tpu.memory_space<vmem>>
    %dma_start3A_283 = arith.constant 0 : i32
    %dma_start3A_284 = arith.constant 0 : i32
    %dma_start3A_285 = tpu.memref_slice %arg2[%dma_start3A_283, %dma_start3A_284] : memref<10000x128xf32, #tpu.memory_space<hbm>> -> memref<10000x128xf32, #tpu.memory_space<hbm>>
    tpu.enqueue_indirect_dma source(%dma_start3A_285 : memref<10000x128xf32, #tpu.memory_space<hbm>>) target(%arg11 : memref<80x128xf32, #tpu.memory_space<vmem>>) offsets(%dma_start3A_282 : memref<80xi32, #tpu.memory_space<vmem>>) semaphore(%arg17 : memref<!tpu.dma_semaphore, #tpu.memory_space<semaphore_mem>>)
    %scan3A_286 = arith.constant 0 : i32
    %scan3A_287 = arith.constant 7 : i32
    %scan3A_288 = arith.addi %scan3A_286, %scan3A_287 : i32
    %scan3A_289 = arith.constant 1 : i32
    scf.for %scan3A_919 = %scan3A_286 to %scan3A_288 step %scan3A_289  : i32 {
      %mul3A_920 = arith.constant 1 : i32
      %mul3A_921 = arith.muli %scan3A_919, %mul3A_920 : i32
      %add3A_922 = arith.constant 0 : i32
      %add3A_923 = arith.addi %add3A_922, %mul3A_921 : i32
      %mul3A_924 = arith.constant 3 : i32
      %mul3A_925 = arith.muli %add3A_923, %mul3A_924 : i32
      %add3A_926 = arith.constant 2 : i32
      %add3A_927 = arith.addi %add3A_926, %mul3A_925 : i32
      %add3A_928 = arith.constant 0 : i32
      %add3A_929 = arith.addi %add3A_927, %add3A_928 : i32
      %dma_wait3A_930 = arith.constant 0 : i32
      %dma_wait3A_931 = tpu.memref_slice %arg9[%add3A_929, %dma_wait3A_930] : memref<25x80xi32, #tpu.memory_space<vmem>> -> memref<1x80xi32, #tpu.memory_space<vmem>>
      %dma_wait3A_932 = tpu.memref_squeeze %dma_wait3A_931 : memref<1x80xi32, #tpu.memory_space<vmem>> -> memref<80xi32, #tpu.memory_space<vmem>>
      %dma_wait3A_933 = arith.constant 0 : i32
      %dma_wait3A_934 = arith.constant 0 : i32
      %dma_wait3A_935 = tpu.memref_slice %arg2[%dma_wait3A_933, %dma_wait3A_934] : memref<10000x128xf32, #tpu.memory_space<hbm>> -> memref<10000x128xf32, #tpu.memory_space<hbm>>
      tpu.wait_indirect_dma semaphore(%arg19 : memref<!tpu.dma_semaphore, #tpu.memory_space<semaphore_mem>>) src(%dma_wait3A_935 : memref<10000x128xf32, #tpu.memory_space<hbm>>) dst(%arg13 : memref<80x128xf32, #tpu.memory_space<vmem>>)
      %dma_start3A_936 = arith.constant 0 : i32
      %dma_start3A_937 = tpu.memref_slice %arg10[%add3A_929, %dma_start3A_936] : memref<25x80xi32, #tpu.memory_space<vmem>> -> memref<1x80xi32, #tpu.memory_space<vmem>>
      %dma_start3A_938 = tpu.memref_squeeze %dma_start3A_937 : memref<1x80xi32, #tpu.memory_space<vmem>> -> memref<80xi32, #tpu.memory_space<vmem>>
      %dma_start3A_939 = arith.constant 0 : i32
      %dma_start3A_940 = arith.constant 0 : i32
      %dma_start3A_941 = tpu.memref_slice %arg15[%dma_start3A_939, %dma_start3A_940] : memref<10112x128xf32, #tpu.memory_space<vmem_shared>> -> memref<10112x128xf32, #tpu.memory_space<vmem_shared>>
      tpu.enqueue_indirect_dma source(%arg13 : memref<80x128xf32, #tpu.memory_space<vmem>>) target(%dma_start3A_941 : memref<10112x128xf32, #tpu.memory_space<vmem_shared>>) offsets(%dma_start3A_938 : memref<80xi32, #tpu.memory_space<vmem>>) semaphore(%arg22 : memref<!tpu.dma_semaphore, #tpu.memory_space<semaphore_mem>>) {add = true}
      %dma_start3A_942 = arith.constant 0 : i32
      %dma_start3A_943 = tpu.memref_slice %arg10[%add3A_929, %dma_start3A_942] : memref<25x80xi32, #tpu.memory_space<vmem>> -> memref<1x80xi32, #tpu.memory_space<vmem>>
      %dma_start3A_944 = tpu.memref_squeeze %dma_start3A_943 : memref<1x80xi32, #tpu.memory_space<vmem>> -> memref<80xi32, #tpu.memory_space<vmem>>
      %dma_start3A_945 = arith.constant 0 : i32
      %dma_start3A_946 = arith.constant 0 : i32
      %dma_start3A_947 = tpu.memref_slice %arg16[%dma_start3A_945, %dma_start3A_946] : memref<10112x16xf32, #tpu.memory_space<vmem_shared>> -> memref<10112x16xf32, #tpu.memory_space<vmem_shared>>
      tpu.enqueue_indirect_dma source(%arg14 : memref<80x16xf32, #tpu.memory_space<vmem>>) target(%dma_start3A_947 : memref<10112x16xf32, #tpu.memory_space<vmem_shared>>) offsets(%dma_start3A_944 : memref<80xi32, #tpu.memory_space<vmem>>) semaphore(%arg25 : memref<!tpu.dma_semaphore, #tpu.memory_space<semaphore_mem>>) {add = true}
      %sub3A = arith.constant 1 : i32
      %sub3A_948 = arith.subi %add3A_929, %sub3A : i32
      %dma_wait3A_949 = arith.constant 0 : i32
      %dma_wait3A_950 = tpu.memref_slice %arg10[%sub3A_948, %dma_wait3A_949] : memref<25x80xi32, #tpu.memory_space<vmem>> -> memref<1x80xi32, #tpu.memory_space<vmem>>
      %dma_wait3A_951 = tpu.memref_squeeze %dma_wait3A_950 : memref<1x80xi32, #tpu.memory_space<vmem>> -> memref<80xi32, #tpu.memory_space<vmem>>
      %dma_wait3A_952 = arith.constant 0 : i32
      %dma_wait3A_953 = arith.constant 0 : i32
      %dma_wait3A_954 = tpu.memref_slice %arg15[%dma_wait3A_952, %dma_wait3A_953] : memref<10112x128xf32, #tpu.memory_space<vmem_shared>> -> memref<10112x128xf32, #tpu.memory_space<vmem_shared>>
      tpu.wait_indirect_dma semaphore(%arg21 : memref<!tpu.dma_semaphore, #tpu.memory_space<semaphore_mem>>) src(%arg12 : memref<80x128xf32, #tpu.memory_space<vmem>>) dst(%dma_wait3A_954 : memref<10112x128xf32, #tpu.memory_space<vmem_shared>>)
      %dma_wait3A_955 = arith.constant 0 : i32
      %dma_wait3A_956 = tpu.memref_slice %arg10[%sub3A_948, %dma_wait3A_955] : memref<25x80xi32, #tpu.memory_space<vmem>> -> memref<1x80xi32, #tpu.memory_space<vmem>>
      %dma_wait3A_957 = tpu.memref_squeeze %dma_wait3A_956 : memref<1x80xi32, #tpu.memory_space<vmem>> -> memref<80xi32, #tpu.memory_space<vmem>>
      %dma_wait3A_958 = arith.constant 0 : i32
      %dma_wait3A_959 = arith.constant 0 : i32
      %dma_wait3A_960 = tpu.memref_slice %arg16[%dma_wait3A_958, %dma_wait3A_959] : memref<10112x16xf32, #tpu.memory_space<vmem_shared>> -> memref<10112x16xf32, #tpu.memory_space<vmem_shared>>
      tpu.wait_indirect_dma semaphore(%arg24 : memref<!tpu.dma_semaphore, #tpu.memory_space<semaphore_mem>>) src(%arg14 : memref<80x16xf32, #tpu.memory_space<vmem>>) dst(%dma_wait3A_960 : memref<10112x16xf32, #tpu.memory_space<vmem_shared>>)
      %add3A_961 = arith.constant 2 : i32
      %add3A_962 = arith.addi %add3A_929, %add3A_961 : i32
      %dma_start3A_963 = arith.constant 0 : i32
      %dma_start3A_964 = tpu.memref_slice %arg9[%add3A_962, %dma_start3A_963] : memref<25x80xi32, #tpu.memory_space<vmem>> -> memref<1x80xi32, #tpu.memory_space<vmem>>
      %dma_start3A_965 = tpu.memref_squeeze %dma_start3A_964 : memref<1x80xi32, #tpu.memory_space<vmem>> -> memref<80xi32, #tpu.memory_space<vmem>>
      %dma_start3A_966 = arith.constant 0 : i32
      %dma_start3A_967 = arith.constant 0 : i32
      %dma_start3A_968 = tpu.memref_slice %arg2[%dma_start3A_966, %dma_start3A_967] : memref<10000x128xf32, #tpu.memory_space<hbm>> -> memref<10000x128xf32, #tpu.memory_space<hbm>>
      tpu.enqueue_indirect_dma source(%dma_start3A_968 : memref<10000x128xf32, #tpu.memory_space<hbm>>) target(%arg12 : memref<80x128xf32, #tpu.memory_space<vmem>>) offsets(%dma_start3A_965 : memref<80xi32, #tpu.memory_space<vmem>>) semaphore(%arg18 : memref<!tpu.dma_semaphore, #tpu.memory_space<semaphore_mem>>)
      %mul3A_969 = arith.constant 3 : i32
      %mul3A_970 = arith.muli %add3A_923, %mul3A_969 : i32
      %add3A_971 = arith.constant 2 : i32
      %add3A_972 = arith.addi %add3A_971, %mul3A_970 : i32
      %add3A_973 = arith.constant 1 : i32
      %add3A_974 = arith.addi %add3A_972, %add3A_973 : i32
      %dma_wait3A_975 = arith.constant 0 : i32
      %dma_wait3A_976 = tpu.memref_slice %arg9[%add3A_974, %dma_wait3A_975] : memref<25x80xi32, #tpu.memory_space<vmem>> -> memref<1x80xi32, #tpu.memory_space<vmem>>
      %dma_wait3A_977 = tpu.memref_squeeze %dma_wait3A_976 : memref<1x80xi32, #tpu.memory_space<vmem>> -> memref<80xi32, #tpu.memory_space<vmem>>
      %dma_wait3A_978 = arith.constant 0 : i32
      %dma_wait3A_979 = arith.constant 0 : i32
      %dma_wait3A_980 = tpu.memref_slice %arg2[%dma_wait3A_978, %dma_wait3A_979] : memref<10000x128xf32, #tpu.memory_space<hbm>> -> memref<10000x128xf32, #tpu.memory_space<hbm>>
      tpu.wait_indirect_dma semaphore(%arg17 : memref<!tpu.dma_semaphore, #tpu.memory_space<semaphore_mem>>) src(%dma_wait3A_980 : memref<10000x128xf32, #tpu.memory_space<hbm>>) dst(%arg11 : memref<80x128xf32, #tpu.memory_space<vmem>>)
      %dma_start3A_981 = arith.constant 0 : i32
      %dma_start3A_982 = tpu.memref_slice %arg10[%add3A_974, %dma_start3A_981] : memref<25x80xi32, #tpu.memory_space<vmem>> -> memref<1x80xi32, #tpu.memory_space<vmem>>
      %dma_start3A_983 = tpu.memref_squeeze %dma_start3A_982 : memref<1x80xi32, #tpu.memory_space<vmem>> -> memref<80xi32, #tpu.memory_space<vmem>>
      %dma_start3A_984 = arith.constant 0 : i32
      %dma_start3A_985 = arith.constant 0 : i32
      %dma_start3A_986 = tpu.memref_slice %arg15[%dma_start3A_984, %dma_start3A_985] : memref<10112x128xf32, #tpu.memory_space<vmem_shared>> -> memref<10112x128xf32, #tpu.memory_space<vmem_shared>>
      tpu.enqueue_indirect_dma source(%arg11 : memref<80x128xf32, #tpu.memory_space<vmem>>) target(%dma_start3A_986 : memref<10112x128xf32, #tpu.memory_space<vmem_shared>>) offsets(%dma_start3A_983 : memref<80xi32, #tpu.memory_space<vmem>>) semaphore(%arg20 : memref<!tpu.dma_semaphore, #tpu.memory_space<semaphore_mem>>) {add = true}
      %dma_start3A_987 = arith.constant 0 : i32
      %dma_start3A_988 = tpu.memref_slice %arg10[%add3A_974, %dma_start3A_987] : memref<25x80xi32, #tpu.memory_space<vmem>> -> memref<1x80xi32, #tpu.memory_space<vmem>>
      %dma_start3A_989 = tpu.memref_squeeze %dma_start3A_988 : memref<1x80xi32, #tpu.memory_space<vmem>> -> memref<80xi32, #tpu.memory_space<vmem>>
      %dma_start3A_990 = arith.constant 0 : i32
      %dma_start3A_991 = arith.constant 0 : i32
      %dma_start3A_992 = tpu.memref_slice %arg16[%dma_start3A_990, %dma_start3A_991] : memref<10112x16xf32, #tpu.memory_space<vmem_shared>> -> memref<10112x16xf32, #tpu.memory_space<vmem_shared>>
      tpu.enqueue_indirect_dma source(%arg14 : memref<80x16xf32, #tpu.memory_space<vmem>>) target(%dma_start3A_992 : memref<10112x16xf32, #tpu.memory_space<vmem_shared>>) offsets(%dma_start3A_989 : memref<80xi32, #tpu.memory_space<vmem>>) semaphore(%arg23 : memref<!tpu.dma_semaphore, #tpu.memory_space<semaphore_mem>>) {add = true}
      %sub3A_993 = arith.constant 1 : i32
      %sub3A_994 = arith.subi %add3A_974, %sub3A_993 : i32
      %dma_wait3A_995 = arith.constant 0 : i32
      %dma_wait3A_996 = tpu.memref_slice %arg10[%sub3A_994, %dma_wait3A_995] : memref<25x80xi32, #tpu.memory_space<vmem>> -> memref<1x80xi32, #tpu.memory_space<vmem>>
      %dma_wait3A_997 = tpu.memref_squeeze %dma_wait3A_996 : memref<1x80xi32, #tpu.memory_space<vmem>> -> memref<80xi32, #tpu.memory_space<vmem>>
      %dma_wait3A_998 = arith.constant 0 : i32
      %dma_wait3A_999 = arith.constant 0 : i32
      %dma_wait3A_1000 = tpu.memref_slice %arg15[%dma_wait3A_998, %dma_wait3A_999] : memref<10112x128xf32, #tpu.memory_space<vmem_shared>> -> memref<10112x128xf32, #tpu.memory_space<vmem_shared>>
      tpu.wait_indirect_dma semaphore(%arg22 : memref<!tpu.dma_semaphore, #tpu.memory_space<semaphore_mem>>) src(%arg13 : memref<80x128xf32, #tpu.memory_space<vmem>>) dst(%dma_wait3A_1000 : memref<10112x128xf32, #tpu.memory_space<vmem_shared>>)
      %dma_wait3A_1001 = arith.constant 0 : i32
      %dma_wait3A_1002 = tpu.memref_slice %arg10[%sub3A_994, %dma_wait3A_1001] : memref<25x80xi32, #tpu.memory_space<vmem>> -> memref<1x80xi32, #tpu.memory_space<vmem>>
      %dma_wait3A_1003 = tpu.memref_squeeze %dma_wait3A_1002 : memref<1x80xi32, #tpu.memory_space<vmem>> -> memref<80xi32, #tpu.memory_space<vmem>>
      %dma_wait3A_1004 = arith.constant 0 : i32
      %dma_wait3A_1005 = arith.constant 0 : i32
      %dma_wait3A_1006 = tpu.memref_slice %arg16[%dma_wait3A_1004, %dma_wait3A_1005] : memref<10112x16xf32, #tpu.memory_space<vmem_shared>> -> memref<10112x16xf32, #tpu.memory_space<vmem_shared>>
      tpu.wait_indirect_dma semaphore(%arg25 : memref<!tpu.dma_semaphore, #tpu.memory_space<semaphore_mem>>) src(%arg14 : memref<80x16xf32, #tpu.memory_space<vmem>>) dst(%dma_wait3A_1006 : memref<10112x16xf32, #tpu.memory_space<vmem_shared>>)
      %add3A_1007 = arith.constant 2 : i32
      %add3A_1008 = arith.addi %add3A_974, %add3A_1007 : i32
      %dma_start3A_1009 = arith.constant 0 : i32
      %dma_start3A_1010 = tpu.memref_slice %arg9[%add3A_1008, %dma_start3A_1009] : memref<25x80xi32, #tpu.memory_space<vmem>> -> memref<1x80xi32, #tpu.memory_space<vmem>>
      %dma_start3A_1011 = tpu.memref_squeeze %dma_start3A_1010 : memref<1x80xi32, #tpu.memory_space<vmem>> -> memref<80xi32, #tpu.memory_space<vmem>>
      %dma_start3A_1012 = arith.constant 0 : i32
      %dma_start3A_1013 = arith.constant 0 : i32
      %dma_start3A_1014 = tpu.memref_slice %arg2[%dma_start3A_1012, %dma_start3A_1013] : memref<10000x128xf32, #tpu.memory_space<hbm>> -> memref<10000x128xf32, #tpu.memory_space<hbm>>
      tpu.enqueue_indirect_dma source(%dma_start3A_1014 : memref<10000x128xf32, #tpu.memory_space<hbm>>) target(%arg13 : memref<80x128xf32, #tpu.memory_space<vmem>>) offsets(%dma_start3A_1011 : memref<80xi32, #tpu.memory_space<vmem>>) semaphore(%arg19 : memref<!tpu.dma_semaphore, #tpu.memory_space<semaphore_mem>>)
      %mul3A_1015 = arith.constant 3 : i32
      %mul3A_1016 = arith.muli %add3A_923, %mul3A_1015 : i32
      %add3A_1017 = arith.constant 2 : i32
      %add3A_1018 = arith.addi %add3A_1017, %mul3A_1016 : i32
      %add3A_1019 = arith.constant 2 : i32
      %add3A_1020 = arith.addi %add3A_1018, %add3A_1019 : i32
      %dma_wait3A_1021 = arith.constant 0 : i32
      %dma_wait3A_1022 = tpu.memref_slice %arg9[%add3A_1020, %dma_wait3A_1021] : memref<25x80xi32, #tpu.memory_space<vmem>> -> memref<1x80xi32, #tpu.memory_space<vmem>>
      %dma_wait3A_1023 = tpu.memref_squeeze %dma_wait3A_1022 : memref<1x80xi32, #tpu.memory_space<vmem>> -> memref<80xi32, #tpu.memory_space<vmem>>
      %dma_wait3A_1024 = arith.constant 0 : i32
      %dma_wait3A_1025 = arith.constant 0 : i32
      %dma_wait3A_1026 = tpu.memref_slice %arg2[%dma_wait3A_1024, %dma_wait3A_1025] : memref<10000x128xf32, #tpu.memory_space<hbm>> -> memref<10000x128xf32, #tpu.memory_space<hbm>>
      tpu.wait_indirect_dma semaphore(%arg18 : memref<!tpu.dma_semaphore, #tpu.memory_space<semaphore_mem>>) src(%dma_wait3A_1026 : memref<10000x128xf32, #tpu.memory_space<hbm>>) dst(%arg12 : memref<80x128xf32, #tpu.memory_space<vmem>>)
      %dma_start3A_1027 = arith.constant 0 : i32
      %dma_start3A_1028 = tpu.memref_slice %arg10[%add3A_1020, %dma_start3A_1027] : memref<25x80xi32, #tpu.memory_space<vmem>> -> memref<1x80xi32, #tpu.memory_space<vmem>>
      %dma_start3A_1029 = tpu.memref_squeeze %dma_start3A_1028 : memref<1x80xi32, #tpu.memory_space<vmem>> -> memref<80xi32, #tpu.memory_space<vmem>>
      %dma_start3A_1030 = arith.constant 0 : i32
      %dma_start3A_1031 = arith.constant 0 : i32
      %dma_start3A_1032 = tpu.memref_slice %arg15[%dma_start3A_1030, %dma_start3A_1031] : memref<10112x128xf32, #tpu.memory_space<vmem_shared>> -> memref<10112x128xf32, #tpu.memory_space<vmem_shared>>
      tpu.enqueue_indirect_dma source(%arg12 : memref<80x128xf32, #tpu.memory_space<vmem>>) target(%dma_start3A_1032 : memref<10112x128xf32, #tpu.memory_space<vmem_shared>>) offsets(%dma_start3A_1029 : memref<80xi32, #tpu.memory_space<vmem>>) semaphore(%arg21 : memref<!tpu.dma_semaphore, #tpu.memory_space<semaphore_mem>>) {add = true}
      %dma_start3A_1033 = arith.constant 0 : i32
      %dma_start3A_1034 = tpu.memref_slice %arg10[%add3A_1020, %dma_start3A_1033] : memref<25x80xi32, #tpu.memory_space<vmem>> -> memref<1x80xi32, #tpu.memory_space<vmem>>
      %dma_start3A_1035 = tpu.memref_squeeze %dma_start3A_1034 : memref<1x80xi32, #tpu.memory_space<vmem>> -> memref<80xi32, #tpu.memory_space<vmem>>
      %dma_start3A_1036 = arith.constant 0 : i32
      %dma_start3A_1037 = arith.constant 0 : i32
      %dma_start3A_1038 = tpu.memref_slice %arg16[%dma_start3A_1036, %dma_start3A_1037] : memref<10112x16xf32, #tpu.memory_space<vmem_shared>> -> memref<10112x16xf32, #tpu.memory_space<vmem_shared>>
      tpu.enqueue_indirect_dma source(%arg14 : memref<80x16xf32, #tpu.memory_space<vmem>>) target(%dma_start3A_1038 : memref<10112x16xf32, #tpu.memory_space<vmem_shared>>) offsets(%dma_start3A_1035 : memref<80xi32, #tpu.memory_space<vmem>>) semaphore(%arg24 : memref<!tpu.dma_semaphore, #tpu.memory_space<semaphore_mem>>) {add = true}
      %sub3A_1039 = arith.constant 1 : i32
      %sub3A_1040 = arith.subi %add3A_1020, %sub3A_1039 : i32
      %dma_wait3A_1041 = arith.constant 0 : i32
      %dma_wait3A_1042 = tpu.memref_slice %arg10[%sub3A_1040, %dma_wait3A_1041] : memref<25x80xi32, #tpu.memory_space<vmem>> -> memref<1x80xi32, #tpu.memory_space<vmem>>
      %dma_wait3A_1043 = tpu.memref_squeeze %dma_wait3A_1042 : memref<1x80xi32, #tpu.memory_space<vmem>> -> memref<80xi32, #tpu.memory_space<vmem>>
      %dma_wait3A_1044 = arith.constant 0 : i32
      %dma_wait3A_1045 = arith.constant 0 : i32
      %dma_wait3A_1046 = tpu.memref_slice %arg15[%dma_wait3A_1044, %dma_wait3A_1045] : memref<10112x128xf32, #tpu.memory_space<vmem_shared>> -> memref<10112x128xf32, #tpu.memory_space<vmem_shared>>
      tpu.wait_indirect_dma semaphore(%arg20 : memref<!tpu.dma_semaphore, #tpu.memory_space<semaphore_mem>>) src(%arg11 : memref<80x128xf32, #tpu.memory_space<vmem>>) dst(%dma_wait3A_1046 : memref<10112x128xf32, #tpu.memory_space<vmem_shared>>)
      %dma_wait3A_1047 = arith.constant 0 : i32
      %dma_wait3A_1048 = tpu.memref_slice %arg10[%sub3A_1040, %dma_wait3A_1047] : memref<25x80xi32, #tpu.memory_space<vmem>> -> memref<1x80xi32, #tpu.memory_space<vmem>>
      %dma_wait3A_1049 = tpu.memref_squeeze %dma_wait3A_1048 : memref<1x80xi32, #tpu.memory_space<vmem>> -> memref<80xi32, #tpu.memory_space<vmem>>
      %dma_wait3A_1050 = arith.constant 0 : i32
      %dma_wait3A_1051 = arith.constant 0 : i32
      %dma_wait3A_1052 = tpu.memref_slice %arg16[%dma_wait3A_1050, %dma_wait3A_1051] : memref<10112x16xf32, #tpu.memory_space<vmem_shared>> -> memref<10112x16xf32, #tpu.memory_space<vmem_shared>>
      tpu.wait_indirect_dma semaphore(%arg23 : memref<!tpu.dma_semaphore, #tpu.memory_space<semaphore_mem>>) src(%arg14 : memref<80x16xf32, #tpu.memory_space<vmem>>) dst(%dma_wait3A_1052 : memref<10112x16xf32, #tpu.memory_space<vmem_shared>>)
      %add3A_1053 = arith.constant 2 : i32
      %add3A_1054 = arith.addi %add3A_1020, %add3A_1053 : i32
      %dma_start3A_1055 = arith.constant 0 : i32
      %dma_start3A_1056 = tpu.memref_slice %arg9[%add3A_1054, %dma_start3A_1055] : memref<25x80xi32, #tpu.memory_space<vmem>> -> memref<1x80xi32, #tpu.memory_space<vmem>>
      %dma_start3A_1057 = tpu.memref_squeeze %dma_start3A_1056 : memref<1x80xi32, #tpu.memory_space<vmem>> -> memref<80xi32, #tpu.memory_space<vmem>>
      %dma_start3A_1058 = arith.constant 0 : i32
      %dma_start3A_1059 = arith.constant 0 : i32
      %dma_start3A_1060 = tpu.memref_slice %arg2[%dma_start3A_1058, %dma_start3A_1059] : memref<10000x128xf32, #tpu.memory_space<hbm>> -> memref<10000x128xf32, #tpu.memory_space<hbm>>
      tpu.enqueue_indirect_dma source(%dma_start3A_1060 : memref<10000x128xf32, #tpu.memory_space<hbm>>) target(%arg11 : memref<80x128xf32, #tpu.memory_space<vmem>>) offsets(%dma_start3A_1057 : memref<80xi32, #tpu.memory_space<vmem>>) semaphore(%arg17 : memref<!tpu.dma_semaphore, #tpu.memory_space<semaphore_mem>>)
    }
    %scan3A_290 = arith.constant 7 : i32
    %dma_wait3A_291 = arith.constant 23 : i32
    %dma_wait3A_292 = arith.constant 0 : i32
    %dma_wait3A_293 = tpu.memref_slice %arg9[%dma_wait3A_291, %dma_wait3A_292] : memref<25x80xi32, #tpu.memory_space<vmem>> -> memref<1x80xi32, #tpu.memory_space<vmem>>
    %dma_wait3A_294 = tpu.memref_squeeze %dma_wait3A_293 : memref<1x80xi32, #tpu.memory_space<vmem>> -> memref<80xi32, #tpu.memory_space<vmem>>
    %dma_wait3A_295 = arith.constant 0 : i32
    %dma_wait3A_296 = arith.constant 0 : i32
    %dma_wait3A_297 = tpu.memref_slice %arg2[%dma_wait3A_295, %dma_wait3A_296] : memref<10000x128xf32, #tpu.memory_space<hbm>> -> memref<10000x128xf32, #tpu.memory_space<hbm>>
    tpu.wait_indirect_dma semaphore(%arg19 : memref<!tpu.dma_semaphore, #tpu.memory_space<semaphore_mem>>) src(%dma_wait3A_297 : memref<10000x128xf32, #tpu.memory_space<hbm>>) dst(%arg13 : memref<80x128xf32, #tpu.memory_space<vmem>>)
    %dma_start3A_298 = arith.constant 23 : i32
    %dma_start3A_299 = arith.constant 0 : i32
    %dma_start3A_300 = tpu.memref_slice %arg10[%dma_start3A_298, %dma_start3A_299] : memref<25x80xi32, #tpu.memory_space<vmem>> -> memref<1x80xi32, #tpu.memory_space<vmem>>
    %dma_start3A_301 = tpu.memref_squeeze %dma_start3A_300 : memref<1x80xi32, #tpu.memory_space<vmem>> -> memref<80xi32, #tpu.memory_space<vmem>>
    %dma_start3A_302 = arith.constant 0 : i32
    %dma_start3A_303 = arith.constant 0 : i32
    %dma_start3A_304 = tpu.memref_slice %arg15[%dma_start3A_302, %dma_start3A_303] : memref<10112x128xf32, #tpu.memory_space<vmem_shared>> -> memref<10112x128xf32, #tpu.memory_space<vmem_shared>>
    tpu.enqueue_indirect_dma source(%arg13 : memref<80x128xf32, #tpu.memory_space<vmem>>) target(%dma_start3A_304 : memref<10112x128xf32, #tpu.memory_space<vmem_shared>>) offsets(%dma_start3A_301 : memref<80xi32, #tpu.memory_space<vmem>>) semaphore(%arg22 : memref<!tpu.dma_semaphore, #tpu.memory_space<semaphore_mem>>) {add = true}
    %dma_start3A_305 = arith.constant 23 : i32
    %dma_start3A_306 = arith.constant 0 : i32
    %dma_start3A_307 = tpu.memref_slice %arg10[%dma_start3A_305, %dma_start3A_306] : memref<25x80xi32, #tpu.memory_space<vmem>> -> memref<1x80xi32, #tpu.memory_space<vmem>>
    %dma_start3A_308 = tpu.memref_squeeze %dma_start3A_307 : memref<1x80xi32, #tpu.memory_space<vmem>> -> memref<80xi32, #tpu.memory_space<vmem>>
    %dma_start3A_309 = arith.constant 0 : i32
    %dma_start3A_310 = arith.constant 0 : i32
    %dma_start3A_311 = tpu.memref_slice %arg16[%dma_start3A_309, %dma_start3A_310] : memref<10112x16xf32, #tpu.memory_space<vmem_shared>> -> memref<10112x16xf32, #tpu.memory_space<vmem_shared>>
    tpu.enqueue_indirect_dma source(%arg14 : memref<80x16xf32, #tpu.memory_space<vmem>>) target(%dma_start3A_311 : memref<10112x16xf32, #tpu.memory_space<vmem_shared>>) offsets(%dma_start3A_308 : memref<80xi32, #tpu.memory_space<vmem>>) semaphore(%arg25 : memref<!tpu.dma_semaphore, #tpu.memory_space<semaphore_mem>>) {add = true}
    %dma_wait3A_312 = arith.constant 22 : i32
    %dma_wait3A_313 = arith.constant 0 : i32
    %dma_wait3A_314 = tpu.memref_slice %arg10[%dma_wait3A_312, %dma_wait3A_313] : memref<25x80xi32, #tpu.memory_space<vmem>> -> memref<1x80xi32, #tpu.memory_space<vmem>>
    %dma_wait3A_315 = tpu.memref_squeeze %dma_wait3A_314 : memref<1x80xi32, #tpu.memory_space<vmem>> -> memref<80xi32, #tpu.memory_space<vmem>>
    %dma_wait3A_316 = arith.constant 0 : i32
    %dma_wait3A_317 = arith.constant 0 : i32
    %dma_wait3A_318 = tpu.memref_slice %arg15[%dma_wait3A_316, %dma_wait3A_317] : memref<10112x128xf32, #tpu.memory_space<vmem_shared>> -> memref<10112x128xf32, #tpu.memory_space<vmem_shared>>
    tpu.wait_indirect_dma semaphore(%arg21 : memref<!tpu.dma_semaphore, #tpu.memory_space<semaphore_mem>>) src(%arg12 : memref<80x128xf32, #tpu.memory_space<vmem>>) dst(%dma_wait3A_318 : memref<10112x128xf32, #tpu.memory_space<vmem_shared>>)
    %dma_wait3A_319 = arith.constant 22 : i32
    %dma_wait3A_320 = arith.constant 0 : i32
    %dma_wait3A_321 = tpu.memref_slice %arg10[%dma_wait3A_319, %dma_wait3A_320] : memref<25x80xi32, #tpu.memory_space<vmem>> -> memref<1x80xi32, #tpu.memory_space<vmem>>
    %dma_wait3A_322 = tpu.memref_squeeze %dma_wait3A_321 : memref<1x80xi32, #tpu.memory_space<vmem>> -> memref<80xi32, #tpu.memory_space<vmem>>
    %dma_wait3A_323 = arith.constant 0 : i32
    %dma_wait3A_324 = arith.constant 0 : i32
    %dma_wait3A_325 = tpu.memref_slice %arg16[%dma_wait3A_323, %dma_wait3A_324] : memref<10112x16xf32, #tpu.memory_space<vmem_shared>> -> memref<10112x16xf32, #tpu.memory_space<vmem_shared>>
    tpu.wait_indirect_dma semaphore(%arg24 : memref<!tpu.dma_semaphore, #tpu.memory_space<semaphore_mem>>) src(%arg14 : memref<80x16xf32, #tpu.memory_space<vmem>>) dst(%dma_wait3A_325 : memref<10112x16xf32, #tpu.memory_space<vmem_shared>>)
    %dma_wait3A_326 = arith.constant 24 : i32
    %dma_wait3A_327 = arith.constant 0 : i32
    %dma_wait3A_328 = tpu.memref_slice %arg9[%dma_wait3A_326, %dma_wait3A_327] : memref<25x80xi32, #tpu.memory_space<vmem>> -> memref<1x80xi32, #tpu.memory_space<vmem>>
    %dma_wait3A_329 = tpu.memref_squeeze %dma_wait3A_328 : memref<1x80xi32, #tpu.memory_space<vmem>> -> memref<80xi32, #tpu.memory_space<vmem>>
    %dma_wait3A_330 = arith.constant 0 : i32
    %dma_wait3A_331 = arith.constant 0 : i32
    %dma_wait3A_332 = tpu.memref_slice %arg2[%dma_wait3A_330, %dma_wait3A_331] : memref<10000x128xf32, #tpu.memory_space<hbm>> -> memref<10000x128xf32, #tpu.memory_space<hbm>>
    tpu.wait_indirect_dma semaphore(%arg17 : memref<!tpu.dma_semaphore, #tpu.memory_space<semaphore_mem>>) src(%dma_wait3A_332 : memref<10000x128xf32, #tpu.memory_space<hbm>>) dst(%arg11 : memref<80x128xf32, #tpu.memory_space<vmem>>)
    %dma_start3A_333 = arith.constant 24 : i32
    %dma_start3A_334 = arith.constant 0 : i32
    %dma_start3A_335 = tpu.memref_slice %arg10[%dma_start3A_333, %dma_start3A_334] : memref<25x80xi32, #tpu.memory_space<vmem>> -> memref<1x80xi32, #tpu.memory_space<vmem>>
    %dma_start3A_336 = tpu.memref_squeeze %dma_start3A_335 : memref<1x80xi32, #tpu.memory_space<vmem>> -> memref<80xi32, #tpu.memory_space<vmem>>
    %dma_start3A_337 = arith.constant 0 : i32
    %dma_start3A_338 = arith.constant 0 : i32
    %dma_start3A_339 = tpu.memref_slice %arg15[%dma_start3A_337, %dma_start3A_338] : memref<10112x128xf32, #tpu.memory_space<vmem_shared>> -> memref<10112x128xf32, #tpu.memory_space<vmem_shared>>
    tpu.enqueue_indirect_dma source(%arg11 : memref<80x128xf32, #tpu.memory_space<vmem>>) target(%dma_start3A_339 : memref<10112x128xf32, #tpu.memory_space<vmem_shared>>) offsets(%dma_start3A_336 : memref<80xi32, #tpu.memory_space<vmem>>) semaphore(%arg20 : memref<!tpu.dma_semaphore, #tpu.memory_space<semaphore_mem>>) {add = true}
    %dma_start3A_340 = arith.constant 24 : i32
    %dma_start3A_341 = arith.constant 0 : i32
    %dma_start3A_342 = tpu.memref_slice %arg10[%dma_start3A_340, %dma_start3A_341] : memref<25x80xi32, #tpu.memory_space<vmem>> -> memref<1x80xi32, #tpu.memory_space<vmem>>
    %dma_start3A_343 = tpu.memref_squeeze %dma_start3A_342 : memref<1x80xi32, #tpu.memory_space<vmem>> -> memref<80xi32, #tpu.memory_space<vmem>>
    %dma_start3A_344 = arith.constant 0 : i32
    %dma_start3A_345 = arith.constant 0 : i32
    %dma_start3A_346 = tpu.memref_slice %arg16[%dma_start3A_344, %dma_start3A_345] : memref<10112x16xf32, #tpu.memory_space<vmem_shared>> -> memref<10112x16xf32, #tpu.memory_space<vmem_shared>>
    tpu.enqueue_indirect_dma source(%arg14 : memref<80x16xf32, #tpu.memory_space<vmem>>) target(%dma_start3A_346 : memref<10112x16xf32, #tpu.memory_space<vmem_shared>>) offsets(%dma_start3A_343 : memref<80xi32, #tpu.memory_space<vmem>>) semaphore(%arg23 : memref<!tpu.dma_semaphore, #tpu.memory_space<semaphore_mem>>) {add = true}
    %dma_wait3A_347 = arith.constant 23 : i32
    %dma_wait3A_348 = arith.constant 0 : i32
    %dma_wait3A_349 = tpu.memref_slice %arg10[%dma_wait3A_347, %dma_wait3A_348] : memref<25x80xi32, #tpu.memory_space<vmem>> -> memref<1x80xi32, #tpu.memory_space<vmem>>
    %dma_wait3A_350 = tpu.memref_squeeze %dma_wait3A_349 : memref<1x80xi32, #tpu.memory_space<vmem>> -> memref<80xi32, #tpu.memory_space<vmem>>
    %dma_wait3A_351 = arith.constant 0 : i32
    %dma_wait3A_352 = arith.constant 0 : i32
    %dma_wait3A_353 = tpu.memref_slice %arg15[%dma_wait3A_351, %dma_wait3A_352] : memref<10112x128xf32, #tpu.memory_space<vmem_shared>> -> memref<10112x128xf32, #tpu.memory_space<vmem_shared>>
    tpu.wait_indirect_dma semaphore(%arg22 : memref<!tpu.dma_semaphore, #tpu.memory_space<semaphore_mem>>) src(%arg13 : memref<80x128xf32, #tpu.memory_space<vmem>>) dst(%dma_wait3A_353 : memref<10112x128xf32, #tpu.memory_space<vmem_shared>>)
    %dma_wait3A_354 = arith.constant 23 : i32
    %dma_wait3A_355 = arith.constant 0 : i32
    %dma_wait3A_356 = tpu.memref_slice %arg10[%dma_wait3A_354, %dma_wait3A_355] : memref<25x80xi32, #tpu.memory_space<vmem>> -> memref<1x80xi32, #tpu.memory_space<vmem>>
    %dma_wait3A_357 = tpu.memref_squeeze %dma_wait3A_356 : memref<1x80xi32, #tpu.memory_space<vmem>> -> memref<80xi32, #tpu.memory_space<vmem>>
    %dma_wait3A_358 = arith.constant 0 : i32
    %dma_wait3A_359 = arith.constant 0 : i32
    %dma_wait3A_360 = tpu.memref_slice %arg16[%dma_wait3A_358, %dma_wait3A_359] : memref<10112x16xf32, #tpu.memory_space<vmem_shared>> -> memref<10112x16xf32, #tpu.memory_space<vmem_shared>>
    tpu.wait_indirect_dma semaphore(%arg25 : memref<!tpu.dma_semaphore, #tpu.memory_space<semaphore_mem>>) src(%arg14 : memref<80x16xf32, #tpu.memory_space<vmem>>) dst(%dma_wait3A_360 : memref<10112x16xf32, #tpu.memory_space<vmem_shared>>)
    %dma_wait3A_361 = arith.constant 24 : i32
    %dma_wait3A_362 = arith.constant 0 : i32
    %dma_wait3A_363 = tpu.memref_slice %arg10[%dma_wait3A_361, %dma_wait3A_362] : memref<25x80xi32, #tpu.memory_space<vmem>> -> memref<1x80xi32, #tpu.memory_space<vmem>>
    %dma_wait3A_364 = tpu.memref_squeeze %dma_wait3A_363 : memref<1x80xi32, #tpu.memory_space<vmem>> -> memref<80xi32, #tpu.memory_space<vmem>>
    %dma_wait3A_365 = arith.constant 0 : i32
    %dma_wait3A_366 = arith.constant 0 : i32
    %dma_wait3A_367 = tpu.memref_slice %arg15[%dma_wait3A_365, %dma_wait3A_366] : memref<10112x128xf32, #tpu.memory_space<vmem_shared>> -> memref<10112x128xf32, #tpu.memory_space<vmem_shared>>
    tpu.wait_indirect_dma semaphore(%arg20 : memref<!tpu.dma_semaphore, #tpu.memory_space<semaphore_mem>>) src(%arg11 : memref<80x128xf32, #tpu.memory_space<vmem>>) dst(%dma_wait3A_367 : memref<10112x128xf32, #tpu.memory_space<vmem_shared>>)
    %dma_wait3A_368 = arith.constant 24 : i32
    %dma_wait3A_369 = arith.constant 0 : i32
    %dma_wait3A_370 = tpu.memref_slice %arg10[%dma_wait3A_368, %dma_wait3A_369] : memref<25x80xi32, #tpu.memory_space<vmem>> -> memref<1x80xi32, #tpu.memory_space<vmem>>
    %dma_wait3A_371 = tpu.memref_squeeze %dma_wait3A_370 : memref<1x80xi32, #tpu.memory_space<vmem>> -> memref<80xi32, #tpu.memory_space<vmem>>
    %dma_wait3A_372 = arith.constant 0 : i32
    %dma_wait3A_373 = arith.constant 0 : i32
    %dma_wait3A_374 = tpu.memref_slice %arg16[%dma_wait3A_372, %dma_wait3A_373] : memref<10112x16xf32, #tpu.memory_space<vmem_shared>> -> memref<10112x16xf32, #tpu.memory_space<vmem_shared>>
    tpu.wait_indirect_dma semaphore(%arg23 : memref<!tpu.dma_semaphore, #tpu.memory_space<semaphore_mem>>) src(%arg14 : memref<80x16xf32, #tpu.memory_space<vmem>>) dst(%dma_wait3A_374 : memref<10112x16xf32, #tpu.memory_space<vmem_shared>>)
    %mul3A_375 = arith.constant 5 : i32
    %mul3A_376 = arith.muli %add3A, %mul3A_375 : i32
    %add3A_377 = arith.constant 2 : i32
    %add3A_378 = arith.addi %mul3A_376, %add3A_377 : i32
    "tpu.region"() ({
      %run_scoped3A = tpu.sem_alloc : memref<!tpu.dma_semaphore, #tpu.memory_space<semaphore_mem>>
      %dma_start3A_919 = arith.constant 0 : i32
      %dma_start3A_920 = arith.constant 0 : i32
      %dma_start3A_921 = tpu.memref_slice %arg3[%add3A_378, %dma_start3A_919, %dma_start3A_920] : memref<160x25x80xi32, #tpu.memory_space<hbm>> -> memref<1x25x80xi32, #tpu.memory_space<hbm>>
      %dma_start3A_922 = tpu.memref_squeeze %dma_start3A_921 : memref<1x25x80xi32, #tpu.memory_space<hbm>> -> memref<25x80xi32, #tpu.memory_space<hbm>>
      %dma_start3A_923 = arith.constant 0 : i32
      %dma_start3A_924 = arith.constant 0 : i32
      %dma_start3A_925 = tpu.memref_slice %arg3[%add3A_378, %dma_start3A_923, %dma_start3A_924] : memref<160x25x80xi32, #tpu.memory_space<hbm>> -> memref<1x25x80xi32, #tpu.memory_space<hbm>>
      %dma_start3A_926 = tpu.memref_squeeze %dma_start3A_925 : memref<1x25x80xi32, #tpu.memory_space<hbm>> -> memref<25x80xi32, #tpu.memory_space<hbm>>
      tpu.enqueue_dma source(%dma_start3A_926 : memref<25x80xi32, #tpu.memory_space<hbm>>) target(%arg9 : memref<25x80xi32, #tpu.memory_space<vmem>>) target_semaphore(%run_scoped3A : memref<!tpu.dma_semaphore, #tpu.memory_space<semaphore_mem>>)
      %dma_wait3A_927 = arith.constant 0 : i32
      %dma_wait3A_928 = arith.constant 0 : i32
      %dma_wait3A_929 = tpu.memref_slice %arg3[%add3A_378, %dma_wait3A_927, %dma_wait3A_928] : memref<160x25x80xi32, #tpu.memory_space<hbm>> -> memref<1x25x80xi32, #tpu.memory_space<hbm>>
      %dma_wait3A_930 = tpu.memref_squeeze %dma_wait3A_929 : memref<1x25x80xi32, #tpu.memory_space<hbm>> -> memref<25x80xi32, #tpu.memory_space<hbm>>
      %dma_wait3A_931 = arith.constant 0 : i32
      %dma_wait3A_932 = arith.constant 0 : i32
      %dma_wait3A_933 = tpu.memref_slice %arg3[%add3A_378, %dma_wait3A_931, %dma_wait3A_932] : memref<160x25x80xi32, #tpu.memory_space<hbm>> -> memref<1x25x80xi32, #tpu.memory_space<hbm>>
      %dma_wait3A_934 = tpu.memref_squeeze %dma_wait3A_933 : memref<1x25x80xi32, #tpu.memory_space<hbm>> -> memref<25x80xi32, #tpu.memory_space<hbm>>
      tpu.wait_dma2 semaphore(%run_scoped3A : memref<!tpu.dma_semaphore, #tpu.memory_space<semaphore_mem>>) src(%dma_wait3A_934 : memref<25x80xi32, #tpu.memory_space<hbm>>) dst(%arg9 : memref<25x80xi32, #tpu.memory_space<vmem>>)
      tpu.yield
    }) : () -> ()
    %mul3A_379 = arith.constant 5 : i32
    %mul3A_380 = arith.muli %add3A, %mul3A_379 : i32
    %add3A_381 = arith.constant 2 : i32
    %add3A_382 = arith.addi %mul3A_380, %add3A_381 : i32
    "tpu.region"() ({
      %run_scoped3A = tpu.sem_alloc : memref<!tpu.dma_semaphore, #tpu.memory_space<semaphore_mem>>
      %dma_start3A_919 = arith.constant 0 : i32
      %dma_start3A_920 = arith.constant 0 : i32
      %dma_start3A_921 = tpu.memref_slice %arg4[%add3A_382, %dma_start3A_919, %dma_start3A_920] : memref<160x25x80xi32, #tpu.memory_space<hbm>> -> memref<1x25x80xi32, #tpu.memory_space<hbm>>
      %dma_start3A_922 = tpu.memref_squeeze %dma_start3A_921 : memref<1x25x80xi32, #tpu.memory_space<hbm>> -> memref<25x80xi32, #tpu.memory_space<hbm>>
      %dma_start3A_923 = arith.constant 0 : i32
      %dma_start3A_924 = arith.constant 0 : i32
      %dma_start3A_925 = tpu.memref_slice %arg4[%add3A_382, %dma_start3A_923, %dma_start3A_924] : memref<160x25x80xi32, #tpu.memory_space<hbm>> -> memref<1x25x80xi32, #tpu.memory_space<hbm>>
      %dma_start3A_926 = tpu.memref_squeeze %dma_start3A_925 : memref<1x25x80xi32, #tpu.memory_space<hbm>> -> memref<25x80xi32, #tpu.memory_space<hbm>>
      tpu.enqueue_dma source(%dma_start3A_926 : memref<25x80xi32, #tpu.memory_space<hbm>>) target(%arg10 : memref<25x80xi32, #tpu.memory_space<vmem>>) target_semaphore(%run_scoped3A : memref<!tpu.dma_semaphore, #tpu.memory_space<semaphore_mem>>)
      %dma_wait3A_927 = arith.constant 0 : i32
      %dma_wait3A_928 = arith.constant 0 : i32
      %dma_wait3A_929 = tpu.memref_slice %arg4[%add3A_382, %dma_wait3A_927, %dma_wait3A_928] : memref<160x25x80xi32, #tpu.memory_space<hbm>> -> memref<1x25x80xi32, #tpu.memory_space<hbm>>
      %dma_wait3A_930 = tpu.memref_squeeze %dma_wait3A_929 : memref<1x25x80xi32, #tpu.memory_space<hbm>> -> memref<25x80xi32, #tpu.memory_space<hbm>>
      %dma_wait3A_931 = arith.constant 0 : i32
      %dma_wait3A_932 = arith.constant 0 : i32
      %dma_wait3A_933 = tpu.memref_slice %arg4[%add3A_382, %dma_wait3A_931, %dma_wait3A_932] : memref<160x25x80xi32, #tpu.memory_space<hbm>> -> memref<1x25x80xi32, #tpu.memory_space<hbm>>
      %dma_wait3A_934 = tpu.memref_squeeze %dma_wait3A_933 : memref<1x25x80xi32, #tpu.memory_space<hbm>> -> memref<25x80xi32, #tpu.memory_space<hbm>>
      tpu.wait_dma2 semaphore(%run_scoped3A : memref<!tpu.dma_semaphore, #tpu.memory_space<semaphore_mem>>) src(%dma_wait3A_934 : memref<25x80xi32, #tpu.memory_space<hbm>>) dst(%arg10 : memref<25x80xi32, #tpu.memory_space<vmem>>)
      tpu.yield
    }) : () -> ()
    %dma_start3A_383 = arith.constant 0 : i32
    %dma_start3A_384 = arith.constant 0 : i32
    %dma_start3A_385 = tpu.memref_slice %arg9[%dma_start3A_383, %dma_start3A_384] : memref<25x80xi32, #tpu.memory_space<vmem>> -> memref<1x80xi32, #tpu.memory_space<vmem>>
    %dma_start3A_386 = tpu.memref_squeeze %dma_start3A_385 : memref<1x80xi32, #tpu.memory_space<vmem>> -> memref<80xi32, #tpu.memory_space<vmem>>
    %dma_start3A_387 = arith.constant 0 : i32
    %dma_start3A_388 = arith.constant 0 : i32
    %dma_start3A_389 = tpu.memref_slice %arg2[%dma_start3A_387, %dma_start3A_388] : memref<10000x128xf32, #tpu.memory_space<hbm>> -> memref<10000x128xf32, #tpu.memory_space<hbm>>
    tpu.enqueue_indirect_dma source(%dma_start3A_389 : memref<10000x128xf32, #tpu.memory_space<hbm>>) target(%arg11 : memref<80x128xf32, #tpu.memory_space<vmem>>) offsets(%dma_start3A_386 : memref<80xi32, #tpu.memory_space<vmem>>) semaphore(%arg17 : memref<!tpu.dma_semaphore, #tpu.memory_space<semaphore_mem>>)
    %dma_start3A_390 = arith.constant 1 : i32
    %dma_start3A_391 = arith.constant 0 : i32
    %dma_start3A_392 = tpu.memref_slice %arg9[%dma_start3A_390, %dma_start3A_391] : memref<25x80xi32, #tpu.memory_space<vmem>> -> memref<1x80xi32, #tpu.memory_space<vmem>>
    %dma_start3A_393 = tpu.memref_squeeze %dma_start3A_392 : memref<1x80xi32, #tpu.memory_space<vmem>> -> memref<80xi32, #tpu.memory_space<vmem>>
    %dma_start3A_394 = arith.constant 0 : i32
    %dma_start3A_395 = arith.constant 0 : i32
    %dma_start3A_396 = tpu.memref_slice %arg2[%dma_start3A_394, %dma_start3A_395] : memref<10000x128xf32, #tpu.memory_space<hbm>> -> memref<10000x128xf32, #tpu.memory_space<hbm>>
    tpu.enqueue_indirect_dma source(%dma_start3A_396 : memref<10000x128xf32, #tpu.memory_space<hbm>>) target(%arg12 : memref<80x128xf32, #tpu.memory_space<vmem>>) offsets(%dma_start3A_393 : memref<80xi32, #tpu.memory_space<vmem>>) semaphore(%arg18 : memref<!tpu.dma_semaphore, #tpu.memory_space<semaphore_mem>>)
    %dma_wait3A_397 = arith.constant 0 : i32
    %dma_wait3A_398 = arith.constant 0 : i32
    %dma_wait3A_399 = tpu.memref_slice %arg9[%dma_wait3A_397, %dma_wait3A_398] : memref<25x80xi32, #tpu.memory_space<vmem>> -> memref<1x80xi32, #tpu.memory_space<vmem>>
    %dma_wait3A_400 = tpu.memref_squeeze %dma_wait3A_399 : memref<1x80xi32, #tpu.memory_space<vmem>> -> memref<80xi32, #tpu.memory_space<vmem>>
    %dma_wait3A_401 = arith.constant 0 : i32
    %dma_wait3A_402 = arith.constant 0 : i32
    %dma_wait3A_403 = tpu.memref_slice %arg2[%dma_wait3A_401, %dma_wait3A_402] : memref<10000x128xf32, #tpu.memory_space<hbm>> -> memref<10000x128xf32, #tpu.memory_space<hbm>>
    tpu.wait_indirect_dma semaphore(%arg17 : memref<!tpu.dma_semaphore, #tpu.memory_space<semaphore_mem>>) src(%dma_wait3A_403 : memref<10000x128xf32, #tpu.memory_space<hbm>>) dst(%arg11 : memref<80x128xf32, #tpu.memory_space<vmem>>)
    %dma_start3A_404 = arith.constant 0 : i32
    %dma_start3A_405 = arith.constant 0 : i32
    %dma_start3A_406 = tpu.memref_slice %arg10[%dma_start3A_404, %dma_start3A_405] : memref<25x80xi32, #tpu.memory_space<vmem>> -> memref<1x80xi32, #tpu.memory_space<vmem>>
    %dma_start3A_407 = tpu.memref_squeeze %dma_start3A_406 : memref<1x80xi32, #tpu.memory_space<vmem>> -> memref<80xi32, #tpu.memory_space<vmem>>
    %dma_start3A_408 = arith.constant 0 : i32
    %dma_start3A_409 = arith.constant 0 : i32
    %dma_start3A_410 = tpu.memref_slice %arg15[%dma_start3A_408, %dma_start3A_409] : memref<10112x128xf32, #tpu.memory_space<vmem_shared>> -> memref<10112x128xf32, #tpu.memory_space<vmem_shared>>
    tpu.enqueue_indirect_dma source(%arg11 : memref<80x128xf32, #tpu.memory_space<vmem>>) target(%dma_start3A_410 : memref<10112x128xf32, #tpu.memory_space<vmem_shared>>) offsets(%dma_start3A_407 : memref<80xi32, #tpu.memory_space<vmem>>) semaphore(%arg20 : memref<!tpu.dma_semaphore, #tpu.memory_space<semaphore_mem>>) {add = true}
    %dma_start3A_411 = arith.constant 0 : i32
    %dma_start3A_412 = arith.constant 0 : i32
    %dma_start3A_413 = tpu.memref_slice %arg10[%dma_start3A_411, %dma_start3A_412] : memref<25x80xi32, #tpu.memory_space<vmem>> -> memref<1x80xi32, #tpu.memory_space<vmem>>
    %dma_start3A_414 = tpu.memref_squeeze %dma_start3A_413 : memref<1x80xi32, #tpu.memory_space<vmem>> -> memref<80xi32, #tpu.memory_space<vmem>>
    %dma_start3A_415 = arith.constant 0 : i32
    %dma_start3A_416 = arith.constant 0 : i32
    %dma_start3A_417 = tpu.memref_slice %arg16[%dma_start3A_415, %dma_start3A_416] : memref<10112x16xf32, #tpu.memory_space<vmem_shared>> -> memref<10112x16xf32, #tpu.memory_space<vmem_shared>>
    tpu.enqueue_indirect_dma source(%arg14 : memref<80x16xf32, #tpu.memory_space<vmem>>) target(%dma_start3A_417 : memref<10112x16xf32, #tpu.memory_space<vmem_shared>>) offsets(%dma_start3A_414 : memref<80xi32, #tpu.memory_space<vmem>>) semaphore(%arg23 : memref<!tpu.dma_semaphore, #tpu.memory_space<semaphore_mem>>) {add = true}
    %dma_start3A_418 = arith.constant 2 : i32
    %dma_start3A_419 = arith.constant 0 : i32
    %dma_start3A_420 = tpu.memref_slice %arg9[%dma_start3A_418, %dma_start3A_419] : memref<25x80xi32, #tpu.memory_space<vmem>> -> memref<1x80xi32, #tpu.memory_space<vmem>>
    %dma_start3A_421 = tpu.memref_squeeze %dma_start3A_420 : memref<1x80xi32, #tpu.memory_space<vmem>> -> memref<80xi32, #tpu.memory_space<vmem>>
    %dma_start3A_422 = arith.constant 0 : i32
    %dma_start3A_423 = arith.constant 0 : i32
    %dma_start3A_424 = tpu.memref_slice %arg2[%dma_start3A_422, %dma_start3A_423] : memref<10000x128xf32, #tpu.memory_space<hbm>> -> memref<10000x128xf32, #tpu.memory_space<hbm>>
    tpu.enqueue_indirect_dma source(%dma_start3A_424 : memref<10000x128xf32, #tpu.memory_space<hbm>>) target(%arg13 : memref<80x128xf32, #tpu.memory_space<vmem>>) offsets(%dma_start3A_421 : memref<80xi32, #tpu.memory_space<vmem>>) semaphore(%arg19 : memref<!tpu.dma_semaphore, #tpu.memory_space<semaphore_mem>>)
    %dma_wait3A_425 = arith.constant 1 : i32
    %dma_wait3A_426 = arith.constant 0 : i32
    %dma_wait3A_427 = tpu.memref_slice %arg9[%dma_wait3A_425, %dma_wait3A_426] : memref<25x80xi32, #tpu.memory_space<vmem>> -> memref<1x80xi32, #tpu.memory_space<vmem>>
    %dma_wait3A_428 = tpu.memref_squeeze %dma_wait3A_427 : memref<1x80xi32, #tpu.memory_space<vmem>> -> memref<80xi32, #tpu.memory_space<vmem>>
    %dma_wait3A_429 = arith.constant 0 : i32
    %dma_wait3A_430 = arith.constant 0 : i32
    %dma_wait3A_431 = tpu.memref_slice %arg2[%dma_wait3A_429, %dma_wait3A_430] : memref<10000x128xf32, #tpu.memory_space<hbm>> -> memref<10000x128xf32, #tpu.memory_space<hbm>>
    tpu.wait_indirect_dma semaphore(%arg18 : memref<!tpu.dma_semaphore, #tpu.memory_space<semaphore_mem>>) src(%dma_wait3A_431 : memref<10000x128xf32, #tpu.memory_space<hbm>>) dst(%arg12 : memref<80x128xf32, #tpu.memory_space<vmem>>)
    %dma_start3A_432 = arith.constant 1 : i32
    %dma_start3A_433 = arith.constant 0 : i32
    %dma_start3A_434 = tpu.memref_slice %arg10[%dma_start3A_432, %dma_start3A_433] : memref<25x80xi32, #tpu.memory_space<vmem>> -> memref<1x80xi32, #tpu.memory_space<vmem>>
    %dma_start3A_435 = tpu.memref_squeeze %dma_start3A_434 : memref<1x80xi32, #tpu.memory_space<vmem>> -> memref<80xi32, #tpu.memory_space<vmem>>
    %dma_start3A_436 = arith.constant 0 : i32
    %dma_start3A_437 = arith.constant 0 : i32
    %dma_start3A_438 = tpu.memref_slice %arg15[%dma_start3A_436, %dma_start3A_437] : memref<10112x128xf32, #tpu.memory_space<vmem_shared>> -> memref<10112x128xf32, #tpu.memory_space<vmem_shared>>
    tpu.enqueue_indirect_dma source(%arg12 : memref<80x128xf32, #tpu.memory_space<vmem>>) target(%dma_start3A_438 : memref<10112x128xf32, #tpu.memory_space<vmem_shared>>) offsets(%dma_start3A_435 : memref<80xi32, #tpu.memory_space<vmem>>) semaphore(%arg21 : memref<!tpu.dma_semaphore, #tpu.memory_space<semaphore_mem>>) {add = true}
    %dma_start3A_439 = arith.constant 1 : i32
    %dma_start3A_440 = arith.constant 0 : i32
    %dma_start3A_441 = tpu.memref_slice %arg10[%dma_start3A_439, %dma_start3A_440] : memref<25x80xi32, #tpu.memory_space<vmem>> -> memref<1x80xi32, #tpu.memory_space<vmem>>
    %dma_start3A_442 = tpu.memref_squeeze %dma_start3A_441 : memref<1x80xi32, #tpu.memory_space<vmem>> -> memref<80xi32, #tpu.memory_space<vmem>>
    %dma_start3A_443 = arith.constant 0 : i32
    %dma_start3A_444 = arith.constant 0 : i32
    %dma_start3A_445 = tpu.memref_slice %arg16[%dma_start3A_443, %dma_start3A_444] : memref<10112x16xf32, #tpu.memory_space<vmem_shared>> -> memref<10112x16xf32, #tpu.memory_space<vmem_shared>>
    tpu.enqueue_indirect_dma source(%arg14 : memref<80x16xf32, #tpu.memory_space<vmem>>) target(%dma_start3A_445 : memref<10112x16xf32, #tpu.memory_space<vmem_shared>>) offsets(%dma_start3A_442 : memref<80xi32, #tpu.memory_space<vmem>>) semaphore(%arg24 : memref<!tpu.dma_semaphore, #tpu.memory_space<semaphore_mem>>) {add = true}
    %dma_wait3A_446 = arith.constant 0 : i32
    %dma_wait3A_447 = arith.constant 0 : i32
    %dma_wait3A_448 = tpu.memref_slice %arg10[%dma_wait3A_446, %dma_wait3A_447] : memref<25x80xi32, #tpu.memory_space<vmem>> -> memref<1x80xi32, #tpu.memory_space<vmem>>
    %dma_wait3A_449 = tpu.memref_squeeze %dma_wait3A_448 : memref<1x80xi32, #tpu.memory_space<vmem>> -> memref<80xi32, #tpu.memory_space<vmem>>
    %dma_wait3A_450 = arith.constant 0 : i32
    %dma_wait3A_451 = arith.constant 0 : i32
    %dma_wait3A_452 = tpu.memref_slice %arg15[%dma_wait3A_450, %dma_wait3A_451] : memref<10112x128xf32, #tpu.memory_space<vmem_shared>> -> memref<10112x128xf32, #tpu.memory_space<vmem_shared>>
    tpu.wait_indirect_dma semaphore(%arg20 : memref<!tpu.dma_semaphore, #tpu.memory_space<semaphore_mem>>) src(%arg11 : memref<80x128xf32, #tpu.memory_space<vmem>>) dst(%dma_wait3A_452 : memref<10112x128xf32, #tpu.memory_space<vmem_shared>>)
    %dma_wait3A_453 = arith.constant 0 : i32
    %dma_wait3A_454 = arith.constant 0 : i32
    %dma_wait3A_455 = tpu.memref_slice %arg10[%dma_wait3A_453, %dma_wait3A_454] : memref<25x80xi32, #tpu.memory_space<vmem>> -> memref<1x80xi32, #tpu.memory_space<vmem>>
    %dma_wait3A_456 = tpu.memref_squeeze %dma_wait3A_455 : memref<1x80xi32, #tpu.memory_space<vmem>> -> memref<80xi32, #tpu.memory_space<vmem>>
    %dma_wait3A_457 = arith.constant 0 : i32
    %dma_wait3A_458 = arith.constant 0 : i32
    %dma_wait3A_459 = tpu.memref_slice %arg16[%dma_wait3A_457, %dma_wait3A_458] : memref<10112x16xf32, #tpu.memory_space<vmem_shared>> -> memref<10112x16xf32, #tpu.memory_space<vmem_shared>>
    tpu.wait_indirect_dma semaphore(%arg23 : memref<!tpu.dma_semaphore, #tpu.memory_space<semaphore_mem>>) src(%arg14 : memref<80x16xf32, #tpu.memory_space<vmem>>) dst(%dma_wait3A_459 : memref<10112x16xf32, #tpu.memory_space<vmem_shared>>)
    %dma_start3A_460 = arith.constant 3 : i32
    %dma_start3A_461 = arith.constant 0 : i32
    %dma_start3A_462 = tpu.memref_slice %arg9[%dma_start3A_460, %dma_start3A_461] : memref<25x80xi32, #tpu.memory_space<vmem>> -> memref<1x80xi32, #tpu.memory_space<vmem>>
    %dma_start3A_463 = tpu.memref_squeeze %dma_start3A_462 : memref<1x80xi32, #tpu.memory_space<vmem>> -> memref<80xi32, #tpu.memory_space<vmem>>
    %dma_start3A_464 = arith.constant 0 : i32
    %dma_start3A_465 = arith.constant 0 : i32
    %dma_start3A_466 = tpu.memref_slice %arg2[%dma_start3A_464, %dma_start3A_465] : memref<10000x128xf32, #tpu.memory_space<hbm>> -> memref<10000x128xf32, #tpu.memory_space<hbm>>
    tpu.enqueue_indirect_dma source(%dma_start3A_466 : memref<10000x128xf32, #tpu.memory_space<hbm>>) target(%arg11 : memref<80x128xf32, #tpu.memory_space<vmem>>) offsets(%dma_start3A_463 : memref<80xi32, #tpu.memory_space<vmem>>) semaphore(%arg17 : memref<!tpu.dma_semaphore, #tpu.memory_space<semaphore_mem>>)
    %scan3A_467 = arith.constant 0 : i32
    %scan3A_468 = arith.constant 7 : i32
    %scan3A_469 = arith.addi %scan3A_467, %scan3A_468 : i32
    %scan3A_470 = arith.constant 1 : i32
    scf.for %scan3A_919 = %scan3A_467 to %scan3A_469 step %scan3A_470  : i32 {
      %mul3A_920 = arith.constant 1 : i32
      %mul3A_921 = arith.muli %scan3A_919, %mul3A_920 : i32
      %add3A_922 = arith.constant 0 : i32
      %add3A_923 = arith.addi %add3A_922, %mul3A_921 : i32
      %mul3A_924 = arith.constant 3 : i32
      %mul3A_925 = arith.muli %add3A_923, %mul3A_924 : i32
      %add3A_926 = arith.constant 2 : i32
      %add3A_927 = arith.addi %add3A_926, %mul3A_925 : i32
      %add3A_928 = arith.constant 0 : i32
      %add3A_929 = arith.addi %add3A_927, %add3A_928 : i32
      %dma_wait3A_930 = arith.constant 0 : i32
      %dma_wait3A_931 = tpu.memref_slice %arg9[%add3A_929, %dma_wait3A_930] : memref<25x80xi32, #tpu.memory_space<vmem>> -> memref<1x80xi32, #tpu.memory_space<vmem>>
      %dma_wait3A_932 = tpu.memref_squeeze %dma_wait3A_931 : memref<1x80xi32, #tpu.memory_space<vmem>> -> memref<80xi32, #tpu.memory_space<vmem>>
      %dma_wait3A_933 = arith.constant 0 : i32
      %dma_wait3A_934 = arith.constant 0 : i32
      %dma_wait3A_935 = tpu.memref_slice %arg2[%dma_wait3A_933, %dma_wait3A_934] : memref<10000x128xf32, #tpu.memory_space<hbm>> -> memref<10000x128xf32, #tpu.memory_space<hbm>>
      tpu.wait_indirect_dma semaphore(%arg19 : memref<!tpu.dma_semaphore, #tpu.memory_space<semaphore_mem>>) src(%dma_wait3A_935 : memref<10000x128xf32, #tpu.memory_space<hbm>>) dst(%arg13 : memref<80x128xf32, #tpu.memory_space<vmem>>)
      %dma_start3A_936 = arith.constant 0 : i32
      %dma_start3A_937 = tpu.memref_slice %arg10[%add3A_929, %dma_start3A_936] : memref<25x80xi32, #tpu.memory_space<vmem>> -> memref<1x80xi32, #tpu.memory_space<vmem>>
      %dma_start3A_938 = tpu.memref_squeeze %dma_start3A_937 : memref<1x80xi32, #tpu.memory_space<vmem>> -> memref<80xi32, #tpu.memory_space<vmem>>
      %dma_start3A_939 = arith.constant 0 : i32
      %dma_start3A_940 = arith.constant 0 : i32
      %dma_start3A_941 = tpu.memref_slice %arg15[%dma_start3A_939, %dma_start3A_940] : memref<10112x128xf32, #tpu.memory_space<vmem_shared>> -> memref<10112x128xf32, #tpu.memory_space<vmem_shared>>
      tpu.enqueue_indirect_dma source(%arg13 : memref<80x128xf32, #tpu.memory_space<vmem>>) target(%dma_start3A_941 : memref<10112x128xf32, #tpu.memory_space<vmem_shared>>) offsets(%dma_start3A_938 : memref<80xi32, #tpu.memory_space<vmem>>) semaphore(%arg22 : memref<!tpu.dma_semaphore, #tpu.memory_space<semaphore_mem>>) {add = true}
      %dma_start3A_942 = arith.constant 0 : i32
      %dma_start3A_943 = tpu.memref_slice %arg10[%add3A_929, %dma_start3A_942] : memref<25x80xi32, #tpu.memory_space<vmem>> -> memref<1x80xi32, #tpu.memory_space<vmem>>
      %dma_start3A_944 = tpu.memref_squeeze %dma_start3A_943 : memref<1x80xi32, #tpu.memory_space<vmem>> -> memref<80xi32, #tpu.memory_space<vmem>>
      %dma_start3A_945 = arith.constant 0 : i32
      %dma_start3A_946 = arith.constant 0 : i32
      %dma_start3A_947 = tpu.memref_slice %arg16[%dma_start3A_945, %dma_start3A_946] : memref<10112x16xf32, #tpu.memory_space<vmem_shared>> -> memref<10112x16xf32, #tpu.memory_space<vmem_shared>>
      tpu.enqueue_indirect_dma source(%arg14 : memref<80x16xf32, #tpu.memory_space<vmem>>) target(%dma_start3A_947 : memref<10112x16xf32, #tpu.memory_space<vmem_shared>>) offsets(%dma_start3A_944 : memref<80xi32, #tpu.memory_space<vmem>>) semaphore(%arg25 : memref<!tpu.dma_semaphore, #tpu.memory_space<semaphore_mem>>) {add = true}
      %sub3A = arith.constant 1 : i32
      %sub3A_948 = arith.subi %add3A_929, %sub3A : i32
      %dma_wait3A_949 = arith.constant 0 : i32
      %dma_wait3A_950 = tpu.memref_slice %arg10[%sub3A_948, %dma_wait3A_949] : memref<25x80xi32, #tpu.memory_space<vmem>> -> memref<1x80xi32, #tpu.memory_space<vmem>>
      %dma_wait3A_951 = tpu.memref_squeeze %dma_wait3A_950 : memref<1x80xi32, #tpu.memory_space<vmem>> -> memref<80xi32, #tpu.memory_space<vmem>>
      %dma_wait3A_952 = arith.constant 0 : i32
      %dma_wait3A_953 = arith.constant 0 : i32
      %dma_wait3A_954 = tpu.memref_slice %arg15[%dma_wait3A_952, %dma_wait3A_953] : memref<10112x128xf32, #tpu.memory_space<vmem_shared>> -> memref<10112x128xf32, #tpu.memory_space<vmem_shared>>
      tpu.wait_indirect_dma semaphore(%arg21 : memref<!tpu.dma_semaphore, #tpu.memory_space<semaphore_mem>>) src(%arg12 : memref<80x128xf32, #tpu.memory_space<vmem>>) dst(%dma_wait3A_954 : memref<10112x128xf32, #tpu.memory_space<vmem_shared>>)
      %dma_wait3A_955 = arith.constant 0 : i32
      %dma_wait3A_956 = tpu.memref_slice %arg10[%sub3A_948, %dma_wait3A_955] : memref<25x80xi32, #tpu.memory_space<vmem>> -> memref<1x80xi32, #tpu.memory_space<vmem>>
      %dma_wait3A_957 = tpu.memref_squeeze %dma_wait3A_956 : memref<1x80xi32, #tpu.memory_space<vmem>> -> memref<80xi32, #tpu.memory_space<vmem>>
      %dma_wait3A_958 = arith.constant 0 : i32
      %dma_wait3A_959 = arith.constant 0 : i32
      %dma_wait3A_960 = tpu.memref_slice %arg16[%dma_wait3A_958, %dma_wait3A_959] : memref<10112x16xf32, #tpu.memory_space<vmem_shared>> -> memref<10112x16xf32, #tpu.memory_space<vmem_shared>>
      tpu.wait_indirect_dma semaphore(%arg24 : memref<!tpu.dma_semaphore, #tpu.memory_space<semaphore_mem>>) src(%arg14 : memref<80x16xf32, #tpu.memory_space<vmem>>) dst(%dma_wait3A_960 : memref<10112x16xf32, #tpu.memory_space<vmem_shared>>)
      %add3A_961 = arith.constant 2 : i32
      %add3A_962 = arith.addi %add3A_929, %add3A_961 : i32
      %dma_start3A_963 = arith.constant 0 : i32
      %dma_start3A_964 = tpu.memref_slice %arg9[%add3A_962, %dma_start3A_963] : memref<25x80xi32, #tpu.memory_space<vmem>> -> memref<1x80xi32, #tpu.memory_space<vmem>>
      %dma_start3A_965 = tpu.memref_squeeze %dma_start3A_964 : memref<1x80xi32, #tpu.memory_space<vmem>> -> memref<80xi32, #tpu.memory_space<vmem>>
      %dma_start3A_966 = arith.constant 0 : i32
      %dma_start3A_967 = arith.constant 0 : i32
      %dma_start3A_968 = tpu.memref_slice %arg2[%dma_start3A_966, %dma_start3A_967] : memref<10000x128xf32, #tpu.memory_space<hbm>> -> memref<10000x128xf32, #tpu.memory_space<hbm>>
      tpu.enqueue_indirect_dma source(%dma_start3A_968 : memref<10000x128xf32, #tpu.memory_space<hbm>>) target(%arg12 : memref<80x128xf32, #tpu.memory_space<vmem>>) offsets(%dma_start3A_965 : memref<80xi32, #tpu.memory_space<vmem>>) semaphore(%arg18 : memref<!tpu.dma_semaphore, #tpu.memory_space<semaphore_mem>>)
      %mul3A_969 = arith.constant 3 : i32
      %mul3A_970 = arith.muli %add3A_923, %mul3A_969 : i32
      %add3A_971 = arith.constant 2 : i32
      %add3A_972 = arith.addi %add3A_971, %mul3A_970 : i32
      %add3A_973 = arith.constant 1 : i32
      %add3A_974 = arith.addi %add3A_972, %add3A_973 : i32
      %dma_wait3A_975 = arith.constant 0 : i32
      %dma_wait3A_976 = tpu.memref_slice %arg9[%add3A_974, %dma_wait3A_975] : memref<25x80xi32, #tpu.memory_space<vmem>> -> memref<1x80xi32, #tpu.memory_space<vmem>>
      %dma_wait3A_977 = tpu.memref_squeeze %dma_wait3A_976 : memref<1x80xi32, #tpu.memory_space<vmem>> -> memref<80xi32, #tpu.memory_space<vmem>>
      %dma_wait3A_978 = arith.constant 0 : i32
      %dma_wait3A_979 = arith.constant 0 : i32
      %dma_wait3A_980 = tpu.memref_slice %arg2[%dma_wait3A_978, %dma_wait3A_979] : memref<10000x128xf32, #tpu.memory_space<hbm>> -> memref<10000x128xf32, #tpu.memory_space<hbm>>
      tpu.wait_indirect_dma semaphore(%arg17 : memref<!tpu.dma_semaphore, #tpu.memory_space<semaphore_mem>>) src(%dma_wait3A_980 : memref<10000x128xf32, #tpu.memory_space<hbm>>) dst(%arg11 : memref<80x128xf32, #tpu.memory_space<vmem>>)
      %dma_start3A_981 = arith.constant 0 : i32
      %dma_start3A_982 = tpu.memref_slice %arg10[%add3A_974, %dma_start3A_981] : memref<25x80xi32, #tpu.memory_space<vmem>> -> memref<1x80xi32, #tpu.memory_space<vmem>>
      %dma_start3A_983 = tpu.memref_squeeze %dma_start3A_982 : memref<1x80xi32, #tpu.memory_space<vmem>> -> memref<80xi32, #tpu.memory_space<vmem>>
      %dma_start3A_984 = arith.constant 0 : i32
      %dma_start3A_985 = arith.constant 0 : i32
      %dma_start3A_986 = tpu.memref_slice %arg15[%dma_start3A_984, %dma_start3A_985] : memref<10112x128xf32, #tpu.memory_space<vmem_shared>> -> memref<10112x128xf32, #tpu.memory_space<vmem_shared>>
      tpu.enqueue_indirect_dma source(%arg11 : memref<80x128xf32, #tpu.memory_space<vmem>>) target(%dma_start3A_986 : memref<10112x128xf32, #tpu.memory_space<vmem_shared>>) offsets(%dma_start3A_983 : memref<80xi32, #tpu.memory_space<vmem>>) semaphore(%arg20 : memref<!tpu.dma_semaphore, #tpu.memory_space<semaphore_mem>>) {add = true}
      %dma_start3A_987 = arith.constant 0 : i32
      %dma_start3A_988 = tpu.memref_slice %arg10[%add3A_974, %dma_start3A_987] : memref<25x80xi32, #tpu.memory_space<vmem>> -> memref<1x80xi32, #tpu.memory_space<vmem>>
      %dma_start3A_989 = tpu.memref_squeeze %dma_start3A_988 : memref<1x80xi32, #tpu.memory_space<vmem>> -> memref<80xi32, #tpu.memory_space<vmem>>
      %dma_start3A_990 = arith.constant 0 : i32
      %dma_start3A_991 = arith.constant 0 : i32
      %dma_start3A_992 = tpu.memref_slice %arg16[%dma_start3A_990, %dma_start3A_991] : memref<10112x16xf32, #tpu.memory_space<vmem_shared>> -> memref<10112x16xf32, #tpu.memory_space<vmem_shared>>
      tpu.enqueue_indirect_dma source(%arg14 : memref<80x16xf32, #tpu.memory_space<vmem>>) target(%dma_start3A_992 : memref<10112x16xf32, #tpu.memory_space<vmem_shared>>) offsets(%dma_start3A_989 : memref<80xi32, #tpu.memory_space<vmem>>) semaphore(%arg23 : memref<!tpu.dma_semaphore, #tpu.memory_space<semaphore_mem>>) {add = true}
      %sub3A_993 = arith.constant 1 : i32
      %sub3A_994 = arith.subi %add3A_974, %sub3A_993 : i32
      %dma_wait3A_995 = arith.constant 0 : i32
      %dma_wait3A_996 = tpu.memref_slice %arg10[%sub3A_994, %dma_wait3A_995] : memref<25x80xi32, #tpu.memory_space<vmem>> -> memref<1x80xi32, #tpu.memory_space<vmem>>
      %dma_wait3A_997 = tpu.memref_squeeze %dma_wait3A_996 : memref<1x80xi32, #tpu.memory_space<vmem>> -> memref<80xi32, #tpu.memory_space<vmem>>
      %dma_wait3A_998 = arith.constant 0 : i32
      %dma_wait3A_999 = arith.constant 0 : i32
      %dma_wait3A_1000 = tpu.memref_slice %arg15[%dma_wait3A_998, %dma_wait3A_999] : memref<10112x128xf32, #tpu.memory_space<vmem_shared>> -> memref<10112x128xf32, #tpu.memory_space<vmem_shared>>
      tpu.wait_indirect_dma semaphore(%arg22 : memref<!tpu.dma_semaphore, #tpu.memory_space<semaphore_mem>>) src(%arg13 : memref<80x128xf32, #tpu.memory_space<vmem>>) dst(%dma_wait3A_1000 : memref<10112x128xf32, #tpu.memory_space<vmem_shared>>)
      %dma_wait3A_1001 = arith.constant 0 : i32
      %dma_wait3A_1002 = tpu.memref_slice %arg10[%sub3A_994, %dma_wait3A_1001] : memref<25x80xi32, #tpu.memory_space<vmem>> -> memref<1x80xi32, #tpu.memory_space<vmem>>
      %dma_wait3A_1003 = tpu.memref_squeeze %dma_wait3A_1002 : memref<1x80xi32, #tpu.memory_space<vmem>> -> memref<80xi32, #tpu.memory_space<vmem>>
      %dma_wait3A_1004 = arith.constant 0 : i32
      %dma_wait3A_1005 = arith.constant 0 : i32
      %dma_wait3A_1006 = tpu.memref_slice %arg16[%dma_wait3A_1004, %dma_wait3A_1005] : memref<10112x16xf32, #tpu.memory_space<vmem_shared>> -> memref<10112x16xf32, #tpu.memory_space<vmem_shared>>
      tpu.wait_indirect_dma semaphore(%arg25 : memref<!tpu.dma_semaphore, #tpu.memory_space<semaphore_mem>>) src(%arg14 : memref<80x16xf32, #tpu.memory_space<vmem>>) dst(%dma_wait3A_1006 : memref<10112x16xf32, #tpu.memory_space<vmem_shared>>)
      %add3A_1007 = arith.constant 2 : i32
      %add3A_1008 = arith.addi %add3A_974, %add3A_1007 : i32
      %dma_start3A_1009 = arith.constant 0 : i32
      %dma_start3A_1010 = tpu.memref_slice %arg9[%add3A_1008, %dma_start3A_1009] : memref<25x80xi32, #tpu.memory_space<vmem>> -> memref<1x80xi32, #tpu.memory_space<vmem>>
      %dma_start3A_1011 = tpu.memref_squeeze %dma_start3A_1010 : memref<1x80xi32, #tpu.memory_space<vmem>> -> memref<80xi32, #tpu.memory_space<vmem>>
      %dma_start3A_1012 = arith.constant 0 : i32
      %dma_start3A_1013 = arith.constant 0 : i32
      %dma_start3A_1014 = tpu.memref_slice %arg2[%dma_start3A_1012, %dma_start3A_1013] : memref<10000x128xf32, #tpu.memory_space<hbm>> -> memref<10000x128xf32, #tpu.memory_space<hbm>>
      tpu.enqueue_indirect_dma source(%dma_start3A_1014 : memref<10000x128xf32, #tpu.memory_space<hbm>>) target(%arg13 : memref<80x128xf32, #tpu.memory_space<vmem>>) offsets(%dma_start3A_1011 : memref<80xi32, #tpu.memory_space<vmem>>) semaphore(%arg19 : memref<!tpu.dma_semaphore, #tpu.memory_space<semaphore_mem>>)
      %mul3A_1015 = arith.constant 3 : i32
      %mul3A_1016 = arith.muli %add3A_923, %mul3A_1015 : i32
      %add3A_1017 = arith.constant 2 : i32
      %add3A_1018 = arith.addi %add3A_1017, %mul3A_1016 : i32
      %add3A_1019 = arith.constant 2 : i32
      %add3A_1020 = arith.addi %add3A_1018, %add3A_1019 : i32
      %dma_wait3A_1021 = arith.constant 0 : i32
      %dma_wait3A_1022 = tpu.memref_slice %arg9[%add3A_1020, %dma_wait3A_1021] : memref<25x80xi32, #tpu.memory_space<vmem>> -> memref<1x80xi32, #tpu.memory_space<vmem>>
      %dma_wait3A_1023 = tpu.memref_squeeze %dma_wait3A_1022 : memref<1x80xi32, #tpu.memory_space<vmem>> -> memref<80xi32, #tpu.memory_space<vmem>>
      %dma_wait3A_1024 = arith.constant 0 : i32
      %dma_wait3A_1025 = arith.constant 0 : i32
      %dma_wait3A_1026 = tpu.memref_slice %arg2[%dma_wait3A_1024, %dma_wait3A_1025] : memref<10000x128xf32, #tpu.memory_space<hbm>> -> memref<10000x128xf32, #tpu.memory_space<hbm>>
      tpu.wait_indirect_dma semaphore(%arg18 : memref<!tpu.dma_semaphore, #tpu.memory_space<semaphore_mem>>) src(%dma_wait3A_1026 : memref<10000x128xf32, #tpu.memory_space<hbm>>) dst(%arg12 : memref<80x128xf32, #tpu.memory_space<vmem>>)
      %dma_start3A_1027 = arith.constant 0 : i32
      %dma_start3A_1028 = tpu.memref_slice %arg10[%add3A_1020, %dma_start3A_1027] : memref<25x80xi32, #tpu.memory_space<vmem>> -> memref<1x80xi32, #tpu.memory_space<vmem>>
      %dma_start3A_1029 = tpu.memref_squeeze %dma_start3A_1028 : memref<1x80xi32, #tpu.memory_space<vmem>> -> memref<80xi32, #tpu.memory_space<vmem>>
      %dma_start3A_1030 = arith.constant 0 : i32
      %dma_start3A_1031 = arith.constant 0 : i32
      %dma_start3A_1032 = tpu.memref_slice %arg15[%dma_start3A_1030, %dma_start3A_1031] : memref<10112x128xf32, #tpu.memory_space<vmem_shared>> -> memref<10112x128xf32, #tpu.memory_space<vmem_shared>>
      tpu.enqueue_indirect_dma source(%arg12 : memref<80x128xf32, #tpu.memory_space<vmem>>) target(%dma_start3A_1032 : memref<10112x128xf32, #tpu.memory_space<vmem_shared>>) offsets(%dma_start3A_1029 : memref<80xi32, #tpu.memory_space<vmem>>) semaphore(%arg21 : memref<!tpu.dma_semaphore, #tpu.memory_space<semaphore_mem>>) {add = true}
      %dma_start3A_1033 = arith.constant 0 : i32
      %dma_start3A_1034 = tpu.memref_slice %arg10[%add3A_1020, %dma_start3A_1033] : memref<25x80xi32, #tpu.memory_space<vmem>> -> memref<1x80xi32, #tpu.memory_space<vmem>>
      %dma_start3A_1035 = tpu.memref_squeeze %dma_start3A_1034 : memref<1x80xi32, #tpu.memory_space<vmem>> -> memref<80xi32, #tpu.memory_space<vmem>>
      %dma_start3A_1036 = arith.constant 0 : i32
      %dma_start3A_1037 = arith.constant 0 : i32
      %dma_start3A_1038 = tpu.memref_slice %arg16[%dma_start3A_1036, %dma_start3A_1037] : memref<10112x16xf32, #tpu.memory_space<vmem_shared>> -> memref<10112x16xf32, #tpu.memory_space<vmem_shared>>
      tpu.enqueue_indirect_dma source(%arg14 : memref<80x16xf32, #tpu.memory_space<vmem>>) target(%dma_start3A_1038 : memref<10112x16xf32, #tpu.memory_space<vmem_shared>>) offsets(%dma_start3A_1035 : memref<80xi32, #tpu.memory_space<vmem>>) semaphore(%arg24 : memref<!tpu.dma_semaphore, #tpu.memory_space<semaphore_mem>>) {add = true}
      %sub3A_1039 = arith.constant 1 : i32
      %sub3A_1040 = arith.subi %add3A_1020, %sub3A_1039 : i32
      %dma_wait3A_1041 = arith.constant 0 : i32
      %dma_wait3A_1042 = tpu.memref_slice %arg10[%sub3A_1040, %dma_wait3A_1041] : memref<25x80xi32, #tpu.memory_space<vmem>> -> memref<1x80xi32, #tpu.memory_space<vmem>>
      %dma_wait3A_1043 = tpu.memref_squeeze %dma_wait3A_1042 : memref<1x80xi32, #tpu.memory_space<vmem>> -> memref<80xi32, #tpu.memory_space<vmem>>
      %dma_wait3A_1044 = arith.constant 0 : i32
      %dma_wait3A_1045 = arith.constant 0 : i32
      %dma_wait3A_1046 = tpu.memref_slice %arg15[%dma_wait3A_1044, %dma_wait3A_1045] : memref<10112x128xf32, #tpu.memory_space<vmem_shared>> -> memref<10112x128xf32, #tpu.memory_space<vmem_shared>>
      tpu.wait_indirect_dma semaphore(%arg20 : memref<!tpu.dma_semaphore, #tpu.memory_space<semaphore_mem>>) src(%arg11 : memref<80x128xf32, #tpu.memory_space<vmem>>) dst(%dma_wait3A_1046 : memref<10112x128xf32, #tpu.memory_space<vmem_shared>>)
      %dma_wait3A_1047 = arith.constant 0 : i32
      %dma_wait3A_1048 = tpu.memref_slice %arg10[%sub3A_1040, %dma_wait3A_1047] : memref<25x80xi32, #tpu.memory_space<vmem>> -> memref<1x80xi32, #tpu.memory_space<vmem>>
      %dma_wait3A_1049 = tpu.memref_squeeze %dma_wait3A_1048 : memref<1x80xi32, #tpu.memory_space<vmem>> -> memref<80xi32, #tpu.memory_space<vmem>>
      %dma_wait3A_1050 = arith.constant 0 : i32
      %dma_wait3A_1051 = arith.constant 0 : i32
      %dma_wait3A_1052 = tpu.memref_slice %arg16[%dma_wait3A_1050, %dma_wait3A_1051] : memref<10112x16xf32, #tpu.memory_space<vmem_shared>> -> memref<10112x16xf32, #tpu.memory_space<vmem_shared>>
      tpu.wait_indirect_dma semaphore(%arg23 : memref<!tpu.dma_semaphore, #tpu.memory_space<semaphore_mem>>) src(%arg14 : memref<80x16xf32, #tpu.memory_space<vmem>>) dst(%dma_wait3A_1052 : memref<10112x16xf32, #tpu.memory_space<vmem_shared>>)
      %add3A_1053 = arith.constant 2 : i32
      %add3A_1054 = arith.addi %add3A_1020, %add3A_1053 : i32
      %dma_start3A_1055 = arith.constant 0 : i32
      %dma_start3A_1056 = tpu.memref_slice %arg9[%add3A_1054, %dma_start3A_1055] : memref<25x80xi32, #tpu.memory_space<vmem>> -> memref<1x80xi32, #tpu.memory_space<vmem>>
      %dma_start3A_1057 = tpu.memref_squeeze %dma_start3A_1056 : memref<1x80xi32, #tpu.memory_space<vmem>> -> memref<80xi32, #tpu.memory_space<vmem>>
      %dma_start3A_1058 = arith.constant 0 : i32
      %dma_start3A_1059 = arith.constant 0 : i32
      %dma_start3A_1060 = tpu.memref_slice %arg2[%dma_start3A_1058, %dma_start3A_1059] : memref<10000x128xf32, #tpu.memory_space<hbm>> -> memref<10000x128xf32, #tpu.memory_space<hbm>>
      tpu.enqueue_indirect_dma source(%dma_start3A_1060 : memref<10000x128xf32, #tpu.memory_space<hbm>>) target(%arg11 : memref<80x128xf32, #tpu.memory_space<vmem>>) offsets(%dma_start3A_1057 : memref<80xi32, #tpu.memory_space<vmem>>) semaphore(%arg17 : memref<!tpu.dma_semaphore, #tpu.memory_space<semaphore_mem>>)
    }
    %scan3A_471 = arith.constant 7 : i32
    %dma_wait3A_472 = arith.constant 23 : i32
    %dma_wait3A_473 = arith.constant 0 : i32
    %dma_wait3A_474 = tpu.memref_slice %arg9[%dma_wait3A_472, %dma_wait3A_473] : memref<25x80xi32, #tpu.memory_space<vmem>> -> memref<1x80xi32, #tpu.memory_space<vmem>>
    %dma_wait3A_475 = tpu.memref_squeeze %dma_wait3A_474 : memref<1x80xi32, #tpu.memory_space<vmem>> -> memref<80xi32, #tpu.memory_space<vmem>>
    %dma_wait3A_476 = arith.constant 0 : i32
    %dma_wait3A_477 = arith.constant 0 : i32
    %dma_wait3A_478 = tpu.memref_slice %arg2[%dma_wait3A_476, %dma_wait3A_477] : memref<10000x128xf32, #tpu.memory_space<hbm>> -> memref<10000x128xf32, #tpu.memory_space<hbm>>
    tpu.wait_indirect_dma semaphore(%arg19 : memref<!tpu.dma_semaphore, #tpu.memory_space<semaphore_mem>>) src(%dma_wait3A_478 : memref<10000x128xf32, #tpu.memory_space<hbm>>) dst(%arg13 : memref<80x128xf32, #tpu.memory_space<vmem>>)
    %dma_start3A_479 = arith.constant 23 : i32
    %dma_start3A_480 = arith.constant 0 : i32
    %dma_start3A_481 = tpu.memref_slice %arg10[%dma_start3A_479, %dma_start3A_480] : memref<25x80xi32, #tpu.memory_space<vmem>> -> memref<1x80xi32, #tpu.memory_space<vmem>>
    %dma_start3A_482 = tpu.memref_squeeze %dma_start3A_481 : memref<1x80xi32, #tpu.memory_space<vmem>> -> memref<80xi32, #tpu.memory_space<vmem>>
    %dma_start3A_483 = arith.constant 0 : i32
    %dma_start3A_484 = arith.constant 0 : i32
    %dma_start3A_485 = tpu.memref_slice %arg15[%dma_start3A_483, %dma_start3A_484] : memref<10112x128xf32, #tpu.memory_space<vmem_shared>> -> memref<10112x128xf32, #tpu.memory_space<vmem_shared>>
    tpu.enqueue_indirect_dma source(%arg13 : memref<80x128xf32, #tpu.memory_space<vmem>>) target(%dma_start3A_485 : memref<10112x128xf32, #tpu.memory_space<vmem_shared>>) offsets(%dma_start3A_482 : memref<80xi32, #tpu.memory_space<vmem>>) semaphore(%arg22 : memref<!tpu.dma_semaphore, #tpu.memory_space<semaphore_mem>>) {add = true}
    %dma_start3A_486 = arith.constant 23 : i32
    %dma_start3A_487 = arith.constant 0 : i32
    %dma_start3A_488 = tpu.memref_slice %arg10[%dma_start3A_486, %dma_start3A_487] : memref<25x80xi32, #tpu.memory_space<vmem>> -> memref<1x80xi32, #tpu.memory_space<vmem>>
    %dma_start3A_489 = tpu.memref_squeeze %dma_start3A_488 : memref<1x80xi32, #tpu.memory_space<vmem>> -> memref<80xi32, #tpu.memory_space<vmem>>
    %dma_start3A_490 = arith.constant 0 : i32
    %dma_start3A_491 = arith.constant 0 : i32
    %dma_start3A_492 = tpu.memref_slice %arg16[%dma_start3A_490, %dma_start3A_491] : memref<10112x16xf32, #tpu.memory_space<vmem_shared>> -> memref<10112x16xf32, #tpu.memory_space<vmem_shared>>
    tpu.enqueue_indirect_dma source(%arg14 : memref<80x16xf32, #tpu.memory_space<vmem>>) target(%dma_start3A_492 : memref<10112x16xf32, #tpu.memory_space<vmem_shared>>) offsets(%dma_start3A_489 : memref<80xi32, #tpu.memory_space<vmem>>) semaphore(%arg25 : memref<!tpu.dma_semaphore, #tpu.memory_space<semaphore_mem>>) {add = true}
    %dma_wait3A_493 = arith.constant 22 : i32
    %dma_wait3A_494 = arith.constant 0 : i32
    %dma_wait3A_495 = tpu.memref_slice %arg10[%dma_wait3A_493, %dma_wait3A_494] : memref<25x80xi32, #tpu.memory_space<vmem>> -> memref<1x80xi32, #tpu.memory_space<vmem>>
    %dma_wait3A_496 = tpu.memref_squeeze %dma_wait3A_495 : memref<1x80xi32, #tpu.memory_space<vmem>> -> memref<80xi32, #tpu.memory_space<vmem>>
    %dma_wait3A_497 = arith.constant 0 : i32
    %dma_wait3A_498 = arith.constant 0 : i32
    %dma_wait3A_499 = tpu.memref_slice %arg15[%dma_wait3A_497, %dma_wait3A_498] : memref<10112x128xf32, #tpu.memory_space<vmem_shared>> -> memref<10112x128xf32, #tpu.memory_space<vmem_shared>>
    tpu.wait_indirect_dma semaphore(%arg21 : memref<!tpu.dma_semaphore, #tpu.memory_space<semaphore_mem>>) src(%arg12 : memref<80x128xf32, #tpu.memory_space<vmem>>) dst(%dma_wait3A_499 : memref<10112x128xf32, #tpu.memory_space<vmem_shared>>)
    %dma_wait3A_500 = arith.constant 22 : i32
    %dma_wait3A_501 = arith.constant 0 : i32
    %dma_wait3A_502 = tpu.memref_slice %arg10[%dma_wait3A_500, %dma_wait3A_501] : memref<25x80xi32, #tpu.memory_space<vmem>> -> memref<1x80xi32, #tpu.memory_space<vmem>>
    %dma_wait3A_503 = tpu.memref_squeeze %dma_wait3A_502 : memref<1x80xi32, #tpu.memory_space<vmem>> -> memref<80xi32, #tpu.memory_space<vmem>>
    %dma_wait3A_504 = arith.constant 0 : i32
    %dma_wait3A_505 = arith.constant 0 : i32
    %dma_wait3A_506 = tpu.memref_slice %arg16[%dma_wait3A_504, %dma_wait3A_505] : memref<10112x16xf32, #tpu.memory_space<vmem_shared>> -> memref<10112x16xf32, #tpu.memory_space<vmem_shared>>
    tpu.wait_indirect_dma semaphore(%arg24 : memref<!tpu.dma_semaphore, #tpu.memory_space<semaphore_mem>>) src(%arg14 : memref<80x16xf32, #tpu.memory_space<vmem>>) dst(%dma_wait3A_506 : memref<10112x16xf32, #tpu.memory_space<vmem_shared>>)
    %dma_wait3A_507 = arith.constant 24 : i32
    %dma_wait3A_508 = arith.constant 0 : i32
    %dma_wait3A_509 = tpu.memref_slice %arg9[%dma_wait3A_507, %dma_wait3A_508] : memref<25x80xi32, #tpu.memory_space<vmem>> -> memref<1x80xi32, #tpu.memory_space<vmem>>
    %dma_wait3A_510 = tpu.memref_squeeze %dma_wait3A_509 : memref<1x80xi32, #tpu.memory_space<vmem>> -> memref<80xi32, #tpu.memory_space<vmem>>
    %dma_wait3A_511 = arith.constant 0 : i32
    %dma_wait3A_512 = arith.constant 0 : i32
    %dma_wait3A_513 = tpu.memref_slice %arg2[%dma_wait3A_511, %dma_wait3A_512] : memref<10000x128xf32, #tpu.memory_space<hbm>> -> memref<10000x128xf32, #tpu.memory_space<hbm>>
    tpu.wait_indirect_dma semaphore(%arg17 : memref<!tpu.dma_semaphore, #tpu.memory_space<semaphore_mem>>) src(%dma_wait3A_513 : memref<10000x128xf32, #tpu.memory_space<hbm>>) dst(%arg11 : memref<80x128xf32, #tpu.memory_space<vmem>>)
    %dma_start3A_514 = arith.constant 24 : i32
    %dma_start3A_515 = arith.constant 0 : i32
    %dma_start3A_516 = tpu.memref_slice %arg10[%dma_start3A_514, %dma_start3A_515] : memref<25x80xi32, #tpu.memory_space<vmem>> -> memref<1x80xi32, #tpu.memory_space<vmem>>
    %dma_start3A_517 = tpu.memref_squeeze %dma_start3A_516 : memref<1x80xi32, #tpu.memory_space<vmem>> -> memref<80xi32, #tpu.memory_space<vmem>>
    %dma_start3A_518 = arith.constant 0 : i32
    %dma_start3A_519 = arith.constant 0 : i32
    %dma_start3A_520 = tpu.memref_slice %arg15[%dma_start3A_518, %dma_start3A_519] : memref<10112x128xf32, #tpu.memory_space<vmem_shared>> -> memref<10112x128xf32, #tpu.memory_space<vmem_shared>>
    tpu.enqueue_indirect_dma source(%arg11 : memref<80x128xf32, #tpu.memory_space<vmem>>) target(%dma_start3A_520 : memref<10112x128xf32, #tpu.memory_space<vmem_shared>>) offsets(%dma_start3A_517 : memref<80xi32, #tpu.memory_space<vmem>>) semaphore(%arg20 : memref<!tpu.dma_semaphore, #tpu.memory_space<semaphore_mem>>) {add = true}
    %dma_start3A_521 = arith.constant 24 : i32
    %dma_start3A_522 = arith.constant 0 : i32
    %dma_start3A_523 = tpu.memref_slice %arg10[%dma_start3A_521, %dma_start3A_522] : memref<25x80xi32, #tpu.memory_space<vmem>> -> memref<1x80xi32, #tpu.memory_space<vmem>>
    %dma_start3A_524 = tpu.memref_squeeze %dma_start3A_523 : memref<1x80xi32, #tpu.memory_space<vmem>> -> memref<80xi32, #tpu.memory_space<vmem>>
    %dma_start3A_525 = arith.constant 0 : i32
    %dma_start3A_526 = arith.constant 0 : i32
    %dma_start3A_527 = tpu.memref_slice %arg16[%dma_start3A_525, %dma_start3A_526] : memref<10112x16xf32, #tpu.memory_space<vmem_shared>> -> memref<10112x16xf32, #tpu.memory_space<vmem_shared>>
    tpu.enqueue_indirect_dma source(%arg14 : memref<80x16xf32, #tpu.memory_space<vmem>>) target(%dma_start3A_527 : memref<10112x16xf32, #tpu.memory_space<vmem_shared>>) offsets(%dma_start3A_524 : memref<80xi32, #tpu.memory_space<vmem>>) semaphore(%arg23 : memref<!tpu.dma_semaphore, #tpu.memory_space<semaphore_mem>>) {add = true}
    %dma_wait3A_528 = arith.constant 23 : i32
    %dma_wait3A_529 = arith.constant 0 : i32
    %dma_wait3A_530 = tpu.memref_slice %arg10[%dma_wait3A_528, %dma_wait3A_529] : memref<25x80xi32, #tpu.memory_space<vmem>> -> memref<1x80xi32, #tpu.memory_space<vmem>>
    %dma_wait3A_531 = tpu.memref_squeeze %dma_wait3A_530 : memref<1x80xi32, #tpu.memory_space<vmem>> -> memref<80xi32, #tpu.memory_space<vmem>>
    %dma_wait3A_532 = arith.constant 0 : i32
    %dma_wait3A_533 = arith.constant 0 : i32
    %dma_wait3A_534 = tpu.memref_slice %arg15[%dma_wait3A_532, %dma_wait3A_533] : memref<10112x128xf32, #tpu.memory_space<vmem_shared>> -> memref<10112x128xf32, #tpu.memory_space<vmem_shared>>
    tpu.wait_indirect_dma semaphore(%arg22 : memref<!tpu.dma_semaphore, #tpu.memory_space<semaphore_mem>>) src(%arg13 : memref<80x128xf32, #tpu.memory_space<vmem>>) dst(%dma_wait3A_534 : memref<10112x128xf32, #tpu.memory_space<vmem_shared>>)
    %dma_wait3A_535 = arith.constant 23 : i32
    %dma_wait3A_536 = arith.constant 0 : i32
    %dma_wait3A_537 = tpu.memref_slice %arg10[%dma_wait3A_535, %dma_wait3A_536] : memref<25x80xi32, #tpu.memory_space<vmem>> -> memref<1x80xi32, #tpu.memory_space<vmem>>
    %dma_wait3A_538 = tpu.memref_squeeze %dma_wait3A_537 : memref<1x80xi32, #tpu.memory_space<vmem>> -> memref<80xi32, #tpu.memory_space<vmem>>
    %dma_wait3A_539 = arith.constant 0 : i32
    %dma_wait3A_540 = arith.constant 0 : i32
    %dma_wait3A_541 = tpu.memref_slice %arg16[%dma_wait3A_539, %dma_wait3A_540] : memref<10112x16xf32, #tpu.memory_space<vmem_shared>> -> memref<10112x16xf32, #tpu.memory_space<vmem_shared>>
    tpu.wait_indirect_dma semaphore(%arg25 : memref<!tpu.dma_semaphore, #tpu.memory_space<semaphore_mem>>) src(%arg14 : memref<80x16xf32, #tpu.memory_space<vmem>>) dst(%dma_wait3A_541 : memref<10112x16xf32, #tpu.memory_space<vmem_shared>>)
    %dma_wait3A_542 = arith.constant 24 : i32
    %dma_wait3A_543 = arith.constant 0 : i32
    %dma_wait3A_544 = tpu.memref_slice %arg10[%dma_wait3A_542, %dma_wait3A_543] : memref<25x80xi32, #tpu.memory_space<vmem>> -> memref<1x80xi32, #tpu.memory_space<vmem>>
    %dma_wait3A_545 = tpu.memref_squeeze %dma_wait3A_544 : memref<1x80xi32, #tpu.memory_space<vmem>> -> memref<80xi32, #tpu.memory_space<vmem>>
    %dma_wait3A_546 = arith.constant 0 : i32
    %dma_wait3A_547 = arith.constant 0 : i32
    %dma_wait3A_548 = tpu.memref_slice %arg15[%dma_wait3A_546, %dma_wait3A_547] : memref<10112x128xf32, #tpu.memory_space<vmem_shared>> -> memref<10112x128xf32, #tpu.memory_space<vmem_shared>>
    tpu.wait_indirect_dma semaphore(%arg20 : memref<!tpu.dma_semaphore, #tpu.memory_space<semaphore_mem>>) src(%arg11 : memref<80x128xf32, #tpu.memory_space<vmem>>) dst(%dma_wait3A_548 : memref<10112x128xf32, #tpu.memory_space<vmem_shared>>)
    %dma_wait3A_549 = arith.constant 24 : i32
    %dma_wait3A_550 = arith.constant 0 : i32
    %dma_wait3A_551 = tpu.memref_slice %arg10[%dma_wait3A_549, %dma_wait3A_550] : memref<25x80xi32, #tpu.memory_space<vmem>> -> memref<1x80xi32, #tpu.memory_space<vmem>>
    %dma_wait3A_552 = tpu.memref_squeeze %dma_wait3A_551 : memref<1x80xi32, #tpu.memory_space<vmem>> -> memref<80xi32, #tpu.memory_space<vmem>>
    %dma_wait3A_553 = arith.constant 0 : i32
    %dma_wait3A_554 = arith.constant 0 : i32
    %dma_wait3A_555 = tpu.memref_slice %arg16[%dma_wait3A_553, %dma_wait3A_554] : memref<10112x16xf32, #tpu.memory_space<vmem_shared>> -> memref<10112x16xf32, #tpu.memory_space<vmem_shared>>
    tpu.wait_indirect_dma semaphore(%arg23 : memref<!tpu.dma_semaphore, #tpu.memory_space<semaphore_mem>>) src(%arg14 : memref<80x16xf32, #tpu.memory_space<vmem>>) dst(%dma_wait3A_555 : memref<10112x16xf32, #tpu.memory_space<vmem_shared>>)
    %mul3A_556 = arith.constant 5 : i32
    %mul3A_557 = arith.muli %add3A, %mul3A_556 : i32
    %add3A_558 = arith.constant 3 : i32
    %add3A_559 = arith.addi %mul3A_557, %add3A_558 : i32
    "tpu.region"() ({
      %run_scoped3A = tpu.sem_alloc : memref<!tpu.dma_semaphore, #tpu.memory_space<semaphore_mem>>
      %dma_start3A_919 = arith.constant 0 : i32
      %dma_start3A_920 = arith.constant 0 : i32
      %dma_start3A_921 = tpu.memref_slice %arg3[%add3A_559, %dma_start3A_919, %dma_start3A_920] : memref<160x25x80xi32, #tpu.memory_space<hbm>> -> memref<1x25x80xi32, #tpu.memory_space<hbm>>
      %dma_start3A_922 = tpu.memref_squeeze %dma_start3A_921 : memref<1x25x80xi32, #tpu.memory_space<hbm>> -> memref<25x80xi32, #tpu.memory_space<hbm>>
      %dma_start3A_923 = arith.constant 0 : i32
      %dma_start3A_924 = arith.constant 0 : i32
      %dma_start3A_925 = tpu.memref_slice %arg3[%add3A_559, %dma_start3A_923, %dma_start3A_924] : memref<160x25x80xi32, #tpu.memory_space<hbm>> -> memref<1x25x80xi32, #tpu.memory_space<hbm>>
      %dma_start3A_926 = tpu.memref_squeeze %dma_start3A_925 : memref<1x25x80xi32, #tpu.memory_space<hbm>> -> memref<25x80xi32, #tpu.memory_space<hbm>>
      tpu.enqueue_dma source(%dma_start3A_926 : memref<25x80xi32, #tpu.memory_space<hbm>>) target(%arg9 : memref<25x80xi32, #tpu.memory_space<vmem>>) target_semaphore(%run_scoped3A : memref<!tpu.dma_semaphore, #tpu.memory_space<semaphore_mem>>)
      %dma_wait3A_927 = arith.constant 0 : i32
      %dma_wait3A_928 = arith.constant 0 : i32
      %dma_wait3A_929 = tpu.memref_slice %arg3[%add3A_559, %dma_wait3A_927, %dma_wait3A_928] : memref<160x25x80xi32, #tpu.memory_space<hbm>> -> memref<1x25x80xi32, #tpu.memory_space<hbm>>
      %dma_wait3A_930 = tpu.memref_squeeze %dma_wait3A_929 : memref<1x25x80xi32, #tpu.memory_space<hbm>> -> memref<25x80xi32, #tpu.memory_space<hbm>>
      %dma_wait3A_931 = arith.constant 0 : i32
      %dma_wait3A_932 = arith.constant 0 : i32
      %dma_wait3A_933 = tpu.memref_slice %arg3[%add3A_559, %dma_wait3A_931, %dma_wait3A_932] : memref<160x25x80xi32, #tpu.memory_space<hbm>> -> memref<1x25x80xi32, #tpu.memory_space<hbm>>
      %dma_wait3A_934 = tpu.memref_squeeze %dma_wait3A_933 : memref<1x25x80xi32, #tpu.memory_space<hbm>> -> memref<25x80xi32, #tpu.memory_space<hbm>>
      tpu.wait_dma2 semaphore(%run_scoped3A : memref<!tpu.dma_semaphore, #tpu.memory_space<semaphore_mem>>) src(%dma_wait3A_934 : memref<25x80xi32, #tpu.memory_space<hbm>>) dst(%arg9 : memref<25x80xi32, #tpu.memory_space<vmem>>)
      tpu.yield
    }) : () -> ()
    %mul3A_560 = arith.constant 5 : i32
    %mul3A_561 = arith.muli %add3A, %mul3A_560 : i32
    %add3A_562 = arith.constant 3 : i32
    %add3A_563 = arith.addi %mul3A_561, %add3A_562 : i32
    "tpu.region"() ({
      %run_scoped3A = tpu.sem_alloc : memref<!tpu.dma_semaphore, #tpu.memory_space<semaphore_mem>>
      %dma_start3A_919 = arith.constant 0 : i32
      %dma_start3A_920 = arith.constant 0 : i32
      %dma_start3A_921 = tpu.memref_slice %arg4[%add3A_563, %dma_start3A_919, %dma_start3A_920] : memref<160x25x80xi32, #tpu.memory_space<hbm>> -> memref<1x25x80xi32, #tpu.memory_space<hbm>>
      %dma_start3A_922 = tpu.memref_squeeze %dma_start3A_921 : memref<1x25x80xi32, #tpu.memory_space<hbm>> -> memref<25x80xi32, #tpu.memory_space<hbm>>
      %dma_start3A_923 = arith.constant 0 : i32
      %dma_start3A_924 = arith.constant 0 : i32
      %dma_start3A_925 = tpu.memref_slice %arg4[%add3A_563, %dma_start3A_923, %dma_start3A_924] : memref<160x25x80xi32, #tpu.memory_space<hbm>> -> memref<1x25x80xi32, #tpu.memory_space<hbm>>
      %dma_start3A_926 = tpu.memref_squeeze %dma_start3A_925 : memref<1x25x80xi32, #tpu.memory_space<hbm>> -> memref<25x80xi32, #tpu.memory_space<hbm>>
      tpu.enqueue_dma source(%dma_start3A_926 : memref<25x80xi32, #tpu.memory_space<hbm>>) target(%arg10 : memref<25x80xi32, #tpu.memory_space<vmem>>) target_semaphore(%run_scoped3A : memref<!tpu.dma_semaphore, #tpu.memory_space<semaphore_mem>>)
      %dma_wait3A_927 = arith.constant 0 : i32
      %dma_wait3A_928 = arith.constant 0 : i32
      %dma_wait3A_929 = tpu.memref_slice %arg4[%add3A_563, %dma_wait3A_927, %dma_wait3A_928] : memref<160x25x80xi32, #tpu.memory_space<hbm>> -> memref<1x25x80xi32, #tpu.memory_space<hbm>>
      %dma_wait3A_930 = tpu.memref_squeeze %dma_wait3A_929 : memref<1x25x80xi32, #tpu.memory_space<hbm>> -> memref<25x80xi32, #tpu.memory_space<hbm>>
      %dma_wait3A_931 = arith.constant 0 : i32
      %dma_wait3A_932 = arith.constant 0 : i32
      %dma_wait3A_933 = tpu.memref_slice %arg4[%add3A_563, %dma_wait3A_931, %dma_wait3A_932] : memref<160x25x80xi32, #tpu.memory_space<hbm>> -> memref<1x25x80xi32, #tpu.memory_space<hbm>>
      %dma_wait3A_934 = tpu.memref_squeeze %dma_wait3A_933 : memref<1x25x80xi32, #tpu.memory_space<hbm>> -> memref<25x80xi32, #tpu.memory_space<hbm>>
      tpu.wait_dma2 semaphore(%run_scoped3A : memref<!tpu.dma_semaphore, #tpu.memory_space<semaphore_mem>>) src(%dma_wait3A_934 : memref<25x80xi32, #tpu.memory_space<hbm>>) dst(%arg10 : memref<25x80xi32, #tpu.memory_space<vmem>>)
      tpu.yield
    }) : () -> ()
    %dma_start3A_564 = arith.constant 0 : i32
    %dma_start3A_565 = arith.constant 0 : i32
    %dma_start3A_566 = tpu.memref_slice %arg9[%dma_start3A_564, %dma_start3A_565] : memref<25x80xi32, #tpu.memory_space<vmem>> -> memref<1x80xi32, #tpu.memory_space<vmem>>
    %dma_start3A_567 = tpu.memref_squeeze %dma_start3A_566 : memref<1x80xi32, #tpu.memory_space<vmem>> -> memref<80xi32, #tpu.memory_space<vmem>>
    %dma_start3A_568 = arith.constant 0 : i32
    %dma_start3A_569 = arith.constant 0 : i32
    %dma_start3A_570 = tpu.memref_slice %arg2[%dma_start3A_568, %dma_start3A_569] : memref<10000x128xf32, #tpu.memory_space<hbm>> -> memref<10000x128xf32, #tpu.memory_space<hbm>>
    tpu.enqueue_indirect_dma source(%dma_start3A_570 : memref<10000x128xf32, #tpu.memory_space<hbm>>) target(%arg11 : memref<80x128xf32, #tpu.memory_space<vmem>>) offsets(%dma_start3A_567 : memref<80xi32, #tpu.memory_space<vmem>>) semaphore(%arg17 : memref<!tpu.dma_semaphore, #tpu.memory_space<semaphore_mem>>)
    %dma_start3A_571 = arith.constant 1 : i32
    %dma_start3A_572 = arith.constant 0 : i32
    %dma_start3A_573 = tpu.memref_slice %arg9[%dma_start3A_571, %dma_start3A_572] : memref<25x80xi32, #tpu.memory_space<vmem>> -> memref<1x80xi32, #tpu.memory_space<vmem>>
    %dma_start3A_574 = tpu.memref_squeeze %dma_start3A_573 : memref<1x80xi32, #tpu.memory_space<vmem>> -> memref<80xi32, #tpu.memory_space<vmem>>
    %dma_start3A_575 = arith.constant 0 : i32
    %dma_start3A_576 = arith.constant 0 : i32
    %dma_start3A_577 = tpu.memref_slice %arg2[%dma_start3A_575, %dma_start3A_576] : memref<10000x128xf32, #tpu.memory_space<hbm>> -> memref<10000x128xf32, #tpu.memory_space<hbm>>
    tpu.enqueue_indirect_dma source(%dma_start3A_577 : memref<10000x128xf32, #tpu.memory_space<hbm>>) target(%arg12 : memref<80x128xf32, #tpu.memory_space<vmem>>) offsets(%dma_start3A_574 : memref<80xi32, #tpu.memory_space<vmem>>) semaphore(%arg18 : memref<!tpu.dma_semaphore, #tpu.memory_space<semaphore_mem>>)
    %dma_wait3A_578 = arith.constant 0 : i32
    %dma_wait3A_579 = arith.constant 0 : i32
    %dma_wait3A_580 = tpu.memref_slice %arg9[%dma_wait3A_578, %dma_wait3A_579] : memref<25x80xi32, #tpu.memory_space<vmem>> -> memref<1x80xi32, #tpu.memory_space<vmem>>
    %dma_wait3A_581 = tpu.memref_squeeze %dma_wait3A_580 : memref<1x80xi32, #tpu.memory_space<vmem>> -> memref<80xi32, #tpu.memory_space<vmem>>
    %dma_wait3A_582 = arith.constant 0 : i32
    %dma_wait3A_583 = arith.constant 0 : i32
    %dma_wait3A_584 = tpu.memref_slice %arg2[%dma_wait3A_582, %dma_wait3A_583] : memref<10000x128xf32, #tpu.memory_space<hbm>> -> memref<10000x128xf32, #tpu.memory_space<hbm>>
    tpu.wait_indirect_dma semaphore(%arg17 : memref<!tpu.dma_semaphore, #tpu.memory_space<semaphore_mem>>) src(%dma_wait3A_584 : memref<10000x128xf32, #tpu.memory_space<hbm>>) dst(%arg11 : memref<80x128xf32, #tpu.memory_space<vmem>>)
    %dma_start3A_585 = arith.constant 0 : i32
    %dma_start3A_586 = arith.constant 0 : i32
    %dma_start3A_587 = tpu.memref_slice %arg10[%dma_start3A_585, %dma_start3A_586] : memref<25x80xi32, #tpu.memory_space<vmem>> -> memref<1x80xi32, #tpu.memory_space<vmem>>
    %dma_start3A_588 = tpu.memref_squeeze %dma_start3A_587 : memref<1x80xi32, #tpu.memory_space<vmem>> -> memref<80xi32, #tpu.memory_space<vmem>>
    %dma_start3A_589 = arith.constant 0 : i32
    %dma_start3A_590 = arith.constant 0 : i32
    %dma_start3A_591 = tpu.memref_slice %arg15[%dma_start3A_589, %dma_start3A_590] : memref<10112x128xf32, #tpu.memory_space<vmem_shared>> -> memref<10112x128xf32, #tpu.memory_space<vmem_shared>>
    tpu.enqueue_indirect_dma source(%arg11 : memref<80x128xf32, #tpu.memory_space<vmem>>) target(%dma_start3A_591 : memref<10112x128xf32, #tpu.memory_space<vmem_shared>>) offsets(%dma_start3A_588 : memref<80xi32, #tpu.memory_space<vmem>>) semaphore(%arg20 : memref<!tpu.dma_semaphore, #tpu.memory_space<semaphore_mem>>) {add = true}
    %dma_start3A_592 = arith.constant 0 : i32
    %dma_start3A_593 = arith.constant 0 : i32
    %dma_start3A_594 = tpu.memref_slice %arg10[%dma_start3A_592, %dma_start3A_593] : memref<25x80xi32, #tpu.memory_space<vmem>> -> memref<1x80xi32, #tpu.memory_space<vmem>>
    %dma_start3A_595 = tpu.memref_squeeze %dma_start3A_594 : memref<1x80xi32, #tpu.memory_space<vmem>> -> memref<80xi32, #tpu.memory_space<vmem>>
    %dma_start3A_596 = arith.constant 0 : i32
    %dma_start3A_597 = arith.constant 0 : i32
    %dma_start3A_598 = tpu.memref_slice %arg16[%dma_start3A_596, %dma_start3A_597] : memref<10112x16xf32, #tpu.memory_space<vmem_shared>> -> memref<10112x16xf32, #tpu.memory_space<vmem_shared>>
    tpu.enqueue_indirect_dma source(%arg14 : memref<80x16xf32, #tpu.memory_space<vmem>>) target(%dma_start3A_598 : memref<10112x16xf32, #tpu.memory_space<vmem_shared>>) offsets(%dma_start3A_595 : memref<80xi32, #tpu.memory_space<vmem>>) semaphore(%arg23 : memref<!tpu.dma_semaphore, #tpu.memory_space<semaphore_mem>>) {add = true}
    %dma_start3A_599 = arith.constant 2 : i32
    %dma_start3A_600 = arith.constant 0 : i32
    %dma_start3A_601 = tpu.memref_slice %arg9[%dma_start3A_599, %dma_start3A_600] : memref<25x80xi32, #tpu.memory_space<vmem>> -> memref<1x80xi32, #tpu.memory_space<vmem>>
    %dma_start3A_602 = tpu.memref_squeeze %dma_start3A_601 : memref<1x80xi32, #tpu.memory_space<vmem>> -> memref<80xi32, #tpu.memory_space<vmem>>
    %dma_start3A_603 = arith.constant 0 : i32
    %dma_start3A_604 = arith.constant 0 : i32
    %dma_start3A_605 = tpu.memref_slice %arg2[%dma_start3A_603, %dma_start3A_604] : memref<10000x128xf32, #tpu.memory_space<hbm>> -> memref<10000x128xf32, #tpu.memory_space<hbm>>
    tpu.enqueue_indirect_dma source(%dma_start3A_605 : memref<10000x128xf32, #tpu.memory_space<hbm>>) target(%arg13 : memref<80x128xf32, #tpu.memory_space<vmem>>) offsets(%dma_start3A_602 : memref<80xi32, #tpu.memory_space<vmem>>) semaphore(%arg19 : memref<!tpu.dma_semaphore, #tpu.memory_space<semaphore_mem>>)
    %dma_wait3A_606 = arith.constant 1 : i32
    %dma_wait3A_607 = arith.constant 0 : i32
    %dma_wait3A_608 = tpu.memref_slice %arg9[%dma_wait3A_606, %dma_wait3A_607] : memref<25x80xi32, #tpu.memory_space<vmem>> -> memref<1x80xi32, #tpu.memory_space<vmem>>
    %dma_wait3A_609 = tpu.memref_squeeze %dma_wait3A_608 : memref<1x80xi32, #tpu.memory_space<vmem>> -> memref<80xi32, #tpu.memory_space<vmem>>
    %dma_wait3A_610 = arith.constant 0 : i32
    %dma_wait3A_611 = arith.constant 0 : i32
    %dma_wait3A_612 = tpu.memref_slice %arg2[%dma_wait3A_610, %dma_wait3A_611] : memref<10000x128xf32, #tpu.memory_space<hbm>> -> memref<10000x128xf32, #tpu.memory_space<hbm>>
    tpu.wait_indirect_dma semaphore(%arg18 : memref<!tpu.dma_semaphore, #tpu.memory_space<semaphore_mem>>) src(%dma_wait3A_612 : memref<10000x128xf32, #tpu.memory_space<hbm>>) dst(%arg12 : memref<80x128xf32, #tpu.memory_space<vmem>>)
    %dma_start3A_613 = arith.constant 1 : i32
    %dma_start3A_614 = arith.constant 0 : i32
    %dma_start3A_615 = tpu.memref_slice %arg10[%dma_start3A_613, %dma_start3A_614] : memref<25x80xi32, #tpu.memory_space<vmem>> -> memref<1x80xi32, #tpu.memory_space<vmem>>
    %dma_start3A_616 = tpu.memref_squeeze %dma_start3A_615 : memref<1x80xi32, #tpu.memory_space<vmem>> -> memref<80xi32, #tpu.memory_space<vmem>>
    %dma_start3A_617 = arith.constant 0 : i32
    %dma_start3A_618 = arith.constant 0 : i32
    %dma_start3A_619 = tpu.memref_slice %arg15[%dma_start3A_617, %dma_start3A_618] : memref<10112x128xf32, #tpu.memory_space<vmem_shared>> -> memref<10112x128xf32, #tpu.memory_space<vmem_shared>>
    tpu.enqueue_indirect_dma source(%arg12 : memref<80x128xf32, #tpu.memory_space<vmem>>) target(%dma_start3A_619 : memref<10112x128xf32, #tpu.memory_space<vmem_shared>>) offsets(%dma_start3A_616 : memref<80xi32, #tpu.memory_space<vmem>>) semaphore(%arg21 : memref<!tpu.dma_semaphore, #tpu.memory_space<semaphore_mem>>) {add = true}
    %dma_start3A_620 = arith.constant 1 : i32
    %dma_start3A_621 = arith.constant 0 : i32
    %dma_start3A_622 = tpu.memref_slice %arg10[%dma_start3A_620, %dma_start3A_621] : memref<25x80xi32, #tpu.memory_space<vmem>> -> memref<1x80xi32, #tpu.memory_space<vmem>>
    %dma_start3A_623 = tpu.memref_squeeze %dma_start3A_622 : memref<1x80xi32, #tpu.memory_space<vmem>> -> memref<80xi32, #tpu.memory_space<vmem>>
    %dma_start3A_624 = arith.constant 0 : i32
    %dma_start3A_625 = arith.constant 0 : i32
    %dma_start3A_626 = tpu.memref_slice %arg16[%dma_start3A_624, %dma_start3A_625] : memref<10112x16xf32, #tpu.memory_space<vmem_shared>> -> memref<10112x16xf32, #tpu.memory_space<vmem_shared>>
    tpu.enqueue_indirect_dma source(%arg14 : memref<80x16xf32, #tpu.memory_space<vmem>>) target(%dma_start3A_626 : memref<10112x16xf32, #tpu.memory_space<vmem_shared>>) offsets(%dma_start3A_623 : memref<80xi32, #tpu.memory_space<vmem>>) semaphore(%arg24 : memref<!tpu.dma_semaphore, #tpu.memory_space<semaphore_mem>>) {add = true}
    %dma_wait3A_627 = arith.constant 0 : i32
    %dma_wait3A_628 = arith.constant 0 : i32
    %dma_wait3A_629 = tpu.memref_slice %arg10[%dma_wait3A_627, %dma_wait3A_628] : memref<25x80xi32, #tpu.memory_space<vmem>> -> memref<1x80xi32, #tpu.memory_space<vmem>>
    %dma_wait3A_630 = tpu.memref_squeeze %dma_wait3A_629 : memref<1x80xi32, #tpu.memory_space<vmem>> -> memref<80xi32, #tpu.memory_space<vmem>>
    %dma_wait3A_631 = arith.constant 0 : i32
    %dma_wait3A_632 = arith.constant 0 : i32
    %dma_wait3A_633 = tpu.memref_slice %arg15[%dma_wait3A_631, %dma_wait3A_632] : memref<10112x128xf32, #tpu.memory_space<vmem_shared>> -> memref<10112x128xf32, #tpu.memory_space<vmem_shared>>
    tpu.wait_indirect_dma semaphore(%arg20 : memref<!tpu.dma_semaphore, #tpu.memory_space<semaphore_mem>>) src(%arg11 : memref<80x128xf32, #tpu.memory_space<vmem>>) dst(%dma_wait3A_633 : memref<10112x128xf32, #tpu.memory_space<vmem_shared>>)
    %dma_wait3A_634 = arith.constant 0 : i32
    %dma_wait3A_635 = arith.constant 0 : i32
    %dma_wait3A_636 = tpu.memref_slice %arg10[%dma_wait3A_634, %dma_wait3A_635] : memref<25x80xi32, #tpu.memory_space<vmem>> -> memref<1x80xi32, #tpu.memory_space<vmem>>
    %dma_wait3A_637 = tpu.memref_squeeze %dma_wait3A_636 : memref<1x80xi32, #tpu.memory_space<vmem>> -> memref<80xi32, #tpu.memory_space<vmem>>
    %dma_wait3A_638 = arith.constant 0 : i32
    %dma_wait3A_639 = arith.constant 0 : i32
    %dma_wait3A_640 = tpu.memref_slice %arg16[%dma_wait3A_638, %dma_wait3A_639] : memref<10112x16xf32, #tpu.memory_space<vmem_shared>> -> memref<10112x16xf32, #tpu.memory_space<vmem_shared>>
    tpu.wait_indirect_dma semaphore(%arg23 : memref<!tpu.dma_semaphore, #tpu.memory_space<semaphore_mem>>) src(%arg14 : memref<80x16xf32, #tpu.memory_space<vmem>>) dst(%dma_wait3A_640 : memref<10112x16xf32, #tpu.memory_space<vmem_shared>>)
    %dma_start3A_641 = arith.constant 3 : i32
    %dma_start3A_642 = arith.constant 0 : i32
    %dma_start3A_643 = tpu.memref_slice %arg9[%dma_start3A_641, %dma_start3A_642] : memref<25x80xi32, #tpu.memory_space<vmem>> -> memref<1x80xi32, #tpu.memory_space<vmem>>
    %dma_start3A_644 = tpu.memref_squeeze %dma_start3A_643 : memref<1x80xi32, #tpu.memory_space<vmem>> -> memref<80xi32, #tpu.memory_space<vmem>>
    %dma_start3A_645 = arith.constant 0 : i32
    %dma_start3A_646 = arith.constant 0 : i32
    %dma_start3A_647 = tpu.memref_slice %arg2[%dma_start3A_645, %dma_start3A_646] : memref<10000x128xf32, #tpu.memory_space<hbm>> -> memref<10000x128xf32, #tpu.memory_space<hbm>>
    tpu.enqueue_indirect_dma source(%dma_start3A_647 : memref<10000x128xf32, #tpu.memory_space<hbm>>) target(%arg11 : memref<80x128xf32, #tpu.memory_space<vmem>>) offsets(%dma_start3A_644 : memref<80xi32, #tpu.memory_space<vmem>>) semaphore(%arg17 : memref<!tpu.dma_semaphore, #tpu.memory_space<semaphore_mem>>)
    %scan3A_648 = arith.constant 0 : i32
    %scan3A_649 = arith.constant 7 : i32
    %scan3A_650 = arith.addi %scan3A_648, %scan3A_649 : i32
    %scan3A_651 = arith.constant 1 : i32
    scf.for %scan3A_919 = %scan3A_648 to %scan3A_650 step %scan3A_651  : i32 {
      %mul3A_920 = arith.constant 1 : i32
      %mul3A_921 = arith.muli %scan3A_919, %mul3A_920 : i32
      %add3A_922 = arith.constant 0 : i32
      %add3A_923 = arith.addi %add3A_922, %mul3A_921 : i32
      %mul3A_924 = arith.constant 3 : i32
      %mul3A_925 = arith.muli %add3A_923, %mul3A_924 : i32
      %add3A_926 = arith.constant 2 : i32
      %add3A_927 = arith.addi %add3A_926, %mul3A_925 : i32
      %add3A_928 = arith.constant 0 : i32
      %add3A_929 = arith.addi %add3A_927, %add3A_928 : i32
      %dma_wait3A_930 = arith.constant 0 : i32
      %dma_wait3A_931 = tpu.memref_slice %arg9[%add3A_929, %dma_wait3A_930] : memref<25x80xi32, #tpu.memory_space<vmem>> -> memref<1x80xi32, #tpu.memory_space<vmem>>
      %dma_wait3A_932 = tpu.memref_squeeze %dma_wait3A_931 : memref<1x80xi32, #tpu.memory_space<vmem>> -> memref<80xi32, #tpu.memory_space<vmem>>
      %dma_wait3A_933 = arith.constant 0 : i32
      %dma_wait3A_934 = arith.constant 0 : i32
      %dma_wait3A_935 = tpu.memref_slice %arg2[%dma_wait3A_933, %dma_wait3A_934] : memref<10000x128xf32, #tpu.memory_space<hbm>> -> memref<10000x128xf32, #tpu.memory_space<hbm>>
      tpu.wait_indirect_dma semaphore(%arg19 : memref<!tpu.dma_semaphore, #tpu.memory_space<semaphore_mem>>) src(%dma_wait3A_935 : memref<10000x128xf32, #tpu.memory_space<hbm>>) dst(%arg13 : memref<80x128xf32, #tpu.memory_space<vmem>>)
      %dma_start3A_936 = arith.constant 0 : i32
      %dma_start3A_937 = tpu.memref_slice %arg10[%add3A_929, %dma_start3A_936] : memref<25x80xi32, #tpu.memory_space<vmem>> -> memref<1x80xi32, #tpu.memory_space<vmem>>
      %dma_start3A_938 = tpu.memref_squeeze %dma_start3A_937 : memref<1x80xi32, #tpu.memory_space<vmem>> -> memref<80xi32, #tpu.memory_space<vmem>>
      %dma_start3A_939 = arith.constant 0 : i32
      %dma_start3A_940 = arith.constant 0 : i32
      %dma_start3A_941 = tpu.memref_slice %arg15[%dma_start3A_939, %dma_start3A_940] : memref<10112x128xf32, #tpu.memory_space<vmem_shared>> -> memref<10112x128xf32, #tpu.memory_space<vmem_shared>>
      tpu.enqueue_indirect_dma source(%arg13 : memref<80x128xf32, #tpu.memory_space<vmem>>) target(%dma_start3A_941 : memref<10112x128xf32, #tpu.memory_space<vmem_shared>>) offsets(%dma_start3A_938 : memref<80xi32, #tpu.memory_space<vmem>>) semaphore(%arg22 : memref<!tpu.dma_semaphore, #tpu.memory_space<semaphore_mem>>) {add = true}
      %dma_start3A_942 = arith.constant 0 : i32
      %dma_start3A_943 = tpu.memref_slice %arg10[%add3A_929, %dma_start3A_942] : memref<25x80xi32, #tpu.memory_space<vmem>> -> memref<1x80xi32, #tpu.memory_space<vmem>>
      %dma_start3A_944 = tpu.memref_squeeze %dma_start3A_943 : memref<1x80xi32, #tpu.memory_space<vmem>> -> memref<80xi32, #tpu.memory_space<vmem>>
      %dma_start3A_945 = arith.constant 0 : i32
      %dma_start3A_946 = arith.constant 0 : i32
      %dma_start3A_947 = tpu.memref_slice %arg16[%dma_start3A_945, %dma_start3A_946] : memref<10112x16xf32, #tpu.memory_space<vmem_shared>> -> memref<10112x16xf32, #tpu.memory_space<vmem_shared>>
      tpu.enqueue_indirect_dma source(%arg14 : memref<80x16xf32, #tpu.memory_space<vmem>>) target(%dma_start3A_947 : memref<10112x16xf32, #tpu.memory_space<vmem_shared>>) offsets(%dma_start3A_944 : memref<80xi32, #tpu.memory_space<vmem>>) semaphore(%arg25 : memref<!tpu.dma_semaphore, #tpu.memory_space<semaphore_mem>>) {add = true}
      %sub3A = arith.constant 1 : i32
      %sub3A_948 = arith.subi %add3A_929, %sub3A : i32
      %dma_wait3A_949 = arith.constant 0 : i32
      %dma_wait3A_950 = tpu.memref_slice %arg10[%sub3A_948, %dma_wait3A_949] : memref<25x80xi32, #tpu.memory_space<vmem>> -> memref<1x80xi32, #tpu.memory_space<vmem>>
      %dma_wait3A_951 = tpu.memref_squeeze %dma_wait3A_950 : memref<1x80xi32, #tpu.memory_space<vmem>> -> memref<80xi32, #tpu.memory_space<vmem>>
      %dma_wait3A_952 = arith.constant 0 : i32
      %dma_wait3A_953 = arith.constant 0 : i32
      %dma_wait3A_954 = tpu.memref_slice %arg15[%dma_wait3A_952, %dma_wait3A_953] : memref<10112x128xf32, #tpu.memory_space<vmem_shared>> -> memref<10112x128xf32, #tpu.memory_space<vmem_shared>>
      tpu.wait_indirect_dma semaphore(%arg21 : memref<!tpu.dma_semaphore, #tpu.memory_space<semaphore_mem>>) src(%arg12 : memref<80x128xf32, #tpu.memory_space<vmem>>) dst(%dma_wait3A_954 : memref<10112x128xf32, #tpu.memory_space<vmem_shared>>)
      %dma_wait3A_955 = arith.constant 0 : i32
      %dma_wait3A_956 = tpu.memref_slice %arg10[%sub3A_948, %dma_wait3A_955] : memref<25x80xi32, #tpu.memory_space<vmem>> -> memref<1x80xi32, #tpu.memory_space<vmem>>
      %dma_wait3A_957 = tpu.memref_squeeze %dma_wait3A_956 : memref<1x80xi32, #tpu.memory_space<vmem>> -> memref<80xi32, #tpu.memory_space<vmem>>
      %dma_wait3A_958 = arith.constant 0 : i32
      %dma_wait3A_959 = arith.constant 0 : i32
      %dma_wait3A_960 = tpu.memref_slice %arg16[%dma_wait3A_958, %dma_wait3A_959] : memref<10112x16xf32, #tpu.memory_space<vmem_shared>> -> memref<10112x16xf32, #tpu.memory_space<vmem_shared>>
      tpu.wait_indirect_dma semaphore(%arg24 : memref<!tpu.dma_semaphore, #tpu.memory_space<semaphore_mem>>) src(%arg14 : memref<80x16xf32, #tpu.memory_space<vmem>>) dst(%dma_wait3A_960 : memref<10112x16xf32, #tpu.memory_space<vmem_shared>>)
      %add3A_961 = arith.constant 2 : i32
      %add3A_962 = arith.addi %add3A_929, %add3A_961 : i32
      %dma_start3A_963 = arith.constant 0 : i32
      %dma_start3A_964 = tpu.memref_slice %arg9[%add3A_962, %dma_start3A_963] : memref<25x80xi32, #tpu.memory_space<vmem>> -> memref<1x80xi32, #tpu.memory_space<vmem>>
      %dma_start3A_965 = tpu.memref_squeeze %dma_start3A_964 : memref<1x80xi32, #tpu.memory_space<vmem>> -> memref<80xi32, #tpu.memory_space<vmem>>
      %dma_start3A_966 = arith.constant 0 : i32
      %dma_start3A_967 = arith.constant 0 : i32
      %dma_start3A_968 = tpu.memref_slice %arg2[%dma_start3A_966, %dma_start3A_967] : memref<10000x128xf32, #tpu.memory_space<hbm>> -> memref<10000x128xf32, #tpu.memory_space<hbm>>
      tpu.enqueue_indirect_dma source(%dma_start3A_968 : memref<10000x128xf32, #tpu.memory_space<hbm>>) target(%arg12 : memref<80x128xf32, #tpu.memory_space<vmem>>) offsets(%dma_start3A_965 : memref<80xi32, #tpu.memory_space<vmem>>) semaphore(%arg18 : memref<!tpu.dma_semaphore, #tpu.memory_space<semaphore_mem>>)
      %mul3A_969 = arith.constant 3 : i32
      %mul3A_970 = arith.muli %add3A_923, %mul3A_969 : i32
      %add3A_971 = arith.constant 2 : i32
      %add3A_972 = arith.addi %add3A_971, %mul3A_970 : i32
      %add3A_973 = arith.constant 1 : i32
      %add3A_974 = arith.addi %add3A_972, %add3A_973 : i32
      %dma_wait3A_975 = arith.constant 0 : i32
      %dma_wait3A_976 = tpu.memref_slice %arg9[%add3A_974, %dma_wait3A_975] : memref<25x80xi32, #tpu.memory_space<vmem>> -> memref<1x80xi32, #tpu.memory_space<vmem>>
      %dma_wait3A_977 = tpu.memref_squeeze %dma_wait3A_976 : memref<1x80xi32, #tpu.memory_space<vmem>> -> memref<80xi32, #tpu.memory_space<vmem>>
      %dma_wait3A_978 = arith.constant 0 : i32
      %dma_wait3A_979 = arith.constant 0 : i32
      %dma_wait3A_980 = tpu.memref_slice %arg2[%dma_wait3A_978, %dma_wait3A_979] : memref<10000x128xf32, #tpu.memory_space<hbm>> -> memref<10000x128xf32, #tpu.memory_space<hbm>>
      tpu.wait_indirect_dma semaphore(%arg17 : memref<!tpu.dma_semaphore, #tpu.memory_space<semaphore_mem>>) src(%dma_wait3A_980 : memref<10000x128xf32, #tpu.memory_space<hbm>>) dst(%arg11 : memref<80x128xf32, #tpu.memory_space<vmem>>)
      %dma_start3A_981 = arith.constant 0 : i32
      %dma_start3A_982 = tpu.memref_slice %arg10[%add3A_974, %dma_start3A_981] : memref<25x80xi32, #tpu.memory_space<vmem>> -> memref<1x80xi32, #tpu.memory_space<vmem>>
      %dma_start3A_983 = tpu.memref_squeeze %dma_start3A_982 : memref<1x80xi32, #tpu.memory_space<vmem>> -> memref<80xi32, #tpu.memory_space<vmem>>
      %dma_start3A_984 = arith.constant 0 : i32
      %dma_start3A_985 = arith.constant 0 : i32
      %dma_start3A_986 = tpu.memref_slice %arg15[%dma_start3A_984, %dma_start3A_985] : memref<10112x128xf32, #tpu.memory_space<vmem_shared>> -> memref<10112x128xf32, #tpu.memory_space<vmem_shared>>
      tpu.enqueue_indirect_dma source(%arg11 : memref<80x128xf32, #tpu.memory_space<vmem>>) target(%dma_start3A_986 : memref<10112x128xf32, #tpu.memory_space<vmem_shared>>) offsets(%dma_start3A_983 : memref<80xi32, #tpu.memory_space<vmem>>) semaphore(%arg20 : memref<!tpu.dma_semaphore, #tpu.memory_space<semaphore_mem>>) {add = true}
      %dma_start3A_987 = arith.constant 0 : i32
      %dma_start3A_988 = tpu.memref_slice %arg10[%add3A_974, %dma_start3A_987] : memref<25x80xi32, #tpu.memory_space<vmem>> -> memref<1x80xi32, #tpu.memory_space<vmem>>
      %dma_start3A_989 = tpu.memref_squeeze %dma_start3A_988 : memref<1x80xi32, #tpu.memory_space<vmem>> -> memref<80xi32, #tpu.memory_space<vmem>>
      %dma_start3A_990 = arith.constant 0 : i32
      %dma_start3A_991 = arith.constant 0 : i32
      %dma_start3A_992 = tpu.memref_slice %arg16[%dma_start3A_990, %dma_start3A_991] : memref<10112x16xf32, #tpu.memory_space<vmem_shared>> -> memref<10112x16xf32, #tpu.memory_space<vmem_shared>>
      tpu.enqueue_indirect_dma source(%arg14 : memref<80x16xf32, #tpu.memory_space<vmem>>) target(%dma_start3A_992 : memref<10112x16xf32, #tpu.memory_space<vmem_shared>>) offsets(%dma_start3A_989 : memref<80xi32, #tpu.memory_space<vmem>>) semaphore(%arg23 : memref<!tpu.dma_semaphore, #tpu.memory_space<semaphore_mem>>) {add = true}
      %sub3A_993 = arith.constant 1 : i32
      %sub3A_994 = arith.subi %add3A_974, %sub3A_993 : i32
      %dma_wait3A_995 = arith.constant 0 : i32
      %dma_wait3A_996 = tpu.memref_slice %arg10[%sub3A_994, %dma_wait3A_995] : memref<25x80xi32, #tpu.memory_space<vmem>> -> memref<1x80xi32, #tpu.memory_space<vmem>>
      %dma_wait3A_997 = tpu.memref_squeeze %dma_wait3A_996 : memref<1x80xi32, #tpu.memory_space<vmem>> -> memref<80xi32, #tpu.memory_space<vmem>>
      %dma_wait3A_998 = arith.constant 0 : i32
      %dma_wait3A_999 = arith.constant 0 : i32
      %dma_wait3A_1000 = tpu.memref_slice %arg15[%dma_wait3A_998, %dma_wait3A_999] : memref<10112x128xf32, #tpu.memory_space<vmem_shared>> -> memref<10112x128xf32, #tpu.memory_space<vmem_shared>>
      tpu.wait_indirect_dma semaphore(%arg22 : memref<!tpu.dma_semaphore, #tpu.memory_space<semaphore_mem>>) src(%arg13 : memref<80x128xf32, #tpu.memory_space<vmem>>) dst(%dma_wait3A_1000 : memref<10112x128xf32, #tpu.memory_space<vmem_shared>>)
      %dma_wait3A_1001 = arith.constant 0 : i32
      %dma_wait3A_1002 = tpu.memref_slice %arg10[%sub3A_994, %dma_wait3A_1001] : memref<25x80xi32, #tpu.memory_space<vmem>> -> memref<1x80xi32, #tpu.memory_space<vmem>>
      %dma_wait3A_1003 = tpu.memref_squeeze %dma_wait3A_1002 : memref<1x80xi32, #tpu.memory_space<vmem>> -> memref<80xi32, #tpu.memory_space<vmem>>
      %dma_wait3A_1004 = arith.constant 0 : i32
      %dma_wait3A_1005 = arith.constant 0 : i32
      %dma_wait3A_1006 = tpu.memref_slice %arg16[%dma_wait3A_1004, %dma_wait3A_1005] : memref<10112x16xf32, #tpu.memory_space<vmem_shared>> -> memref<10112x16xf32, #tpu.memory_space<vmem_shared>>
      tpu.wait_indirect_dma semaphore(%arg25 : memref<!tpu.dma_semaphore, #tpu.memory_space<semaphore_mem>>) src(%arg14 : memref<80x16xf32, #tpu.memory_space<vmem>>) dst(%dma_wait3A_1006 : memref<10112x16xf32, #tpu.memory_space<vmem_shared>>)
      %add3A_1007 = arith.constant 2 : i32
      %add3A_1008 = arith.addi %add3A_974, %add3A_1007 : i32
      %dma_start3A_1009 = arith.constant 0 : i32
      %dma_start3A_1010 = tpu.memref_slice %arg9[%add3A_1008, %dma_start3A_1009] : memref<25x80xi32, #tpu.memory_space<vmem>> -> memref<1x80xi32, #tpu.memory_space<vmem>>
      %dma_start3A_1011 = tpu.memref_squeeze %dma_start3A_1010 : memref<1x80xi32, #tpu.memory_space<vmem>> -> memref<80xi32, #tpu.memory_space<vmem>>
      %dma_start3A_1012 = arith.constant 0 : i32
      %dma_start3A_1013 = arith.constant 0 : i32
      %dma_start3A_1014 = tpu.memref_slice %arg2[%dma_start3A_1012, %dma_start3A_1013] : memref<10000x128xf32, #tpu.memory_space<hbm>> -> memref<10000x128xf32, #tpu.memory_space<hbm>>
      tpu.enqueue_indirect_dma source(%dma_start3A_1014 : memref<10000x128xf32, #tpu.memory_space<hbm>>) target(%arg13 : memref<80x128xf32, #tpu.memory_space<vmem>>) offsets(%dma_start3A_1011 : memref<80xi32, #tpu.memory_space<vmem>>) semaphore(%arg19 : memref<!tpu.dma_semaphore, #tpu.memory_space<semaphore_mem>>)
      %mul3A_1015 = arith.constant 3 : i32
      %mul3A_1016 = arith.muli %add3A_923, %mul3A_1015 : i32
      %add3A_1017 = arith.constant 2 : i32
      %add3A_1018 = arith.addi %add3A_1017, %mul3A_1016 : i32
      %add3A_1019 = arith.constant 2 : i32
      %add3A_1020 = arith.addi %add3A_1018, %add3A_1019 : i32
      %dma_wait3A_1021 = arith.constant 0 : i32
      %dma_wait3A_1022 = tpu.memref_slice %arg9[%add3A_1020, %dma_wait3A_1021] : memref<25x80xi32, #tpu.memory_space<vmem>> -> memref<1x80xi32, #tpu.memory_space<vmem>>
      %dma_wait3A_1023 = tpu.memref_squeeze %dma_wait3A_1022 : memref<1x80xi32, #tpu.memory_space<vmem>> -> memref<80xi32, #tpu.memory_space<vmem>>
      %dma_wait3A_1024 = arith.constant 0 : i32
      %dma_wait3A_1025 = arith.constant 0 : i32
      %dma_wait3A_1026 = tpu.memref_slice %arg2[%dma_wait3A_1024, %dma_wait3A_1025] : memref<10000x128xf32, #tpu.memory_space<hbm>> -> memref<10000x128xf32, #tpu.memory_space<hbm>>
      tpu.wait_indirect_dma semaphore(%arg18 : memref<!tpu.dma_semaphore, #tpu.memory_space<semaphore_mem>>) src(%dma_wait3A_1026 : memref<10000x128xf32, #tpu.memory_space<hbm>>) dst(%arg12 : memref<80x128xf32, #tpu.memory_space<vmem>>)
      %dma_start3A_1027 = arith.constant 0 : i32
      %dma_start3A_1028 = tpu.memref_slice %arg10[%add3A_1020, %dma_start3A_1027] : memref<25x80xi32, #tpu.memory_space<vmem>> -> memref<1x80xi32, #tpu.memory_space<vmem>>
      %dma_start3A_1029 = tpu.memref_squeeze %dma_start3A_1028 : memref<1x80xi32, #tpu.memory_space<vmem>> -> memref<80xi32, #tpu.memory_space<vmem>>
      %dma_start3A_1030 = arith.constant 0 : i32
      %dma_start3A_1031 = arith.constant 0 : i32
      %dma_start3A_1032 = tpu.memref_slice %arg15[%dma_start3A_1030, %dma_start3A_1031] : memref<10112x128xf32, #tpu.memory_space<vmem_shared>> -> memref<10112x128xf32, #tpu.memory_space<vmem_shared>>
      tpu.enqueue_indirect_dma source(%arg12 : memref<80x128xf32, #tpu.memory_space<vmem>>) target(%dma_start3A_1032 : memref<10112x128xf32, #tpu.memory_space<vmem_shared>>) offsets(%dma_start3A_1029 : memref<80xi32, #tpu.memory_space<vmem>>) semaphore(%arg21 : memref<!tpu.dma_semaphore, #tpu.memory_space<semaphore_mem>>) {add = true}
      %dma_start3A_1033 = arith.constant 0 : i32
      %dma_start3A_1034 = tpu.memref_slice %arg10[%add3A_1020, %dma_start3A_1033] : memref<25x80xi32, #tpu.memory_space<vmem>> -> memref<1x80xi32, #tpu.memory_space<vmem>>
      %dma_start3A_1035 = tpu.memref_squeeze %dma_start3A_1034 : memref<1x80xi32, #tpu.memory_space<vmem>> -> memref<80xi32, #tpu.memory_space<vmem>>
      %dma_start3A_1036 = arith.constant 0 : i32
      %dma_start3A_1037 = arith.constant 0 : i32
      %dma_start3A_1038 = tpu.memref_slice %arg16[%dma_start3A_1036, %dma_start3A_1037] : memref<10112x16xf32, #tpu.memory_space<vmem_shared>> -> memref<10112x16xf32, #tpu.memory_space<vmem_shared>>
      tpu.enqueue_indirect_dma source(%arg14 : memref<80x16xf32, #tpu.memory_space<vmem>>) target(%dma_start3A_1038 : memref<10112x16xf32, #tpu.memory_space<vmem_shared>>) offsets(%dma_start3A_1035 : memref<80xi32, #tpu.memory_space<vmem>>) semaphore(%arg24 : memref<!tpu.dma_semaphore, #tpu.memory_space<semaphore_mem>>) {add = true}
      %sub3A_1039 = arith.constant 1 : i32
      %sub3A_1040 = arith.subi %add3A_1020, %sub3A_1039 : i32
      %dma_wait3A_1041 = arith.constant 0 : i32
      %dma_wait3A_1042 = tpu.memref_slice %arg10[%sub3A_1040, %dma_wait3A_1041] : memref<25x80xi32, #tpu.memory_space<vmem>> -> memref<1x80xi32, #tpu.memory_space<vmem>>
      %dma_wait3A_1043 = tpu.memref_squeeze %dma_wait3A_1042 : memref<1x80xi32, #tpu.memory_space<vmem>> -> memref<80xi32, #tpu.memory_space<vmem>>
      %dma_wait3A_1044 = arith.constant 0 : i32
      %dma_wait3A_1045 = arith.constant 0 : i32
      %dma_wait3A_1046 = tpu.memref_slice %arg15[%dma_wait3A_1044, %dma_wait3A_1045] : memref<10112x128xf32, #tpu.memory_space<vmem_shared>> -> memref<10112x128xf32, #tpu.memory_space<vmem_shared>>
      tpu.wait_indirect_dma semaphore(%arg20 : memref<!tpu.dma_semaphore, #tpu.memory_space<semaphore_mem>>) src(%arg11 : memref<80x128xf32, #tpu.memory_space<vmem>>) dst(%dma_wait3A_1046 : memref<10112x128xf32, #tpu.memory_space<vmem_shared>>)
      %dma_wait3A_1047 = arith.constant 0 : i32
      %dma_wait3A_1048 = tpu.memref_slice %arg10[%sub3A_1040, %dma_wait3A_1047] : memref<25x80xi32, #tpu.memory_space<vmem>> -> memref<1x80xi32, #tpu.memory_space<vmem>>
      %dma_wait3A_1049 = tpu.memref_squeeze %dma_wait3A_1048 : memref<1x80xi32, #tpu.memory_space<vmem>> -> memref<80xi32, #tpu.memory_space<vmem>>
      %dma_wait3A_1050 = arith.constant 0 : i32
      %dma_wait3A_1051 = arith.constant 0 : i32
      %dma_wait3A_1052 = tpu.memref_slice %arg16[%dma_wait3A_1050, %dma_wait3A_1051] : memref<10112x16xf32, #tpu.memory_space<vmem_shared>> -> memref<10112x16xf32, #tpu.memory_space<vmem_shared>>
      tpu.wait_indirect_dma semaphore(%arg23 : memref<!tpu.dma_semaphore, #tpu.memory_space<semaphore_mem>>) src(%arg14 : memref<80x16xf32, #tpu.memory_space<vmem>>) dst(%dma_wait3A_1052 : memref<10112x16xf32, #tpu.memory_space<vmem_shared>>)
      %add3A_1053 = arith.constant 2 : i32
      %add3A_1054 = arith.addi %add3A_1020, %add3A_1053 : i32
      %dma_start3A_1055 = arith.constant 0 : i32
      %dma_start3A_1056 = tpu.memref_slice %arg9[%add3A_1054, %dma_start3A_1055] : memref<25x80xi32, #tpu.memory_space<vmem>> -> memref<1x80xi32, #tpu.memory_space<vmem>>
      %dma_start3A_1057 = tpu.memref_squeeze %dma_start3A_1056 : memref<1x80xi32, #tpu.memory_space<vmem>> -> memref<80xi32, #tpu.memory_space<vmem>>
      %dma_start3A_1058 = arith.constant 0 : i32
      %dma_start3A_1059 = arith.constant 0 : i32
      %dma_start3A_1060 = tpu.memref_slice %arg2[%dma_start3A_1058, %dma_start3A_1059] : memref<10000x128xf32, #tpu.memory_space<hbm>> -> memref<10000x128xf32, #tpu.memory_space<hbm>>
      tpu.enqueue_indirect_dma source(%dma_start3A_1060 : memref<10000x128xf32, #tpu.memory_space<hbm>>) target(%arg11 : memref<80x128xf32, #tpu.memory_space<vmem>>) offsets(%dma_start3A_1057 : memref<80xi32, #tpu.memory_space<vmem>>) semaphore(%arg17 : memref<!tpu.dma_semaphore, #tpu.memory_space<semaphore_mem>>)
    }
    %scan3A_652 = arith.constant 7 : i32
    %dma_wait3A_653 = arith.constant 23 : i32
    %dma_wait3A_654 = arith.constant 0 : i32
    %dma_wait3A_655 = tpu.memref_slice %arg9[%dma_wait3A_653, %dma_wait3A_654] : memref<25x80xi32, #tpu.memory_space<vmem>> -> memref<1x80xi32, #tpu.memory_space<vmem>>
    %dma_wait3A_656 = tpu.memref_squeeze %dma_wait3A_655 : memref<1x80xi32, #tpu.memory_space<vmem>> -> memref<80xi32, #tpu.memory_space<vmem>>
    %dma_wait3A_657 = arith.constant 0 : i32
    %dma_wait3A_658 = arith.constant 0 : i32
    %dma_wait3A_659 = tpu.memref_slice %arg2[%dma_wait3A_657, %dma_wait3A_658] : memref<10000x128xf32, #tpu.memory_space<hbm>> -> memref<10000x128xf32, #tpu.memory_space<hbm>>
    tpu.wait_indirect_dma semaphore(%arg19 : memref<!tpu.dma_semaphore, #tpu.memory_space<semaphore_mem>>) src(%dma_wait3A_659 : memref<10000x128xf32, #tpu.memory_space<hbm>>) dst(%arg13 : memref<80x128xf32, #tpu.memory_space<vmem>>)
    %dma_start3A_660 = arith.constant 23 : i32
    %dma_start3A_661 = arith.constant 0 : i32
    %dma_start3A_662 = tpu.memref_slice %arg10[%dma_start3A_660, %dma_start3A_661] : memref<25x80xi32, #tpu.memory_space<vmem>> -> memref<1x80xi32, #tpu.memory_space<vmem>>
    %dma_start3A_663 = tpu.memref_squeeze %dma_start3A_662 : memref<1x80xi32, #tpu.memory_space<vmem>> -> memref<80xi32, #tpu.memory_space<vmem>>
    %dma_start3A_664 = arith.constant 0 : i32
    %dma_start3A_665 = arith.constant 0 : i32
    %dma_start3A_666 = tpu.memref_slice %arg15[%dma_start3A_664, %dma_start3A_665] : memref<10112x128xf32, #tpu.memory_space<vmem_shared>> -> memref<10112x128xf32, #tpu.memory_space<vmem_shared>>
    tpu.enqueue_indirect_dma source(%arg13 : memref<80x128xf32, #tpu.memory_space<vmem>>) target(%dma_start3A_666 : memref<10112x128xf32, #tpu.memory_space<vmem_shared>>) offsets(%dma_start3A_663 : memref<80xi32, #tpu.memory_space<vmem>>) semaphore(%arg22 : memref<!tpu.dma_semaphore, #tpu.memory_space<semaphore_mem>>) {add = true}
    %dma_start3A_667 = arith.constant 23 : i32
    %dma_start3A_668 = arith.constant 0 : i32
    %dma_start3A_669 = tpu.memref_slice %arg10[%dma_start3A_667, %dma_start3A_668] : memref<25x80xi32, #tpu.memory_space<vmem>> -> memref<1x80xi32, #tpu.memory_space<vmem>>
    %dma_start3A_670 = tpu.memref_squeeze %dma_start3A_669 : memref<1x80xi32, #tpu.memory_space<vmem>> -> memref<80xi32, #tpu.memory_space<vmem>>
    %dma_start3A_671 = arith.constant 0 : i32
    %dma_start3A_672 = arith.constant 0 : i32
    %dma_start3A_673 = tpu.memref_slice %arg16[%dma_start3A_671, %dma_start3A_672] : memref<10112x16xf32, #tpu.memory_space<vmem_shared>> -> memref<10112x16xf32, #tpu.memory_space<vmem_shared>>
    tpu.enqueue_indirect_dma source(%arg14 : memref<80x16xf32, #tpu.memory_space<vmem>>) target(%dma_start3A_673 : memref<10112x16xf32, #tpu.memory_space<vmem_shared>>) offsets(%dma_start3A_670 : memref<80xi32, #tpu.memory_space<vmem>>) semaphore(%arg25 : memref<!tpu.dma_semaphore, #tpu.memory_space<semaphore_mem>>) {add = true}
    %dma_wait3A_674 = arith.constant 22 : i32
    %dma_wait3A_675 = arith.constant 0 : i32
    %dma_wait3A_676 = tpu.memref_slice %arg10[%dma_wait3A_674, %dma_wait3A_675] : memref<25x80xi32, #tpu.memory_space<vmem>> -> memref<1x80xi32, #tpu.memory_space<vmem>>
    %dma_wait3A_677 = tpu.memref_squeeze %dma_wait3A_676 : memref<1x80xi32, #tpu.memory_space<vmem>> -> memref<80xi32, #tpu.memory_space<vmem>>
    %dma_wait3A_678 = arith.constant 0 : i32
    %dma_wait3A_679 = arith.constant 0 : i32
    %dma_wait3A_680 = tpu.memref_slice %arg15[%dma_wait3A_678, %dma_wait3A_679] : memref<10112x128xf32, #tpu.memory_space<vmem_shared>> -> memref<10112x128xf32, #tpu.memory_space<vmem_shared>>
    tpu.wait_indirect_dma semaphore(%arg21 : memref<!tpu.dma_semaphore, #tpu.memory_space<semaphore_mem>>) src(%arg12 : memref<80x128xf32, #tpu.memory_space<vmem>>) dst(%dma_wait3A_680 : memref<10112x128xf32, #tpu.memory_space<vmem_shared>>)
    %dma_wait3A_681 = arith.constant 22 : i32
    %dma_wait3A_682 = arith.constant 0 : i32
    %dma_wait3A_683 = tpu.memref_slice %arg10[%dma_wait3A_681, %dma_wait3A_682] : memref<25x80xi32, #tpu.memory_space<vmem>> -> memref<1x80xi32, #tpu.memory_space<vmem>>
    %dma_wait3A_684 = tpu.memref_squeeze %dma_wait3A_683 : memref<1x80xi32, #tpu.memory_space<vmem>> -> memref<80xi32, #tpu.memory_space<vmem>>
    %dma_wait3A_685 = arith.constant 0 : i32
    %dma_wait3A_686 = arith.constant 0 : i32
    %dma_wait3A_687 = tpu.memref_slice %arg16[%dma_wait3A_685, %dma_wait3A_686] : memref<10112x16xf32, #tpu.memory_space<vmem_shared>> -> memref<10112x16xf32, #tpu.memory_space<vmem_shared>>
    tpu.wait_indirect_dma semaphore(%arg24 : memref<!tpu.dma_semaphore, #tpu.memory_space<semaphore_mem>>) src(%arg14 : memref<80x16xf32, #tpu.memory_space<vmem>>) dst(%dma_wait3A_687 : memref<10112x16xf32, #tpu.memory_space<vmem_shared>>)
    %dma_wait3A_688 = arith.constant 24 : i32
    %dma_wait3A_689 = arith.constant 0 : i32
    %dma_wait3A_690 = tpu.memref_slice %arg9[%dma_wait3A_688, %dma_wait3A_689] : memref<25x80xi32, #tpu.memory_space<vmem>> -> memref<1x80xi32, #tpu.memory_space<vmem>>
    %dma_wait3A_691 = tpu.memref_squeeze %dma_wait3A_690 : memref<1x80xi32, #tpu.memory_space<vmem>> -> memref<80xi32, #tpu.memory_space<vmem>>
    %dma_wait3A_692 = arith.constant 0 : i32
    %dma_wait3A_693 = arith.constant 0 : i32
    %dma_wait3A_694 = tpu.memref_slice %arg2[%dma_wait3A_692, %dma_wait3A_693] : memref<10000x128xf32, #tpu.memory_space<hbm>> -> memref<10000x128xf32, #tpu.memory_space<hbm>>
    tpu.wait_indirect_dma semaphore(%arg17 : memref<!tpu.dma_semaphore, #tpu.memory_space<semaphore_mem>>) src(%dma_wait3A_694 : memref<10000x128xf32, #tpu.memory_space<hbm>>) dst(%arg11 : memref<80x128xf32, #tpu.memory_space<vmem>>)
    %dma_start3A_695 = arith.constant 24 : i32
    %dma_start3A_696 = arith.constant 0 : i32
    %dma_start3A_697 = tpu.memref_slice %arg10[%dma_start3A_695, %dma_start3A_696] : memref<25x80xi32, #tpu.memory_space<vmem>> -> memref<1x80xi32, #tpu.memory_space<vmem>>
    %dma_start3A_698 = tpu.memref_squeeze %dma_start3A_697 : memref<1x80xi32, #tpu.memory_space<vmem>> -> memref<80xi32, #tpu.memory_space<vmem>>
    %dma_start3A_699 = arith.constant 0 : i32
    %dma_start3A_700 = arith.constant 0 : i32
    %dma_start3A_701 = tpu.memref_slice %arg15[%dma_start3A_699, %dma_start3A_700] : memref<10112x128xf32, #tpu.memory_space<vmem_shared>> -> memref<10112x128xf32, #tpu.memory_space<vmem_shared>>
    tpu.enqueue_indirect_dma source(%arg11 : memref<80x128xf32, #tpu.memory_space<vmem>>) target(%dma_start3A_701 : memref<10112x128xf32, #tpu.memory_space<vmem_shared>>) offsets(%dma_start3A_698 : memref<80xi32, #tpu.memory_space<vmem>>) semaphore(%arg20 : memref<!tpu.dma_semaphore, #tpu.memory_space<semaphore_mem>>) {add = true}
    %dma_start3A_702 = arith.constant 24 : i32
    %dma_start3A_703 = arith.constant 0 : i32
    %dma_start3A_704 = tpu.memref_slice %arg10[%dma_start3A_702, %dma_start3A_703] : memref<25x80xi32, #tpu.memory_space<vmem>> -> memref<1x80xi32, #tpu.memory_space<vmem>>
    %dma_start3A_705 = tpu.memref_squeeze %dma_start3A_704 : memref<1x80xi32, #tpu.memory_space<vmem>> -> memref<80xi32, #tpu.memory_space<vmem>>
    %dma_start3A_706 = arith.constant 0 : i32
    %dma_start3A_707 = arith.constant 0 : i32
    %dma_start3A_708 = tpu.memref_slice %arg16[%dma_start3A_706, %dma_start3A_707] : memref<10112x16xf32, #tpu.memory_space<vmem_shared>> -> memref<10112x16xf32, #tpu.memory_space<vmem_shared>>
    tpu.enqueue_indirect_dma source(%arg14 : memref<80x16xf32, #tpu.memory_space<vmem>>) target(%dma_start3A_708 : memref<10112x16xf32, #tpu.memory_space<vmem_shared>>) offsets(%dma_start3A_705 : memref<80xi32, #tpu.memory_space<vmem>>) semaphore(%arg23 : memref<!tpu.dma_semaphore, #tpu.memory_space<semaphore_mem>>) {add = true}
    %dma_wait3A_709 = arith.constant 23 : i32
    %dma_wait3A_710 = arith.constant 0 : i32
    %dma_wait3A_711 = tpu.memref_slice %arg10[%dma_wait3A_709, %dma_wait3A_710] : memref<25x80xi32, #tpu.memory_space<vmem>> -> memref<1x80xi32, #tpu.memory_space<vmem>>
    %dma_wait3A_712 = tpu.memref_squeeze %dma_wait3A_711 : memref<1x80xi32, #tpu.memory_space<vmem>> -> memref<80xi32, #tpu.memory_space<vmem>>
    %dma_wait3A_713 = arith.constant 0 : i32
    %dma_wait3A_714 = arith.constant 0 : i32
    %dma_wait3A_715 = tpu.memref_slice %arg15[%dma_wait3A_713, %dma_wait3A_714] : memref<10112x128xf32, #tpu.memory_space<vmem_shared>> -> memref<10112x128xf32, #tpu.memory_space<vmem_shared>>
    tpu.wait_indirect_dma semaphore(%arg22 : memref<!tpu.dma_semaphore, #tpu.memory_space<semaphore_mem>>) src(%arg13 : memref<80x128xf32, #tpu.memory_space<vmem>>) dst(%dma_wait3A_715 : memref<10112x128xf32, #tpu.memory_space<vmem_shared>>)
    %dma_wait3A_716 = arith.constant 23 : i32
    %dma_wait3A_717 = arith.constant 0 : i32
    %dma_wait3A_718 = tpu.memref_slice %arg10[%dma_wait3A_716, %dma_wait3A_717] : memref<25x80xi32, #tpu.memory_space<vmem>> -> memref<1x80xi32, #tpu.memory_space<vmem>>
    %dma_wait3A_719 = tpu.memref_squeeze %dma_wait3A_718 : memref<1x80xi32, #tpu.memory_space<vmem>> -> memref<80xi32, #tpu.memory_space<vmem>>
    %dma_wait3A_720 = arith.constant 0 : i32
    %dma_wait3A_721 = arith.constant 0 : i32
    %dma_wait3A_722 = tpu.memref_slice %arg16[%dma_wait3A_720, %dma_wait3A_721] : memref<10112x16xf32, #tpu.memory_space<vmem_shared>> -> memref<10112x16xf32, #tpu.memory_space<vmem_shared>>
    tpu.wait_indirect_dma semaphore(%arg25 : memref<!tpu.dma_semaphore, #tpu.memory_space<semaphore_mem>>) src(%arg14 : memref<80x16xf32, #tpu.memory_space<vmem>>) dst(%dma_wait3A_722 : memref<10112x16xf32, #tpu.memory_space<vmem_shared>>)
    %dma_wait3A_723 = arith.constant 24 : i32
    %dma_wait3A_724 = arith.constant 0 : i32
    %dma_wait3A_725 = tpu.memref_slice %arg10[%dma_wait3A_723, %dma_wait3A_724] : memref<25x80xi32, #tpu.memory_space<vmem>> -> memref<1x80xi32, #tpu.memory_space<vmem>>
    %dma_wait3A_726 = tpu.memref_squeeze %dma_wait3A_725 : memref<1x80xi32, #tpu.memory_space<vmem>> -> memref<80xi32, #tpu.memory_space<vmem>>
    %dma_wait3A_727 = arith.constant 0 : i32
    %dma_wait3A_728 = arith.constant 0 : i32
    %dma_wait3A_729 = tpu.memref_slice %arg15[%dma_wait3A_727, %dma_wait3A_728] : memref<10112x128xf32, #tpu.memory_space<vmem_shared>> -> memref<10112x128xf32, #tpu.memory_space<vmem_shared>>
    tpu.wait_indirect_dma semaphore(%arg20 : memref<!tpu.dma_semaphore, #tpu.memory_space<semaphore_mem>>) src(%arg11 : memref<80x128xf32, #tpu.memory_space<vmem>>) dst(%dma_wait3A_729 : memref<10112x128xf32, #tpu.memory_space<vmem_shared>>)
    %dma_wait3A_730 = arith.constant 24 : i32
    %dma_wait3A_731 = arith.constant 0 : i32
    %dma_wait3A_732 = tpu.memref_slice %arg10[%dma_wait3A_730, %dma_wait3A_731] : memref<25x80xi32, #tpu.memory_space<vmem>> -> memref<1x80xi32, #tpu.memory_space<vmem>>
    %dma_wait3A_733 = tpu.memref_squeeze %dma_wait3A_732 : memref<1x80xi32, #tpu.memory_space<vmem>> -> memref<80xi32, #tpu.memory_space<vmem>>
    %dma_wait3A_734 = arith.constant 0 : i32
    %dma_wait3A_735 = arith.constant 0 : i32
    %dma_wait3A_736 = tpu.memref_slice %arg16[%dma_wait3A_734, %dma_wait3A_735] : memref<10112x16xf32, #tpu.memory_space<vmem_shared>> -> memref<10112x16xf32, #tpu.memory_space<vmem_shared>>
    tpu.wait_indirect_dma semaphore(%arg23 : memref<!tpu.dma_semaphore, #tpu.memory_space<semaphore_mem>>) src(%arg14 : memref<80x16xf32, #tpu.memory_space<vmem>>) dst(%dma_wait3A_736 : memref<10112x16xf32, #tpu.memory_space<vmem_shared>>)
    %mul3A_737 = arith.constant 5 : i32
    %mul3A_738 = arith.muli %add3A, %mul3A_737 : i32
    %add3A_739 = arith.constant 4 : i32
    %add3A_740 = arith.addi %mul3A_738, %add3A_739 : i32
    "tpu.region"() ({
      %run_scoped3A = tpu.sem_alloc : memref<!tpu.dma_semaphore, #tpu.memory_space<semaphore_mem>>
      %dma_start3A_919 = arith.constant 0 : i32
      %dma_start3A_920 = arith.constant 0 : i32
      %dma_start3A_921 = tpu.memref_slice %arg3[%add3A_740, %dma_start3A_919, %dma_start3A_920] : memref<160x25x80xi32, #tpu.memory_space<hbm>> -> memref<1x25x80xi32, #tpu.memory_space<hbm>>
      %dma_start3A_922 = tpu.memref_squeeze %dma_start3A_921 : memref<1x25x80xi32, #tpu.memory_space<hbm>> -> memref<25x80xi32, #tpu.memory_space<hbm>>
      %dma_start3A_923 = arith.constant 0 : i32
      %dma_start3A_924 = arith.constant 0 : i32
      %dma_start3A_925 = tpu.memref_slice %arg3[%add3A_740, %dma_start3A_923, %dma_start3A_924] : memref<160x25x80xi32, #tpu.memory_space<hbm>> -> memref<1x25x80xi32, #tpu.memory_space<hbm>>
      %dma_start3A_926 = tpu.memref_squeeze %dma_start3A_925 : memref<1x25x80xi32, #tpu.memory_space<hbm>> -> memref<25x80xi32, #tpu.memory_space<hbm>>
      tpu.enqueue_dma source(%dma_start3A_926 : memref<25x80xi32, #tpu.memory_space<hbm>>) target(%arg9 : memref<25x80xi32, #tpu.memory_space<vmem>>) target_semaphore(%run_scoped3A : memref<!tpu.dma_semaphore, #tpu.memory_space<semaphore_mem>>)
      %dma_wait3A_927 = arith.constant 0 : i32
      %dma_wait3A_928 = arith.constant 0 : i32
      %dma_wait3A_929 = tpu.memref_slice %arg3[%add3A_740, %dma_wait3A_927, %dma_wait3A_928] : memref<160x25x80xi32, #tpu.memory_space<hbm>> -> memref<1x25x80xi32, #tpu.memory_space<hbm>>
      %dma_wait3A_930 = tpu.memref_squeeze %dma_wait3A_929 : memref<1x25x80xi32, #tpu.memory_space<hbm>> -> memref<25x80xi32, #tpu.memory_space<hbm>>
      %dma_wait3A_931 = arith.constant 0 : i32
      %dma_wait3A_932 = arith.constant 0 : i32
      %dma_wait3A_933 = tpu.memref_slice %arg3[%add3A_740, %dma_wait3A_931, %dma_wait3A_932] : memref<160x25x80xi32, #tpu.memory_space<hbm>> -> memref<1x25x80xi32, #tpu.memory_space<hbm>>
      %dma_wait3A_934 = tpu.memref_squeeze %dma_wait3A_933 : memref<1x25x80xi32, #tpu.memory_space<hbm>> -> memref<25x80xi32, #tpu.memory_space<hbm>>
      tpu.wait_dma2 semaphore(%run_scoped3A : memref<!tpu.dma_semaphore, #tpu.memory_space<semaphore_mem>>) src(%dma_wait3A_934 : memref<25x80xi32, #tpu.memory_space<hbm>>) dst(%arg9 : memref<25x80xi32, #tpu.memory_space<vmem>>)
      tpu.yield
    }) : () -> ()
    %mul3A_741 = arith.constant 5 : i32
    %mul3A_742 = arith.muli %add3A, %mul3A_741 : i32
    %add3A_743 = arith.constant 4 : i32
    %add3A_744 = arith.addi %mul3A_742, %add3A_743 : i32
    "tpu.region"() ({
      %run_scoped3A = tpu.sem_alloc : memref<!tpu.dma_semaphore, #tpu.memory_space<semaphore_mem>>
      %dma_start3A_919 = arith.constant 0 : i32
      %dma_start3A_920 = arith.constant 0 : i32
      %dma_start3A_921 = tpu.memref_slice %arg4[%add3A_744, %dma_start3A_919, %dma_start3A_920] : memref<160x25x80xi32, #tpu.memory_space<hbm>> -> memref<1x25x80xi32, #tpu.memory_space<hbm>>
      %dma_start3A_922 = tpu.memref_squeeze %dma_start3A_921 : memref<1x25x80xi32, #tpu.memory_space<hbm>> -> memref<25x80xi32, #tpu.memory_space<hbm>>
      %dma_start3A_923 = arith.constant 0 : i32
      %dma_start3A_924 = arith.constant 0 : i32
      %dma_start3A_925 = tpu.memref_slice %arg4[%add3A_744, %dma_start3A_923, %dma_start3A_924] : memref<160x25x80xi32, #tpu.memory_space<hbm>> -> memref<1x25x80xi32, #tpu.memory_space<hbm>>
      %dma_start3A_926 = tpu.memref_squeeze %dma_start3A_925 : memref<1x25x80xi32, #tpu.memory_space<hbm>> -> memref<25x80xi32, #tpu.memory_space<hbm>>
      tpu.enqueue_dma source(%dma_start3A_926 : memref<25x80xi32, #tpu.memory_space<hbm>>) target(%arg10 : memref<25x80xi32, #tpu.memory_space<vmem>>) target_semaphore(%run_scoped3A : memref<!tpu.dma_semaphore, #tpu.memory_space<semaphore_mem>>)
      %dma_wait3A_927 = arith.constant 0 : i32
      %dma_wait3A_928 = arith.constant 0 : i32
      %dma_wait3A_929 = tpu.memref_slice %arg4[%add3A_744, %dma_wait3A_927, %dma_wait3A_928] : memref<160x25x80xi32, #tpu.memory_space<hbm>> -> memref<1x25x80xi32, #tpu.memory_space<hbm>>
      %dma_wait3A_930 = tpu.memref_squeeze %dma_wait3A_929 : memref<1x25x80xi32, #tpu.memory_space<hbm>> -> memref<25x80xi32, #tpu.memory_space<hbm>>
      %dma_wait3A_931 = arith.constant 0 : i32
      %dma_wait3A_932 = arith.constant 0 : i32
      %dma_wait3A_933 = tpu.memref_slice %arg4[%add3A_744, %dma_wait3A_931, %dma_wait3A_932] : memref<160x25x80xi32, #tpu.memory_space<hbm>> -> memref<1x25x80xi32, #tpu.memory_space<hbm>>
      %dma_wait3A_934 = tpu.memref_squeeze %dma_wait3A_933 : memref<1x25x80xi32, #tpu.memory_space<hbm>> -> memref<25x80xi32, #tpu.memory_space<hbm>>
      tpu.wait_dma2 semaphore(%run_scoped3A : memref<!tpu.dma_semaphore, #tpu.memory_space<semaphore_mem>>) src(%dma_wait3A_934 : memref<25x80xi32, #tpu.memory_space<hbm>>) dst(%arg10 : memref<25x80xi32, #tpu.memory_space<vmem>>)
      tpu.yield
    }) : () -> ()
    %dma_start3A_745 = arith.constant 0 : i32
    %dma_start3A_746 = arith.constant 0 : i32
    %dma_start3A_747 = tpu.memref_slice %arg9[%dma_start3A_745, %dma_start3A_746] : memref<25x80xi32, #tpu.memory_space<vmem>> -> memref<1x80xi32, #tpu.memory_space<vmem>>
    %dma_start3A_748 = tpu.memref_squeeze %dma_start3A_747 : memref<1x80xi32, #tpu.memory_space<vmem>> -> memref<80xi32, #tpu.memory_space<vmem>>
    %dma_start3A_749 = arith.constant 0 : i32
    %dma_start3A_750 = arith.constant 0 : i32
    %dma_start3A_751 = tpu.memref_slice %arg2[%dma_start3A_749, %dma_start3A_750] : memref<10000x128xf32, #tpu.memory_space<hbm>> -> memref<10000x128xf32, #tpu.memory_space<hbm>>
    tpu.enqueue_indirect_dma source(%dma_start3A_751 : memref<10000x128xf32, #tpu.memory_space<hbm>>) target(%arg11 : memref<80x128xf32, #tpu.memory_space<vmem>>) offsets(%dma_start3A_748 : memref<80xi32, #tpu.memory_space<vmem>>) semaphore(%arg17 : memref<!tpu.dma_semaphore, #tpu.memory_space<semaphore_mem>>)
    %dma_start3A_752 = arith.constant 1 : i32
    %dma_start3A_753 = arith.constant 0 : i32
    %dma_start3A_754 = tpu.memref_slice %arg9[%dma_start3A_752, %dma_start3A_753] : memref<25x80xi32, #tpu.memory_space<vmem>> -> memref<1x80xi32, #tpu.memory_space<vmem>>
    %dma_start3A_755 = tpu.memref_squeeze %dma_start3A_754 : memref<1x80xi32, #tpu.memory_space<vmem>> -> memref<80xi32, #tpu.memory_space<vmem>>
    %dma_start3A_756 = arith.constant 0 : i32
    %dma_start3A_757 = arith.constant 0 : i32
    %dma_start3A_758 = tpu.memref_slice %arg2[%dma_start3A_756, %dma_start3A_757] : memref<10000x128xf32, #tpu.memory_space<hbm>> -> memref<10000x128xf32, #tpu.memory_space<hbm>>
    tpu.enqueue_indirect_dma source(%dma_start3A_758 : memref<10000x128xf32, #tpu.memory_space<hbm>>) target(%arg12 : memref<80x128xf32, #tpu.memory_space<vmem>>) offsets(%dma_start3A_755 : memref<80xi32, #tpu.memory_space<vmem>>) semaphore(%arg18 : memref<!tpu.dma_semaphore, #tpu.memory_space<semaphore_mem>>)
    %dma_wait3A_759 = arith.constant 0 : i32
    %dma_wait3A_760 = arith.constant 0 : i32
    %dma_wait3A_761 = tpu.memref_slice %arg9[%dma_wait3A_759, %dma_wait3A_760] : memref<25x80xi32, #tpu.memory_space<vmem>> -> memref<1x80xi32, #tpu.memory_space<vmem>>
    %dma_wait3A_762 = tpu.memref_squeeze %dma_wait3A_761 : memref<1x80xi32, #tpu.memory_space<vmem>> -> memref<80xi32, #tpu.memory_space<vmem>>
    %dma_wait3A_763 = arith.constant 0 : i32
    %dma_wait3A_764 = arith.constant 0 : i32
    %dma_wait3A_765 = tpu.memref_slice %arg2[%dma_wait3A_763, %dma_wait3A_764] : memref<10000x128xf32, #tpu.memory_space<hbm>> -> memref<10000x128xf32, #tpu.memory_space<hbm>>
    tpu.wait_indirect_dma semaphore(%arg17 : memref<!tpu.dma_semaphore, #tpu.memory_space<semaphore_mem>>) src(%dma_wait3A_765 : memref<10000x128xf32, #tpu.memory_space<hbm>>) dst(%arg11 : memref<80x128xf32, #tpu.memory_space<vmem>>)
    %dma_start3A_766 = arith.constant 0 : i32
    %dma_start3A_767 = arith.constant 0 : i32
    %dma_start3A_768 = tpu.memref_slice %arg10[%dma_start3A_766, %dma_start3A_767] : memref<25x80xi32, #tpu.memory_space<vmem>> -> memref<1x80xi32, #tpu.memory_space<vmem>>
    %dma_start3A_769 = tpu.memref_squeeze %dma_start3A_768 : memref<1x80xi32, #tpu.memory_space<vmem>> -> memref<80xi32, #tpu.memory_space<vmem>>
    %dma_start3A_770 = arith.constant 0 : i32
    %dma_start3A_771 = arith.constant 0 : i32
    %dma_start3A_772 = tpu.memref_slice %arg15[%dma_start3A_770, %dma_start3A_771] : memref<10112x128xf32, #tpu.memory_space<vmem_shared>> -> memref<10112x128xf32, #tpu.memory_space<vmem_shared>>
    tpu.enqueue_indirect_dma source(%arg11 : memref<80x128xf32, #tpu.memory_space<vmem>>) target(%dma_start3A_772 : memref<10112x128xf32, #tpu.memory_space<vmem_shared>>) offsets(%dma_start3A_769 : memref<80xi32, #tpu.memory_space<vmem>>) semaphore(%arg20 : memref<!tpu.dma_semaphore, #tpu.memory_space<semaphore_mem>>) {add = true}
    %dma_start3A_773 = arith.constant 0 : i32
    %dma_start3A_774 = arith.constant 0 : i32
    %dma_start3A_775 = tpu.memref_slice %arg10[%dma_start3A_773, %dma_start3A_774] : memref<25x80xi32, #tpu.memory_space<vmem>> -> memref<1x80xi32, #tpu.memory_space<vmem>>
    %dma_start3A_776 = tpu.memref_squeeze %dma_start3A_775 : memref<1x80xi32, #tpu.memory_space<vmem>> -> memref<80xi32, #tpu.memory_space<vmem>>
    %dma_start3A_777 = arith.constant 0 : i32
    %dma_start3A_778 = arith.constant 0 : i32
    %dma_start3A_779 = tpu.memref_slice %arg16[%dma_start3A_777, %dma_start3A_778] : memref<10112x16xf32, #tpu.memory_space<vmem_shared>> -> memref<10112x16xf32, #tpu.memory_space<vmem_shared>>
    tpu.enqueue_indirect_dma source(%arg14 : memref<80x16xf32, #tpu.memory_space<vmem>>) target(%dma_start3A_779 : memref<10112x16xf32, #tpu.memory_space<vmem_shared>>) offsets(%dma_start3A_776 : memref<80xi32, #tpu.memory_space<vmem>>) semaphore(%arg23 : memref<!tpu.dma_semaphore, #tpu.memory_space<semaphore_mem>>) {add = true}
    %dma_start3A_780 = arith.constant 2 : i32
    %dma_start3A_781 = arith.constant 0 : i32
    %dma_start3A_782 = tpu.memref_slice %arg9[%dma_start3A_780, %dma_start3A_781] : memref<25x80xi32, #tpu.memory_space<vmem>> -> memref<1x80xi32, #tpu.memory_space<vmem>>
    %dma_start3A_783 = tpu.memref_squeeze %dma_start3A_782 : memref<1x80xi32, #tpu.memory_space<vmem>> -> memref<80xi32, #tpu.memory_space<vmem>>
    %dma_start3A_784 = arith.constant 0 : i32
    %dma_start3A_785 = arith.constant 0 : i32
    %dma_start3A_786 = tpu.memref_slice %arg2[%dma_start3A_784, %dma_start3A_785] : memref<10000x128xf32, #tpu.memory_space<hbm>> -> memref<10000x128xf32, #tpu.memory_space<hbm>>
    tpu.enqueue_indirect_dma source(%dma_start3A_786 : memref<10000x128xf32, #tpu.memory_space<hbm>>) target(%arg13 : memref<80x128xf32, #tpu.memory_space<vmem>>) offsets(%dma_start3A_783 : memref<80xi32, #tpu.memory_space<vmem>>) semaphore(%arg19 : memref<!tpu.dma_semaphore, #tpu.memory_space<semaphore_mem>>)
    %dma_wait3A_787 = arith.constant 1 : i32
    %dma_wait3A_788 = arith.constant 0 : i32
    %dma_wait3A_789 = tpu.memref_slice %arg9[%dma_wait3A_787, %dma_wait3A_788] : memref<25x80xi32, #tpu.memory_space<vmem>> -> memref<1x80xi32, #tpu.memory_space<vmem>>
    %dma_wait3A_790 = tpu.memref_squeeze %dma_wait3A_789 : memref<1x80xi32, #tpu.memory_space<vmem>> -> memref<80xi32, #tpu.memory_space<vmem>>
    %dma_wait3A_791 = arith.constant 0 : i32
    %dma_wait3A_792 = arith.constant 0 : i32
    %dma_wait3A_793 = tpu.memref_slice %arg2[%dma_wait3A_791, %dma_wait3A_792] : memref<10000x128xf32, #tpu.memory_space<hbm>> -> memref<10000x128xf32, #tpu.memory_space<hbm>>
    tpu.wait_indirect_dma semaphore(%arg18 : memref<!tpu.dma_semaphore, #tpu.memory_space<semaphore_mem>>) src(%dma_wait3A_793 : memref<10000x128xf32, #tpu.memory_space<hbm>>) dst(%arg12 : memref<80x128xf32, #tpu.memory_space<vmem>>)
    %dma_start3A_794 = arith.constant 1 : i32
    %dma_start3A_795 = arith.constant 0 : i32
    %dma_start3A_796 = tpu.memref_slice %arg10[%dma_start3A_794, %dma_start3A_795] : memref<25x80xi32, #tpu.memory_space<vmem>> -> memref<1x80xi32, #tpu.memory_space<vmem>>
    %dma_start3A_797 = tpu.memref_squeeze %dma_start3A_796 : memref<1x80xi32, #tpu.memory_space<vmem>> -> memref<80xi32, #tpu.memory_space<vmem>>
    %dma_start3A_798 = arith.constant 0 : i32
    %dma_start3A_799 = arith.constant 0 : i32
    %dma_start3A_800 = tpu.memref_slice %arg15[%dma_start3A_798, %dma_start3A_799] : memref<10112x128xf32, #tpu.memory_space<vmem_shared>> -> memref<10112x128xf32, #tpu.memory_space<vmem_shared>>
    tpu.enqueue_indirect_dma source(%arg12 : memref<80x128xf32, #tpu.memory_space<vmem>>) target(%dma_start3A_800 : memref<10112x128xf32, #tpu.memory_space<vmem_shared>>) offsets(%dma_start3A_797 : memref<80xi32, #tpu.memory_space<vmem>>) semaphore(%arg21 : memref<!tpu.dma_semaphore, #tpu.memory_space<semaphore_mem>>) {add = true}
    %dma_start3A_801 = arith.constant 1 : i32
    %dma_start3A_802 = arith.constant 0 : i32
    %dma_start3A_803 = tpu.memref_slice %arg10[%dma_start3A_801, %dma_start3A_802] : memref<25x80xi32, #tpu.memory_space<vmem>> -> memref<1x80xi32, #tpu.memory_space<vmem>>
    %dma_start3A_804 = tpu.memref_squeeze %dma_start3A_803 : memref<1x80xi32, #tpu.memory_space<vmem>> -> memref<80xi32, #tpu.memory_space<vmem>>
    %dma_start3A_805 = arith.constant 0 : i32
    %dma_start3A_806 = arith.constant 0 : i32
    %dma_start3A_807 = tpu.memref_slice %arg16[%dma_start3A_805, %dma_start3A_806] : memref<10112x16xf32, #tpu.memory_space<vmem_shared>> -> memref<10112x16xf32, #tpu.memory_space<vmem_shared>>
    tpu.enqueue_indirect_dma source(%arg14 : memref<80x16xf32, #tpu.memory_space<vmem>>) target(%dma_start3A_807 : memref<10112x16xf32, #tpu.memory_space<vmem_shared>>) offsets(%dma_start3A_804 : memref<80xi32, #tpu.memory_space<vmem>>) semaphore(%arg24 : memref<!tpu.dma_semaphore, #tpu.memory_space<semaphore_mem>>) {add = true}
    %dma_wait3A_808 = arith.constant 0 : i32
    %dma_wait3A_809 = arith.constant 0 : i32
    %dma_wait3A_810 = tpu.memref_slice %arg10[%dma_wait3A_808, %dma_wait3A_809] : memref<25x80xi32, #tpu.memory_space<vmem>> -> memref<1x80xi32, #tpu.memory_space<vmem>>
    %dma_wait3A_811 = tpu.memref_squeeze %dma_wait3A_810 : memref<1x80xi32, #tpu.memory_space<vmem>> -> memref<80xi32, #tpu.memory_space<vmem>>
    %dma_wait3A_812 = arith.constant 0 : i32
    %dma_wait3A_813 = arith.constant 0 : i32
    %dma_wait3A_814 = tpu.memref_slice %arg15[%dma_wait3A_812, %dma_wait3A_813] : memref<10112x128xf32, #tpu.memory_space<vmem_shared>> -> memref<10112x128xf32, #tpu.memory_space<vmem_shared>>
    tpu.wait_indirect_dma semaphore(%arg20 : memref<!tpu.dma_semaphore, #tpu.memory_space<semaphore_mem>>) src(%arg11 : memref<80x128xf32, #tpu.memory_space<vmem>>) dst(%dma_wait3A_814 : memref<10112x128xf32, #tpu.memory_space<vmem_shared>>)
    %dma_wait3A_815 = arith.constant 0 : i32
    %dma_wait3A_816 = arith.constant 0 : i32
    %dma_wait3A_817 = tpu.memref_slice %arg10[%dma_wait3A_815, %dma_wait3A_816] : memref<25x80xi32, #tpu.memory_space<vmem>> -> memref<1x80xi32, #tpu.memory_space<vmem>>
    %dma_wait3A_818 = tpu.memref_squeeze %dma_wait3A_817 : memref<1x80xi32, #tpu.memory_space<vmem>> -> memref<80xi32, #tpu.memory_space<vmem>>
    %dma_wait3A_819 = arith.constant 0 : i32
    %dma_wait3A_820 = arith.constant 0 : i32
    %dma_wait3A_821 = tpu.memref_slice %arg16[%dma_wait3A_819, %dma_wait3A_820] : memref<10112x16xf32, #tpu.memory_space<vmem_shared>> -> memref<10112x16xf32, #tpu.memory_space<vmem_shared>>
    tpu.wait_indirect_dma semaphore(%arg23 : memref<!tpu.dma_semaphore, #tpu.memory_space<semaphore_mem>>) src(%arg14 : memref<80x16xf32, #tpu.memory_space<vmem>>) dst(%dma_wait3A_821 : memref<10112x16xf32, #tpu.memory_space<vmem_shared>>)
    %dma_start3A_822 = arith.constant 3 : i32
    %dma_start3A_823 = arith.constant 0 : i32
    %dma_start3A_824 = tpu.memref_slice %arg9[%dma_start3A_822, %dma_start3A_823] : memref<25x80xi32, #tpu.memory_space<vmem>> -> memref<1x80xi32, #tpu.memory_space<vmem>>
    %dma_start3A_825 = tpu.memref_squeeze %dma_start3A_824 : memref<1x80xi32, #tpu.memory_space<vmem>> -> memref<80xi32, #tpu.memory_space<vmem>>
    %dma_start3A_826 = arith.constant 0 : i32
    %dma_start3A_827 = arith.constant 0 : i32
    %dma_start3A_828 = tpu.memref_slice %arg2[%dma_start3A_826, %dma_start3A_827] : memref<10000x128xf32, #tpu.memory_space<hbm>> -> memref<10000x128xf32, #tpu.memory_space<hbm>>
    tpu.enqueue_indirect_dma source(%dma_start3A_828 : memref<10000x128xf32, #tpu.memory_space<hbm>>) target(%arg11 : memref<80x128xf32, #tpu.memory_space<vmem>>) offsets(%dma_start3A_825 : memref<80xi32, #tpu.memory_space<vmem>>) semaphore(%arg17 : memref<!tpu.dma_semaphore, #tpu.memory_space<semaphore_mem>>)
    %scan3A_829 = arith.constant 0 : i32
    %scan3A_830 = arith.constant 7 : i32
    %scan3A_831 = arith.addi %scan3A_829, %scan3A_830 : i32
    %scan3A_832 = arith.constant 1 : i32
    scf.for %scan3A_919 = %scan3A_829 to %scan3A_831 step %scan3A_832  : i32 {
      %mul3A_920 = arith.constant 1 : i32
      %mul3A_921 = arith.muli %scan3A_919, %mul3A_920 : i32
      %add3A_922 = arith.constant 0 : i32
      %add3A_923 = arith.addi %add3A_922, %mul3A_921 : i32
      %mul3A_924 = arith.constant 3 : i32
      %mul3A_925 = arith.muli %add3A_923, %mul3A_924 : i32
      %add3A_926 = arith.constant 2 : i32
      %add3A_927 = arith.addi %add3A_926, %mul3A_925 : i32
      %add3A_928 = arith.constant 0 : i32
      %add3A_929 = arith.addi %add3A_927, %add3A_928 : i32
      %dma_wait3A_930 = arith.constant 0 : i32
      %dma_wait3A_931 = tpu.memref_slice %arg9[%add3A_929, %dma_wait3A_930] : memref<25x80xi32, #tpu.memory_space<vmem>> -> memref<1x80xi32, #tpu.memory_space<vmem>>
      %dma_wait3A_932 = tpu.memref_squeeze %dma_wait3A_931 : memref<1x80xi32, #tpu.memory_space<vmem>> -> memref<80xi32, #tpu.memory_space<vmem>>
      %dma_wait3A_933 = arith.constant 0 : i32
      %dma_wait3A_934 = arith.constant 0 : i32
      %dma_wait3A_935 = tpu.memref_slice %arg2[%dma_wait3A_933, %dma_wait3A_934] : memref<10000x128xf32, #tpu.memory_space<hbm>> -> memref<10000x128xf32, #tpu.memory_space<hbm>>
      tpu.wait_indirect_dma semaphore(%arg19 : memref<!tpu.dma_semaphore, #tpu.memory_space<semaphore_mem>>) src(%dma_wait3A_935 : memref<10000x128xf32, #tpu.memory_space<hbm>>) dst(%arg13 : memref<80x128xf32, #tpu.memory_space<vmem>>)
      %dma_start3A_936 = arith.constant 0 : i32
      %dma_start3A_937 = tpu.memref_slice %arg10[%add3A_929, %dma_start3A_936] : memref<25x80xi32, #tpu.memory_space<vmem>> -> memref<1x80xi32, #tpu.memory_space<vmem>>
      %dma_start3A_938 = tpu.memref_squeeze %dma_start3A_937 : memref<1x80xi32, #tpu.memory_space<vmem>> -> memref<80xi32, #tpu.memory_space<vmem>>
      %dma_start3A_939 = arith.constant 0 : i32
      %dma_start3A_940 = arith.constant 0 : i32
      %dma_start3A_941 = tpu.memref_slice %arg15[%dma_start3A_939, %dma_start3A_940] : memref<10112x128xf32, #tpu.memory_space<vmem_shared>> -> memref<10112x128xf32, #tpu.memory_space<vmem_shared>>
      tpu.enqueue_indirect_dma source(%arg13 : memref<80x128xf32, #tpu.memory_space<vmem>>) target(%dma_start3A_941 : memref<10112x128xf32, #tpu.memory_space<vmem_shared>>) offsets(%dma_start3A_938 : memref<80xi32, #tpu.memory_space<vmem>>) semaphore(%arg22 : memref<!tpu.dma_semaphore, #tpu.memory_space<semaphore_mem>>) {add = true}
      %dma_start3A_942 = arith.constant 0 : i32
      %dma_start3A_943 = tpu.memref_slice %arg10[%add3A_929, %dma_start3A_942] : memref<25x80xi32, #tpu.memory_space<vmem>> -> memref<1x80xi32, #tpu.memory_space<vmem>>
      %dma_start3A_944 = tpu.memref_squeeze %dma_start3A_943 : memref<1x80xi32, #tpu.memory_space<vmem>> -> memref<80xi32, #tpu.memory_space<vmem>>
      %dma_start3A_945 = arith.constant 0 : i32
      %dma_start3A_946 = arith.constant 0 : i32
      %dma_start3A_947 = tpu.memref_slice %arg16[%dma_start3A_945, %dma_start3A_946] : memref<10112x16xf32, #tpu.memory_space<vmem_shared>> -> memref<10112x16xf32, #tpu.memory_space<vmem_shared>>
      tpu.enqueue_indirect_dma source(%arg14 : memref<80x16xf32, #tpu.memory_space<vmem>>) target(%dma_start3A_947 : memref<10112x16xf32, #tpu.memory_space<vmem_shared>>) offsets(%dma_start3A_944 : memref<80xi32, #tpu.memory_space<vmem>>) semaphore(%arg25 : memref<!tpu.dma_semaphore, #tpu.memory_space<semaphore_mem>>) {add = true}
      %sub3A = arith.constant 1 : i32
      %sub3A_948 = arith.subi %add3A_929, %sub3A : i32
      %dma_wait3A_949 = arith.constant 0 : i32
      %dma_wait3A_950 = tpu.memref_slice %arg10[%sub3A_948, %dma_wait3A_949] : memref<25x80xi32, #tpu.memory_space<vmem>> -> memref<1x80xi32, #tpu.memory_space<vmem>>
      %dma_wait3A_951 = tpu.memref_squeeze %dma_wait3A_950 : memref<1x80xi32, #tpu.memory_space<vmem>> -> memref<80xi32, #tpu.memory_space<vmem>>
      %dma_wait3A_952 = arith.constant 0 : i32
      %dma_wait3A_953 = arith.constant 0 : i32
      %dma_wait3A_954 = tpu.memref_slice %arg15[%dma_wait3A_952, %dma_wait3A_953] : memref<10112x128xf32, #tpu.memory_space<vmem_shared>> -> memref<10112x128xf32, #tpu.memory_space<vmem_shared>>
      tpu.wait_indirect_dma semaphore(%arg21 : memref<!tpu.dma_semaphore, #tpu.memory_space<semaphore_mem>>) src(%arg12 : memref<80x128xf32, #tpu.memory_space<vmem>>) dst(%dma_wait3A_954 : memref<10112x128xf32, #tpu.memory_space<vmem_shared>>)
      %dma_wait3A_955 = arith.constant 0 : i32
      %dma_wait3A_956 = tpu.memref_slice %arg10[%sub3A_948, %dma_wait3A_955] : memref<25x80xi32, #tpu.memory_space<vmem>> -> memref<1x80xi32, #tpu.memory_space<vmem>>
      %dma_wait3A_957 = tpu.memref_squeeze %dma_wait3A_956 : memref<1x80xi32, #tpu.memory_space<vmem>> -> memref<80xi32, #tpu.memory_space<vmem>>
      %dma_wait3A_958 = arith.constant 0 : i32
      %dma_wait3A_959 = arith.constant 0 : i32
      %dma_wait3A_960 = tpu.memref_slice %arg16[%dma_wait3A_958, %dma_wait3A_959] : memref<10112x16xf32, #tpu.memory_space<vmem_shared>> -> memref<10112x16xf32, #tpu.memory_space<vmem_shared>>
      tpu.wait_indirect_dma semaphore(%arg24 : memref<!tpu.dma_semaphore, #tpu.memory_space<semaphore_mem>>) src(%arg14 : memref<80x16xf32, #tpu.memory_space<vmem>>) dst(%dma_wait3A_960 : memref<10112x16xf32, #tpu.memory_space<vmem_shared>>)
      %add3A_961 = arith.constant 2 : i32
      %add3A_962 = arith.addi %add3A_929, %add3A_961 : i32
      %dma_start3A_963 = arith.constant 0 : i32
      %dma_start3A_964 = tpu.memref_slice %arg9[%add3A_962, %dma_start3A_963] : memref<25x80xi32, #tpu.memory_space<vmem>> -> memref<1x80xi32, #tpu.memory_space<vmem>>
      %dma_start3A_965 = tpu.memref_squeeze %dma_start3A_964 : memref<1x80xi32, #tpu.memory_space<vmem>> -> memref<80xi32, #tpu.memory_space<vmem>>
      %dma_start3A_966 = arith.constant 0 : i32
      %dma_start3A_967 = arith.constant 0 : i32
      %dma_start3A_968 = tpu.memref_slice %arg2[%dma_start3A_966, %dma_start3A_967] : memref<10000x128xf32, #tpu.memory_space<hbm>> -> memref<10000x128xf32, #tpu.memory_space<hbm>>
      tpu.enqueue_indirect_dma source(%dma_start3A_968 : memref<10000x128xf32, #tpu.memory_space<hbm>>) target(%arg12 : memref<80x128xf32, #tpu.memory_space<vmem>>) offsets(%dma_start3A_965 : memref<80xi32, #tpu.memory_space<vmem>>) semaphore(%arg18 : memref<!tpu.dma_semaphore, #tpu.memory_space<semaphore_mem>>)
      %mul3A_969 = arith.constant 3 : i32
      %mul3A_970 = arith.muli %add3A_923, %mul3A_969 : i32
      %add3A_971 = arith.constant 2 : i32
      %add3A_972 = arith.addi %add3A_971, %mul3A_970 : i32
      %add3A_973 = arith.constant 1 : i32
      %add3A_974 = arith.addi %add3A_972, %add3A_973 : i32
      %dma_wait3A_975 = arith.constant 0 : i32
      %dma_wait3A_976 = tpu.memref_slice %arg9[%add3A_974, %dma_wait3A_975] : memref<25x80xi32, #tpu.memory_space<vmem>> -> memref<1x80xi32, #tpu.memory_space<vmem>>
      %dma_wait3A_977 = tpu.memref_squeeze %dma_wait3A_976 : memref<1x80xi32, #tpu.memory_space<vmem>> -> memref<80xi32, #tpu.memory_space<vmem>>
      %dma_wait3A_978 = arith.constant 0 : i32
      %dma_wait3A_979 = arith.constant 0 : i32
      %dma_wait3A_980 = tpu.memref_slice %arg2[%dma_wait3A_978, %dma_wait3A_979] : memref<10000x128xf32, #tpu.memory_space<hbm>> -> memref<10000x128xf32, #tpu.memory_space<hbm>>
      tpu.wait_indirect_dma semaphore(%arg17 : memref<!tpu.dma_semaphore, #tpu.memory_space<semaphore_mem>>) src(%dma_wait3A_980 : memref<10000x128xf32, #tpu.memory_space<hbm>>) dst(%arg11 : memref<80x128xf32, #tpu.memory_space<vmem>>)
      %dma_start3A_981 = arith.constant 0 : i32
      %dma_start3A_982 = tpu.memref_slice %arg10[%add3A_974, %dma_start3A_981] : memref<25x80xi32, #tpu.memory_space<vmem>> -> memref<1x80xi32, #tpu.memory_space<vmem>>
      %dma_start3A_983 = tpu.memref_squeeze %dma_start3A_982 : memref<1x80xi32, #tpu.memory_space<vmem>> -> memref<80xi32, #tpu.memory_space<vmem>>
      %dma_start3A_984 = arith.constant 0 : i32
      %dma_start3A_985 = arith.constant 0 : i32
      %dma_start3A_986 = tpu.memref_slice %arg15[%dma_start3A_984, %dma_start3A_985] : memref<10112x128xf32, #tpu.memory_space<vmem_shared>> -> memref<10112x128xf32, #tpu.memory_space<vmem_shared>>
      tpu.enqueue_indirect_dma source(%arg11 : memref<80x128xf32, #tpu.memory_space<vmem>>) target(%dma_start3A_986 : memref<10112x128xf32, #tpu.memory_space<vmem_shared>>) offsets(%dma_start3A_983 : memref<80xi32, #tpu.memory_space<vmem>>) semaphore(%arg20 : memref<!tpu.dma_semaphore, #tpu.memory_space<semaphore_mem>>) {add = true}
      %dma_start3A_987 = arith.constant 0 : i32
      %dma_start3A_988 = tpu.memref_slice %arg10[%add3A_974, %dma_start3A_987] : memref<25x80xi32, #tpu.memory_space<vmem>> -> memref<1x80xi32, #tpu.memory_space<vmem>>
      %dma_start3A_989 = tpu.memref_squeeze %dma_start3A_988 : memref<1x80xi32, #tpu.memory_space<vmem>> -> memref<80xi32, #tpu.memory_space<vmem>>
      %dma_start3A_990 = arith.constant 0 : i32
      %dma_start3A_991 = arith.constant 0 : i32
      %dma_start3A_992 = tpu.memref_slice %arg16[%dma_start3A_990, %dma_start3A_991] : memref<10112x16xf32, #tpu.memory_space<vmem_shared>> -> memref<10112x16xf32, #tpu.memory_space<vmem_shared>>
      tpu.enqueue_indirect_dma source(%arg14 : memref<80x16xf32, #tpu.memory_space<vmem>>) target(%dma_start3A_992 : memref<10112x16xf32, #tpu.memory_space<vmem_shared>>) offsets(%dma_start3A_989 : memref<80xi32, #tpu.memory_space<vmem>>) semaphore(%arg23 : memref<!tpu.dma_semaphore, #tpu.memory_space<semaphore_mem>>) {add = true}
      %sub3A_993 = arith.constant 1 : i32
      %sub3A_994 = arith.subi %add3A_974, %sub3A_993 : i32
      %dma_wait3A_995 = arith.constant 0 : i32
      %dma_wait3A_996 = tpu.memref_slice %arg10[%sub3A_994, %dma_wait3A_995] : memref<25x80xi32, #tpu.memory_space<vmem>> -> memref<1x80xi32, #tpu.memory_space<vmem>>
      %dma_wait3A_997 = tpu.memref_squeeze %dma_wait3A_996 : memref<1x80xi32, #tpu.memory_space<vmem>> -> memref<80xi32, #tpu.memory_space<vmem>>
      %dma_wait3A_998 = arith.constant 0 : i32
      %dma_wait3A_999 = arith.constant 0 : i32
      %dma_wait3A_1000 = tpu.memref_slice %arg15[%dma_wait3A_998, %dma_wait3A_999] : memref<10112x128xf32, #tpu.memory_space<vmem_shared>> -> memref<10112x128xf32, #tpu.memory_space<vmem_shared>>
      tpu.wait_indirect_dma semaphore(%arg22 : memref<!tpu.dma_semaphore, #tpu.memory_space<semaphore_mem>>) src(%arg13 : memref<80x128xf32, #tpu.memory_space<vmem>>) dst(%dma_wait3A_1000 : memref<10112x128xf32, #tpu.memory_space<vmem_shared>>)
      %dma_wait3A_1001 = arith.constant 0 : i32
      %dma_wait3A_1002 = tpu.memref_slice %arg10[%sub3A_994, %dma_wait3A_1001] : memref<25x80xi32, #tpu.memory_space<vmem>> -> memref<1x80xi32, #tpu.memory_space<vmem>>
      %dma_wait3A_1003 = tpu.memref_squeeze %dma_wait3A_1002 : memref<1x80xi32, #tpu.memory_space<vmem>> -> memref<80xi32, #tpu.memory_space<vmem>>
      %dma_wait3A_1004 = arith.constant 0 : i32
      %dma_wait3A_1005 = arith.constant 0 : i32
      %dma_wait3A_1006 = tpu.memref_slice %arg16[%dma_wait3A_1004, %dma_wait3A_1005] : memref<10112x16xf32, #tpu.memory_space<vmem_shared>> -> memref<10112x16xf32, #tpu.memory_space<vmem_shared>>
      tpu.wait_indirect_dma semaphore(%arg25 : memref<!tpu.dma_semaphore, #tpu.memory_space<semaphore_mem>>) src(%arg14 : memref<80x16xf32, #tpu.memory_space<vmem>>) dst(%dma_wait3A_1006 : memref<10112x16xf32, #tpu.memory_space<vmem_shared>>)
      %add3A_1007 = arith.constant 2 : i32
      %add3A_1008 = arith.addi %add3A_974, %add3A_1007 : i32
      %dma_start3A_1009 = arith.constant 0 : i32
      %dma_start3A_1010 = tpu.memref_slice %arg9[%add3A_1008, %dma_start3A_1009] : memref<25x80xi32, #tpu.memory_space<vmem>> -> memref<1x80xi32, #tpu.memory_space<vmem>>
      %dma_start3A_1011 = tpu.memref_squeeze %dma_start3A_1010 : memref<1x80xi32, #tpu.memory_space<vmem>> -> memref<80xi32, #tpu.memory_space<vmem>>
      %dma_start3A_1012 = arith.constant 0 : i32
      %dma_start3A_1013 = arith.constant 0 : i32
      %dma_start3A_1014 = tpu.memref_slice %arg2[%dma_start3A_1012, %dma_start3A_1013] : memref<10000x128xf32, #tpu.memory_space<hbm>> -> memref<10000x128xf32, #tpu.memory_space<hbm>>
      tpu.enqueue_indirect_dma source(%dma_start3A_1014 : memref<10000x128xf32, #tpu.memory_space<hbm>>) target(%arg13 : memref<80x128xf32, #tpu.memory_space<vmem>>) offsets(%dma_start3A_1011 : memref<80xi32, #tpu.memory_space<vmem>>) semaphore(%arg19 : memref<!tpu.dma_semaphore, #tpu.memory_space<semaphore_mem>>)
      %mul3A_1015 = arith.constant 3 : i32
      %mul3A_1016 = arith.muli %add3A_923, %mul3A_1015 : i32
      %add3A_1017 = arith.constant 2 : i32
      %add3A_1018 = arith.addi %add3A_1017, %mul3A_1016 : i32
      %add3A_1019 = arith.constant 2 : i32
      %add3A_1020 = arith.addi %add3A_1018, %add3A_1019 : i32
      %dma_wait3A_1021 = arith.constant 0 : i32
      %dma_wait3A_1022 = tpu.memref_slice %arg9[%add3A_1020, %dma_wait3A_1021] : memref<25x80xi32, #tpu.memory_space<vmem>> -> memref<1x80xi32, #tpu.memory_space<vmem>>
      %dma_wait3A_1023 = tpu.memref_squeeze %dma_wait3A_1022 : memref<1x80xi32, #tpu.memory_space<vmem>> -> memref<80xi32, #tpu.memory_space<vmem>>
      %dma_wait3A_1024 = arith.constant 0 : i32
      %dma_wait3A_1025 = arith.constant 0 : i32
      %dma_wait3A_1026 = tpu.memref_slice %arg2[%dma_wait3A_1024, %dma_wait3A_1025] : memref<10000x128xf32, #tpu.memory_space<hbm>> -> memref<10000x128xf32, #tpu.memory_space<hbm>>
      tpu.wait_indirect_dma semaphore(%arg18 : memref<!tpu.dma_semaphore, #tpu.memory_space<semaphore_mem>>) src(%dma_wait3A_1026 : memref<10000x128xf32, #tpu.memory_space<hbm>>) dst(%arg12 : memref<80x128xf32, #tpu.memory_space<vmem>>)
      %dma_start3A_1027 = arith.constant 0 : i32
      %dma_start3A_1028 = tpu.memref_slice %arg10[%add3A_1020, %dma_start3A_1027] : memref<25x80xi32, #tpu.memory_space<vmem>> -> memref<1x80xi32, #tpu.memory_space<vmem>>
      %dma_start3A_1029 = tpu.memref_squeeze %dma_start3A_1028 : memref<1x80xi32, #tpu.memory_space<vmem>> -> memref<80xi32, #tpu.memory_space<vmem>>
      %dma_start3A_1030 = arith.constant 0 : i32
      %dma_start3A_1031 = arith.constant 0 : i32
      %dma_start3A_1032 = tpu.memref_slice %arg15[%dma_start3A_1030, %dma_start3A_1031] : memref<10112x128xf32, #tpu.memory_space<vmem_shared>> -> memref<10112x128xf32, #tpu.memory_space<vmem_shared>>
      tpu.enqueue_indirect_dma source(%arg12 : memref<80x128xf32, #tpu.memory_space<vmem>>) target(%dma_start3A_1032 : memref<10112x128xf32, #tpu.memory_space<vmem_shared>>) offsets(%dma_start3A_1029 : memref<80xi32, #tpu.memory_space<vmem>>) semaphore(%arg21 : memref<!tpu.dma_semaphore, #tpu.memory_space<semaphore_mem>>) {add = true}
      %dma_start3A_1033 = arith.constant 0 : i32
      %dma_start3A_1034 = tpu.memref_slice %arg10[%add3A_1020, %dma_start3A_1033] : memref<25x80xi32, #tpu.memory_space<vmem>> -> memref<1x80xi32, #tpu.memory_space<vmem>>
      %dma_start3A_1035 = tpu.memref_squeeze %dma_start3A_1034 : memref<1x80xi32, #tpu.memory_space<vmem>> -> memref<80xi32, #tpu.memory_space<vmem>>
      %dma_start3A_1036 = arith.constant 0 : i32
      %dma_start3A_1037 = arith.constant 0 : i32
      %dma_start3A_1038 = tpu.memref_slice %arg16[%dma_start3A_1036, %dma_start3A_1037] : memref<10112x16xf32, #tpu.memory_space<vmem_shared>> -> memref<10112x16xf32, #tpu.memory_space<vmem_shared>>
      tpu.enqueue_indirect_dma source(%arg14 : memref<80x16xf32, #tpu.memory_space<vmem>>) target(%dma_start3A_1038 : memref<10112x16xf32, #tpu.memory_space<vmem_shared>>) offsets(%dma_start3A_1035 : memref<80xi32, #tpu.memory_space<vmem>>) semaphore(%arg24 : memref<!tpu.dma_semaphore, #tpu.memory_space<semaphore_mem>>) {add = true}
      %sub3A_1039 = arith.constant 1 : i32
      %sub3A_1040 = arith.subi %add3A_1020, %sub3A_1039 : i32
      %dma_wait3A_1041 = arith.constant 0 : i32
      %dma_wait3A_1042 = tpu.memref_slice %arg10[%sub3A_1040, %dma_wait3A_1041] : memref<25x80xi32, #tpu.memory_space<vmem>> -> memref<1x80xi32, #tpu.memory_space<vmem>>
      %dma_wait3A_1043 = tpu.memref_squeeze %dma_wait3A_1042 : memref<1x80xi32, #tpu.memory_space<vmem>> -> memref<80xi32, #tpu.memory_space<vmem>>
      %dma_wait3A_1044 = arith.constant 0 : i32
      %dma_wait3A_1045 = arith.constant 0 : i32
      %dma_wait3A_1046 = tpu.memref_slice %arg15[%dma_wait3A_1044, %dma_wait3A_1045] : memref<10112x128xf32, #tpu.memory_space<vmem_shared>> -> memref<10112x128xf32, #tpu.memory_space<vmem_shared>>
      tpu.wait_indirect_dma semaphore(%arg20 : memref<!tpu.dma_semaphore, #tpu.memory_space<semaphore_mem>>) src(%arg11 : memref<80x128xf32, #tpu.memory_space<vmem>>) dst(%dma_wait3A_1046 : memref<10112x128xf32, #tpu.memory_space<vmem_shared>>)
      %dma_wait3A_1047 = arith.constant 0 : i32
      %dma_wait3A_1048 = tpu.memref_slice %arg10[%sub3A_1040, %dma_wait3A_1047] : memref<25x80xi32, #tpu.memory_space<vmem>> -> memref<1x80xi32, #tpu.memory_space<vmem>>
      %dma_wait3A_1049 = tpu.memref_squeeze %dma_wait3A_1048 : memref<1x80xi32, #tpu.memory_space<vmem>> -> memref<80xi32, #tpu.memory_space<vmem>>
      %dma_wait3A_1050 = arith.constant 0 : i32
      %dma_wait3A_1051 = arith.constant 0 : i32
      %dma_wait3A_1052 = tpu.memref_slice %arg16[%dma_wait3A_1050, %dma_wait3A_1051] : memref<10112x16xf32, #tpu.memory_space<vmem_shared>> -> memref<10112x16xf32, #tpu.memory_space<vmem_shared>>
      tpu.wait_indirect_dma semaphore(%arg23 : memref<!tpu.dma_semaphore, #tpu.memory_space<semaphore_mem>>) src(%arg14 : memref<80x16xf32, #tpu.memory_space<vmem>>) dst(%dma_wait3A_1052 : memref<10112x16xf32, #tpu.memory_space<vmem_shared>>)
      %add3A_1053 = arith.constant 2 : i32
      %add3A_1054 = arith.addi %add3A_1020, %add3A_1053 : i32
      %dma_start3A_1055 = arith.constant 0 : i32
      %dma_start3A_1056 = tpu.memref_slice %arg9[%add3A_1054, %dma_start3A_1055] : memref<25x80xi32, #tpu.memory_space<vmem>> -> memref<1x80xi32, #tpu.memory_space<vmem>>
      %dma_start3A_1057 = tpu.memref_squeeze %dma_start3A_1056 : memref<1x80xi32, #tpu.memory_space<vmem>> -> memref<80xi32, #tpu.memory_space<vmem>>
      %dma_start3A_1058 = arith.constant 0 : i32
      %dma_start3A_1059 = arith.constant 0 : i32
      %dma_start3A_1060 = tpu.memref_slice %arg2[%dma_start3A_1058, %dma_start3A_1059] : memref<10000x128xf32, #tpu.memory_space<hbm>> -> memref<10000x128xf32, #tpu.memory_space<hbm>>
      tpu.enqueue_indirect_dma source(%dma_start3A_1060 : memref<10000x128xf32, #tpu.memory_space<hbm>>) target(%arg11 : memref<80x128xf32, #tpu.memory_space<vmem>>) offsets(%dma_start3A_1057 : memref<80xi32, #tpu.memory_space<vmem>>) semaphore(%arg17 : memref<!tpu.dma_semaphore, #tpu.memory_space<semaphore_mem>>)
    }
    %scan3A_833 = arith.constant 7 : i32
    %dma_wait3A_834 = arith.constant 23 : i32
    %dma_wait3A_835 = arith.constant 0 : i32
    %dma_wait3A_836 = tpu.memref_slice %arg9[%dma_wait3A_834, %dma_wait3A_835] : memref<25x80xi32, #tpu.memory_space<vmem>> -> memref<1x80xi32, #tpu.memory_space<vmem>>
    %dma_wait3A_837 = tpu.memref_squeeze %dma_wait3A_836 : memref<1x80xi32, #tpu.memory_space<vmem>> -> memref<80xi32, #tpu.memory_space<vmem>>
    %dma_wait3A_838 = arith.constant 0 : i32
    %dma_wait3A_839 = arith.constant 0 : i32
    %dma_wait3A_840 = tpu.memref_slice %arg2[%dma_wait3A_838, %dma_wait3A_839] : memref<10000x128xf32, #tpu.memory_space<hbm>> -> memref<10000x128xf32, #tpu.memory_space<hbm>>
    tpu.wait_indirect_dma semaphore(%arg19 : memref<!tpu.dma_semaphore, #tpu.memory_space<semaphore_mem>>) src(%dma_wait3A_840 : memref<10000x128xf32, #tpu.memory_space<hbm>>) dst(%arg13 : memref<80x128xf32, #tpu.memory_space<vmem>>)
    %dma_start3A_841 = arith.constant 23 : i32
    %dma_start3A_842 = arith.constant 0 : i32
    %dma_start3A_843 = tpu.memref_slice %arg10[%dma_start3A_841, %dma_start3A_842] : memref<25x80xi32, #tpu.memory_space<vmem>> -> memref<1x80xi32, #tpu.memory_space<vmem>>
    %dma_start3A_844 = tpu.memref_squeeze %dma_start3A_843 : memref<1x80xi32, #tpu.memory_space<vmem>> -> memref<80xi32, #tpu.memory_space<vmem>>
    %dma_start3A_845 = arith.constant 0 : i32
    %dma_start3A_846 = arith.constant 0 : i32
    %dma_start3A_847 = tpu.memref_slice %arg15[%dma_start3A_845, %dma_start3A_846] : memref<10112x128xf32, #tpu.memory_space<vmem_shared>> -> memref<10112x128xf32, #tpu.memory_space<vmem_shared>>
    tpu.enqueue_indirect_dma source(%arg13 : memref<80x128xf32, #tpu.memory_space<vmem>>) target(%dma_start3A_847 : memref<10112x128xf32, #tpu.memory_space<vmem_shared>>) offsets(%dma_start3A_844 : memref<80xi32, #tpu.memory_space<vmem>>) semaphore(%arg22 : memref<!tpu.dma_semaphore, #tpu.memory_space<semaphore_mem>>) {add = true}
    %dma_start3A_848 = arith.constant 23 : i32
    %dma_start3A_849 = arith.constant 0 : i32
    %dma_start3A_850 = tpu.memref_slice %arg10[%dma_start3A_848, %dma_start3A_849] : memref<25x80xi32, #tpu.memory_space<vmem>> -> memref<1x80xi32, #tpu.memory_space<vmem>>
    %dma_start3A_851 = tpu.memref_squeeze %dma_start3A_850 : memref<1x80xi32, #tpu.memory_space<vmem>> -> memref<80xi32, #tpu.memory_space<vmem>>
    %dma_start3A_852 = arith.constant 0 : i32
    %dma_start3A_853 = arith.constant 0 : i32
    %dma_start3A_854 = tpu.memref_slice %arg16[%dma_start3A_852, %dma_start3A_853] : memref<10112x16xf32, #tpu.memory_space<vmem_shared>> -> memref<10112x16xf32, #tpu.memory_space<vmem_shared>>
    tpu.enqueue_indirect_dma source(%arg14 : memref<80x16xf32, #tpu.memory_space<vmem>>) target(%dma_start3A_854 : memref<10112x16xf32, #tpu.memory_space<vmem_shared>>) offsets(%dma_start3A_851 : memref<80xi32, #tpu.memory_space<vmem>>) semaphore(%arg25 : memref<!tpu.dma_semaphore, #tpu.memory_space<semaphore_mem>>) {add = true}
    %dma_wait3A_855 = arith.constant 22 : i32
    %dma_wait3A_856 = arith.constant 0 : i32
    %dma_wait3A_857 = tpu.memref_slice %arg10[%dma_wait3A_855, %dma_wait3A_856] : memref<25x80xi32, #tpu.memory_space<vmem>> -> memref<1x80xi32, #tpu.memory_space<vmem>>
    %dma_wait3A_858 = tpu.memref_squeeze %dma_wait3A_857 : memref<1x80xi32, #tpu.memory_space<vmem>> -> memref<80xi32, #tpu.memory_space<vmem>>
    %dma_wait3A_859 = arith.constant 0 : i32
    %dma_wait3A_860 = arith.constant 0 : i32
    %dma_wait3A_861 = tpu.memref_slice %arg15[%dma_wait3A_859, %dma_wait3A_860] : memref<10112x128xf32, #tpu.memory_space<vmem_shared>> -> memref<10112x128xf32, #tpu.memory_space<vmem_shared>>
    tpu.wait_indirect_dma semaphore(%arg21 : memref<!tpu.dma_semaphore, #tpu.memory_space<semaphore_mem>>) src(%arg12 : memref<80x128xf32, #tpu.memory_space<vmem>>) dst(%dma_wait3A_861 : memref<10112x128xf32, #tpu.memory_space<vmem_shared>>)
    %dma_wait3A_862 = arith.constant 22 : i32
    %dma_wait3A_863 = arith.constant 0 : i32
    %dma_wait3A_864 = tpu.memref_slice %arg10[%dma_wait3A_862, %dma_wait3A_863] : memref<25x80xi32, #tpu.memory_space<vmem>> -> memref<1x80xi32, #tpu.memory_space<vmem>>
    %dma_wait3A_865 = tpu.memref_squeeze %dma_wait3A_864 : memref<1x80xi32, #tpu.memory_space<vmem>> -> memref<80xi32, #tpu.memory_space<vmem>>
    %dma_wait3A_866 = arith.constant 0 : i32
    %dma_wait3A_867 = arith.constant 0 : i32
    %dma_wait3A_868 = tpu.memref_slice %arg16[%dma_wait3A_866, %dma_wait3A_867] : memref<10112x16xf32, #tpu.memory_space<vmem_shared>> -> memref<10112x16xf32, #tpu.memory_space<vmem_shared>>
    tpu.wait_indirect_dma semaphore(%arg24 : memref<!tpu.dma_semaphore, #tpu.memory_space<semaphore_mem>>) src(%arg14 : memref<80x16xf32, #tpu.memory_space<vmem>>) dst(%dma_wait3A_868 : memref<10112x16xf32, #tpu.memory_space<vmem_shared>>)
    %dma_wait3A_869 = arith.constant 24 : i32
    %dma_wait3A_870 = arith.constant 0 : i32
    %dma_wait3A_871 = tpu.memref_slice %arg9[%dma_wait3A_869, %dma_wait3A_870] : memref<25x80xi32, #tpu.memory_space<vmem>> -> memref<1x80xi32, #tpu.memory_space<vmem>>
    %dma_wait3A_872 = tpu.memref_squeeze %dma_wait3A_871 : memref<1x80xi32, #tpu.memory_space<vmem>> -> memref<80xi32, #tpu.memory_space<vmem>>
    %dma_wait3A_873 = arith.constant 0 : i32
    %dma_wait3A_874 = arith.constant 0 : i32
    %dma_wait3A_875 = tpu.memref_slice %arg2[%dma_wait3A_873, %dma_wait3A_874] : memref<10000x128xf32, #tpu.memory_space<hbm>> -> memref<10000x128xf32, #tpu.memory_space<hbm>>
    tpu.wait_indirect_dma semaphore(%arg17 : memref<!tpu.dma_semaphore, #tpu.memory_space<semaphore_mem>>) src(%dma_wait3A_875 : memref<10000x128xf32, #tpu.memory_space<hbm>>) dst(%arg11 : memref<80x128xf32, #tpu.memory_space<vmem>>)
    %dma_start3A_876 = arith.constant 24 : i32
    %dma_start3A_877 = arith.constant 0 : i32
    %dma_start3A_878 = tpu.memref_slice %arg10[%dma_start3A_876, %dma_start3A_877] : memref<25x80xi32, #tpu.memory_space<vmem>> -> memref<1x80xi32, #tpu.memory_space<vmem>>
    %dma_start3A_879 = tpu.memref_squeeze %dma_start3A_878 : memref<1x80xi32, #tpu.memory_space<vmem>> -> memref<80xi32, #tpu.memory_space<vmem>>
    %dma_start3A_880 = arith.constant 0 : i32
    %dma_start3A_881 = arith.constant 0 : i32
    %dma_start3A_882 = tpu.memref_slice %arg15[%dma_start3A_880, %dma_start3A_881] : memref<10112x128xf32, #tpu.memory_space<vmem_shared>> -> memref<10112x128xf32, #tpu.memory_space<vmem_shared>>
    tpu.enqueue_indirect_dma source(%arg11 : memref<80x128xf32, #tpu.memory_space<vmem>>) target(%dma_start3A_882 : memref<10112x128xf32, #tpu.memory_space<vmem_shared>>) offsets(%dma_start3A_879 : memref<80xi32, #tpu.memory_space<vmem>>) semaphore(%arg20 : memref<!tpu.dma_semaphore, #tpu.memory_space<semaphore_mem>>) {add = true}
    %dma_start3A_883 = arith.constant 24 : i32
    %dma_start3A_884 = arith.constant 0 : i32
    %dma_start3A_885 = tpu.memref_slice %arg10[%dma_start3A_883, %dma_start3A_884] : memref<25x80xi32, #tpu.memory_space<vmem>> -> memref<1x80xi32, #tpu.memory_space<vmem>>
    %dma_start3A_886 = tpu.memref_squeeze %dma_start3A_885 : memref<1x80xi32, #tpu.memory_space<vmem>> -> memref<80xi32, #tpu.memory_space<vmem>>
    %dma_start3A_887 = arith.constant 0 : i32
    %dma_start3A_888 = arith.constant 0 : i32
    %dma_start3A_889 = tpu.memref_slice %arg16[%dma_start3A_887, %dma_start3A_888] : memref<10112x16xf32, #tpu.memory_space<vmem_shared>> -> memref<10112x16xf32, #tpu.memory_space<vmem_shared>>
    tpu.enqueue_indirect_dma source(%arg14 : memref<80x16xf32, #tpu.memory_space<vmem>>) target(%dma_start3A_889 : memref<10112x16xf32, #tpu.memory_space<vmem_shared>>) offsets(%dma_start3A_886 : memref<80xi32, #tpu.memory_space<vmem>>) semaphore(%arg23 : memref<!tpu.dma_semaphore, #tpu.memory_space<semaphore_mem>>) {add = true}
    %dma_wait3A_890 = arith.constant 23 : i32
    %dma_wait3A_891 = arith.constant 0 : i32
    %dma_wait3A_892 = tpu.memref_slice %arg10[%dma_wait3A_890, %dma_wait3A_891] : memref<25x80xi32, #tpu.memory_space<vmem>> -> memref<1x80xi32, #tpu.memory_space<vmem>>
    %dma_wait3A_893 = tpu.memref_squeeze %dma_wait3A_892 : memref<1x80xi32, #tpu.memory_space<vmem>> -> memref<80xi32, #tpu.memory_space<vmem>>
    %dma_wait3A_894 = arith.constant 0 : i32
    %dma_wait3A_895 = arith.constant 0 : i32
    %dma_wait3A_896 = tpu.memref_slice %arg15[%dma_wait3A_894, %dma_wait3A_895] : memref<10112x128xf32, #tpu.memory_space<vmem_shared>> -> memref<10112x128xf32, #tpu.memory_space<vmem_shared>>
    tpu.wait_indirect_dma semaphore(%arg22 : memref<!tpu.dma_semaphore, #tpu.memory_space<semaphore_mem>>) src(%arg13 : memref<80x128xf32, #tpu.memory_space<vmem>>) dst(%dma_wait3A_896 : memref<10112x128xf32, #tpu.memory_space<vmem_shared>>)
    %dma_wait3A_897 = arith.constant 23 : i32
    %dma_wait3A_898 = arith.constant 0 : i32
    %dma_wait3A_899 = tpu.memref_slice %arg10[%dma_wait3A_897, %dma_wait3A_898] : memref<25x80xi32, #tpu.memory_space<vmem>> -> memref<1x80xi32, #tpu.memory_space<vmem>>
    %dma_wait3A_900 = tpu.memref_squeeze %dma_wait3A_899 : memref<1x80xi32, #tpu.memory_space<vmem>> -> memref<80xi32, #tpu.memory_space<vmem>>
    %dma_wait3A_901 = arith.constant 0 : i32
    %dma_wait3A_902 = arith.constant 0 : i32
    %dma_wait3A_903 = tpu.memref_slice %arg16[%dma_wait3A_901, %dma_wait3A_902] : memref<10112x16xf32, #tpu.memory_space<vmem_shared>> -> memref<10112x16xf32, #tpu.memory_space<vmem_shared>>
    tpu.wait_indirect_dma semaphore(%arg25 : memref<!tpu.dma_semaphore, #tpu.memory_space<semaphore_mem>>) src(%arg14 : memref<80x16xf32, #tpu.memory_space<vmem>>) dst(%dma_wait3A_903 : memref<10112x16xf32, #tpu.memory_space<vmem_shared>>)
    %dma_wait3A_904 = arith.constant 24 : i32
    %dma_wait3A_905 = arith.constant 0 : i32
    %dma_wait3A_906 = tpu.memref_slice %arg10[%dma_wait3A_904, %dma_wait3A_905] : memref<25x80xi32, #tpu.memory_space<vmem>> -> memref<1x80xi32, #tpu.memory_space<vmem>>
    %dma_wait3A_907 = tpu.memref_squeeze %dma_wait3A_906 : memref<1x80xi32, #tpu.memory_space<vmem>> -> memref<80xi32, #tpu.memory_space<vmem>>
    %dma_wait3A_908 = arith.constant 0 : i32
    %dma_wait3A_909 = arith.constant 0 : i32
    %dma_wait3A_910 = tpu.memref_slice %arg15[%dma_wait3A_908, %dma_wait3A_909] : memref<10112x128xf32, #tpu.memory_space<vmem_shared>> -> memref<10112x128xf32, #tpu.memory_space<vmem_shared>>
    tpu.wait_indirect_dma semaphore(%arg20 : memref<!tpu.dma_semaphore, #tpu.memory_space<semaphore_mem>>) src(%arg11 : memref<80x128xf32, #tpu.memory_space<vmem>>) dst(%dma_wait3A_910 : memref<10112x128xf32, #tpu.memory_space<vmem_shared>>)
    %dma_wait3A_911 = arith.constant 24 : i32
    %dma_wait3A_912 = arith.constant 0 : i32
    %dma_wait3A_913 = tpu.memref_slice %arg10[%dma_wait3A_911, %dma_wait3A_912] : memref<25x80xi32, #tpu.memory_space<vmem>> -> memref<1x80xi32, #tpu.memory_space<vmem>>
    %dma_wait3A_914 = tpu.memref_squeeze %dma_wait3A_913 : memref<1x80xi32, #tpu.memory_space<vmem>> -> memref<80xi32, #tpu.memory_space<vmem>>
    %dma_wait3A_915 = arith.constant 0 : i32
    %dma_wait3A_916 = arith.constant 0 : i32
    %dma_wait3A_917 = tpu.memref_slice %arg16[%dma_wait3A_915, %dma_wait3A_916] : memref<10112x16xf32, #tpu.memory_space<vmem_shared>> -> memref<10112x16xf32, #tpu.memory_space<vmem_shared>>
    tpu.wait_indirect_dma semaphore(%arg23 : memref<!tpu.dma_semaphore, #tpu.memory_space<semaphore_mem>>) src(%arg14 : memref<80x16xf32, #tpu.memory_space<vmem>>) dst(%dma_wait3A_917 : memref<10112x16xf32, #tpu.memory_space<vmem_shared>>)
    %barrier3A_918 = arith.constant 0 : index
    tpu.barrier barrier_id(%barrier3A_918)
    "tpu.region"() ({
      %run_scoped3A = tpu.sem_alloc : memref<!tpu.dma_semaphore, #tpu.memory_space<semaphore_mem>>
      %dma_start3A_919 = arith.constant 0 : i32
      %dma_start3A_920 = tpu.memref_slice %arg7[%arg0, %multiple_of3A, %dma_start3A_919] : memref<2x10112x128xf32, #tpu.memory_space<hbm>> -> memref<1x632x128xf32, #tpu.memory_space<hbm>>
      %dma_start3A_921 = tpu.memref_squeeze %dma_start3A_920 : memref<1x632x128xf32, #tpu.memory_space<hbm>> -> memref<632x128xf32, #tpu.memory_space<hbm>>
      %dma_start3A_922 = arith.constant 0 : i32
      %dma_start3A_923 = tpu.memref_slice %arg15[%multiple_of3A, %dma_start3A_922] : memref<10112x128xf32, #tpu.memory_space<vmem_shared>> -> memref<632x128xf32, #tpu.memory_space<vmem_shared>>
      tpu.enqueue_dma source(%dma_start3A_923 : memref<632x128xf32, #tpu.memory_space<vmem_shared>>) target(%dma_start3A_921 : memref<632x128xf32, #tpu.memory_space<hbm>>) target_semaphore(%run_scoped3A : memref<!tpu.dma_semaphore, #tpu.memory_space<semaphore_mem>>)
      %dma_wait3A_924 = arith.constant 0 : i32
      %dma_wait3A_925 = tpu.memref_slice %arg7[%arg0, %multiple_of3A, %dma_wait3A_924] : memref<2x10112x128xf32, #tpu.memory_space<hbm>> -> memref<1x632x128xf32, #tpu.memory_space<hbm>>
      %dma_wait3A_926 = tpu.memref_squeeze %dma_wait3A_925 : memref<1x632x128xf32, #tpu.memory_space<hbm>> -> memref<632x128xf32, #tpu.memory_space<hbm>>
      %dma_wait3A_927 = arith.constant 0 : i32
      %dma_wait3A_928 = tpu.memref_slice %arg15[%multiple_of3A, %dma_wait3A_927] : memref<10112x128xf32, #tpu.memory_space<vmem_shared>> -> memref<632x128xf32, #tpu.memory_space<vmem_shared>>
      tpu.wait_dma2 semaphore(%run_scoped3A : memref<!tpu.dma_semaphore, #tpu.memory_space<semaphore_mem>>) src(%dma_wait3A_928 : memref<632x128xf32, #tpu.memory_space<vmem_shared>>) dst(%dma_wait3A_926 : memref<632x128xf32, #tpu.memory_space<hbm>>)
      tpu.yield
    }) : () -> ()
    "tpu.region"() ({
      %run_scoped3A = tpu.sem_alloc : memref<!tpu.dma_semaphore, #tpu.memory_space<semaphore_mem>>
      %dma_start3A_919 = arith.constant 0 : i32
      %dma_start3A_920 = tpu.memref_slice %arg8[%arg0, %multiple_of3A, %dma_start3A_919] : memref<2x10112x16xf32, #tpu.memory_space<hbm>> -> memref<1x632x16xf32, #tpu.memory_space<hbm>>
      %dma_start3A_921 = tpu.memref_squeeze %dma_start3A_920 : memref<1x632x16xf32, #tpu.memory_space<hbm>> -> memref<632x16xf32, #tpu.memory_space<hbm>>
      %dma_start3A_922 = arith.constant 0 : i32
      %dma_start3A_923 = tpu.memref_slice %arg16[%multiple_of3A, %dma_start3A_922] : memref<10112x16xf32, #tpu.memory_space<vmem_shared>> -> memref<632x16xf32, #tpu.memory_space<vmem_shared>>
      tpu.enqueue_dma source(%dma_start3A_923 : memref<632x16xf32, #tpu.memory_space<vmem_shared>>) target(%dma_start3A_921 : memref<632x16xf32, #tpu.memory_space<hbm>>) target_semaphore(%run_scoped3A : memref<!tpu.dma_semaphore, #tpu.memory_space<semaphore_mem>>)
      %dma_wait3A_924 = arith.constant 0 : i32
      %dma_wait3A_925 = tpu.memref_slice %arg8[%arg0, %multiple_of3A, %dma_wait3A_924] : memref<2x10112x16xf32, #tpu.memory_space<hbm>> -> memref<1x632x16xf32, #tpu.memory_space<hbm>>
      %dma_wait3A_926 = tpu.memref_squeeze %dma_wait3A_925 : memref<1x632x16xf32, #tpu.memory_space<hbm>> -> memref<632x16xf32, #tpu.memory_space<hbm>>
      %dma_wait3A_927 = arith.constant 0 : i32
      %dma_wait3A_928 = tpu.memref_slice %arg16[%multiple_of3A, %dma_wait3A_927] : memref<10112x16xf32, #tpu.memory_space<vmem_shared>> -> memref<632x16xf32, #tpu.memory_space<vmem_shared>>
      tpu.wait_dma2 semaphore(%run_scoped3A : memref<!tpu.dma_semaphore, #tpu.memory_space<semaphore_mem>>) src(%dma_wait3A_928 : memref<632x16xf32, #tpu.memory_space<vmem_shared>>) dst(%dma_wait3A_926 : memref<632x16xf32, #tpu.memory_space<hbm>>)
      tpu.yield
    }) : () -> ()
    return
  }
}

module attributes {stable_mosaic.version = 14 : i64} {
  func.func @body(%arg0: i32, %arg1: memref<2x1000x128xf32, #tpu.memory_space<vmem>>, %arg2: memref<2x1000x16xf32, #tpu.memory_space<vmem>>, %arg3: memref<1000x128xf32, #tpu.memory_space<vmem>>, %arg4: memref<128x128xf32, #tpu.memory_space<vmem>>, %arg5: memref<1x128xf32, #tpu.memory_space<vmem>>, %arg6: memref<128x128xf32, #tpu.memory_space<vmem>>, %arg7: memref<1000x128xf32, #tpu.memory_space<vmem>>) attributes {dimension_semantics = [#tpu.dimension_semantics<arbitrary>], iteration_bounds = array<i64: 10>, scalar_prefetch = 0 : i64, scratch_operands = 0 : i64, tpu.core_type = #tpu.core_type<tc>, window_params = [{transform_indices = @transform_0, window_bounds = array<i64: 2, 1000, 128>}, {transform_indices = @transform_1, window_bounds = array<i64: 2, 1000, 16>}, {transform_indices = @transform_2, window_bounds = array<i64: 1000, 128>}, {pipeline_mode = #tpu.pipeline_mode<synchronous>, transform_indices = @transform_3, window_bounds = array<i64: 128, 128>}, {pipeline_mode = #tpu.pipeline_mode<synchronous>, transform_indices = @transform_4, window_bounds = array<i64: 1, 128>}, {pipeline_mode = #tpu.pipeline_mode<synchronous>, transform_indices = @transform_5, window_bounds = array<i64: 128, 128>}, {transform_indices = @transform_6, window_bounds = array<i64: 1000, 128>}]} {
    %get3A = arith.constant 0 : index
    %get3A_0 = arith.constant 0 : index
    %get3A_1 = arith.constant 0 : index
    %get3A_2 = vector.load %arg1[%get3A, %get3A_0, %get3A_1] : memref<2x1000x128xf32, #tpu.memory_space<vmem>>, vector<1x1000x128xf32>
    %get3A_3 = vector.shape_cast %get3A_2 : vector<1x1000x128xf32> to vector<1000x128xf32>
    %get3A_4 = arith.constant 1 : index
    %get3A_5 = arith.constant 0 : index
    %get3A_6 = arith.constant 0 : index
    %get3A_7 = vector.load %arg1[%get3A_4, %get3A_5, %get3A_6] : memref<2x1000x128xf32, #tpu.memory_space<vmem>>, vector<1x1000x128xf32>
    %get3A_8 = vector.shape_cast %get3A_7 : vector<1x1000x128xf32> to vector<1000x128xf32>
    %add3A = arith.addf %get3A_3, %get3A_8 : vector<1000x128xf32>
    %get3A_9 = arith.constant 0 : index
    %get3A_10 = arith.constant 0 : index
    %get3A_11 = arith.constant 0 : index
    %get3A_12 = vector.load %arg2[%get3A_9, %get3A_10, %get3A_11] : memref<2x1000x16xf32, #tpu.memory_space<vmem>>, vector<1x1000x16xf32>
    %get3A_13 = vector.shape_cast %get3A_12 : vector<1x1000x16xf32> to vector<1000x16xf32>
    %get3A_14 = arith.constant 1 : index
    %get3A_15 = arith.constant 0 : index
    %get3A_16 = arith.constant 0 : index
    %get3A_17 = vector.load %arg2[%get3A_14, %get3A_15, %get3A_16] : memref<2x1000x16xf32, #tpu.memory_space<vmem>>, vector<1x1000x16xf32>
    %get3A_18 = vector.shape_cast %get3A_17 : vector<1x1000x16xf32> to vector<1000x16xf32>
    %add3A_19 = arith.addf %get3A_13, %get3A_18 : vector<1000x16xf32>
    %slice3A = vector.extract_strided_slice %add3A_19 {offsets = [0, 0], sizes = [1000, 1], strides = [1, 1]} : vector<1000x16xf32> to vector<1000x1xf32>
    %max3A = arith.constant 1.000000e+00 : f32
    %max3A_20 = vector.broadcast %max3A : f32 to vector<1000x1xf32>
    %max3A_21 = arith.maximumf %slice3A, %max3A_20 : vector<1000x1xf32>
    %div3A = vector.broadcast %max3A_21 : vector<1000x1xf32> to vector<1000x128xf32>
    %div3A_22 = arith.divf %add3A, %div3A : vector<1000x128xf32>
    %get3A_23 = arith.constant 0 : index
    %get3A_24 = arith.constant 0 : index
    %get3A_25 = vector.load %arg4[%get3A_23, %get3A_24] : memref<128x128xf32, #tpu.memory_space<vmem>>, vector<128x128xf32>
    %dot_general3A = arith.constant dense<0.000000e+00> : vector<1000x128xf32>
    %dot_general3A_26 = tpu.matmul %div3A_22, %get3A_25, %dot_general3A {dimension_numbers = #tpu.dot_dimension_numbers<[1], [0], [0], [1], [0, 0, 1, 1], [], []>, transpose_lhs_hint = false} : vector<1000x128xf32>, vector<128x128xf32>, vector<1000x128xf32> -> vector<1000x128xf32>
    %get3A_27 = arith.constant 0 : index
    %get3A_28 = arith.constant 0 : index
    %get3A_29 = vector.load %arg5[%get3A_27, %get3A_28] : memref<1x128xf32, #tpu.memory_space<vmem>>, vector<1x128xf32>
    %add3A_30 = vector.broadcast %get3A_29 : vector<1x128xf32> to vector<1000x128xf32>
    %add3A_31 = arith.addf %dot_general3A_26, %add3A_30 : vector<1000x128xf32>
    %get3A_32 = arith.constant 0 : index
    %get3A_33 = arith.constant 0 : index
    %get3A_34 = vector.load %arg3[%get3A_32, %get3A_33] : memref<1000x128xf32, #tpu.memory_space<vmem>>, vector<1000x128xf32>
    %get3A_35 = arith.constant 0 : index
    %get3A_36 = arith.constant 0 : index
    %get3A_37 = vector.load %arg6[%get3A_35, %get3A_36] : memref<128x128xf32, #tpu.memory_space<vmem>>, vector<128x128xf32>
    %dot_general3A_38 = arith.constant dense<0.000000e+00> : vector<1000x128xf32>
    %dot_general3A_39 = tpu.matmul %get3A_34, %get3A_37, %dot_general3A_38 {dimension_numbers = #tpu.dot_dimension_numbers<[1], [0], [0], [1], [0, 0, 1, 1], [], []>, transpose_lhs_hint = false} : vector<1000x128xf32>, vector<128x128xf32>, vector<1000x128xf32> -> vector<1000x128xf32>
    %add3A_40 = arith.addf %add3A_31, %dot_general3A_39 : vector<1000x128xf32>
    %max3A_41 = arith.constant 0.000000e+00 : f32
    %max3A_42 = vector.broadcast %max3A_41 : f32 to vector<1000x128xf32>
    %max3A_43 = arith.maximumf %add3A_40, %max3A_42 : vector<1000x128xf32>
    %swap3A = arith.constant 0 : index
    %swap3A_44 = arith.constant 0 : index
    %swap3A_45 = vector.load %arg7[%swap3A, %swap3A_44] : memref<1000x128xf32, #tpu.memory_space<vmem>>, vector<1000x128xf32>
    tpu.vector_store %arg7[%swap3A, %swap3A_44], %max3A_43 {strides = array<i32>} : memref<1000x128xf32, #tpu.memory_space<vmem>>, vector<1000x128xf32>,
    return
  }
  func.func @transform_0(%arg0: i32) -> (i32, i32, i32) {
    %c0_i32 = arith.constant 0 : i32
    %c0_i32_0 = arith.constant 0 : i32
    %c0_i32_1 = arith.constant 0 : i32
    return %c0_i32, %arg0, %c0_i32_0 : i32, i32, i32
  }
  func.func @transform_1(%arg0: i32) -> (i32, i32, i32) {
    %c0_i32 = arith.constant 0 : i32
    %c0_i32_0 = arith.constant 0 : i32
    %c0_i32_1 = arith.constant 0 : i32
    return %c0_i32, %arg0, %c0_i32_0 : i32, i32, i32
  }
  func.func @transform_2(%arg0: i32) -> (i32, i32) {
    %c0_i32 = arith.constant 0 : i32
    %c0_i32_0 = arith.constant 0 : i32
    return %arg0, %c0_i32 : i32, i32
  }
  func.func @transform_3(%arg0: i32) -> (i32, i32) {
    %c0_i32 = arith.constant 0 : i32
    %c0_i32_0 = arith.constant 0 : i32
    %c0_i32_1 = arith.constant 0 : i32
    return %c0_i32, %c0_i32_0 : i32, i32
  }
  func.func @transform_4(%arg0: i32) -> (i32, i32) {
    %c0_i32 = arith.constant 0 : i32
    %c0_i32_0 = arith.constant 0 : i32
    %c0_i32_1 = arith.constant 0 : i32
    return %c0_i32, %c0_i32_0 : i32, i32
  }
  func.func @transform_5(%arg0: i32) -> (i32, i32) {
    %c0_i32 = arith.constant 0 : i32
    %c0_i32_0 = arith.constant 0 : i32
    %c0_i32_1 = arith.constant 0 : i32
    return %c0_i32, %c0_i32_0 : i32, i32
  }
  func.func @transform_6(%arg0: i32) -> (i32, i32) {
    %c0_i32 = arith.constant 0 : i32
    %c0_i32_0 = arith.constant 0 : i32
    return %arg0, %c0_i32 : i32, i32
  }
}

</mosaic_0001>

<sc_bundles>
// kernel: kernel.4.cloned.1.call-start
scs
__scs_entry_jumppad:
0x0: {  	(pc) =	sbr.rel $0x88, $3  }
0x1: {  	(tag) =	ssettag $0x0;
	lr =	simm.s32 $0x1  }
0x2: {  	[smem:$0x3F9C] =	sst lr;
	_ =	strace $0xD0000000  }
0x3: {  	_ = 	snop  }
0x4: {  	_ = 	snop  }
0x5: {  	_ = 	snop  }
0x6: {  	_ = 	snop  }
0x7: {  	_ = 	snop  }
__scs_overlays_trampoline_lowered:
0x8: {  	[smem:$0x3FAB] =	sst s0  }
0x9: {  	[smem:$0x3FAC] =	sst s1  }
0xa: {  	[smem:$0x3FAD] =	sst s2  }
0xb: {  	[smem:$0x3FAE] =	sst s3  }
0xc: {  	[smem:$0x3FAF] =	sst s4  }
0xd: {  	[smem:$0x3FB0] =	sst s5  }
0xe: {  	[smem:$0x3FB1] =	sst s6  }
0xf: {  	[smem:$0x3FB2] =	sst s7  }
0x10: {  	[smem:$0x3FB3] =	sst s8  }
0x11: {  	[smem:$0x3FB4] =	sst s9;
	s0 =	simm.s32 @!p0 $0x0  }
0x12: {  	s1 =	sld [smem:$0x3F9A];
	s0 =	simm.s32 @p0 $0x1  }
0x13: {  	[smem:$0x3FB5] =	sst s0;
	s0 =	simm.s32 @!p1 $0x0  }
0x14: {  	s2 =	sld [smem:$0x3F99];
	s0 =	simm.s32 @p1 $0x1  }
0x15: {  	[smem:$0x3FB6] =	sst s0;
	s0 =	simm.s32 @!p2 $0x0  }
0x16: {  	s3 =	sld [smem:$0x3FDB];
	s0 =	simm.s32 @p2 $0x1  }
0x17: {  	s4 =	simm.s32 $0x1BF5;
	[smem:$0x3FB8] =	sst s0  }
0x18: {  	s0 =	sld [smem:$0x3F9B];
	_ =	swait.ge [sflag:s4], $0x0  }
0x19: {  	s7 =	sld [smem:$0x3F9C]  }
0x1a: {  	s8 =	sadd.s32 $0xFFFFE003, lr  }
0x1b: {  	s9 =	sadd.s32 $0xFFFFFEF7, lr;
	s5 =	simm.s32 $0xFFFFFFFF;
	p2 =	slt.u32 s8, $0xFFFFF086  }
0x1c: {  	p1 =	slt.u32 s9, $0xF7A;
	s5 =	simm.s32 @!p2 $0x0  }
0x1d: {  	s5 =	simm.s32 @p1 $0x1;
	p0 =	seq.s32 s7, s2  }
0x1e: {  	s7 =	smul.u32 @!p0 $0xF7A, s2;
	p2 =	seq.s32 @!p0 s5, $0x0  }
0x1f: {  	s9 =	smul.u32 $0xF7A, s1;
	s8 =	simm.s32 @!p0 $0x1BF5;
	p2 =	por !p2, p0  }
0x20: {  	[sflag:s8] =	ssyncset.s32 @!p0 $0xFFFFF086;
	s6 =	sadd.s32 @!p0 s3, s7;
	s7 =	simm.s32 @!p0 $0x108  }
0x21: {  	s3 =	sadd.s32 s3, s9;
	s6 =	sadd.s32 @!p0 $0x88, s6;
	s7 =	simm.s32 @p2 $0x1082  }
0x22: {  	[simem:s7], [sflag:s8] =	dma.local @!p0 [hbm:s6], $0xF7A  }
0x23: {  	s9 =	sor.u32 $0xD0000000, s2;
	s6 =	simm.s32 $0x108;
	_ =	swait.ge @!p0 [sflag:s8], $0x0  }
0x24: {  	s3 =	sadd.s32 $0x88, s3;
	s6 =	simm.s32 @!p1 $0x1082;
	[sflag:s4] =	ssyncset.s32 $0xFFFFF086  }
0x25: {  	[simem:s6], [sflag:s4] =	dma.local [hbm:s3], $0xF7A  }
0x26: {  	[smem:$0x3F9C] =	sst s1;
	(tag) =	ssettag s2;
	_ =	strace s9  }
0x27: {  	s1 =	sld [smem:$0x3FAC]  }
0x28: {  	s2 =	sld [smem:$0x3FAD]  }
0x29: {  	s4 =	sld [smem:$0x3FAF]  }
0x2a: {  	p0 =	seq.s32 s5, $0x0;
	s5 =	sld [smem:$0x3FB0]  }
0x2b: {  	s6 =	sld [smem:$0x3FB1]  }
0x2c: {  	s7 =	sld [smem:$0x3FB2]  }
0x2d: {  	s3 =	simm.s32 $0x108;
	s8 =	sld [smem:$0x3FB3]  }
0x2e: {  	s3 =	simm.s32 @!p0 $0x1082;
	s9 =	sld [smem:$0x3FB4]  }
0x2f: {  	lr =	sadd.s32 s0, s3;
	s0 =	sld [smem:$0x3FAB]  }
0x30: {  	s3 =	sld [smem:$0x3FAE]  }
0x31: {  	[smem:$0x3FB7] =	sst s10  }
0x32: {  	s10 =	sld [smem:$0x3FB5];
	_ =	sdelay $0x3  }
0x33: {  	p0 =	seq.s32 s10, $0x1;
	s10 =	sld [smem:$0x3FB7];
	_ =	sdelay $0x3  }
0x34: {  	[smem:$0x3FB7] =	sst s10  }
0x35: {  	s10 =	sld [smem:$0x3FB6];
	_ =	sdelay $0x3  }
0x36: {  	p1 =	seq.s32 s10, $0x1;
	s10 =	sld [smem:$0x3FB7];
	_ =	sdelay $0x3  }
0x37: {  	[smem:$0x3FB7] =	sst s10  }
0x38: {  	s10 =	sld [smem:$0x3FB8]  }
0x39: {  	_ = 	snop;
	(pc) =	sbr.ind lr, $3  }
0x3a: {  	_ = 	snop  }
0x3b: {  	_ = 	snop  }
0x3c: {  	p2 =	seq.s32 s10, $0x1;
	s10 =	sld [smem:$0x3FB7]  }
0x3d: {  	_ =	shalt  }
0x3e: {  	_ =	shalt  }
0x3f: {  	_ =	shalt  }
0x40: {  	_ =	shalt  }
0x41: {  	_ =	shalt  }
0x42: {  	_ =	shalt  }
0x43: {  	_ =	shalt  }
0x44: {  	_ =	shalt  }
0x45: {  	_ =	shalt  }
0x46: {  	_ =	shalt  }
0x47: {  	_ =	shalt  }
0x48: {  	_ =	shalt  }
0x49: {  	_ =	shalt  }
0x4a: {  	_ =	shalt  }
0x4b: {  	_ =	shalt  }
0x4c: {  	_ =	shalt  }
0x4d: {  	_ =	shalt  }
0x4e: {  	_ =	shalt  }
0x4f: {  	_ =	shalt  }
0x50: {  	_ =	shalt  }
0x51: {  	_ =	shalt  }
0x52: {  	_ =	shalt  }
0x53: {  	_ =	shalt  }
0x54: {  	_ =	shalt  }
0x55: {  	_ =	shalt  }
0x56: {  	_ =	shalt  }
0x57: {  	_ =	shalt  }
0x58: {  	_ =	shalt  }
0x59: {  	_ =	shalt  }
0x5a: {  	_ =	shalt  }
0x5b: {  	_ =	shalt  }
0x5c: {  	_ =	shalt  }
0x5d: {  	_ =	shalt  }
0x5e: {  	_ =	shalt  }
0x5f: {  	_ =	shalt  }
0x60: {  	_ =	shalt  }
0x61: {  	_ =	shalt  }
0x62: {  	_ =	shalt  }
0x63: {  	_ =	shalt  }
0x64: {  	_ =	shalt  }
0x65: {  	_ =	shalt  }
0x66: {  	_ =	shalt  }
0x67: {  	_ =	shalt  }
0x68: {  	_ =	shalt  }
0x69: {  	_ =	shalt  }
0x6a: {  	_ =	shalt  }
0x6b: {  	_ =	shalt  }
0x6c: {  	_ =	shalt  }
0x6d: {  	_ =	shalt  }
0x6e: {  	_ =	shalt  }
0x6f: {  	_ =	shalt  }
0x70: {  	_ =	shalt  }
0x71: {  	_ =	shalt  }
0x72: {  	_ =	shalt  }
0x73: {  	_ =	shalt  }
0x74: {  	_ =	shalt  }
0x75: {  	_ =	shalt  }
0x76: {  	_ =	shalt  }
0x77: {  	_ =	shalt  }
0x78: {  	_ =	shalt  }
0x79: {  	_ =	shalt  }
0x7a: {  	_ =	shalt  }
0x7b: {  	_ =	shalt  }
0x7c: {  	_ =	shalt  }
0x7d: {  	_ =	shalt  }
0x7e: {  	_ =	shalt  }
0x7f: {  	_ =	shalt  }
0x80: {  	_ =	shalt  }
0x81: {  	_ =	shalt  }
0x82: {  	_ =	shalt  }
0x83: {  	_ =	shalt  }
0x84: {  	_ =	shalt  }
0x85: {  	_ =	shalt  }
0x86: {  	_ =	shalt  }
0x87: {  	_ =	shalt  }
.Lfunc_end0:
.L_simem_size_0:
called_computation_lowered:
.L_overlay_start_0:
0x88: {  	s2 =	sld [smem:$0x3FD9]  }
0x89: {  	s3 =	sld [smem:$0x3FFE];
	_ =	sdelay $0x1  }
0x8a: {  	s1 =	srdreg.scid  }
0x8b: {  	s0 =	sand.u32 $0x1, s1  }
0x8c: {  	s17 =	sshll.u32 s0, $0xA;
	s2 =	sadd.s32 s3, s2  }
0x8d: {  	s2 =	sadd.s32 s2, s17  }
0x8e: {  	[smem:$0x3FC3] =	sst s2  }
0x8f: {  	_ = 	snop  }
0x90: {  	s2 =	sld [smem:$0x3FC9]  }
0x91: {  	s18 =	sld [smem:$0x3FD0];
	(tm) =	ssettm $0x1  }
0x92: {  	s4 =	sld [smem:$0x3FFB];
	_ =	sdelay $0x3  }
0x93: {  	_ =	strace s4  }
0x94: {  	s4 =	sld [smem:$0x3FFC];
	_ =	sdelay $0x3  }
0x95: {  	_ =	strace s4  }
0x96: {  	s4 =	sld [smem:$0x3FFD];
	_ =	sdelay $0x3  }
0x97: {  	_ =	strace s4  }
0x98: {  	_ =	strace $0x8FFFFFFF  }
0x99: {  	s19 =	sld [smem:$0x3FDB];
	_ =	sdelay $0x1  }
0x9a: {  	s5 =	simm.s32 $_scs_section_size  }
0x9b: {  	s6 =	simm.s32 $_size__tile_overlayer_lowered;
	s7 =	simm.s32 $_tile_overlayer_lowered  }
0x9c: {  	s22 =	simm.s32 $0x1BFF;
	s21 =	sshll.u32 s7, $0x1;
	s4 =	sadd.s32 s5, s19  }
0x9d: {  	s8 =	simm.s32 $0x0;
	s20 =	sshll.u32 s6, $0x1;
	s6 =	sadd.s32 s21, s4  }
0x9e: {  	[timem:s8], [sflag:s22] =	dma.local [hbm:s6], s20  }
0x9f: {  	_ =	swait.ge [sflag:s22], s20  }
0xa0: {  	s5 =	ssub.s32 $0x0, s20;
	[sflag:s22] =	ssyncset.done $0x0  }
0xa1: {  	[sflag:s22] =	ssyncadd.s32 s5;
	_ =	sdelay $0x1  }
0xa2: {  	s23 =	simm.s32 $0x1B8B  }
0xa3: {  	_ =	swait.ge [sflag:s23], $0x1  }
0xa4: {  	[sflag:s23] =	ssyncset.done $0x0  }
0xa5: {  	s25 =	simm.s32 $0x1B8E;
	s24 =	sld [smem:$0x3FFE];
	[sflag:s23] =	ssyncadd.s32 $0xFFFFFFFF  }
0xa6: {  	s26 =	simm.s32 $execute0_lowered;
	[smem:$0x3FD2] =	sst s25  }
0xa7: {  	s6 =	sshll.u32 s26, $0x1;
	_ =	strace $0x80000046;
	[dreg:$0x1] =	wrdreg $0xFFFFFFFF  }
0xa8: {  	s28 =	simm.s32 $_size_execute0_lowered;
	s4 =	sadd.s32 s4, s6;
	[dreg:$0x0] =	wrdreg $0x0  }
0xa9: {  	s6 =	sshll.u32 s28, $0x1;
	[dreg:$0x2] =	wrdreg s4  }
0xaa: {  	[dreg:$0x3] =	wrdreg s6  }
0xab: {  	[dreg:$0x4] =	wrdreg $0xC0  }
0xac: {  	_ =	task [dreg:s8], $0x5FFFF  }
0xad: {  	[dreg:$0x1] =	wrdreg $0xFFFFFFFF  }
0xae: {  	[dreg:$0x0] =	wrdreg $0x60  }
0xaf: {  	[dreg:$0x2] =	wrdreg s2  }
0xb0: {  	[dreg:$0x3] =	wrdreg s24  }
0xb1: {  	[dreg:$0x4] =	wrdreg s18  }
0xb2: {  	[dreg:$0x5] =	wrdreg $0x8CA00  }
0xb3: {  	[dreg:$0x6] =	wrdreg $0x1C8A00  }
0xb4: {  	[dreg:$0x7] =	wrdreg $0x9  }
0xb5: {  	_ =	task.clear_ibuf [dreg:s8], $0x8FFFF;
	_ =	strace $0x90000046  }
0xb6: {  	s29 =	simm.s32 $0x9;
	_ =	strace $0x80000048  }
0xb7: {  	_ =	swait.ge [sflag:s29], $0x1  }
0xb8: {  	[sflag:s29] =	ssyncadd.s32 $0xFFFFFFFF  }
0xb9: {  	_ =	strace $0x90000048  }
0xba: {  	_ =	sfence  }
0xbb: {  	s30 =	sld [smem:$0x0];
	_ =	sdelay $0x2  }
0xbc: {  	s31 =	sshll.u32 s1, $0xD;
	s1 =	sshrl.u32 s1, $0x2  }
0xbd: {  	s3 =	sand.u32 $0x4000, s31;
	s1 =	sadd.s32 s1, s30  }
0xbe: {  	s0 =	sor.u32 s3, s0;
	s1 =	sshll.u32 s1, $0x11  }
0xbf: {  	s0 =	sor.u32 s1, s0  }
0xc0: {  	s0 =	sadd.s32 $0x8F2B, s0  }
0xc1: {  	[sflag:s0] =	ssyncadd.remote.s32 $0x1  }
0xc2: {  	_ =	sfence.sel $0xFFFF  }
0xc3: {  	[dreg:$0x0] =	wrdreg $0xFFFFFFFF;
	(pc) =	sbr.abs _section_cstart, $3  }
0xc4: {  	[dreg:$0x1] =	wrdreg $0xFFFFFFFF  }
0xc5: {  	_ =	task.clear_ibuf [dreg:s8], $0x2FFFF;
	_ =	strace $0x9FFFFFFF  }
0xc6: {  	(tm) =	ssettm $0x7FFFFFFF  }
0xc7: {  	_ =	shalt  }
tec
execute0_lowered:
.L_overlay_start_1:
0x0: {  	(tag) =	ssettag $0x1  }
0x1: {  	s1 =	rddreg [dreg:$0x0]  }
0x2: {  	s0 =	rddreg [dreg:$0x1]  }
0x3: {  	s3 =	rddreg [dreg:$0x2]  }
0x4: {  	s2 =	rddreg [dreg:$0x3]  }
0x5: {  	s4 =	rddreg [dreg:$0x4]  }
0x6: {  	s5 =	srdreg.scid;
	s6 =	simm.s32 $0x0;
	s15 =	stileid.u32  }
0x7: {  	s28 =	simm.s32 $0xA;
	s29 =	simm.s32 $0x7D0;
	s30 =	simm.s32 $0x1  }
0x8: {  	s31 =	simm.s32 $0x2;
	s5 =	sand.u32 $0x1, s5;
	[smem:$0x7FF] =	sst s6  }
0x9: {  	s6 =	smul.u32 $0x13C00, s15;
	s9 =	sadd.s32 $0xAE00, s0;
	s10 =	sadd.s32 $0x1000, s0  }
0xa: {  	s19 =	sadd.s32 $0x15200, s0;
	s7 =	sshll.u32 s5, $0x4;
	s8 =	smul.u32 $0x13C000, s5  }
0xb: {  	s12 =	ssub.s32 $0x2, s5;
	s5 =	smul.u32 $0x27800, s5;
	s7 =	sor.u32 s15, s7  }
0xc: {  	_ =	strace $0x80000047;
	[dreg:$0x12] =	wrdreg s19;
	s11 =	smul.u32 $0xFA, s7  }
0xd: {  	s19 =	simm.s32 $0xF50;
	s14 =	sshrl.u32 s12, $0x1;
	s13 =	smul.u32 $0x4E2, s7  }
0xe: {  	s8 =	sadd.s32 s6, s8;
	s7 =	smul.u32 $0x2710, s7;
	s12 =	ssub.s32 s12, s14  }
0xf: {  	s14 =	smul.u32 $0x2780, s15;
	s8 =	sshrl.u32 s8, $0x3;
	s16 =	sadd.s32 s9, s11  }
0x10: {  	s11 =	sadd.s32 s10, s11;
	s21 =	sadd.s32 s9, s13;
	s7 =	sshrl.u32 s7, $0x3  }
0x11: {  	s22 =	sadd.s32 s10, s13;
	s5 =	sadd.s32 s14, s5;
	[dreg:$0x6] =	wrdreg s16  }
0x12: {  	s20 =	sadd.s32 s8, s0;
	s0 =	sadd.s32 $0x14C00, s0;
	[dreg:$0x7] =	wrdreg s11  }
0x13: {  	s8 =	simm.s32 $0x5FA0;
	s13 =	simm.s32 $0x3;
	[dreg:$0x8] =	wrdreg s21  }
0x14: {  	[dreg:$0x9] =	wrdreg s22;
	s23 =	sadd.s32 $0xFA, s7;
	s24 =	sadd.s32 $0x1F4, s7  }
0x15: {  	s17 =	sadd.s32 $0x2EE, s7;
	[dreg:$0x13] =	wrdreg s0;
	s21 =	sadd.s32 s6, s2  }
0x16: {  	s7 =	sadd.s32 $0x3E8, s7;
	s25 =	sadd.s32 s9, s23;
	[dreg:$0x14] =	wrdreg s21  }
0x17: {  	s5 =	sshrl.u32 s5, $0x3;
	s11 =	sadd.s32 s10, s23;
	[dreg:$0xa] =	wrdreg s25  }
0x18: {  	s0 =	simm.s32 $0x50;
	s26 =	sadd.s32 s9, s24;
	[dreg:$0xb] =	wrdreg s11  }
0x19: {  	s6 =	simm.s32 $0x87A0;
	s16 =	sadd.s32 s10, s24;
	[dreg:$0xc] =	wrdreg s26  }
0x1a: {  	s18 =	sadd.s32 s9, s17;
	s9 =	sadd.s32 s9, s7;
	[dreg:$0xd] =	wrdreg s16  }
0x1b: {  	s7 =	sadd.s32 s10, s7;
	s22 =	sadd.s32 s3, s5;
	[dreg:$0xe] =	wrdreg s18  }
0x1c: {  	s23 =	sadd.s32 s14, s4;
	s24 =	sadd.s32 $0x17A00, s20;
	[dreg:$0x10] =	wrdreg s9  }
0x1d: {  	s3 =	simm.s32 $0xFA0;
	s5 =	simm.s32 $0x37A0;
	[dreg:$0x11] =	wrdreg s7  }
0x1e: {  	s14 =	simm.s32 $0x5;
	s20 =	simm.s32 $0x0;
	[dreg:$0x15] =	wrdreg s22  }
0x1f: {  	s11 =	sadd.s32 s10, s17;
	s22 =	sshll.u32 s15, $0x6;
	[dreg:$0x16] =	wrdreg s23  }
0x20: {  	[dreg:$0x17] =	wrdreg s24;
	s25 =	smax.u32 s12, $0x1;
	s7 =	simm.s32 $0xA0  }
0x21: {  	s9 =	simm.s32 $0x820;
	s10 =	simm.s32 $0x4;
	s12 =	simm.s32 $0xF0  }
0x22: {  	s15 =	simm.s32 $0x8;
	s16 =	simm.s32 $0x6;
	[dreg:$0xf] =	wrdreg s11  }
0x23: {  	s17 =	simm.s32 $0x9;
	[dreg:$0x18] =	wrdreg s25;
	s26 =	sor.u32 $0x1C01, s22  }
0x24: {  	v0 =	vimm.f32 $1.000000000e+00;
	s18 =	simm.s32 $0xF00;
	s11 =	simm.s32 $0x7;
	[dreg:$0x19] =	wrdreg s26  }
.LBB2_1:
0x25: {  	s21 =	rddreg [dreg:$0x14]  }
0x26: {  	s25 =	rddreg [dreg:$0x12]  }
0x27: {  	s24 =	rddreg [dreg:$0x19];
	s23 =	sshrl.u32 s21, $0x3  }
0x28: {  	[spmem:s23], [sflag:s24] =	dma.local [hbm:s25], $0x2780  }
0x29: {  	s21 =	rddreg [dreg:$0x16]  }
0x2a: {  	s26 =	sor.u32 $0x1C02, s22;
	s25 =	rddreg [dreg:$0x13];
	s21 =	sshrl.u32 s21, $0x3  }
0x2b: {  	[spmem:s21], [sflag:s26] =	dma.local [hbm:s25], $0x4F0  }
0x2c: {  	s24 =	simm.s32 $0x0;
	s25 =	rddreg [dreg:$0x6]  }
0x2d: {  	[tilespmem:s24], [sflag:$0xA] =	stream.linear.gather [hbm4b:s25+s24], $0x7D0, $0x38;
	[tilespmem:$0x1F020] =	vst v63  }
0x2e: {  	_ =	swait.ge [sflag:s28], $0x7D0  }
0x2f: {  	[sflag:s28] =	ssyncset.done $0x0  }
0x30: {  	s26 =	rddreg [dreg:$0x7];
	[sflag:s28] =	ssyncadd.s32 $0xFFFFF830  }
0x31: {  	[tilespmem:s29], [sflag:$0xA] =	stream.linear.gather [hbm4b:s26+s24], $0x7D0, $0x38;
	[tilespmem:$0x1F020] =	vst v63  }
0x32: {  	_ =	swait.ge [sflag:s28], $0x7D0  }
0x33: {  	[sflag:s28] =	ssyncset.done $0x0  }
0x34: {  	s25 =	simm.s32 $0x0;
	s24 =	simm.s32 $0x40;
	[sflag:s28] =	ssyncadd.s32 $0xFFFFF830  }
.LBB2_2:
0x35: {  	p0 =	sne.s32 s24, $0x13C0;
	[tilespmem:s25+$0x87A0] =	vst v0;
	s25 =	smov.u32 s24;
	s24 =	sadd.s32 $0x40, s24  }
.Ltmp0:
0x36: {  	(pc) =	sbr.rel @p0 .LBB2_2-.Ltmp0, $2  }
0x37: {  	_ =	sdelay $0x2  }
0x38: {  	s25 =	sshra.s32 s25, $0x2  }
0x39: {  	[tilespmem:s25+$0x87A0] =	vst v0  }
0x3a: {  	_ =	swait.ge [sflag:s30], $0x2780  }
0x3b: {  	[sflag:s30] =	ssyncset.done $0x0  }
0x3c: {  	[sflag:s30] =	ssyncadd.s32 $0xFFFFD880  }
0x3d: {  	_ =	swait.ge [sflag:s31], $0x4F0  }
0x3e: {  	[sflag:s31] =	ssyncset.done $0x0  }
0x3f: {  	[sflag:s31] =	ssyncadd.s32 $0xFFFFFB10  }
0x40: {  	[bflag:$0x0] =	sbarrier.arrive $0xFFFF  }
0x41: {  	s24 =	simm.s32 $0x0;
	s26 =	rddreg [dreg:$0x8]  }
0x42: {  	[tilespmem:s24], [sflag:$0xA] =	stream.linear.gather [hbm4b:s26+s24], $0x7D0, $0x38;
	[tilespmem:$0x1F020] =	vst v63  }
0x43: {  	_ =	swait.ge [sflag:s28], $0x7D0  }
0x44: {  	[sflag:s28] =	ssyncset.done $0x0  }
0x45: {  	s26 =	rddreg [dreg:$0x9];
	[sflag:s28] =	ssyncadd.s32 $0xFFFFF830  }
0x46: {  	[tilespmem:s29], [sflag:$0xA] =	stream.linear.gather [hbm4b:s26+s24], $0x7D0, $0x38;
	[tilespmem:$0x1F020] =	vst v63  }
0x47: {  	_ =	swait.ge [sflag:s28], $0x7D0  }
0x48: {  	[sflag:s28] =	ssyncset.done $0x0  }
0x49: {  	[sflag:s28] =	ssyncadd.s32 $0xFFFFF830  }
0x4a: {  	[tilespmem:s3], [sflag:$0x1] =	stream.indirect.gather [hbm4b:s1+s0], $0x80, s24, s0, $0xb8;
	[tilespmem:$0x1F020] =	vst v63  }
0x4b: {  	_ = 	snop  }
0x4c: {  	[tilespmem:s5], [sflag:$0x2] =	stream.indirect.gather [hbm4b:s1+s0], $0x80, s0, s0, $0xb8;
	[tilespmem:$0x1F020] =	vst v63  }
0x4d: {  	_ =	swait.ge [sflag:s30], $0x2800  }
0x4e: {  	[sflag:s30] =	ssyncset.done $0x0  }
0x4f: {  	[sflag:s30] =	ssyncadd.s32 $0xFFFFD800  }
0x50: {  	[spmem:s2] =	stream.indirect.scatter.add.f32 [tilespmem:s3], [sflag:$0x4], $0x80, s29, s0, $0xb8;
	[tilespmem:$0x1F020] =	vst v63  }
0x51: {  	_ = 	snop  }
0x52: {  	[spmem:s4] =	stream.indirect.scatter.add.f32 [tilespmem:s6], [sflag:$0x7], $0x10, s29, s0, $0xb8;
	[tilespmem:$0x1F020] =	vst v63  }
0x53: {  	_ = 	snop  }
0x54: {  	[tilespmem:s8], [sflag:$0x3] =	stream.indirect.gather [hbm4b:s1+s0], $0x80, s7, s0, $0xb8;
	[tilespmem:$0x1F020] =	vst v63  }
0x55: {  	_ =	swait.ge [sflag:s31], $0x2800  }
0x56: {  	[sflag:s31] =	ssyncset.done $0x0  }
0x57: {  	[sflag:s31] =	ssyncadd.s32 $0xFFFFD800  }
0x58: {  	[spmem:s2] =	stream.indirect.scatter.add.f32 [tilespmem:s5], [sflag:$0x5], $0x80, s9, s0, $0xb8;
	[tilespmem:$0x1F020] =	vst v63  }
0x59: {  	_ = 	snop  }
0x5a: {  	[spmem:s4] =	stream.indirect.scatter.add.f32 [tilespmem:s6], [sflag:$0x8], $0x10, s9, s0, $0xb8;
	[tilespmem:$0x1F020] =	vst v63  }
0x5b: {  	_ =	swait.ge [sflag:s10], $0x2800  }
0x5c: {  	[sflag:s10] =	ssyncset.done $0x0  }
0x5d: {  	[sflag:s10] =	ssyncadd.s32 $0xFFFFD800  }
0x5e: {  	_ =	swait.ge [sflag:s11], $0x500  }
0x5f: {  	[sflag:s11] =	ssyncset.done $0x0  }
0x60: {  	[sflag:s11] =	ssyncadd.s32 $0xFFFFFB00  }
0x61: {  	[tilespmem:s3], [sflag:$0x1] =	stream.indirect.gather [hbm4b:s1+s0], $0x80, s12, s0, $0xb8;
	[tilespmem:$0x1F020] =	vst v63  }
0x62: {  	_ =	swait.ge [sflag:s13], $0x2800  }
0x63: {  	[sflag:s13] =	ssyncset.done $0x0  }
0x64: {  	s26 =	simm.s32 $0x870;
	[sflag:s13] =	ssyncadd.s32 $0xFFFFD800  }
0x65: {  	[spmem:s2] =	stream.indirect.scatter.add.f32 [tilespmem:s8], [sflag:$0x6], $0x80, s26, s0, $0xb8;
	[tilespmem:$0x1F020] =	vst v63  }
0x66: {  	_ = 	snop  }
0x67: {  	[spmem:s4] =	stream.indirect.scatter.add.f32 [tilespmem:s6], [sflag:$0x9], $0x10, s26, s0, $0xb8;
	[tilespmem:$0x1F020] =	vst v63  }
0x68: {  	_ =	swait.ge [sflag:s14], $0x2800  }
0x69: {  	[sflag:s14] =	ssyncset.done $0x0  }
0x6a: {  	[sflag:s14] =	ssyncadd.s32 $0xFFFFD800  }
0x6b: {  	_ =	swait.ge [sflag:s15], $0x500  }
0x6c: {  	[sflag:s15] =	ssyncset.done $0x0  }
0x6d: {  	s25 =	simm.s32 $0x140;
	[sflag:s15] =	ssyncadd.s32 $0xFFFFFB00  }
0x6e: {  	[tilespmem:s5], [sflag:$0x2] =	stream.indirect.gather [hbm4b:s1+s0], $0x80, s25, s0, $0xb8;
	[tilespmem:$0x1F020] =	vst v63  }
0x6f: {  	_ =	swait.ge [sflag:s30], $0x2800  }
0x70: {  	[sflag:s30] =	ssyncset.done $0x0  }
0x71: {  	s26 =	simm.s32 $0x8C0;
	[sflag:s30] =	ssyncadd.s32 $0xFFFFD800  }
0x72: {  	[spmem:s2] =	stream.indirect.scatter.add.f32 [tilespmem:s3], [sflag:$0x4], $0x80, s26, s0, $0xb8;
	[tilespmem:$0x1F020] =	vst v63  }
0x73: {  	_ = 	snop  }
0x74: {  	[spmem:s4] =	stream.indirect.scatter.add.f32 [tilespmem:s6], [sflag:$0x7], $0x10, s26, s0, $0xb8;
	[tilespmem:$0x1F020] =	vst v63  }
0x75: {  	_ =	swait.ge [sflag:s16], $0x2800  }
0x76: {  	[sflag:s16] =	ssyncset.done $0x0  }
0x77: {  	[sflag:s16] =	ssyncadd.s32 $0xFFFFD800  }
0x78: {  	_ =	swait.ge [sflag:s17], $0x500  }
0x79: {  	[sflag:s17] =	ssyncset.done $0x0  }
0x7a: {  	s25 =	simm.s32 $0x190;
	[sflag:s17] =	ssyncadd.s32 $0xFFFFFB00  }
0x7b: {  	[tilespmem:s8], [sflag:$0x3] =	stream.indirect.gather [hbm4b:s1+s0], $0x80, s25, s0, $0xb8;
	[tilespmem:$0x1F020] =	vst v63  }
0x7c: {  	_ =	swait.ge [sflag:s31], $0x2800  }
0x7d: {  	[sflag:s31] =	ssyncset.done $0x0  }
0x7e: {  	s26 =	simm.s32 $0x910;
	[sflag:s31] =	ssyncadd.s32 $0xFFFFD800  }
0x7f: {  	[spmem:s2] =	stream.indirect.scatter.add.f32 [tilespmem:s5], [sflag:$0x5], $0x80, s26, s0, $0xb8;
	[tilespmem:$0x1F020] =	vst v63  }
0x80: {  	_ = 	snop  }
0x81: {  	[spmem:s4] =	stream.indirect.scatter.add.f32 [tilespmem:s6], [sflag:$0x8], $0x10, s26, s0, $0xb8;
	[tilespmem:$0x1F020] =	vst v63  }
0x82: {  	_ =	swait.ge [sflag:s10], $0x2800  }
0x83: {  	[sflag:s10] =	ssyncset.done $0x0  }
0x84: {  	[sflag:s10] =	ssyncadd.s32 $0xFFFFD800  }
0x85: {  	_ =	swait.ge [sflag:s11], $0x500  }
0x86: {  	[sflag:s11] =	ssyncset.done $0x0  }
0x87: {  	s24 =	simm.s32 $0x3C0;
	s25 =	simm.s32 $0x1E0;
	[sflag:s11] =	ssyncadd.s32 $0xFFFFFB00  }
.LBB2_4:
0x88: {  	[tilespmem:s3], [sflag:$0x1] =	stream.indirect.gather [hbm4b:s1+s0], $0x80, s25, s0, $0xb8;
	[tilespmem:$0x1F020] =	vst v63  }
0x89: {  	s25 =	smov.u32 s24  }
0x8a: {  	p0 =	sne.s32 s24, $0x1680;
	s24 =	sadd.s32 $0x3C0, s24;
	_ =	swait.ge [sflag:s13], $0x2800  }
0x8b: {  	s25 =	sshra.s32 s25, $0x2;
	[sflag:s13] =	ssyncset.done $0x0  }
0x8c: {  	s26 =	sadd.s32 $0x870, s25;
	[sflag:s13] =	ssyncadd.s32 $0xFFFFD800  }
0x8d: {  	[spmem:s2] =	stream.indirect.scatter.add.f32 [tilespmem:s8], [sflag:$0x6], $0x80, s26, s0, $0xb8;
	[tilespmem:$0x1F020] =	vst v63  }
0x8e: {  	_ = 	snop  }
0x8f: {  	[spmem:s4] =	stream.indirect.scatter.add.f32 [tilespmem:s6], [sflag:$0x9], $0x10, s26, s0, $0xb8;
	[tilespmem:$0x1F020] =	vst v63  }
0x90: {  	_ =	swait.ge [sflag:s14], $0x2800  }
0x91: {  	[sflag:s14] =	ssyncset.done $0x0  }
0x92: {  	[sflag:s14] =	ssyncadd.s32 $0xFFFFD800  }
0x93: {  	_ =	swait.ge [sflag:s15], $0x500  }
0x94: {  	[sflag:s15] =	ssyncset.done $0x0  }
0x95: {  	s26 =	sadd.s32 $0x140, s25;
	[sflag:s15] =	ssyncadd.s32 $0xFFFFFB00  }
0x96: {  	[tilespmem:s5], [sflag:$0x2] =	stream.indirect.gather [hbm4b:s1+s0], $0x80, s26, s0, $0xb8;
	[tilespmem:$0x1F020] =	vst v63  }
0x97: {  	_ =	swait.ge [sflag:s30], $0x2800  }
0x98: {  	[sflag:s30] =	ssyncset.done $0x0  }
0x99: {  	s26 =	sadd.s32 $0x8C0, s25;
	[sflag:s30] =	ssyncadd.s32 $0xFFFFD800  }
0x9a: {  	[spmem:s2] =	stream.indirect.scatter.add.f32 [tilespmem:s3], [sflag:$0x4], $0x80, s26, s0, $0xb8;
	[tilespmem:$0x1F020] =	vst v63  }
0x9b: {  	_ = 	snop  }
0x9c: {  	[spmem:s4] =	stream.indirect.scatter.add.f32 [tilespmem:s6], [sflag:$0x7], $0x10, s26, s0, $0xb8;
	[tilespmem:$0x1F020] =	vst v63  }
0x9d: {  	_ =	swait.ge [sflag:s16], $0x2800  }
0x9e: {  	[sflag:s16] =	ssyncset.done $0x0  }
0x9f: {  	[sflag:s16] =	ssyncadd.s32 $0xFFFFD800  }
0xa0: {  	_ =	swait.ge [sflag:s17], $0x500  }
0xa1: {  	[sflag:s17] =	ssyncset.done $0x0  }
0xa2: {  	s26 =	sadd.s32 $0x190, s25;
	[sflag:s17] =	ssyncadd.s32 $0xFFFFFB00  }
0xa3: {  	[tilespmem:s8], [sflag:$0x3] =	stream.indirect.gather [hbm4b:s1+s0], $0x80, s26, s0, $0xb8;
	[tilespmem:$0x1F020] =	vst v63  }
0xa4: {  	_ =	swait.ge [sflag:s31], $0x2800  }
0xa5: {  	[sflag:s31] =	ssyncset.done $0x0  }
0xa6: {  	s26 =	sadd.s32 $0x910, s25;
	[sflag:s31] =	ssyncadd.s32 $0xFFFFD800  }
0xa7: {  	[spmem:s2] =	stream.indirect.scatter.add.f32 [tilespmem:s5], [sflag:$0x5], $0x80, s26, s0, $0xb8;
	[tilespmem:$0x1F020] =	vst v63  }
0xa8: {  	_ = 	snop  }
0xa9: {  	[spmem:s4] =	stream.indirect.scatter.add.f32 [tilespmem:s6], [sflag:$0x8], $0x10, s26, s0, $0xb8;
	[tilespmem:$0x1F020] =	vst v63  }
0xaa: {  	_ =	swait.ge [sflag:s10], $0x2800  }
.Ltmp1:
0xab: {  	[sflag:s10] =	ssyncset.done $0x0;
	(pc) =	sbr.rel @p0 .LBB2_4-.Ltmp1, $4  }
0xac: {  	[sflag:s10] =	ssyncadd.s32 $0xFFFFD800  }
0xad: {  	_ =	swait.ge [sflag:s11], $0x500  }
0xae: {  	[sflag:s11] =	ssyncset.done $0x0  }
0xaf: {  	s25 =	sadd.s32 $0x1E0, s25;
	[sflag:s11] =	ssyncadd.s32 $0xFFFFFB00  }
0xb0: {  	[tilespmem:s3], [sflag:$0x1] =	stream.indirect.gather [hbm4b:s1+s0], $0x80, s25, s0, $0xb8;
	[tilespmem:$0x1F020] =	vst v63  }
0xb1: {  	_ =	swait.ge [sflag:s13], $0x2800  }
0xb2: {  	[sflag:s13] =	ssyncset.done $0x0  }
0xb3: {  	[sflag:s13] =	ssyncadd.s32 $0xFFFFD800  }
0xb4: {  	[spmem:s2] =	stream.indirect.scatter.add.f32 [tilespmem:s8], [sflag:$0x6], $0x80, s18, s0, $0xb8;
	[tilespmem:$0x1F020] =	vst v63  }
0xb5: {  	_ = 	snop  }
0xb6: {  	[spmem:s4] =	stream.indirect.scatter.add.f32 [tilespmem:s6], [sflag:$0x9], $0x10, s18, s0, $0xb8;
	[tilespmem:$0x1F020] =	vst v63  }
0xb7: {  	_ =	swait.ge [sflag:s14], $0x2800  }
0xb8: {  	[sflag:s14] =	ssyncset.done $0x0  }
0xb9: {  	[sflag:s14] =	ssyncadd.s32 $0xFFFFD800  }
0xba: {  	_ =	swait.ge [sflag:s15], $0x500  }
0xbb: {  	[sflag:s15] =	ssyncset.done $0x0  }
0xbc: {  	[sflag:s15] =	ssyncadd.s32 $0xFFFFFB00  }
0xbd: {  	_ =	swait.ge [sflag:s30], $0x2800  }
0xbe: {  	[sflag:s30] =	ssyncset.done $0x0  }
0xbf: {  	[sflag:s30] =	ssyncadd.s32 $0xFFFFD800  }
0xc0: {  	[spmem:s2] =	stream.indirect.scatter.add.f32 [tilespmem:s3], [sflag:$0x4], $0x80, s19, s0, $0xb8;
	[tilespmem:$0x1F020] =	vst v63  }
0xc1: {  	_ = 	snop  }
0xc2: {  	[spmem:s4] =	stream.indirect.scatter.add.f32 [tilespmem:s6], [sflag:$0x7], $0x10, s19, s0, $0xb8;
	[tilespmem:$0x1F020] =	vst v63  }
0xc3: {  	_ =	swait.ge [sflag:s16], $0x2800  }
0xc4: {  	[sflag:s16] =	ssyncset.done $0x0  }
0xc5: {  	[sflag:s16] =	ssyncadd.s32 $0xFFFFD800  }
0xc6: {  	_ =	swait.ge [sflag:s17], $0x500  }
0xc7: {  	[sflag:s17] =	ssyncset.done $0x0  }
0xc8: {  	[sflag:s17] =	ssyncadd.s32 $0xFFFFFB00  }
0xc9: {  	_ =	swait.ge [sflag:s10], $0x2800  }
0xca: {  	[sflag:s10] =	ssyncset.done $0x0  }
0xcb: {  	[sflag:s10] =	ssyncadd.s32 $0xFFFFD800  }
0xcc: {  	_ =	swait.ge [sflag:s11], $0x500  }
0xcd: {  	[sflag:s11] =	ssyncset.done $0x0  }
0xce: {  	s24 =	simm.s32 $0x0;
	s26 =	rddreg [dreg:$0xa];
	[sflag:s11] =	ssyncadd.s32 $0xFFFFFB00  }
0xcf: {  	[tilespmem:s24], [sflag:$0xA] =	stream.linear.gather [hbm4b:s26+s24], $0x7D0, $0x38;
	[tilespmem:$0x1F020] =	vst v63  }
0xd0: {  	_ =	swait.ge [sflag:s28], $0x7D0  }
0xd1: {  	[sflag:s28] =	ssyncset.done $0x0  }
0xd2: {  	s26 =	rddreg [dreg:$0xb];
	[sflag:s28] =	ssyncadd.s32 $0xFFFFF830  }
0xd3: {  	[tilespmem:s29], [sflag:$0xA] =	stream.linear.gather [hbm4b:s26+s24], $0x7D0, $0x38;
	[tilespmem:$0x1F020] =	vst v63  }
0xd4: {  	_ =	swait.ge [sflag:s28], $0x7D0  }
0xd5: {  	[sflag:s28] =	ssyncset.done $0x0  }
0xd6: {  	[sflag:s28] =	ssyncadd.s32 $0xFFFFF830  }
0xd7: {  	[tilespmem:s3], [sflag:$0x1] =	stream.indirect.gather [hbm4b:s1+s0], $0x80, s24, s0, $0xb8;
	[tilespmem:$0x1F020] =	vst v63  }
0xd8: {  	_ = 	snop  }
0xd9: {  	[tilespmem:s5], [sflag:$0x2] =	stream.indirect.gather [hbm4b:s1+s0], $0x80, s0, s0, $0xb8;
	[tilespmem:$0x1F020] =	vst v63  }
0xda: {  	_ =	swait.ge [sflag:s30], $0x2800  }
0xdb: {  	[sflag:s30] =	ssyncset.done $0x0  }
0xdc: {  	[sflag:s30] =	ssyncadd.s32 $0xFFFFD800  }
0xdd: {  	[spmem:s2] =	stream.indirect.scatter.add.f32 [tilespmem:s3], [sflag:$0x4], $0x80, s29, s0, $0xb8;
	[tilespmem:$0x1F020] =	vst v63  }
0xde: {  	_ = 	snop  }
0xdf: {  	[spmem:s4] =	stream.indirect.scatter.add.f32 [tilespmem:s6], [sflag:$0x7], $0x10, s29, s0, $0xb8;
	[tilespmem:$0x1F020] =	vst v63  }
0xe0: {  	_ = 	snop  }
0xe1: {  	[tilespmem:s8], [sflag:$0x3] =	stream.indirect.gather [hbm4b:s1+s0], $0x80, s7, s0, $0xb8;
	[tilespmem:$0x1F020] =	vst v63  }
0xe2: {  	_ =	swait.ge [sflag:s31], $0x2800  }
0xe3: {  	[sflag:s31] =	ssyncset.done $0x0  }
0xe4: {  	[sflag:s31] =	ssyncadd.s32 $0xFFFFD800  }
0xe5: {  	[spmem:s2] =	stream.indirect.scatter.add.f32 [tilespmem:s5], [sflag:$0x5], $0x80, s9, s0, $0xb8;
	[tilespmem:$0x1F020] =	vst v63  }
0xe6: {  	_ = 	snop  }
0xe7: {  	[spmem:s4] =	stream.indirect.scatter.add.f32 [tilespmem:s6], [sflag:$0x8], $0x10, s9, s0, $0xb8;
	[tilespmem:$0x1F020] =	vst v63  }
0xe8: {  	_ =	swait.ge [sflag:s10], $0x2800  }
0xe9: {  	[sflag:s10] =	ssyncset.done $0x0  }
0xea: {  	[sflag:s10] =	ssyncadd.s32 $0xFFFFD800  }
0xeb: {  	_ =	swait.ge [sflag:s11], $0x500  }
0xec: {  	[sflag:s11] =	ssyncset.done $0x0  }
0xed: {  	[sflag:s11] =	ssyncadd.s32 $0xFFFFFB00  }
0xee: {  	[tilespmem:s3], [sflag:$0x1] =	stream.indirect.gather [hbm4b:s1+s0], $0x80, s12, s0, $0xb8;
	[tilespmem:$0x1F020] =	vst v63  }
0xef: {  	_ =	swait.ge [sflag:s13], $0x2800  }
0xf0: {  	[sflag:s13] =	ssyncset.done $0x0  }
0xf1: {  	s26 =	simm.s32 $0x870;
	[sflag:s13] =	ssyncadd.s32 $0xFFFFD800  }
0xf2: {  	[spmem:s2] =	stream.indirect.scatter.add.f32 [tilespmem:s8], [sflag:$0x6], $0x80, s26, s0, $0xb8;
	[tilespmem:$0x1F020] =	vst v63  }
0xf3: {  	_ = 	snop  }
0xf4: {  	[spmem:s4] =	stream.indirect.scatter.add.f32 [tilespmem:s6], [sflag:$0x9], $0x10, s26, s0, $0xb8;
	[tilespmem:$0x1F020] =	vst v63  }
0xf5: {  	_ =	swait.ge [sflag:s14], $0x2800  }
0xf6: {  	[sflag:s14] =	ssyncset.done $0x0  }
0xf7: {  	[sflag:s14] =	ssyncadd.s32 $0xFFFFD800  }
0xf8: {  	_ =	swait.ge [sflag:s15], $0x500  }
0xf9: {  	[sflag:s15] =	ssyncset.done $0x0  }
0xfa: {  	s25 =	simm.s32 $0x140;
	[sflag:s15] =	ssyncadd.s32 $0xFFFFFB00  }
0xfb: {  	[tilespmem:s5], [sflag:$0x2] =	stream.indirect.gather [hbm4b:s1+s0], $0x80, s25, s0, $0xb8;
	[tilespmem:$0x1F020] =	vst v63  }
0xfc: {  	_ =	swait.ge [sflag:s30], $0x2800  }
0xfd: {  	[sflag:s30] =	ssyncset.done $0x0  }
0xfe: {  	s26 =	simm.s32 $0x8C0;
	[sflag:s30] =	ssyncadd.s32 $0xFFFFD800  }
0xff: {  	[spmem:s2] =	stream.indirect.scatter.add.f32 [tilespmem:s3], [sflag:$0x4], $0x80, s26, s0, $0xb8;
	[tilespmem:$0x1F020] =	vst v63  }
0x100: {  	_ = 	snop  }
0x101: {  	[spmem:s4] =	stream.indirect.scatter.add.f32 [tilespmem:s6], [sflag:$0x7], $0x10, s26, s0, $0xb8;
	[tilespmem:$0x1F020] =	vst v63  }
0x102: {  	_ =	swait.ge [sflag:s16], $0x2800  }
0x103: {  	[sflag:s16] =	ssyncset.done $0x0  }
0x104: {  	[sflag:s16] =	ssyncadd.s32 $0xFFFFD800  }
0x105: {  	_ =	swait.ge [sflag:s17], $0x500  }
0x106: {  	[sflag:s17] =	ssyncset.done $0x0  }
0x107: {  	s25 =	simm.s32 $0x190;
	[sflag:s17] =	ssyncadd.s32 $0xFFFFFB00  }
0x108: {  	[tilespmem:s8], [sflag:$0x3] =	stream.indirect.gather [hbm4b:s1+s0], $0x80, s25, s0, $0xb8;
	[tilespmem:$0x1F020] =	vst v63  }
0x109: {  	_ =	swait.ge [sflag:s31], $0x2800  }
0x10a: {  	[sflag:s31] =	ssyncset.done $0x0  }
0x10b: {  	s26 =	simm.s32 $0x910;
	[sflag:s31] =	ssyncadd.s32 $0xFFFFD800  }
0x10c: {  	[spmem:s2] =	stream.indirect.scatter.add.f32 [tilespmem:s5], [sflag:$0x5], $0x80, s26, s0, $0xb8;
	[tilespmem:$0x1F020] =	vst v63  }
0x10d: {  	_ = 	snop  }
0x10e: {  	[spmem:s4] =	stream.indirect.scatter.add.f32 [tilespmem:s6], [sflag:$0x8], $0x10, s26, s0, $0xb8;
	[tilespmem:$0x1F020] =	vst v63  }
0x10f: {  	_ =	swait.ge [sflag:s10], $0x2800  }
0x110: {  	[sflag:s10] =	ssyncset.done $0x0  }
0x111: {  	[sflag:s10] =	ssyncadd.s32 $0xFFFFD800  }
0x112: {  	_ =	swait.ge [sflag:s11], $0x500  }
0x113: {  	[sflag:s11] =	ssyncset.done $0x0  }
0x114: {  	s24 =	simm.s32 $0x3C0;
	s25 =	simm.s32 $0x1E0;
	[sflag:s11] =	ssyncadd.s32 $0xFFFFFB00  }
.LBB2_6:
0x115: {  	[tilespmem:s3], [sflag:$0x1] =	stream.indirect.gather [hbm4b:s1+s0], $0x80, s25, s0, $0xb8;
	[tilespmem:$0x1F020] =	vst v63  }
0x116: {  	s25 =	smov.u32 s24  }
0x117: {  	p0 =	sne.s32 s24, $0x1680;
	s24 =	sadd.s32 $0x3C0, s24;
	_ =	swait.ge [sflag:s13], $0x2800  }
0x118: {  	s25 =	sshra.s32 s25, $0x2;
	[sflag:s13] =	ssyncset.done $0x0  }
0x119: {  	s26 =	sadd.s32 $0x870, s25;
	[sflag:s13] =	ssyncadd.s32 $0xFFFFD800  }
0x11a: {  	[spmem:s2] =	stream.indirect.scatter.add.f32 [tilespmem:s8], [sflag:$0x6], $0x80, s26, s0, $0xb8;
	[tilespmem:$0x1F020] =	vst v63  }
0x11b: {  	_ = 	snop  }
0x11c: {  	[spmem:s4] =	stream.indirect.scatter.add.f32 [tilespmem:s6], [sflag:$0x9], $0x10, s26, s0, $0xb8;
	[tilespmem:$0x1F020] =	vst v63  }
0x11d: {  	_ =	swait.ge [sflag:s14], $0x2800  }
0x11e: {  	[sflag:s14] =	ssyncset.done $0x0  }
0x11f: {  	[sflag:s14] =	ssyncadd.s32 $0xFFFFD800  }
0x120: {  	_ =	swait.ge [sflag:s15], $0x500  }
0x121: {  	[sflag:s15] =	ssyncset.done $0x0  }
0x122: {  	s26 =	sadd.s32 $0x140, s25;
	[sflag:s15] =	ssyncadd.s32 $0xFFFFFB00  }
0x123: {  	[tilespmem:s5], [sflag:$0x2] =	stream.indirect.gather [hbm4b:s1+s0], $0x80, s26, s0, $0xb8;
	[tilespmem:$0x1F020] =	vst v63  }
0x124: {  	_ =	swait.ge [sflag:s30], $0x2800  }
0x125: {  	[sflag:s30] =	ssyncset.done $0x0  }
0x126: {  	s26 =	sadd.s32 $0x8C0, s25;
	[sflag:s30] =	ssyncadd.s32 $0xFFFFD800  }
0x127: {  	[spmem:s2] =	stream.indirect.scatter.add.f32 [tilespmem:s3], [sflag:$0x4], $0x80, s26, s0, $0xb8;
	[tilespmem:$0x1F020] =	vst v63  }
0x128: {  	_ = 	snop  }
0x129: {  	[spmem:s4] =	stream.indirect.scatter.add.f32 [tilespmem:s6], [sflag:$0x7], $0x10, s26, s0, $0xb8;
	[tilespmem:$0x1F020] =	vst v63  }
0x12a: {  	_ =	swait.ge [sflag:s16], $0x2800  }
0x12b: {  	[sflag:s16] =	ssyncset.done $0x0  }
0x12c: {  	[sflag:s16] =	ssyncadd.s32 $0xFFFFD800  }
0x12d: {  	_ =	swait.ge [sflag:s17], $0x500  }
0x12e: {  	[sflag:s17] =	ssyncset.done $0x0  }
0x12f: {  	s26 =	sadd.s32 $0x190, s25;
	[sflag:s17] =	ssyncadd.s32 $0xFFFFFB00  }
0x130: {  	[tilespmem:s8], [sflag:$0x3] =	stream.indirect.gather [hbm4b:s1+s0], $0x80, s26, s0, $0xb8;
	[tilespmem:$0x1F020] =	vst v63  }
0x131: {  	_ =	swait.ge [sflag:s31], $0x2800  }
0x132: {  	[sflag:s31] =	ssyncset.done $0x0  }
0x133: {  	s26 =	sadd.s32 $0x910, s25;
	[sflag:s31] =	ssyncadd.s32 $0xFFFFD800  }
0x134: {  	[spmem:s2] =	stream.indirect.scatter.add.f32 [tilespmem:s5], [sflag:$0x5], $0x80, s26, s0, $0xb8;
	[tilespmem:$0x1F020] =	vst v63  }
0x135: {  	_ = 	snop  }
0x136: {  	[spmem:s4] =	stream.indirect.scatter.add.f32 [tilespmem:s6], [sflag:$0x8], $0x10, s26, s0, $0xb8;
	[tilespmem:$0x1F020] =	vst v63  }
0x137: {  	_ =	swait.ge [sflag:s10], $0x2800  }
.Ltmp2:
0x138: {  	[sflag:s10] =	ssyncset.done $0x0;
	(pc) =	sbr.rel @p0 .LBB2_6-.Ltmp2, $4  }
0x139: {  	[sflag:s10] =	ssyncadd.s32 $0xFFFFD800  }
0x13a: {  	_ =	swait.ge [sflag:s11], $0x500  }
0x13b: {  	[sflag:s11] =	ssyncset.done $0x0  }
0x13c: {  	s25 =	sadd.s32 $0x1E0, s25;
	[sflag:s11] =	ssyncadd.s32 $0xFFFFFB00  }
0x13d: {  	[tilespmem:s3], [sflag:$0x1] =	stream.indirect.gather [hbm4b:s1+s0], $0x80, s25, s0, $0xb8;
	[tilespmem:$0x1F020] =	vst v63  }
0x13e: {  	_ =	swait.ge [sflag:s13], $0x2800  }
0x13f: {  	[sflag:s13] =	ssyncset.done $0x0  }
0x140: {  	[sflag:s13] =	ssyncadd.s32 $0xFFFFD800  }
0x141: {  	[spmem:s2] =	stream.indirect.scatter.add.f32 [tilespmem:s8], [sflag:$0x6], $0x80, s18, s0, $0xb8;
	[tilespmem:$0x1F020] =	vst v63  }
0x142: {  	_ = 	snop  }
0x143: {  	[spmem:s4] =	stream.indirect.scatter.add.f32 [tilespmem:s6], [sflag:$0x9], $0x10, s18, s0, $0xb8;
	[tilespmem:$0x1F020] =	vst v63  }
0x144: {  	_ =	swait.ge [sflag:s14], $0x2800  }
0x145: {  	[sflag:s14] =	ssyncset.done $0x0  }
0x146: {  	[sflag:s14] =	ssyncadd.s32 $0xFFFFD800  }
0x147: {  	_ =	swait.ge [sflag:s15], $0x500  }
0x148: {  	[sflag:s15] =	ssyncset.done $0x0  }
0x149: {  	[sflag:s15] =	ssyncadd.s32 $0xFFFFFB00  }
0x14a: {  	_ =	swait.ge [sflag:s30], $0x2800  }
0x14b: {  	[sflag:s30] =	ssyncset.done $0x0  }
0x14c: {  	[sflag:s30] =	ssyncadd.s32 $0xFFFFD800  }
0x14d: {  	[spmem:s2] =	stream.indirect.scatter.add.f32 [tilespmem:s3], [sflag:$0x4], $0x80, s19, s0, $0xb8;
	[tilespmem:$0x1F020] =	vst v63  }
0x14e: {  	_ = 	snop  }
0x14f: {  	[spmem:s4] =	stream.indirect.scatter.add.f32 [tilespmem:s6], [sflag:$0x7], $0x10, s19, s0, $0xb8;
	[tilespmem:$0x1F020] =	vst v63  }
0x150: {  	_ =	swait.ge [sflag:s16], $0x2800  }
0x151: {  	[sflag:s16] =	ssyncset.done $0x0  }
0x152: {  	[sflag:s16] =	ssyncadd.s32 $0xFFFFD800  }
0x153: {  	_ =	swait.ge [sflag:s17], $0x500  }
0x154: {  	[sflag:s17] =	ssyncset.done $0x0  }
0x155: {  	[sflag:s17] =	ssyncadd.s32 $0xFFFFFB00  }
0x156: {  	_ =	swait.ge [sflag:s10], $0x2800  }
0x157: {  	[sflag:s10] =	ssyncset.done $0x0  }
0x158: {  	[sflag:s10] =	ssyncadd.s32 $0xFFFFD800  }
0x159: {  	_ =	swait.ge [sflag:s11], $0x500  }
0x15a: {  	[sflag:s11] =	ssyncset.done $0x0  }
0x15b: {  	s24 =	simm.s32 $0x0;
	s26 =	rddreg [dreg:$0xc];
	[sflag:s11] =	ssyncadd.s32 $0xFFFFFB00  }
0x15c: {  	[tilespmem:s24], [sflag:$0xA] =	stream.linear.gather [hbm4b:s26+s24], $0x7D0, $0x38;
	[tilespmem:$0x1F020] =	vst v63  }
0x15d: {  	_ =	swait.ge [sflag:s28], $0x7D0  }
0x15e: {  	[sflag:s28] =	ssyncset.done $0x0  }
0x15f: {  	s26 =	rddreg [dreg:$0xd];
	[sflag:s28] =	ssyncadd.s32 $0xFFFFF830  }
0x160: {  	[tilespmem:s29], [sflag:$0xA] =	stream.linear.gather [hbm4b:s26+s24], $0x7D0, $0x38;
	[tilespmem:$0x1F020] =	vst v63  }
0x161: {  	_ =	swait.ge [sflag:s28], $0x7D0  }
0x162: {  	[sflag:s28] =	ssyncset.done $0x0  }
0x163: {  	[sflag:s28] =	ssyncadd.s32 $0xFFFFF830  }
0x164: {  	[tilespmem:s3], [sflag:$0x1] =	stream.indirect.gather [hbm4b:s1+s0], $0x80, s24, s0, $0xb8;
	[tilespmem:$0x1F020] =	vst v63  }
0x165: {  	_ = 	snop  }
0x166: {  	[tilespmem:s5], [sflag:$0x2] =	stream.indirect.gather [hbm4b:s1+s0], $0x80, s0, s0, $0xb8;
	[tilespmem:$0x1F020] =	vst v63  }
0x167: {  	_ =	swait.ge [sflag:s30], $0x2800  }
0x168: {  	[sflag:s30] =	ssyncset.done $0x0  }
0x169: {  	[sflag:s30] =	ssyncadd.s32 $0xFFFFD800  }
0x16a: {  	[spmem:s2] =	stream.indirect.scatter.add.f32 [tilespmem:s3], [sflag:$0x4], $0x80, s29, s0, $0xb8;
	[tilespmem:$0x1F020] =	vst v63  }
0x16b: {  	_ = 	snop  }
0x16c: {  	[spmem:s4] =	stream.indirect.scatter.add.f32 [tilespmem:s6], [sflag:$0x7], $0x10, s29, s0, $0xb8;
	[tilespmem:$0x1F020] =	vst v63  }
0x16d: {  	_ = 	snop  }
0x16e: {  	[tilespmem:s8], [sflag:$0x3] =	stream.indirect.gather [hbm4b:s1+s0], $0x80, s7, s0, $0xb8;
	[tilespmem:$0x1F020] =	vst v63  }
0x16f: {  	_ =	swait.ge [sflag:s31], $0x2800  }
0x170: {  	[sflag:s31] =	ssyncset.done $0x0  }
0x171: {  	[sflag:s31] =	ssyncadd.s32 $0xFFFFD800  }
0x172: {  	[spmem:s2] =	stream.indirect.scatter.add.f32 [tilespmem:s5], [sflag:$0x5], $0x80, s9, s0, $0xb8;
	[tilespmem:$0x1F020] =	vst v63  }
0x173: {  	_ = 	snop  }
0x174: {  	[spmem:s4] =	stream.indirect.scatter.add.f32 [tilespmem:s6], [sflag:$0x8], $0x10, s9, s0, $0xb8;
	[tilespmem:$0x1F020] =	vst v63  }
0x175: {  	_ =	swait.ge [sflag:s10], $0x2800  }
0x176: {  	[sflag:s10] =	ssyncset.done $0x0  }
0x177: {  	[sflag:s10] =	ssyncadd.s32 $0xFFFFD800  }
0x178: {  	_ =	swait.ge [sflag:s11], $0x500  }
0x179: {  	[sflag:s11] =	ssyncset.done $0x0  }
0x17a: {  	[sflag:s11] =	ssyncadd.s32 $0xFFFFFB00  }
0x17b: {  	[tilespmem:s3], [sflag:$0x1] =	stream.indirect.gather [hbm4b:s1+s0], $0x80, s12, s0, $0xb8;
	[tilespmem:$0x1F020] =	vst v63  }
0x17c: {  	_ =	swait.ge [sflag:s13], $0x2800  }
0x17d: {  	[sflag:s13] =	ssyncset.done $0x0  }
0x17e: {  	s26 =	simm.s32 $0x870;
	[sflag:s13] =	ssyncadd.s32 $0xFFFFD800  }
0x17f: {  	[spmem:s2] =	stream.indirect.scatter.add.f32 [tilespmem:s8], [sflag:$0x6], $0x80, s26, s0, $0xb8;
	[tilespmem:$0x1F020] =	vst v63  }
0x180: {  	_ = 	snop  }
0x181: {  	[spmem:s4] =	stream.indirect.scatter.add.f32 [tilespmem:s6], [sflag:$0x9], $0x10, s26, s0, $0xb8;
	[tilespmem:$0x1F020] =	vst v63  }
0x182: {  	_ =	swait.ge [sflag:s14], $0x2800  }
0x183: {  	[sflag:s14] =	ssyncset.done $0x0  }
0x184: {  	[sflag:s14] =	ssyncadd.s32 $0xFFFFD800  }
0x185: {  	_ =	swait.ge [sflag:s15], $0x500  }
0x186: {  	[sflag:s15] =	ssyncset.done $0x0  }
0x187: {  	s25 =	simm.s32 $0x140;
	[sflag:s15] =	ssyncadd.s32 $0xFFFFFB00  }
0x188: {  	[tilespmem:s5], [sflag:$0x2] =	stream.indirect.gather [hbm4b:s1+s0], $0x80, s25, s0, $0xb8;
	[tilespmem:$0x1F020] =	vst v63  }
0x189: {  	_ =	swait.ge [sflag:s30], $0x2800  }
0x18a: {  	[sflag:s30] =	ssyncset.done $0x0  }
0x18b: {  	s26 =	simm.s32 $0x8C0;
	[sflag:s30] =	ssyncadd.s32 $0xFFFFD800  }
0x18c: {  	[spmem:s2] =	stream.indirect.scatter.add.f32 [tilespmem:s3], [sflag:$0x4], $0x80, s26, s0, $0xb8;
	[tilespmem:$0x1F020] =	vst v63  }
0x18d: {  	_ = 	snop  }
0x18e: {  	[spmem:s4] =	stream.indirect.scatter.add.f32 [tilespmem:s6], [sflag:$0x7], $0x10, s26, s0, $0xb8;
	[tilespmem:$0x1F020] =	vst v63  }
0x18f: {  	_ =	swait.ge [sflag:s16], $0x2800  }
0x190: {  	[sflag:s16] =	ssyncset.done $0x0  }
0x191: {  	[sflag:s16] =	ssyncadd.s32 $0xFFFFD800  }
0x192: {  	_ =	swait.ge [sflag:s17], $0x500  }
0x193: {  	[sflag:s17] =	ssyncset.done $0x0  }
0x194: {  	s25 =	simm.s32 $0x190;
	[sflag:s17] =	ssyncadd.s32 $0xFFFFFB00  }
0x195: {  	[tilespmem:s8], [sflag:$0x3] =	stream.indirect.gather [hbm4b:s1+s0], $0x80, s25, s0, $0xb8;
	[tilespmem:$0x1F020] =	vst v63  }
0x196: {  	_ =	swait.ge [sflag:s31], $0x2800  }
0x197: {  	[sflag:s31] =	ssyncset.done $0x0  }
0x198: {  	s26 =	simm.s32 $0x910;
	[sflag:s31] =	ssyncadd.s32 $0xFFFFD800  }
0x199: {  	[spmem:s2] =	stream.indirect.scatter.add.f32 [tilespmem:s5], [sflag:$0x5], $0x80, s26, s0, $0xb8;
	[tilespmem:$0x1F020] =	vst v63  }
0x19a: {  	_ = 	snop  }
0x19b: {  	[spmem:s4] =	stream.indirect.scatter.add.f32 [tilespmem:s6], [sflag:$0x8], $0x10, s26, s0, $0xb8;
	[tilespmem:$0x1F020] =	vst v63  }
0x19c: {  	_ =	swait.ge [sflag:s10], $0x2800  }
0x19d: {  	[sflag:s10] =	ssyncset.done $0x0  }
0x19e: {  	[sflag:s10] =	ssyncadd.s32 $0xFFFFD800  }
0x19f: {  	_ =	swait.ge [sflag:s11], $0x500  }
0x1a0: {  	[sflag:s11] =	ssyncset.done $0x0  }
0x1a1: {  	s24 =	simm.s32 $0x3C0;
	s25 =	simm.s32 $0x1E0;
	[sflag:s11] =	ssyncadd.s32 $0xFFFFFB00  }
.LBB2_8:
0x1a2: {  	[tilespmem:s3], [sflag:$0x1] =	stream.indirect.gather [hbm4b:s1+s0], $0x80, s25, s0, $0xb8;
	[tilespmem:$0x1F020] =	vst v63  }
0x1a3: {  	s25 =	smov.u32 s24  }
0x1a4: {  	p0 =	sne.s32 s24, $0x1680;
	s24 =	sadd.s32 $0x3C0, s24;
	_ =	swait.ge [sflag:s13], $0x2800  }
0x1a5: {  	s25 =	sshra.s32 s25, $0x2;
	[sflag:s13] =	ssyncset.done $0x0  }
0x1a6: {  	s26 =	sadd.s32 $0x870, s25;
	[sflag:s13] =	ssyncadd.s32 $0xFFFFD800  }
0x1a7: {  	[spmem:s2] =	stream.indirect.scatter.add.f32 [tilespmem:s8], [sflag:$0x6], $0x80, s26, s0, $0xb8;
	[tilespmem:$0x1F020] =	vst v63  }
0x1a8: {  	_ = 	snop  }
0x1a9: {  	[spmem:s4] =	stream.indirect.scatter.add.f32 [tilespmem:s6], [sflag:$0x9], $0x10, s26, s0, $0xb8;
	[tilespmem:$0x1F020] =	vst v63  }
0x1aa: {  	_ =	swait.ge [sflag:s14], $0x2800  }
0x1ab: {  	[sflag:s14] =	ssyncset.done $0x0  }
0x1ac: {  	[sflag:s14] =	ssyncadd.s32 $0xFFFFD800  }
0x1ad: {  	_ =	swait.ge [sflag:s15], $0x500  }
0x1ae: {  	[sflag:s15] =	ssyncset.done $0x0  }
0x1af: {  	s26 =	sadd.s32 $0x140, s25;
	[sflag:s15] =	ssyncadd.s32 $0xFFFFFB00  }
0x1b0: {  	[tilespmem:s5], [sflag:$0x2] =	stream.indirect.gather [hbm4b:s1+s0], $0x80, s26, s0, $0xb8;
	[tilespmem:$0x1F020] =	vst v63  }
0x1b1: {  	_ =	swait.ge [sflag:s30], $0x2800  }
0x1b2: {  	[sflag:s30] =	ssyncset.done $0x0  }
0x1b3: {  	s26 =	sadd.s32 $0x8C0, s25;
	[sflag:s30] =	ssyncadd.s32 $0xFFFFD800  }
0x1b4: {  	[spmem:s2] =	stream.indirect.scatter.add.f32 [tilespmem:s3], [sflag:$0x4], $0x80, s26, s0, $0xb8;
	[tilespmem:$0x1F020] =	vst v63  }
0x1b5: {  	_ = 	snop  }
0x1b6: {  	[spmem:s4] =	stream.indirect.scatter.add.f32 [tilespmem:s6], [sflag:$0x7], $0x10, s26, s0, $0xb8;
	[tilespmem:$0x1F020] =	vst v63  }
0x1b7: {  	_ =	swait.ge [sflag:s16], $0x2800  }
0x1b8: {  	[sflag:s16] =	ssyncset.done $0x0  }
0x1b9: {  	[sflag:s16] =	ssyncadd.s32 $0xFFFFD800  }
0x1ba: {  	_ =	swait.ge [sflag:s17], $0x500  }
0x1bb: {  	[sflag:s17] =	ssyncset.done $0x0  }
0x1bc: {  	s26 =	sadd.s32 $0x190, s25;
	[sflag:s17] =	ssyncadd.s32 $0xFFFFFB00  }
0x1bd: {  	[tilespmem:s8], [sflag:$0x3] =	stream.indirect.gather [hbm4b:s1+s0], $0x80, s26, s0, $0xb8;
	[tilespmem:$0x1F020] =	vst v63  }
0x1be: {  	_ =	swait.ge [sflag:s31], $0x2800  }
0x1bf: {  	[sflag:s31] =	ssyncset.done $0x0  }
0x1c0: {  	s26 =	sadd.s32 $0x910, s25;
	[sflag:s31] =	ssyncadd.s32 $0xFFFFD800  }
0x1c1: {  	[spmem:s2] =	stream.indirect.scatter.add.f32 [tilespmem:s5], [sflag:$0x5], $0x80, s26, s0, $0xb8;
	[tilespmem:$0x1F020] =	vst v63  }
0x1c2: {  	_ = 	snop  }
0x1c3: {  	[spmem:s4] =	stream.indirect.scatter.add.f32 [tilespmem:s6], [sflag:$0x8], $0x10, s26, s0, $0xb8;
	[tilespmem:$0x1F020] =	vst v63  }
0x1c4: {  	_ =	swait.ge [sflag:s10], $0x2800  }
.Ltmp3:
0x1c5: {  	[sflag:s10] =	ssyncset.done $0x0;
	(pc) =	sbr.rel @p0 .LBB2_8-.Ltmp3, $4  }
0x1c6: {  	[sflag:s10] =	ssyncadd.s32 $0xFFFFD800  }
0x1c7: {  	_ =	swait.ge [sflag:s11], $0x500  }
0x1c8: {  	[sflag:s11] =	ssyncset.done $0x0  }
0x1c9: {  	s25 =	sadd.s32 $0x1E0, s25;
	[sflag:s11] =	ssyncadd.s32 $0xFFFFFB00  }
0x1ca: {  	[tilespmem:s3], [sflag:$0x1] =	stream.indirect.gather [hbm4b:s1+s0], $0x80, s25, s0, $0xb8;
	[tilespmem:$0x1F020] =	vst v63  }
0x1cb: {  	_ =	swait.ge [sflag:s13], $0x2800  }
0x1cc: {  	[sflag:s13] =	ssyncset.done $0x0  }
0x1cd: {  	[sflag:s13] =	ssyncadd.s32 $0xFFFFD800  }
0x1ce: {  	[spmem:s2] =	stream.indirect.scatter.add.f32 [tilespmem:s8], [sflag:$0x6], $0x80, s18, s0, $0xb8;
	[tilespmem:$0x1F020] =	vst v63  }
0x1cf: {  	_ = 	snop  }
0x1d0: {  	[spmem:s4] =	stream.indirect.scatter.add.f32 [tilespmem:s6], [sflag:$0x9], $0x10, s18, s0, $0xb8;
	[tilespmem:$0x1F020] =	vst v63  }
0x1d1: {  	_ =	swait.ge [sflag:s14], $0x2800  }
0x1d2: {  	[sflag:s14] =	ssyncset.done $0x0  }
0x1d3: {  	[sflag:s14] =	ssyncadd.s32 $0xFFFFD800  }
0x1d4: {  	_ =	swait.ge [sflag:s15], $0x500  }
0x1d5: {  	[sflag:s15] =	ssyncset.done $0x0  }
0x1d6: {  	[sflag:s15] =	ssyncadd.s32 $0xFFFFFB00  }
0x1d7: {  	_ =	swait.ge [sflag:s30], $0x2800  }
0x1d8: {  	[sflag:s30] =	ssyncset.done $0x0  }
0x1d9: {  	[sflag:s30] =	ssyncadd.s32 $0xFFFFD800  }
0x1da: {  	[spmem:s2] =	stream.indirect.scatter.add.f32 [tilespmem:s3], [sflag:$0x4], $0x80, s19, s0, $0xb8;
	[tilespmem:$0x1F020] =	vst v63  }
0x1db: {  	_ = 	snop  }
0x1dc: {  	[spmem:s4] =	stream.indirect.scatter.add.f32 [tilespmem:s6], [sflag:$0x7], $0x10, s19, s0, $0xb8;
	[tilespmem:$0x1F020] =	vst v63  }
0x1dd: {  	_ =	swait.ge [sflag:s16], $0x2800  }
0x1de: {  	[sflag:s16] =	ssyncset.done $0x0  }
0x1df: {  	[sflag:s16] =	ssyncadd.s32 $0xFFFFD800  }
0x1e0: {  	_ =	swait.ge [sflag:s17], $0x500  }
0x1e1: {  	[sflag:s17] =	ssyncset.done $0x0  }
0x1e2: {  	[sflag:s17] =	ssyncadd.s32 $0xFFFFFB00  }
0x1e3: {  	_ =	swait.ge [sflag:s10], $0x2800  }
0x1e4: {  	[sflag:s10] =	ssyncset.done $0x0  }
0x1e5: {  	[sflag:s10] =	ssyncadd.s32 $0xFFFFD800  }
0x1e6: {  	_ =	swait.ge [sflag:s11], $0x500  }
0x1e7: {  	[sflag:s11] =	ssyncset.done $0x0  }
0x1e8: {  	s24 =	simm.s32 $0x0;
	s26 =	rddreg [dreg:$0xe];
	[sflag:s11] =	ssyncadd.s32 $0xFFFFFB00  }
0x1e9: {  	[tilespmem:s24], [sflag:$0xA] =	stream.linear.gather [hbm4b:s26+s24], $0x7D0, $0x38;
	[tilespmem:$0x1F020] =	vst v63  }
0x1ea: {  	_ =	swait.ge [sflag:s28], $0x7D0  }
0x1eb: {  	[sflag:s28] =	ssyncset.done $0x0  }
0x1ec: {  	s26 =	rddreg [dreg:$0xf];
	[sflag:s28] =	ssyncadd.s32 $0xFFFFF830  }
0x1ed: {  	[tilespmem:s29], [sflag:$0xA] =	stream.linear.gather [hbm4b:s26+s24], $0x7D0, $0x38;
	[tilespmem:$0x1F020] =	vst v63  }
0x1ee: {  	_ =	swait.ge [sflag:s28], $0x7D0  }
0x1ef: {  	[sflag:s28] =	ssyncset.done $0x0  }
0x1f0: {  	[sflag:s28] =	ssyncadd.s32 $0xFFFFF830  }
0x1f1: {  	[tilespmem:s3], [sflag:$0x1] =	stream.indirect.gather [hbm4b:s1+s0], $0x80, s24, s0, $0xb8;
	[tilespmem:$0x1F020] =	vst v63  }
0x1f2: {  	_ = 	snop  }
0x1f3: {  	[tilespmem:s5], [sflag:$0x2] =	stream.indirect.gather [hbm4b:s1+s0], $0x80, s0, s0, $0xb8;
	[tilespmem:$0x1F020] =	vst v63  }
0x1f4: {  	_ =	swait.ge [sflag:s30], $0x2800  }
0x1f5: {  	[sflag:s30] =	ssyncset.done $0x0  }
0x1f6: {  	[sflag:s30] =	ssyncadd.s32 $0xFFFFD800  }
0x1f7: {  	[spmem:s2] =	stream.indirect.scatter.add.f32 [tilespmem:s3], [sflag:$0x4], $0x80, s29, s0, $0xb8;
	[tilespmem:$0x1F020] =	vst v63  }
0x1f8: {  	_ = 	snop  }
0x1f9: {  	[spmem:s4] =	stream.indirect.scatter.add.f32 [tilespmem:s6], [sflag:$0x7], $0x10, s29, s0, $0xb8;
	[tilespmem:$0x1F020] =	vst v63  }
0x1fa: {  	_ = 	snop  }
0x1fb: {  	[tilespmem:s8], [sflag:$0x3] =	stream.indirect.gather [hbm4b:s1+s0], $0x80, s7, s0, $0xb8;
	[tilespmem:$0x1F020] =	vst v63  }
0x1fc: {  	_ =	swait.ge [sflag:s31], $0x2800  }
0x1fd: {  	[sflag:s31] =	ssyncset.done $0x0  }
0x1fe: {  	[sflag:s31] =	ssyncadd.s32 $0xFFFFD800  }
0x1ff: {  	[spmem:s2] =	stream.indirect.scatter.add.f32 [tilespmem:s5], [sflag:$0x5], $0x80, s9, s0, $0xb8;
	[tilespmem:$0x1F020] =	vst v63  }
0x200: {  	_ = 	snop  }
0x201: {  	[spmem:s4] =	stream.indirect.scatter.add.f32 [tilespmem:s6], [sflag:$0x8], $0x10, s9, s0, $0xb8;
	[tilespmem:$0x1F020] =	vst v63  }
0x202: {  	_ =	swait.ge [sflag:s10], $0x2800  }
0x203: {  	[sflag:s10] =	ssyncset.done $0x0  }
0x204: {  	[sflag:s10] =	ssyncadd.s32 $0xFFFFD800  }
0x205: {  	_ =	swait.ge [sflag:s11], $0x500  }
0x206: {  	[sflag:s11] =	ssyncset.done $0x0  }
0x207: {  	[sflag:s11] =	ssyncadd.s32 $0xFFFFFB00  }
0x208: {  	[tilespmem:s3], [sflag:$0x1] =	stream.indirect.gather [hbm4b:s1+s0], $0x80, s12, s0, $0xb8;
	[tilespmem:$0x1F020] =	vst v63  }
0x209: {  	_ =	swait.ge [sflag:s13], $0x2800  }
0x20a: {  	[sflag:s13] =	ssyncset.done $0x0  }
0x20b: {  	s26 =	simm.s32 $0x870;
	[sflag:s13] =	ssyncadd.s32 $0xFFFFD800  }
0x20c: {  	[spmem:s2] =	stream.indirect.scatter.add.f32 [tilespmem:s8], [sflag:$0x6], $0x80, s26, s0, $0xb8;
	[tilespmem:$0x1F020] =	vst v63  }
0x20d: {  	_ = 	snop  }
0x20e: {  	[spmem:s4] =	stream.indirect.scatter.add.f32 [tilespmem:s6], [sflag:$0x9], $0x10, s26, s0, $0xb8;
	[tilespmem:$0x1F020] =	vst v63  }
0x20f: {  	_ =	swait.ge [sflag:s14], $0x2800  }
0x210: {  	[sflag:s14] =	ssyncset.done $0x0  }
0x211: {  	[sflag:s14] =	ssyncadd.s32 $0xFFFFD800  }
0x212: {  	_ =	swait.ge [sflag:s15], $0x500  }
0x213: {  	[sflag:s15] =	ssyncset.done $0x0  }
0x214: {  	s25 =	simm.s32 $0x140;
	[sflag:s15] =	ssyncadd.s32 $0xFFFFFB00  }
0x215: {  	[tilespmem:s5], [sflag:$0x2] =	stream.indirect.gather [hbm4b:s1+s0], $0x80, s25, s0, $0xb8;
	[tilespmem:$0x1F020] =	vst v63  }
0x216: {  	_ =	swait.ge [sflag:s30], $0x2800  }
0x217: {  	[sflag:s30] =	ssyncset.done $0x0  }
0x218: {  	s26 =	simm.s32 $0x8C0;
	[sflag:s30] =	ssyncadd.s32 $0xFFFFD800  }
0x219: {  	[spmem:s2] =	stream.indirect.scatter.add.f32 [tilespmem:s3], [sflag:$0x4], $0x80, s26, s0, $0xb8;
	[tilespmem:$0x1F020] =	vst v63  }
0x21a: {  	_ = 	snop  }
0x21b: {  	[spmem:s4] =	stream.indirect.scatter.add.f32 [tilespmem:s6], [sflag:$0x7], $0x10, s26, s0, $0xb8;
	[tilespmem:$0x1F020] =	vst v63  }
0x21c: {  	_ =	swait.ge [sflag:s16], $0x2800  }
0x21d: {  	[sflag:s16] =	ssyncset.done $0x0  }
0x21e: {  	[sflag:s16] =	ssyncadd.s32 $0xFFFFD800  }
0x21f: {  	_ =	swait.ge [sflag:s17], $0x500  }
0x220: {  	[sflag:s17] =	ssyncset.done $0x0  }
0x221: {  	s25 =	simm.s32 $0x190;
	[sflag:s17] =	ssyncadd.s32 $0xFFFFFB00  }
0x222: {  	[tilespmem:s8], [sflag:$0x3] =	stream.indirect.gather [hbm4b:s1+s0], $0x80, s25, s0, $0xb8;
	[tilespmem:$0x1F020] =	vst v63  }
0x223: {  	_ =	swait.ge [sflag:s31], $0x2800  }
0x224: {  	[sflag:s31] =	ssyncset.done $0x0  }
0x225: {  	s26 =	simm.s32 $0x910;
	[sflag:s31] =	ssyncadd.s32 $0xFFFFD800  }
0x226: {  	[spmem:s2] =	stream.indirect.scatter.add.f32 [tilespmem:s5], [sflag:$0x5], $0x80, s26, s0, $0xb8;
	[tilespmem:$0x1F020] =	vst v63  }
0x227: {  	_ = 	snop  }
0x228: {  	[spmem:s4] =	stream.indirect.scatter.add.f32 [tilespmem:s6], [sflag:$0x8], $0x10, s26, s0, $0xb8;
	[tilespmem:$0x1F020] =	vst v63  }
0x229: {  	_ =	swait.ge [sflag:s10], $0x2800  }
0x22a: {  	[sflag:s10] =	ssyncset.done $0x0  }
0x22b: {  	[sflag:s10] =	ssyncadd.s32 $0xFFFFD800  }
0x22c: {  	_ =	swait.ge [sflag:s11], $0x500  }
0x22d: {  	[sflag:s11] =	ssyncset.done $0x0  }
0x22e: {  	s24 =	simm.s32 $0x3C0;
	s25 =	simm.s32 $0x1E0;
	[sflag:s11] =	ssyncadd.s32 $0xFFFFFB00  }
.LBB2_10:
0x22f: {  	[tilespmem:s3], [sflag:$0x1] =	stream.indirect.gather [hbm4b:s1+s0], $0x80, s25, s0, $0xb8;
	[tilespmem:$0x1F020] =	vst v63  }
0x230: {  	s25 =	smov.u32 s24  }
0x231: {  	p0 =	sne.s32 s24, $0x1680;
	s24 =	sadd.s32 $0x3C0, s24;
	_ =	swait.ge [sflag:s13], $0x2800  }
0x232: {  	s25 =	sshra.s32 s25, $0x2;
	[sflag:s13] =	ssyncset.done $0x0  }
0x233: {  	s26 =	sadd.s32 $0x870, s25;
	[sflag:s13] =	ssyncadd.s32 $0xFFFFD800  }
0x234: {  	[spmem:s2] =	stream.indirect.scatter.add.f32 [tilespmem:s8], [sflag:$0x6], $0x80, s26, s0, $0xb8;
	[tilespmem:$0x1F020] =	vst v63  }
0x235: {  	_ = 	snop  }
0x236: {  	[spmem:s4] =	stream.indirect.scatter.add.f32 [tilespmem:s6], [sflag:$0x9], $0x10, s26, s0, $0xb8;
	[tilespmem:$0x1F020] =	vst v63  }
0x237: {  	_ =	swait.ge [sflag:s14], $0x2800  }
0x238: {  	[sflag:s14] =	ssyncset.done $0x0  }
0x239: {  	[sflag:s14] =	ssyncadd.s32 $0xFFFFD800  }
0x23a: {  	_ =	swait.ge [sflag:s15], $0x500  }
0x23b: {  	[sflag:s15] =	ssyncset.done $0x0  }
0x23c: {  	s26 =	sadd.s32 $0x140, s25;
	[sflag:s15] =	ssyncadd.s32 $0xFFFFFB00  }
0x23d: {  	[tilespmem:s5], [sflag:$0x2] =	stream.indirect.gather [hbm4b:s1+s0], $0x80, s26, s0, $0xb8;
	[tilespmem:$0x1F020] =	vst v63  }
0x23e: {  	_ =	swait.ge [sflag:s30], $0x2800  }
0x23f: {  	[sflag:s30] =	ssyncset.done $0x0  }
0x240: {  	s26 =	sadd.s32 $0x8C0, s25;
	[sflag:s30] =	ssyncadd.s32 $0xFFFFD800  }
0x241: {  	[spmem:s2] =	stream.indirect.scatter.add.f32 [tilespmem:s3], [sflag:$0x4], $0x80, s26, s0, $0xb8;
	[tilespmem:$0x1F020] =	vst v63  }
0x242: {  	_ = 	snop  }
0x243: {  	[spmem:s4] =	stream.indirect.scatter.add.f32 [tilespmem:s6], [sflag:$0x7], $0x10, s26, s0, $0xb8;
	[tilespmem:$0x1F020] =	vst v63  }
0x244: {  	_ =	swait.ge [sflag:s16], $0x2800  }
0x245: {  	[sflag:s16] =	ssyncset.done $0x0  }
0x246: {  	[sflag:s16] =	ssyncadd.s32 $0xFFFFD800  }
0x247: {  	_ =	swait.ge [sflag:s17], $0x500  }
0x248: {  	[sflag:s17] =	ssyncset.done $0x0  }
0x249: {  	s26 =	sadd.s32 $0x190, s25;
	[sflag:s17] =	ssyncadd.s32 $0xFFFFFB00  }
0x24a: {  	[tilespmem:s8], [sflag:$0x3] =	stream.indirect.gather [hbm4b:s1+s0], $0x80, s26, s0, $0xb8;
	[tilespmem:$0x1F020] =	vst v63  }
0x24b: {  	_ =	swait.ge [sflag:s31], $0x2800  }
0x24c: {  	[sflag:s31] =	ssyncset.done $0x0  }
0x24d: {  	s26 =	sadd.s32 $0x910, s25;
	[sflag:s31] =	ssyncadd.s32 $0xFFFFD800  }
0x24e: {  	[spmem:s2] =	stream.indirect.scatter.add.f32 [tilespmem:s5], [sflag:$0x5], $0x80, s26, s0, $0xb8;
	[tilespmem:$0x1F020] =	vst v63  }
0x24f: {  	_ = 	snop  }
0x250: {  	[spmem:s4] =	stream.indirect.scatter.add.f32 [tilespmem:s6], [sflag:$0x8], $0x10, s26, s0, $0xb8;
	[tilespmem:$0x1F020] =	vst v63  }
0x251: {  	_ =	swait.ge [sflag:s10], $0x2800  }
.Ltmp4:
0x252: {  	[sflag:s10] =	ssyncset.done $0x0;
	(pc) =	sbr.rel @p0 .LBB2_10-.Ltmp4, $4  }
0x253: {  	[sflag:s10] =	ssyncadd.s32 $0xFFFFD800  }
0x254: {  	_ =	swait.ge [sflag:s11], $0x500  }
0x255: {  	[sflag:s11] =	ssyncset.done $0x0  }
0x256: {  	s25 =	sadd.s32 $0x1E0, s25;
	[sflag:s11] =	ssyncadd.s32 $0xFFFFFB00  }
0x257: {  	[tilespmem:s3], [sflag:$0x1] =	stream.indirect.gather [hbm4b:s1+s0], $0x80, s25, s0, $0xb8;
	[tilespmem:$0x1F020] =	vst v63  }
0x258: {  	_ =	swait.ge [sflag:s13], $0x2800  }
0x259: {  	[sflag:s13] =	ssyncset.done $0x0  }
0x25a: {  	[sflag:s13] =	ssyncadd.s32 $0xFFFFD800  }
0x25b: {  	[spmem:s2] =	stream.indirect.scatter.add.f32 [tilespmem:s8], [sflag:$0x6], $0x80, s18, s0, $0xb8;
	[tilespmem:$0x1F020] =	vst v63  }
0x25c: {  	_ = 	snop  }
0x25d: {  	[spmem:s4] =	stream.indirect.scatter.add.f32 [tilespmem:s6], [sflag:$0x9], $0x10, s18, s0, $0xb8;
	[tilespmem:$0x1F020] =	vst v63  }
0x25e: {  	_ =	swait.ge [sflag:s14], $0x2800  }
0x25f: {  	[sflag:s14] =	ssyncset.done $0x0  }
0x260: {  	[sflag:s14] =	ssyncadd.s32 $0xFFFFD800  }
0x261: {  	_ =	swait.ge [sflag:s15], $0x500  }
0x262: {  	[sflag:s15] =	ssyncset.done $0x0  }
0x263: {  	[sflag:s15] =	ssyncadd.s32 $0xFFFFFB00  }
0x264: {  	_ =	swait.ge [sflag:s30], $0x2800  }
0x265: {  	[sflag:s30] =	ssyncset.done $0x0  }
0x266: {  	[sflag:s30] =	ssyncadd.s32 $0xFFFFD800  }
0x267: {  	[spmem:s2] =	stream.indirect.scatter.add.f32 [tilespmem:s3], [sflag:$0x4], $0x80, s19, s0, $0xb8;
	[tilespmem:$0x1F020] =	vst v63  }
0x268: {  	_ = 	snop  }
0x269: {  	[spmem:s4] =	stream.indirect.scatter.add.f32 [tilespmem:s6], [sflag:$0x7], $0x10, s19, s0, $0xb8;
	[tilespmem:$0x1F020] =	vst v63  }
0x26a: {  	_ =	swait.ge [sflag:s16], $0x2800  }
0x26b: {  	[sflag:s16] =	ssyncset.done $0x0  }
0x26c: {  	[sflag:s16] =	ssyncadd.s32 $0xFFFFD800  }
0x26d: {  	_ =	swait.ge [sflag:s17], $0x500  }
0x26e: {  	[sflag:s17] =	ssyncset.done $0x0  }
0x26f: {  	[sflag:s17] =	ssyncadd.s32 $0xFFFFFB00  }
0x270: {  	_ =	swait.ge [sflag:s10], $0x2800  }
0x271: {  	[sflag:s10] =	ssyncset.done $0x0  }
0x272: {  	[sflag:s10] =	ssyncadd.s32 $0xFFFFD800  }
0x273: {  	_ =	swait.ge [sflag:s11], $0x500  }
0x274: {  	[sflag:s11] =	ssyncset.done $0x0  }
0x275: {  	s24 =	simm.s32 $0x0;
	s26 =	rddreg [dreg:$0x10];
	[sflag:s11] =	ssyncadd.s32 $0xFFFFFB00  }
0x276: {  	[tilespmem:s24], [sflag:$0xA] =	stream.linear.gather [hbm4b:s26+s24], $0x7D0, $0x38;
	[tilespmem:$0x1F020] =	vst v63  }
0x277: {  	_ =	swait.ge [sflag:s28], $0x7D0  }
0x278: {  	[sflag:s28] =	ssyncset.done $0x0  }
0x279: {  	s26 =	rddreg [dreg:$0x11];
	[sflag:s28] =	ssyncadd.s32 $0xFFFFF830  }
0x27a: {  	[tilespmem:s29], [sflag:$0xA] =	stream.linear.gather [hbm4b:s26+s24], $0x7D0, $0x38;
	[tilespmem:$0x1F020] =	vst v63  }
0x27b: {  	_ =	swait.ge [sflag:s28], $0x7D0  }
0x27c: {  	[sflag:s28] =	ssyncset.done $0x0  }
0x27d: {  	[sflag:s28] =	ssyncadd.s32 $0xFFFFF830  }
0x27e: {  	[tilespmem:s3], [sflag:$0x1] =	stream.indirect.gather [hbm4b:s1+s0], $0x80, s24, s0, $0xb8;
	[tilespmem:$0x1F020] =	vst v63  }
0x27f: {  	_ = 	snop  }
0x280: {  	[tilespmem:s5], [sflag:$0x2] =	stream.indirect.gather [hbm4b:s1+s0], $0x80, s0, s0, $0xb8;
	[tilespmem:$0x1F020] =	vst v63  }
0x281: {  	_ =	swait.ge [sflag:s30], $0x2800  }
0x282: {  	[sflag:s30] =	ssyncset.done $0x0  }
0x283: {  	[sflag:s30] =	ssyncadd.s32 $0xFFFFD800  }
0x284: {  	[spmem:s2] =	stream.indirect.scatter.add.f32 [tilespmem:s3], [sflag:$0x4], $0x80, s29, s0, $0xb8;
	[tilespmem:$0x1F020] =	vst v63  }
0x285: {  	_ = 	snop  }
0x286: {  	[spmem:s4] =	stream.indirect.scatter.add.f32 [tilespmem:s6], [sflag:$0x7], $0x10, s29, s0, $0xb8;
	[tilespmem:$0x1F020] =	vst v63  }
0x287: {  	_ = 	snop  }
0x288: {  	[tilespmem:s8], [sflag:$0x3] =	stream.indirect.gather [hbm4b:s1+s0], $0x80, s7, s0, $0xb8;
	[tilespmem:$0x1F020] =	vst v63  }
0x289: {  	_ =	swait.ge [sflag:s31], $0x2800  }
0x28a: {  	[sflag:s31] =	ssyncset.done $0x0  }
0x28b: {  	[sflag:s31] =	ssyncadd.s32 $0xFFFFD800  }
0x28c: {  	[spmem:s2] =	stream.indirect.scatter.add.f32 [tilespmem:s5], [sflag:$0x5], $0x80, s9, s0, $0xb8;
	[tilespmem:$0x1F020] =	vst v63  }
0x28d: {  	_ = 	snop  }
0x28e: {  	[spmem:s4] =	stream.indirect.scatter.add.f32 [tilespmem:s6], [sflag:$0x8], $0x10, s9, s0, $0xb8;
	[tilespmem:$0x1F020] =	vst v63  }
0x28f: {  	_ =	swait.ge [sflag:s10], $0x2800  }
0x290: {  	[sflag:s10] =	ssyncset.done $0x0  }
0x291: {  	[sflag:s10] =	ssyncadd.s32 $0xFFFFD800  }
0x292: {  	_ =	swait.ge [sflag:s11], $0x500  }
0x293: {  	[sflag:s11] =	ssyncset.done $0x0  }
0x294: {  	[sflag:s11] =	ssyncadd.s32 $0xFFFFFB00  }
0x295: {  	[tilespmem:s3], [sflag:$0x1] =	stream.indirect.gather [hbm4b:s1+s0], $0x80, s12, s0, $0xb8;
	[tilespmem:$0x1F020] =	vst v63  }
0x296: {  	_ =	swait.ge [sflag:s13], $0x2800  }
0x297: {  	[sflag:s13] =	ssyncset.done $0x0  }
0x298: {  	s26 =	simm.s32 $0x870;
	[sflag:s13] =	ssyncadd.s32 $0xFFFFD800  }
0x299: {  	[spmem:s2] =	stream.indirect.scatter.add.f32 [tilespmem:s8], [sflag:$0x6], $0x80, s26, s0, $0xb8;
	[tilespmem:$0x1F020] =	vst v63  }
0x29a: {  	_ = 	snop  }
0x29b: {  	[spmem:s4] =	stream.indirect.scatter.add.f32 [tilespmem:s6], [sflag:$0x9], $0x10, s26, s0, $0xb8;
	[tilespmem:$0x1F020] =	vst v63  }
0x29c: {  	_ =	swait.ge [sflag:s14], $0x2800  }
0x29d: {  	[sflag:s14] =	ssyncset.done $0x0  }
0x29e: {  	[sflag:s14] =	ssyncadd.s32 $0xFFFFD800  }
0x29f: {  	_ =	swait.ge [sflag:s15], $0x500  }
0x2a0: {  	[sflag:s15] =	ssyncset.done $0x0  }
0x2a1: {  	s25 =	simm.s32 $0x140;
	[sflag:s15] =	ssyncadd.s32 $0xFFFFFB00  }
0x2a2: {  	[tilespmem:s5], [sflag:$0x2] =	stream.indirect.gather [hbm4b:s1+s0], $0x80, s25, s0, $0xb8;
	[tilespmem:$0x1F020] =	vst v63  }
0x2a3: {  	_ =	swait.ge [sflag:s30], $0x2800  }
0x2a4: {  	[sflag:s30] =	ssyncset.done $0x0  }
0x2a5: {  	s26 =	simm.s32 $0x8C0;
	[sflag:s30] =	ssyncadd.s32 $0xFFFFD800  }
0x2a6: {  	[spmem:s2] =	stream.indirect.scatter.add.f32 [tilespmem:s3], [sflag:$0x4], $0x80, s26, s0, $0xb8;
	[tilespmem:$0x1F020] =	vst v63  }
0x2a7: {  	_ = 	snop  }
0x2a8: {  	[spmem:s4] =	stream.indirect.scatter.add.f32 [tilespmem:s6], [sflag:$0x7], $0x10, s26, s0, $0xb8;
	[tilespmem:$0x1F020] =	vst v63  }
0x2a9: {  	_ =	swait.ge [sflag:s16], $0x2800  }
0x2aa: {  	[sflag:s16] =	ssyncset.done $0x0  }
0x2ab: {  	[sflag:s16] =	ssyncadd.s32 $0xFFFFD800  }
0x2ac: {  	_ =	swait.ge [sflag:s17], $0x500  }
0x2ad: {  	[sflag:s17] =	ssyncset.done $0x0  }
0x2ae: {  	s25 =	simm.s32 $0x190;
	[sflag:s17] =	ssyncadd.s32 $0xFFFFFB00  }
0x2af: {  	[tilespmem:s8], [sflag:$0x3] =	stream.indirect.gather [hbm4b:s1+s0], $0x80, s25, s0, $0xb8;
	[tilespmem:$0x1F020] =	vst v63  }
0x2b0: {  	_ =	swait.ge [sflag:s31], $0x2800  }
0x2b1: {  	[sflag:s31] =	ssyncset.done $0x0  }
0x2b2: {  	s26 =	simm.s32 $0x910;
	[sflag:s31] =	ssyncadd.s32 $0xFFFFD800  }
0x2b3: {  	[spmem:s2] =	stream.indirect.scatter.add.f32 [tilespmem:s5], [sflag:$0x5], $0x80, s26, s0, $0xb8;
	[tilespmem:$0x1F020] =	vst v63  }
0x2b4: {  	_ = 	snop  }
0x2b5: {  	[spmem:s4] =	stream.indirect.scatter.add.f32 [tilespmem:s6], [sflag:$0x8], $0x10, s26, s0, $0xb8;
	[tilespmem:$0x1F020] =	vst v63  }
0x2b6: {  	_ =	swait.ge [sflag:s10], $0x2800  }
0x2b7: {  	[sflag:s10] =	ssyncset.done $0x0  }
0x2b8: {  	[sflag:s10] =	ssyncadd.s32 $0xFFFFD800  }
0x2b9: {  	_ =	swait.ge [sflag:s11], $0x500  }
0x2ba: {  	[sflag:s11] =	ssyncset.done $0x0  }
0x2bb: {  	s24 =	simm.s32 $0x3C0;
	s25 =	simm.s32 $0x1E0;
	[sflag:s11] =	ssyncadd.s32 $0xFFFFFB00  }
.LBB2_12:
0x2bc: {  	[tilespmem:s3], [sflag:$0x1] =	stream.indirect.gather [hbm4b:s1+s0], $0x80, s25, s0, $0xb8;
	[tilespmem:$0x1F020] =	vst v63  }
0x2bd: {  	s25 =	smov.u32 s24  }
0x2be: {  	p0 =	sne.s32 s24, $0x1680;
	s24 =	sadd.s32 $0x3C0, s24;
	_ =	swait.ge [sflag:s13], $0x2800  }
0x2bf: {  	s25 =	sshra.s32 s25, $0x2;
	[sflag:s13] =	ssyncset.done $0x0  }
0x2c0: {  	s26 =	sadd.s32 $0x870, s25;
	[sflag:s13] =	ssyncadd.s32 $0xFFFFD800  }
0x2c1: {  	[spmem:s2] =	stream.indirect.scatter.add.f32 [tilespmem:s8], [sflag:$0x6], $0x80, s26, s0, $0xb8;
	[tilespmem:$0x1F020] =	vst v63  }
0x2c2: {  	_ = 	snop  }
0x2c3: {  	[spmem:s4] =	stream.indirect.scatter.add.f32 [tilespmem:s6], [sflag:$0x9], $0x10, s26, s0, $0xb8;
	[tilespmem:$0x1F020] =	vst v63  }
0x2c4: {  	_ =	swait.ge [sflag:s14], $0x2800  }
0x2c5: {  	[sflag:s14] =	ssyncset.done $0x0  }
0x2c6: {  	[sflag:s14] =	ssyncadd.s32 $0xFFFFD800  }
0x2c7: {  	_ =	swait.ge [sflag:s15], $0x500  }
0x2c8: {  	[sflag:s15] =	ssyncset.done $0x0  }
0x2c9: {  	s26 =	sadd.s32 $0x140, s25;
	[sflag:s15] =	ssyncadd.s32 $0xFFFFFB00  }
0x2ca: {  	[tilespmem:s5], [sflag:$0x2] =	stream.indirect.gather [hbm4b:s1+s0], $0x80, s26, s0, $0xb8;
	[tilespmem:$0x1F020] =	vst v63  }
0x2cb: {  	_ =	swait.ge [sflag:s30], $0x2800  }
0x2cc: {  	[sflag:s30] =	ssyncset.done $0x0  }
0x2cd: {  	s26 =	sadd.s32 $0x8C0, s25;
	[sflag:s30] =	ssyncadd.s32 $0xFFFFD800  }
0x2ce: {  	[spmem:s2] =	stream.indirect.scatter.add.f32 [tilespmem:s3], [sflag:$0x4], $0x80, s26, s0, $0xb8;
	[tilespmem:$0x1F020] =	vst v63  }
0x2cf: {  	_ = 	snop  }
0x2d0: {  	[spmem:s4] =	stream.indirect.scatter.add.f32 [tilespmem:s6], [sflag:$0x7], $0x10, s26, s0, $0xb8;
	[tilespmem:$0x1F020] =	vst v63  }
0x2d1: {  	_ =	swait.ge [sflag:s16], $0x2800  }
0x2d2: {  	[sflag:s16] =	ssyncset.done $0x0  }
0x2d3: {  	[sflag:s16] =	ssyncadd.s32 $0xFFFFD800  }
0x2d4: {  	_ =	swait.ge [sflag:s17], $0x500  }
0x2d5: {  	[sflag:s17] =	ssyncset.done $0x0  }
0x2d6: {  	s26 =	sadd.s32 $0x190, s25;
	[sflag:s17] =	ssyncadd.s32 $0xFFFFFB00  }
0x2d7: {  	[tilespmem:s8], [sflag:$0x3] =	stream.indirect.gather [hbm4b:s1+s0], $0x80, s26, s0, $0xb8;
	[tilespmem:$0x1F020] =	vst v63  }
0x2d8: {  	_ =	swait.ge [sflag:s31], $0x2800  }
0x2d9: {  	[sflag:s31] =	ssyncset.done $0x0  }
0x2da: {  	s26 =	sadd.s32 $0x910, s25;
	[sflag:s31] =	ssyncadd.s32 $0xFFFFD800  }
0x2db: {  	[spmem:s2] =	stream.indirect.scatter.add.f32 [tilespmem:s5], [sflag:$0x5], $0x80, s26, s0, $0xb8;
	[tilespmem:$0x1F020] =	vst v63  }
0x2dc: {  	_ = 	snop  }
0x2dd: {  	[spmem:s4] =	stream.indirect.scatter.add.f32 [tilespmem:s6], [sflag:$0x8], $0x10, s26, s0, $0xb8;
	[tilespmem:$0x1F020] =	vst v63  }
0x2de: {  	_ =	swait.ge [sflag:s10], $0x2800  }
.Ltmp5:
0x2df: {  	[sflag:s10] =	ssyncset.done $0x0;
	(pc) =	sbr.rel @p0 .LBB2_12-.Ltmp5, $4  }
0x2e0: {  	[sflag:s10] =	ssyncadd.s32 $0xFFFFD800  }
0x2e1: {  	_ =	swait.ge [sflag:s11], $0x500  }
0x2e2: {  	[sflag:s11] =	ssyncset.done $0x0  }
0x2e3: {  	s25 =	sadd.s32 $0x1E0, s25;
	[sflag:s11] =	ssyncadd.s32 $0xFFFFFB00  }
0x2e4: {  	[tilespmem:s3], [sflag:$0x1] =	stream.indirect.gather [hbm4b:s1+s0], $0x80, s25, s0, $0xb8;
	[tilespmem:$0x1F020] =	vst v63  }
0x2e5: {  	_ =	swait.ge [sflag:s13], $0x2800  }
0x2e6: {  	[sflag:s13] =	ssyncset.done $0x0  }
0x2e7: {  	[sflag:s13] =	ssyncadd.s32 $0xFFFFD800  }
0x2e8: {  	[spmem:s2] =	stream.indirect.scatter.add.f32 [tilespmem:s8], [sflag:$0x6], $0x80, s18, s0, $0xb8;
	[tilespmem:$0x1F020] =	vst v63  }
0x2e9: {  	_ = 	snop  }
0x2ea: {  	[spmem:s4] =	stream.indirect.scatter.add.f32 [tilespmem:s6], [sflag:$0x9], $0x10, s18, s0, $0xb8;
	[tilespmem:$0x1F020] =	vst v63  }
0x2eb: {  	_ =	swait.ge [sflag:s14], $0x2800  }
0x2ec: {  	[sflag:s14] =	ssyncset.done $0x0  }
0x2ed: {  	[sflag:s14] =	ssyncadd.s32 $0xFFFFD800  }
0x2ee: {  	_ =	swait.ge [sflag:s15], $0x500  }
0x2ef: {  	[sflag:s15] =	ssyncset.done $0x0  }
0x2f0: {  	[sflag:s15] =	ssyncadd.s32 $0xFFFFFB00  }
0x2f1: {  	_ =	swait.ge [sflag:s30], $0x2800  }
0x2f2: {  	[sflag:s30] =	ssyncset.done $0x0  }
0x2f3: {  	[sflag:s30] =	ssyncadd.s32 $0xFFFFD800  }
0x2f4: {  	[spmem:s2] =	stream.indirect.scatter.add.f32 [tilespmem:s3], [sflag:$0x4], $0x80, s19, s0, $0xb8;
	[tilespmem:$0x1F020] =	vst v63  }
0x2f5: {  	_ = 	snop  }
0x2f6: {  	[spmem:s4] =	stream.indirect.scatter.add.f32 [tilespmem:s6], [sflag:$0x7], $0x10, s19, s0, $0xb8;
	[tilespmem:$0x1F020] =	vst v63  }
0x2f7: {  	_ =	swait.ge [sflag:s16], $0x2800  }
0x2f8: {  	[sflag:s16] =	ssyncset.done $0x0  }
0x2f9: {  	[sflag:s16] =	ssyncadd.s32 $0xFFFFD800  }
0x2fa: {  	_ =	swait.ge [sflag:s17], $0x500  }
0x2fb: {  	[sflag:s17] =	ssyncset.done $0x0  }
0x2fc: {  	[sflag:s17] =	ssyncadd.s32 $0xFFFFFB00  }
0x2fd: {  	_ =	swait.ge [sflag:s10], $0x2800  }
0x2fe: {  	[sflag:s10] =	ssyncset.done $0x0  }
0x2ff: {  	[sflag:s10] =	ssyncadd.s32 $0xFFFFD800  }
0x300: {  	_ =	swait.ge [sflag:s11], $0x500  }
0x301: {  	[sflag:s11] =	ssyncset.done $0x0  }
0x302: {  	[sflag:s11] =	ssyncadd.s32 $0xFFFFFB00  }
0x303: {  	[bflag:$0x0] =	sbarrier.arrive $0xFFFF  }
0x304: {  	s24 =	sor.u32 $0x1C0A, s22;
	s26 =	rddreg [dreg:$0x17]  }
0x305: {  	[hbm:s26], [sflag:s24] =	dma.local [spmem:s23], $0x2780  }
0x306: {  	_ =	swait.ge [sflag:s28], $0x2780  }
0x307: {  	[sflag:s28] =	ssyncset.done $0x0  }
0x308: {  	s25 =	rddreg [dreg:$0x15];
	[sflag:s28] =	ssyncadd.s32 $0xFFFFD880  }
0x309: {  	[hbm:s25], [sflag:s24] =	dma.local [spmem:s21], $0x4F0  }
0x30a: {  	_ =	swait.ge [sflag:s28], $0x4F0  }
0x30b: {  	s20 =	sadd.s32 $0x1, s20;
	s26 =	rddreg [dreg:$0x18]  }
0x30c: {  	p0 =	sne.s32 s20, s26  }
.Ltmp6:
0x30d: {  	_ = 	snop;
	(pc) =	sbr.rel @p0 .LBB2_1-.Ltmp6, $3  }
0x30e: {  	_ =	sdelay $0x1  }
0x30f: {  	[sflag:s28] =	ssyncset.done $0x0  }
0x310: {  	[sflag:s28] =	ssyncadd.s32 $0xFFFFFB10  }
0x311: {  	_ =	sfence.sel $0x180000  }
0x312: {  	[bflag:$0x0] =	sbarrier.arrive $0xFFFF  }
0x313: {  	_ =	strace $0x90000047  }
0x314: {  	s0 =	stileid.u32;
	[bflag:$0x2] =	sbarrier.arrive $0xFFFF  }
0x315: {  	p0 =	sne.s32 s0, $0x0;
	s0 =	rddreg [dreg:$0x5]  }
0x316: {  	s0 =	sadd.s32 @!p0 $0x100000, s0  }
0x317: {  	[sflag:s0] =	ssyncadd.tile.s32 @!p0 $0x1;
	_ =	shalt  }
.Lfunc_end2:
_tile_overlayer_lowered:
.L_overlay_start_2:
0x318: {  	(tag) =	ssettag $0x2  }
0x319: {  	s0 =	rddreg [dreg:$0x0];
	s2 =	stileid.u32  }
0x31a: {  	s1 =	rddreg [dreg:$0x1];
	p0 =	sne.s32 s2, $0x0  }
0x31b: {  	s3 =	rddreg [dreg:$0x2];
	[bflag:$0x3] =	sbarrier.arrive $0xFFFF;
	s2 =	simm.s32 @!p0 $0x1C0A  }
0x31c: {  	[timem:s3], [sflag:s2] =	dma.local @!p0 [hbm:s0], s1  }
0x31d: {  	s0 =	simm.s32 @!p0 $0xA  }
0x31e: {  	_ =	swait.ge @!p0 [sflag:s0], s1  }
0x31f: {  	s1 =	ssub.s32 @!p0 $0x0, s1;
	[sflag:s0] =	ssyncset.done @!p0 $0x0  }
0x320: {  	[sflag:s0] =	ssyncadd.s32 @!p0 s1  }
0x321: {  	[bflag:$0x3] =	sbarrier.arrive $0xFFFF  }
0x322: {  	_ =	shalt  }

</sc_bundles>
